<compile_context>
chip_gen: v7x
topology: tpu7x:2x2x1
jax: 0.10.2.dev20260603
libtpu: 0.0.44.dev20260713+nightly
codegen_flags: <defaults>
</compile_context>

<pallas_src>
import functools

import jax
import jax.numpy as jnp
from jax import lax
from jax.experimental import pallas as pl
from jax.experimental.pallas import tpu as pltpu
from jax.experimental.pallas import tpu_sc as plsc

_N = 10000
_E = 320000
_H = 128
_HH = 64
_OUT = 16
_G = 64
_V = 500
_VPAD = 512

_NC = 2
_NS = 16

_NPAD = 10240
_ROWS_S = _NPAD // _NS
_EPT = _E // _NS
_CW = 128
_NB = 2
_EPB = _EPT // _NB
_CHB = 80
_CHBG = _CHB + 2
_XCH = _ROWS_S // _CW

_BLK = 640
_NBLK = _NPAD // _BLK

_MESH = plsc.VectorSubcoreMesh(core_axis_name="c", subcore_axis_name="s")



def _run_edges(s, agg_sh, h_sh, srcv, dstv, rows, rsem, wsem,
               src_hbm, dst_hbm):

    def fire_gather(chunk, b):
        pltpu.async_copy(h_sh.at[srcv.at[pl.ds(chunk * _CW, _CW)]],
                         rows[b], rsem[b])

    def wait_gather(b):
        pltpu.make_async_copy(h_sh.at[srcv.at[pl.ds(0, _CW)]],
                              rows[b], rsem[b]).wait()

    def fire_scatter(chunk, b):
        pltpu.async_copy(rows[b], agg_sh.at[dstv.at[chunk]], wsem[b],
                         add=True)

    def wait_scatter(b):
        pltpu.make_async_copy(rows[b], agg_sh.at[dstv.at[0]], wsem[b]).wait()

    for batch in range(_NB):
        if batch > 0:
            pltpu.sync_copy(src_hbm.at[s].at[batch], srcv)
            pltpu.sync_copy(dst_hbm.at[s].at[batch], dstv)
        fire_gather(0, 0)
        fire_gather(1, 1)
        wait_gather(0)
        fire_scatter(0, 0)
        fire_gather(2, 2)
        wait_gather(1)
        fire_scatter(1, 1)
        wait_scatter(0)
        fire_gather(3, 0)

        def body(i, carry):
            for u in range(6):
                j = 6 * i + 2 + u
                b = (2 + u) % 3
                wait_gather(b)
                fire_scatter(j, b)
                wait_scatter((2 + u + 2) % 3)
                fire_gather(j + 2, (2 + u + 2) % 3)
            return carry

        lax.fori_loop(0, (_CHB - 2) // 6, body, 0)
        wait_gather(2)
        wait_gather(0)
        wait_scatter(1)


_EDGE_SCRATCH = [
    pltpu.VMEM_SHARED((_NPAD, _HH), jnp.float32),
    pltpu.VMEM_SHARED((_NPAD, _HH), jnp.float32),
    pltpu.VMEM((_CHBG * _CW,), jnp.int32),
    pltpu.VMEM((_CHB, _CW), jnp.int32),
    pltpu.VMEM((_CW, _HH), jnp.float32),
    pltpu.VMEM((_CW, _HH), jnp.float32),
    pltpu.VMEM((_CW, _HH), jnp.float32),
    pltpu.SemaphoreType.DMA,
    pltpu.SemaphoreType.DMA,
    pltpu.SemaphoreType.DMA,
    pltpu.SemaphoreType.DMA,
    pltpu.SemaphoreType.DMA,
    pltpu.SemaphoreType.DMA,
]


@functools.partial(
    pl.kernel,
    out_type=jax.ShapeDtypeStruct((_NC, _NPAD, _HH), jnp.float32),
    mesh=_MESH,
    scratch_types=_EDGE_SCRATCH + [pltpu.VMEM((_XCH, _CW), jnp.int32)],
    compiler_params=pltpu.CompilerParams(use_tc_tiling_on_sc=False),
)
def _sc_embed_agg(tab_hbm, xi_hbm, src_hbm, dst_hbm, out_hbm,
                  agg_sh, h_sh, srcv, dstv, rows0, rows1, rows2,
                  rs0, rs1, rs2, ws0, ws1, ws2, idxv):
    c = lax.axis_index("c")
    s = lax.axis_index("s")
    rows = (rows0, rows1, rows2)
    rsem = (rs0, rs1, rs2)
    wsem = (ws0, ws1, ws2)
    base = s * _ROWS_S
    pltpu.async_copy(src_hbm.at[s].at[0], srcv, ws0)
    pltpu.async_copy(dst_hbm.at[s].at[0], dstv, ws1)
    pltpu.sync_copy(xi_hbm.at[s], idxv)
    for j in range(_XCH):
        pltpu.async_copy(tab_hbm.at[c].at[idxv.at[j]], rows0, rs0).wait()
        slj = pl.ds(base + j * _CW, _CW)
        pltpu.sync_copy(rows0, h_sh.at[slj])
        pltpu.sync_copy(rows0, agg_sh.at[slj])
    plsc.subcore_barrier()
    pltpu.make_async_copy(src_hbm.at[s].at[0], srcv, ws0).wait()
    pltpu.make_async_copy(dst_hbm.at[s].at[0], dstv, ws1).wait()
    _run_edges(s, agg_sh, h_sh, srcv, dstv, rows, rsem, wsem,
               src_hbm, dst_hbm)
    plsc.subcore_barrier()
    sl = pl.ds(base, _ROWS_S)
    pltpu.sync_copy(agg_sh.at[sl], out_hbm.at[c].at[sl])


@functools.partial(
    pl.kernel,
    out_type=jax.ShapeDtypeStruct((_NC, _NPAD, _HH), jnp.float32),
    mesh=_MESH,
    scratch_types=_EDGE_SCRATCH,
    compiler_params=pltpu.CompilerParams(use_tc_tiling_on_sc=False),
)
def _sc_edge_agg(h_hbm, src_hbm, dst_hbm, out_hbm,
                 agg_sh, h_sh, srcv, dstv, rows0, rows1, rows2,
                 rs0, rs1, rs2, ws0, ws1, ws2):
    c = lax.axis_index("c")
    s = lax.axis_index("s")
    rows = (rows0, rows1, rows2)
    rsem = (rs0, rs1, rs2)
    wsem = (ws0, ws1, ws2)
    h_c = h_hbm.at[c]
    sl = pl.ds(s * _ROWS_S, _ROWS_S)
    pltpu.async_copy(h_c.at[sl], agg_sh.at[sl], ws0)
    pltpu.async_copy(h_c.at[sl], h_sh.at[sl], ws1)
    pltpu.async_copy(src_hbm.at[s].at[0], srcv, rs0)
    pltpu.async_copy(dst_hbm.at[s].at[0], dstv, rs1)
    pltpu.make_async_copy(h_c.at[sl], agg_sh.at[sl], ws0).wait()
    pltpu.make_async_copy(h_c.at[sl], h_sh.at[sl], ws1).wait()
    plsc.subcore_barrier()
    pltpu.make_async_copy(src_hbm.at[s].at[0], srcv, rs0).wait()
    pltpu.make_async_copy(dst_hbm.at[s].at[0], dstv, rs1).wait()
    _run_edges(s, agg_sh, h_sh, srcv, dstv, rows, rsem, wsem,
               src_hbm, dst_hbm)
    plsc.subcore_barrier()
    pltpu.sync_copy(agg_sh.at[sl], out_hbm.at[c].at[sl])



def _table_body(emb_ref, w1_ref, b1_ref, w2_ref, b2_ref, out_ref):
    t = jnp.dot(emb_ref[...], w1_ref[...], preferred_element_type=jnp.float32)
    t = jnp.maximum(t + b1_ref[...], 0.0)
    tab = jnp.dot(t, w2_ref[...], preferred_element_type=jnp.float32) + b2_ref[...]
    out_ref[0, :, :] = tab[:, :_HH]
    out_ref[1, :, :] = tab[:, _HH:]


def _tc_table(emb_p, w1, b1, w2, b2):
    return pl.pallas_call(
        _table_body,
        out_shape=jax.ShapeDtypeStruct((_NC, _VPAD, _HH), jnp.float32),
    )(emb_p, w1, b1, w2, b2)


def _mlp_bn_body(a0_ref, a1_ref, w1_ref, b1_ref, w2_ref, b2_ref,
                 g_ref, beta_ref, out_ref, v_scr, stats_scr):
    p = pl.program_id(0)
    k = pl.program_id(1)

    @pl.when(p == 0)
    def _():
        t = jnp.concatenate([a0_ref[0], a1_ref[0]], axis=1)
        u = jnp.dot(t, w1_ref[...], preferred_element_type=jnp.float32)
        u = jnp.maximum(u + b1_ref[...], 0.0)
        v = (jnp.dot(u, w2_ref[...], preferred_element_type=jnp.float32)
             + b2_ref[...])
        v_scr[pl.ds(k * _BLK, _BLK), :] = v
        rows = lax.broadcasted_iota(jnp.int32, (_BLK, 1), 0) + k * _BLK
        vm = jnp.where(rows < _N, v, 0.0)
        part = jnp.concatenate(
            [jnp.sum(vm, axis=0, keepdims=True),
             jnp.sum(vm * vm, axis=0, keepdims=True),
             jnp.zeros((6, _H), jnp.float32)], axis=0)

        @pl.when(k == 0)
        def _():
            stats_scr[...] = part

        @pl.when(k > 0)
        def _():
            stats_scr[...] += part

    @pl.when(p == 1)
    def _():
        st = stats_scr[...]
        mu = st[0:1, :] / float(_N)
        var = st[1:2, :] / float(_N) - mu * mu
        inv = lax.rsqrt(var + 1e-5)
        hn = jnp.maximum(
            (v_scr[pl.ds(k * _BLK, _BLK), :] - mu) * inv * g_ref[...]
            + beta_ref[...], 0.0)
        out_ref[0, :, :] = hn[:, :_HH]
        out_ref[1, :, :] = hn[:, _HH:]


def _tc_mlp_bn(agg2, w1, b1, w2, b2, g, beta):
    return pl.pallas_call(
        _mlp_bn_body,
        grid=(2, _NBLK),
        in_specs=[
            pl.BlockSpec((1, _BLK, _HH), lambda p, k: (0, k * (1 - p), 0)),
            pl.BlockSpec((1, _BLK, _HH), lambda p, k: (1, k * (1 - p), 0)),
            pl.BlockSpec((_H, _H), lambda p, k: (0, 0)),
            pl.BlockSpec((1, _H), lambda p, k: (0, 0)),
            pl.BlockSpec((_H, _H), lambda p, k: (0, 0)),
            pl.BlockSpec((1, _H), lambda p, k: (0, 0)),
            pl.BlockSpec((1, _H), lambda p, k: (0, 0)),
            pl.BlockSpec((1, _H), lambda p, k: (0, 0)),
        ],
        out_specs=pl.BlockSpec((_NC, _BLK, _HH), lambda p, k: (0, k * p, 0)),
        out_shape=jax.ShapeDtypeStruct((_NC, _NPAD, _HH), jnp.float32),
        scratch_shapes=[
            pltpu.VMEM((_NPAD, _H), jnp.float32),
            pltpu.VMEM((8, _H), jnp.float32),
        ],
        compiler_params=pltpu.CompilerParams(
            dimension_semantics=("arbitrary", "arbitrary")),
    )(agg2, agg2, w1, b1, w2, b2, g, beta)


def _pool_final_body(h0_ref, h1_ref, b_ref, wf1_ref, bf1_ref,
                     wf2_ref, bf2_ref, out_ref, pool_scr):
    k = pl.program_id(0)
    h = jnp.concatenate([h0_ref[0], h1_ref[0]], axis=1)
    b = b_ref[0, 0, :]
    gids = lax.broadcasted_iota(jnp.int32, (_G, _BLK), 0)
    oh = (gids == b[None, :]).astype(jnp.float32)
    part = jnp.dot(oh, h, preferred_element_type=jnp.float32)

    @pl.when(k == 0)
    def _():
        pool_scr[...] = part

    @pl.when(k > 0)
    def _():
        pool_scr[...] += part

    @pl.when(k == _NBLK - 1)
    def _():
        r = jnp.dot(pool_scr[...], wf1_ref[...],
                    preferred_element_type=jnp.float32)
        r = jnp.maximum(r + bf1_ref[...], 0.0)
        out_ref[...] = (
            jnp.dot(r, wf2_ref[...], preferred_element_type=jnp.float32)
            + bf2_ref[...])


def _tc_pool_final(h2, batch3, wf1, bf1, wf2, bf2):
    return pl.pallas_call(
        _pool_final_body,
        grid=(_NBLK,),
        in_specs=[
            pl.BlockSpec((1, _BLK, _HH), lambda k: (0, k, 0)),
            pl.BlockSpec((1, _BLK, _HH), lambda k: (1, k, 0)),
            pl.BlockSpec((1, 1, _BLK), lambda k: (k, 0, 0)),
            pl.BlockSpec((_H, _H), lambda k: (0, 0)),
            pl.BlockSpec((1, _H), lambda k: (0, 0)),
            pl.BlockSpec((_H, _OUT), lambda k: (0, 0)),
            pl.BlockSpec((1, _OUT), lambda k: (0, 0)),
        ],
        out_specs=pl.BlockSpec((_G, _OUT), lambda k: (0, 0)),
        out_shape=jax.ShapeDtypeStruct((_G, _OUT), jnp.float32),
        scratch_shapes=[pltpu.VMEM((_G, _H), jnp.float32)],
        compiler_params=pltpu.CompilerParams(
            dimension_semantics=("arbitrary",)),
    )(h2, h2, batch3, wf1, bf1, wf2, bf2)



def _row(b):
    return b.reshape(1, -1)


def kernel(x, edge_index, batch, params):
    p = params
    src, dst = edge_index[0], edge_index[1]

    emb_p = jnp.pad(p['emb'], ((0, _VPAD - _V), (0, 0)))
    xi = jnp.pad(x, (0, _NPAD - _N)).reshape(_NS, _XCH, _CW)
    srcf = jnp.pad(src.reshape(_NS, _NB, _EPB),
                   ((0, 0), (0, 0), (0, _CHBG * _CW - _EPB)))
    dst3 = jnp.pad(
        dst.reshape(_NS, _NB, _EPB), ((0, 0), (0, 0), (0, _CHB * _CW - _EPB)),
        constant_values=_N,
    ).reshape(_NS, _NB, _CHB, _CW)
    batch3 = jnp.pad(batch, (0, _NPAD - _N), constant_values=_G).reshape(
        _NBLK, 1, _BLK)
    tab2 = _tc_table(emb_p, p['Wi1'], _row(p['bi1']), p['Wi2'], _row(p['bi2']))
    h2 = None
    for i, cp in enumerate(p['convs']):
        if i == 0:
            agg2 = _sc_embed_agg(tab2, xi, srcf, dst3)
        else:
            agg2 = _sc_edge_agg(h2, srcf, dst3)
        h2 = _tc_mlp_bn(agg2, cp['W1'], _row(cp['b1']), cp['W2'],
                        _row(cp['b2']), _row(cp['g']), _row(cp['beta']))
    return _tc_pool_final(h2, batch3, p['Wf1'], _row(p['bf1']),
                          p['Wf2'], _row(p['bf2']))

# --- scband reference (transcript-rebuilt; emitter-appended) ---
"""Pipeline reference for scband-paper-gin-14199161880830 (READ-ONLY COPY).

The authoritative reference and input builder live on the scoring server;
editing this copy changes nothing except your own understanding.
"""

import jax, jax.numpy as jnp
import numpy as np

N = 10000
E = 320000
H = 128
OUT = 16
G = 64
V = 500


def _lin(x, W, b):
    return x @ W + b


def _bn(x, g, b):
    mu = jnp.mean(x, axis=0)
    var = jnp.var(x, axis=0)
    return (x - mu) / jnp.sqrt(var + 1e-5) * g + b


def _gin(x, src, dst, p):
    # GINConv with eps=0: h = mlp((1+eps)*x + sum_{j in N(i)} x_j)
    agg = jnp.zeros_like(x).at[dst].add(x[src])
    h = x + agg
    h = jax.nn.relu(_lin(h, p['W1'], p['b1']))
    return _lin(h, p['W2'], p['b2'])


def setup_inputs(seed: int = 0) -> dict:
    key = jax.random.key(seed)
    ki = jax.random.split(key, 40)

    def w(k, shape):
        return jax.random.normal(k, shape, dtype=jnp.float32) * 0.05

    x = jax.random.randint(ki[0], (N,), 0, V, dtype=jnp.int32)
    edge_index = jax.random.randint(ki[1], (2, E), 0, N, dtype=jnp.int32)
    batch = jnp.sort(jax.random.randint(ki[2], (N,), 0, G, dtype=jnp.int32))

    params = {
        'emb': w(ki[3], (V, H)),
        'Wi1': w(ki[4], (H, H)), 'bi1': jnp.zeros((H,), jnp.float32),
        'Wi2': w(ki[5], (H, H)), 'bi2': jnp.zeros((H,), jnp.float32),
        'convs': [
            {
                'W1': w(ki[6 + 2 * i], (H, H)), 'b1': jnp.zeros((H,), jnp.float32),
                'W2': w(ki[7 + 2 * i], (H, H)), 'b2': jnp.zeros((H,), jnp.float32),
                'g': jnp.ones((H,), jnp.float32), 'beta': jnp.zeros((H,), jnp.float32),
            }
            for i in range(3)
        ],
        'Wf1': w(ki[12], (H, H)), 'bf1': jnp.zeros((H,), jnp.float32),
        'Wf2': w(ki[13], (H, OUT)), 'bf2': jnp.zeros((OUT,), jnp.float32),
    }
    return {'x': x, 'edge_index': edge_index, 'batch': batch, 'params': params}


def reference(x, edge_index, batch, params):
    src, dst = edge_index[0], edge_index[1]
    h = params['emb'][x]
    h = _lin(jax.nn.relu(_lin(h, params['Wi1'], params['bi1'])), params['Wi2'], params['bi2'])
    for cp in params['convs']:
        h = _gin(h, src, dst, cp)
        h = jax.nn.relu(_bn(h, cp['g'], cp['beta']))
    pooled = jax.ops.segment_sum(h, batch, num_segments=G)
    out = jax.nn.relu(_lin(pooled, params['Wf1'], params['bf1']))
    # dropout is identity at inference
    out = _lin(out, params['Wf2'], params['bf2'])
    return out

if __name__ == "__main__":
    import jax
    _d = setup_inputs()
    print(jax.jit(kernel)(*tuple(_d.values())))

</pallas_src>

<mosaic_0001>
#map = affine_map<(d0, d1) -> (0, 0, 0)>
#map1 = affine_map<(d0, d1) -> (0, 0, 0, 0)>
module attributes {stable_mosaic.version = 14 : i64} {
  func.func @_sc_embed_agg(%arg0: i32, %arg1: i32, %arg2: memref<2x512x64xf32, #tpu.memory_space<hbm>>, %arg3: memref<16x5x128xi32, #tpu.memory_space<hbm>>, %arg4: memref<16x2x10496xi32, #tpu.memory_space<hbm>>, %arg5: memref<16x2x80x128xi32, #tpu.memory_space<hbm>>, %arg6: memref<2x10240x64xf32, #tpu.memory_space<hbm>>, %arg7: memref<10240x64xf32, #tpu.memory_space<vmem_shared>>, %arg8: memref<10240x64xf32, #tpu.memory_space<vmem_shared>>, %arg9: memref<10496xi32, #tpu.memory_space<vmem>>, %arg10: memref<80x128xi32, #tpu.memory_space<vmem>>, %arg11: memref<128x64xf32, #tpu.memory_space<vmem>>, %arg12: memref<128x64xf32, #tpu.memory_space<vmem>>, %arg13: memref<128x64xf32, #tpu.memory_space<vmem>>, %arg14: memref<!tpu.dma_semaphore, #tpu.memory_space<semaphore_mem>>, %arg15: memref<!tpu.dma_semaphore, #tpu.memory_space<semaphore_mem>>, %arg16: memref<!tpu.dma_semaphore, #tpu.memory_space<semaphore_mem>>, %arg17: memref<!tpu.dma_semaphore, #tpu.memory_space<semaphore_mem>>, %arg18: memref<!tpu.dma_semaphore, #tpu.memory_space<semaphore_mem>>, %arg19: memref<!tpu.dma_semaphore, #tpu.memory_space<semaphore_mem>>, %arg20: memref<5x128xi32, #tpu.memory_space<vmem>>) attributes {dimension_semantics = [#tpu.dimension_semantics<core_parallel>, #tpu.dimension_semantics<subcore_parallel>], iteration_bounds = array<i64: 2, 16>, scalar_prefetch = 0 : i64, scratch_operands = 14 : i64, tpu.core_type = #tpu.core_type<sc_vector_subcore>, window_params = [{transform_indices = #map}, {transform_indices = #map}, {transform_indices = #map}, {transform_indices = #map1}, {transform_indices = #map}]} {
    %mul3A = arith.constant 640 : i32
    %mul3A_0 = arith.muli %arg1, %mul3A : i32
    %dma_start3A = arith.constant 0 : i32
    %dma_start3A_1 = arith.constant 0 : i32
    %dma_start3A_2 = arith.constant 0 : i32
    %dma_start3A_3 = tpu.memref_slice %arg4[%arg1, %dma_start3A_1, %dma_start3A_2] : memref<16x2x10496xi32, #tpu.memory_space<hbm>> -> memref<1x2x10496xi32, #tpu.memory_space<hbm>>
    %dma_start3A_4 = tpu.memref_squeeze %dma_start3A_3 : memref<1x2x10496xi32, #tpu.memory_space<hbm>> -> memref<2x10496xi32, #tpu.memory_space<hbm>>
    %dma_start3A_5 = arith.constant 0 : i32
    %dma_start3A_6 = tpu.memref_slice %dma_start3A_4[%dma_start3A, %dma_start3A_5] : memref<2x10496xi32, #tpu.memory_space<hbm>> -> memref<1x10496xi32, #tpu.memory_space<hbm>>
    %dma_start3A_7 = tpu.memref_squeeze %dma_start3A_6 : memref<1x10496xi32, #tpu.memory_space<hbm>> -> memref<10496xi32, #tpu.memory_space<hbm>>
    %dma_start3A_8 = arith.constant 0 : i32
    %dma_start3A_9 = arith.constant 0 : i32
    %dma_start3A_10 = tpu.memref_slice %arg4[%arg1, %dma_start3A_8, %dma_start3A_9] : memref<16x2x10496xi32, #tpu.memory_space<hbm>> -> memref<1x2x10496xi32, #tpu.memory_space<hbm>>
    %dma_start3A_11 = tpu.memref_squeeze %dma_start3A_10 : memref<1x2x10496xi32, #tpu.memory_space<hbm>> -> memref<2x10496xi32, #tpu.memory_space<hbm>>
    %dma_start3A_12 = arith.constant 0 : i32
    %dma_start3A_13 = tpu.memref_slice %dma_start3A_11[%dma_start3A, %dma_start3A_12] : memref<2x10496xi32, #tpu.memory_space<hbm>> -> memref<1x10496xi32, #tpu.memory_space<hbm>>
    %dma_start3A_14 = tpu.memref_squeeze %dma_start3A_13 : memref<1x10496xi32, #tpu.memory_space<hbm>> -> memref<10496xi32, #tpu.memory_space<hbm>>
    tpu.enqueue_dma source(%dma_start3A_14 : memref<10496xi32, #tpu.memory_space<hbm>>) target(%arg9 : memref<10496xi32, #tpu.memory_space<vmem>>) target_semaphore(%arg17 : memref<!tpu.dma_semaphore, #tpu.memory_space<semaphore_mem>>)
    %dma_start3A_15 = arith.constant 0 : i32
    %dma_start3A_16 = arith.constant 0 : i32
    %dma_start3A_17 = arith.constant 0 : i32
    %dma_start3A_18 = arith.constant 0 : i32
    %dma_start3A_19 = tpu.memref_slice %arg5[%arg1, %dma_start3A_16, %dma_start3A_17, %dma_start3A_18] : memref<16x2x80x128xi32, #tpu.memory_space<hbm>> -> memref<1x2x80x128xi32, #tpu.memory_space<hbm>>
    %dma_start3A_20 = tpu.memref_squeeze %dma_start3A_19 : memref<1x2x80x128xi32, #tpu.memory_space<hbm>> -> memref<2x80x128xi32, #tpu.memory_space<hbm>>
    %dma_start3A_21 = arith.constant 0 : i32
    %dma_start3A_22 = arith.constant 0 : i32
    %dma_start3A_23 = tpu.memref_slice %dma_start3A_20[%dma_start3A_15, %dma_start3A_21, %dma_start3A_22] : memref<2x80x128xi32, #tpu.memory_space<hbm>> -> memref<1x80x128xi32, #tpu.memory_space<hbm>>
    %dma_start3A_24 = tpu.memref_squeeze %dma_start3A_23 : memref<1x80x128xi32, #tpu.memory_space<hbm>> -> memref<80x128xi32, #tpu.memory_space<hbm>>
    %dma_start3A_25 = arith.constant 0 : i32
    %dma_start3A_26 = arith.constant 0 : i32
    %dma_start3A_27 = arith.constant 0 : i32
    %dma_start3A_28 = tpu.memref_slice %arg5[%arg1, %dma_start3A_25, %dma_start3A_26, %dma_start3A_27] : memref<16x2x80x128xi32, #tpu.memory_space<hbm>> -> memref<1x2x80x128xi32, #tpu.memory_space<hbm>>
    %dma_start3A_29 = tpu.memref_squeeze %dma_start3A_28 : memref<1x2x80x128xi32, #tpu.memory_space<hbm>> -> memref<2x80x128xi32, #tpu.memory_space<hbm>>
    %dma_start3A_30 = arith.constant 0 : i32
    %dma_start3A_31 = arith.constant 0 : i32
    %dma_start3A_32 = tpu.memref_slice %dma_start3A_29[%dma_start3A_15, %dma_start3A_30, %dma_start3A_31] : memref<2x80x128xi32, #tpu.memory_space<hbm>> -> memref<1x80x128xi32, #tpu.memory_space<hbm>>
    %dma_start3A_33 = tpu.memref_squeeze %dma_start3A_32 : memref<1x80x128xi32, #tpu.memory_space<hbm>> -> memref<80x128xi32, #tpu.memory_space<hbm>>
    tpu.enqueue_dma source(%dma_start3A_33 : memref<80x128xi32, #tpu.memory_space<hbm>>) target(%arg10 : memref<80x128xi32, #tpu.memory_space<vmem>>) target_semaphore(%arg18 : memref<!tpu.dma_semaphore, #tpu.memory_space<semaphore_mem>>)
    "tpu.region"() ({
      %run_scoped3A_335 = tpu.sem_alloc : memref<!tpu.dma_semaphore, #tpu.memory_space<semaphore_mem>>
      %dma_start3A_336 = arith.constant 0 : i32
      %dma_start3A_337 = arith.constant 0 : i32
      %dma_start3A_338 = tpu.memref_slice %arg3[%arg1, %dma_start3A_336, %dma_start3A_337] : memref<16x5x128xi32, #tpu.memory_space<hbm>> -> memref<1x5x128xi32, #tpu.memory_space<hbm>>
      %dma_start3A_339 = tpu.memref_squeeze %dma_start3A_338 : memref<1x5x128xi32, #tpu.memory_space<hbm>> -> memref<5x128xi32, #tpu.memory_space<hbm>>
      %dma_start3A_340 = arith.constant 0 : i32
      %dma_start3A_341 = arith.constant 0 : i32
      %dma_start3A_342 = tpu.memref_slice %arg3[%arg1, %dma_start3A_340, %dma_start3A_341] : memref<16x5x128xi32, #tpu.memory_space<hbm>> -> memref<1x5x128xi32, #tpu.memory_space<hbm>>
      %dma_start3A_343 = tpu.memref_squeeze %dma_start3A_342 : memref<1x5x128xi32, #tpu.memory_space<hbm>> -> memref<5x128xi32, #tpu.memory_space<hbm>>
      tpu.enqueue_dma source(%dma_start3A_343 : memref<5x128xi32, #tpu.memory_space<hbm>>) target(%arg20 : memref<5x128xi32, #tpu.memory_space<vmem>>) target_semaphore(%run_scoped3A_335 : memref<!tpu.dma_semaphore, #tpu.memory_space<semaphore_mem>>)
      %dma_wait3A_344 = arith.constant 0 : i32
      %dma_wait3A_345 = arith.constant 0 : i32
      %dma_wait3A_346 = tpu.memref_slice %arg3[%arg1, %dma_wait3A_344, %dma_wait3A_345] : memref<16x5x128xi32, #tpu.memory_space<hbm>> -> memref<1x5x128xi32, #tpu.memory_space<hbm>>
      %dma_wait3A_347 = tpu.memref_squeeze %dma_wait3A_346 : memref<1x5x128xi32, #tpu.memory_space<hbm>> -> memref<5x128xi32, #tpu.memory_space<hbm>>
      %dma_wait3A_348 = arith.constant 0 : i32
      %dma_wait3A_349 = arith.constant 0 : i32
      %dma_wait3A_350 = tpu.memref_slice %arg3[%arg1, %dma_wait3A_348, %dma_wait3A_349] : memref<16x5x128xi32, #tpu.memory_space<hbm>> -> memref<1x5x128xi32, #tpu.memory_space<hbm>>
      %dma_wait3A_351 = tpu.memref_squeeze %dma_wait3A_350 : memref<1x5x128xi32, #tpu.memory_space<hbm>> -> memref<5x128xi32, #tpu.memory_space<hbm>>
      tpu.wait_dma2 semaphore(%run_scoped3A_335 : memref<!tpu.dma_semaphore, #tpu.memory_space<semaphore_mem>>) src(%dma_wait3A_351 : memref<5x128xi32, #tpu.memory_space<hbm>>) dst(%arg20 : memref<5x128xi32, #tpu.memory_space<vmem>>)
      tpu.yield
    }) : () -> ()
    %dma_start3A_34 = arith.constant 0 : i32
    %dma_start3A_35 = arith.constant 0 : i32
    %dma_start3A_36 = tpu.memref_slice %arg20[%dma_start3A_34, %dma_start3A_35] : memref<5x128xi32, #tpu.memory_space<vmem>> -> memref<1x128xi32, #tpu.memory_space<vmem>>
    %dma_start3A_37 = tpu.memref_squeeze %dma_start3A_36 : memref<1x128xi32, #tpu.memory_space<vmem>> -> memref<128xi32, #tpu.memory_space<vmem>>
    %dma_start3A_38 = arith.constant 0 : i32
    %dma_start3A_39 = arith.constant 0 : i32
    %dma_start3A_40 = tpu.memref_slice %arg2[%arg0, %dma_start3A_38, %dma_start3A_39] : memref<2x512x64xf32, #tpu.memory_space<hbm>> -> memref<1x512x64xf32, #tpu.memory_space<hbm>>
    %dma_start3A_41 = tpu.memref_squeeze %dma_start3A_40 : memref<1x512x64xf32, #tpu.memory_space<hbm>> -> memref<512x64xf32, #tpu.memory_space<hbm>>
    %dma_start3A_42 = arith.constant 0 : i32
    %dma_start3A_43 = arith.constant 0 : i32
    %dma_start3A_44 = tpu.memref_slice %dma_start3A_41[%dma_start3A_42, %dma_start3A_43] : memref<512x64xf32, #tpu.memory_space<hbm>> -> memref<512x64xf32, #tpu.memory_space<hbm>>
    tpu.enqueue_indirect_dma source(%dma_start3A_44 : memref<512x64xf32, #tpu.memory_space<hbm>>) target(%arg11 : memref<128x64xf32, #tpu.memory_space<vmem>>) offsets(%dma_start3A_37 : memref<128xi32, #tpu.memory_space<vmem>>) semaphore(%arg14 : memref<!tpu.dma_semaphore, #tpu.memory_space<semaphore_mem>>)
    %dma_wait3A = arith.constant 0 : i32
    %dma_wait3A_45 = arith.constant 0 : i32
    %dma_wait3A_46 = tpu.memref_slice %arg20[%dma_wait3A, %dma_wait3A_45] : memref<5x128xi32, #tpu.memory_space<vmem>> -> memref<1x128xi32, #tpu.memory_space<vmem>>
    %dma_wait3A_47 = tpu.memref_squeeze %dma_wait3A_46 : memref<1x128xi32, #tpu.memory_space<vmem>> -> memref<128xi32, #tpu.memory_space<vmem>>
    %dma_wait3A_48 = arith.constant 0 : i32
    %dma_wait3A_49 = arith.constant 0 : i32
    %dma_wait3A_50 = tpu.memref_slice %arg2[%arg0, %dma_wait3A_48, %dma_wait3A_49] : memref<2x512x64xf32, #tpu.memory_space<hbm>> -> memref<1x512x64xf32, #tpu.memory_space<hbm>>
    %dma_wait3A_51 = tpu.memref_squeeze %dma_wait3A_50 : memref<1x512x64xf32, #tpu.memory_space<hbm>> -> memref<512x64xf32, #tpu.memory_space<hbm>>
    %dma_wait3A_52 = arith.constant 0 : i32
    %dma_wait3A_53 = arith.constant 0 : i32
    %dma_wait3A_54 = tpu.memref_slice %dma_wait3A_51[%dma_wait3A_52, %dma_wait3A_53] : memref<512x64xf32, #tpu.memory_space<hbm>> -> memref<512x64xf32, #tpu.memory_space<hbm>>
    tpu.wait_indirect_dma semaphore(%arg14 : memref<!tpu.dma_semaphore, #tpu.memory_space<semaphore_mem>>) src(%dma_wait3A_54 : memref<512x64xf32, #tpu.memory_space<hbm>>) dst(%arg11 : memref<128x64xf32, #tpu.memory_space<vmem>>)
    %add3A = arith.constant 0 : i32
    %add3A_55 = arith.addi %mul3A_0, %add3A : i32
    "tpu.region"() ({
      %run_scoped3A_335 = tpu.sem_alloc : memref<!tpu.dma_semaphore, #tpu.memory_space<semaphore_mem>>
      %dma_start3A_336 = arith.constant 0 : i32
      %dma_start3A_337 = tpu.memref_slice %arg8[%add3A_55, %dma_start3A_336] : memref<10240x64xf32, #tpu.memory_space<vmem_shared>> -> memref<128x64xf32, #tpu.memory_space<vmem_shared>>
      %dma_start3A_338 = arith.constant 0 : i32
      %dma_start3A_339 = tpu.memref_slice %arg8[%add3A_55, %dma_start3A_338] : memref<10240x64xf32, #tpu.memory_space<vmem_shared>> -> memref<128x64xf32, #tpu.memory_space<vmem_shared>>
      tpu.enqueue_dma source(%arg11 : memref<128x64xf32, #tpu.memory_space<vmem>>) target(%dma_start3A_339 : memref<128x64xf32, #tpu.memory_space<vmem_shared>>) target_semaphore(%run_scoped3A_335 : memref<!tpu.dma_semaphore, #tpu.memory_space<semaphore_mem>>)
      %dma_wait3A_340 = arith.constant 0 : i32
      %dma_wait3A_341 = tpu.memref_slice %arg8[%add3A_55, %dma_wait3A_340] : memref<10240x64xf32, #tpu.memory_space<vmem_shared>> -> memref<128x64xf32, #tpu.memory_space<vmem_shared>>
      %dma_wait3A_342 = arith.constant 0 : i32
      %dma_wait3A_343 = tpu.memref_slice %arg8[%add3A_55, %dma_wait3A_342] : memref<10240x64xf32, #tpu.memory_space<vmem_shared>> -> memref<128x64xf32, #tpu.memory_space<vmem_shared>>
      tpu.wait_dma2 semaphore(%run_scoped3A_335 : memref<!tpu.dma_semaphore, #tpu.memory_space<semaphore_mem>>) src(%arg11 : memref<128x64xf32, #tpu.memory_space<vmem>>) dst(%dma_wait3A_343 : memref<128x64xf32, #tpu.memory_space<vmem_shared>>)
      tpu.yield
    }) : () -> ()
    "tpu.region"() ({
      %run_scoped3A_335 = tpu.sem_alloc : memref<!tpu.dma_semaphore, #tpu.memory_space<semaphore_mem>>
      %dma_start3A_336 = arith.constant 0 : i32
      %dma_start3A_337 = tpu.memref_slice %arg7[%add3A_55, %dma_start3A_336] : memref<10240x64xf32, #tpu.memory_space<vmem_shared>> -> memref<128x64xf32, #tpu.memory_space<vmem_shared>>
      %dma_start3A_338 = arith.constant 0 : i32
      %dma_start3A_339 = tpu.memref_slice %arg7[%add3A_55, %dma_start3A_338] : memref<10240x64xf32, #tpu.memory_space<vmem_shared>> -> memref<128x64xf32, #tpu.memory_space<vmem_shared>>
      tpu.enqueue_dma source(%arg11 : memref<128x64xf32, #tpu.memory_space<vmem>>) target(%dma_start3A_339 : memref<128x64xf32, #tpu.memory_space<vmem_shared>>) target_semaphore(%run_scoped3A_335 : memref<!tpu.dma_semaphore, #tpu.memory_space<semaphore_mem>>)
      %dma_wait3A_340 = arith.constant 0 : i32
      %dma_wait3A_341 = tpu.memref_slice %arg7[%add3A_55, %dma_wait3A_340] : memref<10240x64xf32, #tpu.memory_space<vmem_shared>> -> memref<128x64xf32, #tpu.memory_space<vmem_shared>>
      %dma_wait3A_342 = arith.constant 0 : i32
      %dma_wait3A_343 = tpu.memref_slice %arg7[%add3A_55, %dma_wait3A_342] : memref<10240x64xf32, #tpu.memory_space<vmem_shared>> -> memref<128x64xf32, #tpu.memory_space<vmem_shared>>
      tpu.wait_dma2 semaphore(%run_scoped3A_335 : memref<!tpu.dma_semaphore, #tpu.memory_space<semaphore_mem>>) src(%arg11 : memref<128x64xf32, #tpu.memory_space<vmem>>) dst(%dma_wait3A_343 : memref<128x64xf32, #tpu.memory_space<vmem_shared>>)
      tpu.yield
    }) : () -> ()
    %dma_start3A_56 = arith.constant 1 : i32
    %dma_start3A_57 = arith.constant 0 : i32
    %dma_start3A_58 = tpu.memref_slice %arg20[%dma_start3A_56, %dma_start3A_57] : memref<5x128xi32, #tpu.memory_space<vmem>> -> memref<1x128xi32, #tpu.memory_space<vmem>>
    %dma_start3A_59 = tpu.memref_squeeze %dma_start3A_58 : memref<1x128xi32, #tpu.memory_space<vmem>> -> memref<128xi32, #tpu.memory_space<vmem>>
    %dma_start3A_60 = arith.constant 0 : i32
    %dma_start3A_61 = arith.constant 0 : i32
    %dma_start3A_62 = tpu.memref_slice %arg2[%arg0, %dma_start3A_60, %dma_start3A_61] : memref<2x512x64xf32, #tpu.memory_space<hbm>> -> memref<1x512x64xf32, #tpu.memory_space<hbm>>
    %dma_start3A_63 = tpu.memref_squeeze %dma_start3A_62 : memref<1x512x64xf32, #tpu.memory_space<hbm>> -> memref<512x64xf32, #tpu.memory_space<hbm>>
    %dma_start3A_64 = arith.constant 0 : i32
    %dma_start3A_65 = arith.constant 0 : i32
    %dma_start3A_66 = tpu.memref_slice %dma_start3A_63[%dma_start3A_64, %dma_start3A_65] : memref<512x64xf32, #tpu.memory_space<hbm>> -> memref<512x64xf32, #tpu.memory_space<hbm>>
    tpu.enqueue_indirect_dma source(%dma_start3A_66 : memref<512x64xf32, #tpu.memory_space<hbm>>) target(%arg11 : memref<128x64xf32, #tpu.memory_space<vmem>>) offsets(%dma_start3A_59 : memref<128xi32, #tpu.memory_space<vmem>>) semaphore(%arg14 : memref<!tpu.dma_semaphore, #tpu.memory_space<semaphore_mem>>)
    %dma_wait3A_67 = arith.constant 1 : i32
    %dma_wait3A_68 = arith.constant 0 : i32
    %dma_wait3A_69 = tpu.memref_slice %arg20[%dma_wait3A_67, %dma_wait3A_68] : memref<5x128xi32, #tpu.memory_space<vmem>> -> memref<1x128xi32, #tpu.memory_space<vmem>>
    %dma_wait3A_70 = tpu.memref_squeeze %dma_wait3A_69 : memref<1x128xi32, #tpu.memory_space<vmem>> -> memref<128xi32, #tpu.memory_space<vmem>>
    %dma_wait3A_71 = arith.constant 0 : i32
    %dma_wait3A_72 = arith.constant 0 : i32
    %dma_wait3A_73 = tpu.memref_slice %arg2[%arg0, %dma_wait3A_71, %dma_wait3A_72] : memref<2x512x64xf32, #tpu.memory_space<hbm>> -> memref<1x512x64xf32, #tpu.memory_space<hbm>>
    %dma_wait3A_74 = tpu.memref_squeeze %dma_wait3A_73 : memref<1x512x64xf32, #tpu.memory_space<hbm>> -> memref<512x64xf32, #tpu.memory_space<hbm>>
    %dma_wait3A_75 = arith.constant 0 : i32
    %dma_wait3A_76 = arith.constant 0 : i32
    %dma_wait3A_77 = tpu.memref_slice %dma_wait3A_74[%dma_wait3A_75, %dma_wait3A_76] : memref<512x64xf32, #tpu.memory_space<hbm>> -> memref<512x64xf32, #tpu.memory_space<hbm>>
    tpu.wait_indirect_dma semaphore(%arg14 : memref<!tpu.dma_semaphore, #tpu.memory_space<semaphore_mem>>) src(%dma_wait3A_77 : memref<512x64xf32, #tpu.memory_space<hbm>>) dst(%arg11 : memref<128x64xf32, #tpu.memory_space<vmem>>)
    %add3A_78 = arith.constant 128 : i32
    %add3A_79 = arith.addi %mul3A_0, %add3A_78 : i32
    "tpu.region"() ({
      %run_scoped3A_335 = tpu.sem_alloc : memref<!tpu.dma_semaphore, #tpu.memory_space<semaphore_mem>>
      %dma_start3A_336 = arith.constant 0 : i32
      %dma_start3A_337 = tpu.memref_slice %arg8[%add3A_79, %dma_start3A_336] : memref<10240x64xf32, #tpu.memory_space<vmem_shared>> -> memref<128x64xf32, #tpu.memory_space<vmem_shared>>
      %dma_start3A_338 = arith.constant 0 : i32
      %dma_start3A_339 = tpu.memref_slice %arg8[%add3A_79, %dma_start3A_338] : memref<10240x64xf32, #tpu.memory_space<vmem_shared>> -> memref<128x64xf32, #tpu.memory_space<vmem_shared>>
      tpu.enqueue_dma source(%arg11 : memref<128x64xf32, #tpu.memory_space<vmem>>) target(%dma_start3A_339 : memref<128x64xf32, #tpu.memory_space<vmem_shared>>) target_semaphore(%run_scoped3A_335 : memref<!tpu.dma_semaphore, #tpu.memory_space<semaphore_mem>>)
      %dma_wait3A_340 = arith.constant 0 : i32
      %dma_wait3A_341 = tpu.memref_slice %arg8[%add3A_79, %dma_wait3A_340] : memref<10240x64xf32, #tpu.memory_space<vmem_shared>> -> memref<128x64xf32, #tpu.memory_space<vmem_shared>>
      %dma_wait3A_342 = arith.constant 0 : i32
      %dma_wait3A_343 = tpu.memref_slice %arg8[%add3A_79, %dma_wait3A_342] : memref<10240x64xf32, #tpu.memory_space<vmem_shared>> -> memref<128x64xf32, #tpu.memory_space<vmem_shared>>
      tpu.wait_dma2 semaphore(%run_scoped3A_335 : memref<!tpu.dma_semaphore, #tpu.memory_space<semaphore_mem>>) src(%arg11 : memref<128x64xf32, #tpu.memory_space<vmem>>) dst(%dma_wait3A_343 : memref<128x64xf32, #tpu.memory_space<vmem_shared>>)
      tpu.yield
    }) : () -> ()
    "tpu.region"() ({
      %run_scoped3A_335 = tpu.sem_alloc : memref<!tpu.dma_semaphore, #tpu.memory_space<semaphore_mem>>
      %dma_start3A_336 = arith.constant 0 : i32
      %dma_start3A_337 = tpu.memref_slice %arg7[%add3A_79, %dma_start3A_336] : memref<10240x64xf32, #tpu.memory_space<vmem_shared>> -> memref<128x64xf32, #tpu.memory_space<vmem_shared>>
      %dma_start3A_338 = arith.constant 0 : i32
      %dma_start3A_339 = tpu.memref_slice %arg7[%add3A_79, %dma_start3A_338] : memref<10240x64xf32, #tpu.memory_space<vmem_shared>> -> memref<128x64xf32, #tpu.memory_space<vmem_shared>>
      tpu.enqueue_dma source(%arg11 : memref<128x64xf32, #tpu.memory_space<vmem>>) target(%dma_start3A_339 : memref<128x64xf32, #tpu.memory_space<vmem_shared>>) target_semaphore(%run_scoped3A_335 : memref<!tpu.dma_semaphore, #tpu.memory_space<semaphore_mem>>)
      %dma_wait3A_340 = arith.constant 0 : i32
      %dma_wait3A_341 = tpu.memref_slice %arg7[%add3A_79, %dma_wait3A_340] : memref<10240x64xf32, #tpu.memory_space<vmem_shared>> -> memref<128x64xf32, #tpu.memory_space<vmem_shared>>
      %dma_wait3A_342 = arith.constant 0 : i32
      %dma_wait3A_343 = tpu.memref_slice %arg7[%add3A_79, %dma_wait3A_342] : memref<10240x64xf32, #tpu.memory_space<vmem_shared>> -> memref<128x64xf32, #tpu.memory_space<vmem_shared>>
      tpu.wait_dma2 semaphore(%run_scoped3A_335 : memref<!tpu.dma_semaphore, #tpu.memory_space<semaphore_mem>>) src(%arg11 : memref<128x64xf32, #tpu.memory_space<vmem>>) dst(%dma_wait3A_343 : memref<128x64xf32, #tpu.memory_space<vmem_shared>>)
      tpu.yield
    }) : () -> ()
    %dma_start3A_80 = arith.constant 2 : i32
    %dma_start3A_81 = arith.constant 0 : i32
    %dma_start3A_82 = tpu.memref_slice %arg20[%dma_start3A_80, %dma_start3A_81] : memref<5x128xi32, #tpu.memory_space<vmem>> -> memref<1x128xi32, #tpu.memory_space<vmem>>
    %dma_start3A_83 = tpu.memref_squeeze %dma_start3A_82 : memref<1x128xi32, #tpu.memory_space<vmem>> -> memref<128xi32, #tpu.memory_space<vmem>>
    %dma_start3A_84 = arith.constant 0 : i32
    %dma_start3A_85 = arith.constant 0 : i32
    %dma_start3A_86 = tpu.memref_slice %arg2[%arg0, %dma_start3A_84, %dma_start3A_85] : memref<2x512x64xf32, #tpu.memory_space<hbm>> -> memref<1x512x64xf32, #tpu.memory_space<hbm>>
    %dma_start3A_87 = tpu.memref_squeeze %dma_start3A_86 : memref<1x512x64xf32, #tpu.memory_space<hbm>> -> memref<512x64xf32, #tpu.memory_space<hbm>>
    %dma_start3A_88 = arith.constant 0 : i32
    %dma_start3A_89 = arith.constant 0 : i32
    %dma_start3A_90 = tpu.memref_slice %dma_start3A_87[%dma_start3A_88, %dma_start3A_89] : memref<512x64xf32, #tpu.memory_space<hbm>> -> memref<512x64xf32, #tpu.memory_space<hbm>>
    tpu.enqueue_indirect_dma source(%dma_start3A_90 : memref<512x64xf32, #tpu.memory_space<hbm>>) target(%arg11 : memref<128x64xf32, #tpu.memory_space<vmem>>) offsets(%dma_start3A_83 : memref<128xi32, #tpu.memory_space<vmem>>) semaphore(%arg14 : memref<!tpu.dma_semaphore, #tpu.memory_space<semaphore_mem>>)
    %dma_wait3A_91 = arith.constant 2 : i32
    %dma_wait3A_92 = arith.constant 0 : i32
    %dma_wait3A_93 = tpu.memref_slice %arg20[%dma_wait3A_91, %dma_wait3A_92] : memref<5x128xi32, #tpu.memory_space<vmem>> -> memref<1x128xi32, #tpu.memory_space<vmem>>
    %dma_wait3A_94 = tpu.memref_squeeze %dma_wait3A_93 : memref<1x128xi32, #tpu.memory_space<vmem>> -> memref<128xi32, #tpu.memory_space<vmem>>
    %dma_wait3A_95 = arith.constant 0 : i32
    %dma_wait3A_96 = arith.constant 0 : i32
    %dma_wait3A_97 = tpu.memref_slice %arg2[%arg0, %dma_wait3A_95, %dma_wait3A_96] : memref<2x512x64xf32, #tpu.memory_space<hbm>> -> memref<1x512x64xf32, #tpu.memory_space<hbm>>
    %dma_wait3A_98 = tpu.memref_squeeze %dma_wait3A_97 : memref<1x512x64xf32, #tpu.memory_space<hbm>> -> memref<512x64xf32, #tpu.memory_space<hbm>>
    %dma_wait3A_99 = arith.constant 0 : i32
    %dma_wait3A_100 = arith.constant 0 : i32
    %dma_wait3A_101 = tpu.memref_slice %dma_wait3A_98[%dma_wait3A_99, %dma_wait3A_100] : memref<512x64xf32, #tpu.memory_space<hbm>> -> memref<512x64xf32, #tpu.memory_space<hbm>>
    tpu.wait_indirect_dma semaphore(%arg14 : memref<!tpu.dma_semaphore, #tpu.memory_space<semaphore_mem>>) src(%dma_wait3A_101 : memref<512x64xf32, #tpu.memory_space<hbm>>) dst(%arg11 : memref<128x64xf32, #tpu.memory_space<vmem>>)
    %add3A_102 = arith.constant 256 : i32
    %add3A_103 = arith.addi %mul3A_0, %add3A_102 : i32
    "tpu.region"() ({
      %run_scoped3A_335 = tpu.sem_alloc : memref<!tpu.dma_semaphore, #tpu.memory_space<semaphore_mem>>
      %dma_start3A_336 = arith.constant 0 : i32
      %dma_start3A_337 = tpu.memref_slice %arg8[%add3A_103, %dma_start3A_336] : memref<10240x64xf32, #tpu.memory_space<vmem_shared>> -> memref<128x64xf32, #tpu.memory_space<vmem_shared>>
      %dma_start3A_338 = arith.constant 0 : i32
      %dma_start3A_339 = tpu.memref_slice %arg8[%add3A_103, %dma_start3A_338] : memref<10240x64xf32, #tpu.memory_space<vmem_shared>> -> memref<128x64xf32, #tpu.memory_space<vmem_shared>>
      tpu.enqueue_dma source(%arg11 : memref<128x64xf32, #tpu.memory_space<vmem>>) target(%dma_start3A_339 : memref<128x64xf32, #tpu.memory_space<vmem_shared>>) target_semaphore(%run_scoped3A_335 : memref<!tpu.dma_semaphore, #tpu.memory_space<semaphore_mem>>)
      %dma_wait3A_340 = arith.constant 0 : i32
      %dma_wait3A_341 = tpu.memref_slice %arg8[%add3A_103, %dma_wait3A_340] : memref<10240x64xf32, #tpu.memory_space<vmem_shared>> -> memref<128x64xf32, #tpu.memory_space<vmem_shared>>
      %dma_wait3A_342 = arith.constant 0 : i32
      %dma_wait3A_343 = tpu.memref_slice %arg8[%add3A_103, %dma_wait3A_342] : memref<10240x64xf32, #tpu.memory_space<vmem_shared>> -> memref<128x64xf32, #tpu.memory_space<vmem_shared>>
      tpu.wait_dma2 semaphore(%run_scoped3A_335 : memref<!tpu.dma_semaphore, #tpu.memory_space<semaphore_mem>>) src(%arg11 : memref<128x64xf32, #tpu.memory_space<vmem>>) dst(%dma_wait3A_343 : memref<128x64xf32, #tpu.memory_space<vmem_shared>>)
      tpu.yield
    }) : () -> ()
    "tpu.region"() ({
      %run_scoped3A_335 = tpu.sem_alloc : memref<!tpu.dma_semaphore, #tpu.memory_space<semaphore_mem>>
      %dma_start3A_336 = arith.constant 0 : i32
      %dma_start3A_337 = tpu.memref_slice %arg7[%add3A_103, %dma_start3A_336] : memref<10240x64xf32, #tpu.memory_space<vmem_shared>> -> memref<128x64xf32, #tpu.memory_space<vmem_shared>>
      %dma_start3A_338 = arith.constant 0 : i32
      %dma_start3A_339 = tpu.memref_slice %arg7[%add3A_103, %dma_start3A_338] : memref<10240x64xf32, #tpu.memory_space<vmem_shared>> -> memref<128x64xf32, #tpu.memory_space<vmem_shared>>
      tpu.enqueue_dma source(%arg11 : memref<128x64xf32, #tpu.memory_space<vmem>>) target(%dma_start3A_339 : memref<128x64xf32, #tpu.memory_space<vmem_shared>>) target_semaphore(%run_scoped3A_335 : memref<!tpu.dma_semaphore, #tpu.memory_space<semaphore_mem>>)
      %dma_wait3A_340 = arith.constant 0 : i32
      %dma_wait3A_341 = tpu.memref_slice %arg7[%add3A_103, %dma_wait3A_340] : memref<10240x64xf32, #tpu.memory_space<vmem_shared>> -> memref<128x64xf32, #tpu.memory_space<vmem_shared>>
      %dma_wait3A_342 = arith.constant 0 : i32
      %dma_wait3A_343 = tpu.memref_slice %arg7[%add3A_103, %dma_wait3A_342] : memref<10240x64xf32, #tpu.memory_space<vmem_shared>> -> memref<128x64xf32, #tpu.memory_space<vmem_shared>>
      tpu.wait_dma2 semaphore(%run_scoped3A_335 : memref<!tpu.dma_semaphore, #tpu.memory_space<semaphore_mem>>) src(%arg11 : memref<128x64xf32, #tpu.memory_space<vmem>>) dst(%dma_wait3A_343 : memref<128x64xf32, #tpu.memory_space<vmem_shared>>)
      tpu.yield
    }) : () -> ()
    %dma_start3A_104 = arith.constant 3 : i32
    %dma_start3A_105 = arith.constant 0 : i32
    %dma_start3A_106 = tpu.memref_slice %arg20[%dma_start3A_104, %dma_start3A_105] : memref<5x128xi32, #tpu.memory_space<vmem>> -> memref<1x128xi32, #tpu.memory_space<vmem>>
    %dma_start3A_107 = tpu.memref_squeeze %dma_start3A_106 : memref<1x128xi32, #tpu.memory_space<vmem>> -> memref<128xi32, #tpu.memory_space<vmem>>
    %dma_start3A_108 = arith.constant 0 : i32
    %dma_start3A_109 = arith.constant 0 : i32
    %dma_start3A_110 = tpu.memref_slice %arg2[%arg0, %dma_start3A_108, %dma_start3A_109] : memref<2x512x64xf32, #tpu.memory_space<hbm>> -> memref<1x512x64xf32, #tpu.memory_space<hbm>>
    %dma_start3A_111 = tpu.memref_squeeze %dma_start3A_110 : memref<1x512x64xf32, #tpu.memory_space<hbm>> -> memref<512x64xf32, #tpu.memory_space<hbm>>
    %dma_start3A_112 = arith.constant 0 : i32
    %dma_start3A_113 = arith.constant 0 : i32
    %dma_start3A_114 = tpu.memref_slice %dma_start3A_111[%dma_start3A_112, %dma_start3A_113] : memref<512x64xf32, #tpu.memory_space<hbm>> -> memref<512x64xf32, #tpu.memory_space<hbm>>
    tpu.enqueue_indirect_dma source(%dma_start3A_114 : memref<512x64xf32, #tpu.memory_space<hbm>>) target(%arg11 : memref<128x64xf32, #tpu.memory_space<vmem>>) offsets(%dma_start3A_107 : memref<128xi32, #tpu.memory_space<vmem>>) semaphore(%arg14 : memref<!tpu.dma_semaphore, #tpu.memory_space<semaphore_mem>>)
    %dma_wait3A_115 = arith.constant 3 : i32
    %dma_wait3A_116 = arith.constant 0 : i32
    %dma_wait3A_117 = tpu.memref_slice %arg20[%dma_wait3A_115, %dma_wait3A_116] : memref<5x128xi32, #tpu.memory_space<vmem>> -> memref<1x128xi32, #tpu.memory_space<vmem>>
    %dma_wait3A_118 = tpu.memref_squeeze %dma_wait3A_117 : memref<1x128xi32, #tpu.memory_space<vmem>> -> memref<128xi32, #tpu.memory_space<vmem>>
    %dma_wait3A_119 = arith.constant 0 : i32
    %dma_wait3A_120 = arith.constant 0 : i32
    %dma_wait3A_121 = tpu.memref_slice %arg2[%arg0, %dma_wait3A_119, %dma_wait3A_120] : memref<2x512x64xf32, #tpu.memory_space<hbm>> -> memref<1x512x64xf32, #tpu.memory_space<hbm>>
    %dma_wait3A_122 = tpu.memref_squeeze %dma_wait3A_121 : memref<1x512x64xf32, #tpu.memory_space<hbm>> -> memref<512x64xf32, #tpu.memory_space<hbm>>
    %dma_wait3A_123 = arith.constant 0 : i32
    %dma_wait3A_124 = arith.constant 0 : i32
    %dma_wait3A_125 = tpu.memref_slice %dma_wait3A_122[%dma_wait3A_123, %dma_wait3A_124] : memref<512x64xf32, #tpu.memory_space<hbm>> -> memref<512x64xf32, #tpu.memory_space<hbm>>
    tpu.wait_indirect_dma semaphore(%arg14 : memref<!tpu.dma_semaphore, #tpu.memory_space<semaphore_mem>>) src(%dma_wait3A_125 : memref<512x64xf32, #tpu.memory_space<hbm>>) dst(%arg11 : memref<128x64xf32, #tpu.memory_space<vmem>>)
    %add3A_126 = arith.constant 384 : i32
    %add3A_127 = arith.addi %mul3A_0, %add3A_126 : i32
    "tpu.region"() ({
      %run_scoped3A_335 = tpu.sem_alloc : memref<!tpu.dma_semaphore, #tpu.memory_space<semaphore_mem>>
      %dma_start3A_336 = arith.constant 0 : i32
      %dma_start3A_337 = tpu.memref_slice %arg8[%add3A_127, %dma_start3A_336] : memref<10240x64xf32, #tpu.memory_space<vmem_shared>> -> memref<128x64xf32, #tpu.memory_space<vmem_shared>>
      %dma_start3A_338 = arith.constant 0 : i32
      %dma_start3A_339 = tpu.memref_slice %arg8[%add3A_127, %dma_start3A_338] : memref<10240x64xf32, #tpu.memory_space<vmem_shared>> -> memref<128x64xf32, #tpu.memory_space<vmem_shared>>
      tpu.enqueue_dma source(%arg11 : memref<128x64xf32, #tpu.memory_space<vmem>>) target(%dma_start3A_339 : memref<128x64xf32, #tpu.memory_space<vmem_shared>>) target_semaphore(%run_scoped3A_335 : memref<!tpu.dma_semaphore, #tpu.memory_space<semaphore_mem>>)
      %dma_wait3A_340 = arith.constant 0 : i32
      %dma_wait3A_341 = tpu.memref_slice %arg8[%add3A_127, %dma_wait3A_340] : memref<10240x64xf32, #tpu.memory_space<vmem_shared>> -> memref<128x64xf32, #tpu.memory_space<vmem_shared>>
      %dma_wait3A_342 = arith.constant 0 : i32
      %dma_wait3A_343 = tpu.memref_slice %arg8[%add3A_127, %dma_wait3A_342] : memref<10240x64xf32, #tpu.memory_space<vmem_shared>> -> memref<128x64xf32, #tpu.memory_space<vmem_shared>>
      tpu.wait_dma2 semaphore(%run_scoped3A_335 : memref<!tpu.dma_semaphore, #tpu.memory_space<semaphore_mem>>) src(%arg11 : memref<128x64xf32, #tpu.memory_space<vmem>>) dst(%dma_wait3A_343 : memref<128x64xf32, #tpu.memory_space<vmem_shared>>)
      tpu.yield
    }) : () -> ()
    "tpu.region"() ({
      %run_scoped3A_335 = tpu.sem_alloc : memref<!tpu.dma_semaphore, #tpu.memory_space<semaphore_mem>>
      %dma_start3A_336 = arith.constant 0 : i32
      %dma_start3A_337 = tpu.memref_slice %arg7[%add3A_127, %dma_start3A_336] : memref<10240x64xf32, #tpu.memory_space<vmem_shared>> -> memref<128x64xf32, #tpu.memory_space<vmem_shared>>
      %dma_start3A_338 = arith.constant 0 : i32
      %dma_start3A_339 = tpu.memref_slice %arg7[%add3A_127, %dma_start3A_338] : memref<10240x64xf32, #tpu.memory_space<vmem_shared>> -> memref<128x64xf32, #tpu.memory_space<vmem_shared>>
      tpu.enqueue_dma source(%arg11 : memref<128x64xf32, #tpu.memory_space<vmem>>) target(%dma_start3A_339 : memref<128x64xf32, #tpu.memory_space<vmem_shared>>) target_semaphore(%run_scoped3A_335 : memref<!tpu.dma_semaphore, #tpu.memory_space<semaphore_mem>>)
      %dma_wait3A_340 = arith.constant 0 : i32
      %dma_wait3A_341 = tpu.memref_slice %arg7[%add3A_127, %dma_wait3A_340] : memref<10240x64xf32, #tpu.memory_space<vmem_shared>> -> memref<128x64xf32, #tpu.memory_space<vmem_shared>>
      %dma_wait3A_342 = arith.constant 0 : i32
      %dma_wait3A_343 = tpu.memref_slice %arg7[%add3A_127, %dma_wait3A_342] : memref<10240x64xf32, #tpu.memory_space<vmem_shared>> -> memref<128x64xf32, #tpu.memory_space<vmem_shared>>
      tpu.wait_dma2 semaphore(%run_scoped3A_335 : memref<!tpu.dma_semaphore, #tpu.memory_space<semaphore_mem>>) src(%arg11 : memref<128x64xf32, #tpu.memory_space<vmem>>) dst(%dma_wait3A_343 : memref<128x64xf32, #tpu.memory_space<vmem_shared>>)
      tpu.yield
    }) : () -> ()
    %dma_start3A_128 = arith.constant 4 : i32
    %dma_start3A_129 = arith.constant 0 : i32
    %dma_start3A_130 = tpu.memref_slice %arg20[%dma_start3A_128, %dma_start3A_129] : memref<5x128xi32, #tpu.memory_space<vmem>> -> memref<1x128xi32, #tpu.memory_space<vmem>>
    %dma_start3A_131 = tpu.memref_squeeze %dma_start3A_130 : memref<1x128xi32, #tpu.memory_space<vmem>> -> memref<128xi32, #tpu.memory_space<vmem>>
    %dma_start3A_132 = arith.constant 0 : i32
    %dma_start3A_133 = arith.constant 0 : i32
    %dma_start3A_134 = tpu.memref_slice %arg2[%arg0, %dma_start3A_132, %dma_start3A_133] : memref<2x512x64xf32, #tpu.memory_space<hbm>> -> memref<1x512x64xf32, #tpu.memory_space<hbm>>
    %dma_start3A_135 = tpu.memref_squeeze %dma_start3A_134 : memref<1x512x64xf32, #tpu.memory_space<hbm>> -> memref<512x64xf32, #tpu.memory_space<hbm>>
    %dma_start3A_136 = arith.constant 0 : i32
    %dma_start3A_137 = arith.constant 0 : i32
    %dma_start3A_138 = tpu.memref_slice %dma_start3A_135[%dma_start3A_136, %dma_start3A_137] : memref<512x64xf32, #tpu.memory_space<hbm>> -> memref<512x64xf32, #tpu.memory_space<hbm>>
    tpu.enqueue_indirect_dma source(%dma_start3A_138 : memref<512x64xf32, #tpu.memory_space<hbm>>) target(%arg11 : memref<128x64xf32, #tpu.memory_space<vmem>>) offsets(%dma_start3A_131 : memref<128xi32, #tpu.memory_space<vmem>>) semaphore(%arg14 : memref<!tpu.dma_semaphore, #tpu.memory_space<semaphore_mem>>)
    %dma_wait3A_139 = arith.constant 4 : i32
    %dma_wait3A_140 = arith.constant 0 : i32
    %dma_wait3A_141 = tpu.memref_slice %arg20[%dma_wait3A_139, %dma_wait3A_140] : memref<5x128xi32, #tpu.memory_space<vmem>> -> memref<1x128xi32, #tpu.memory_space<vmem>>
    %dma_wait3A_142 = tpu.memref_squeeze %dma_wait3A_141 : memref<1x128xi32, #tpu.memory_space<vmem>> -> memref<128xi32, #tpu.memory_space<vmem>>
    %dma_wait3A_143 = arith.constant 0 : i32
    %dma_wait3A_144 = arith.constant 0 : i32
    %dma_wait3A_145 = tpu.memref_slice %arg2[%arg0, %dma_wait3A_143, %dma_wait3A_144] : memref<2x512x64xf32, #tpu.memory_space<hbm>> -> memref<1x512x64xf32, #tpu.memory_space<hbm>>
    %dma_wait3A_146 = tpu.memref_squeeze %dma_wait3A_145 : memref<1x512x64xf32, #tpu.memory_space<hbm>> -> memref<512x64xf32, #tpu.memory_space<hbm>>
    %dma_wait3A_147 = arith.constant 0 : i32
    %dma_wait3A_148 = arith.constant 0 : i32
    %dma_wait3A_149 = tpu.memref_slice %dma_wait3A_146[%dma_wait3A_147, %dma_wait3A_148] : memref<512x64xf32, #tpu.memory_space<hbm>> -> memref<512x64xf32, #tpu.memory_space<hbm>>
    tpu.wait_indirect_dma semaphore(%arg14 : memref<!tpu.dma_semaphore, #tpu.memory_space<semaphore_mem>>) src(%dma_wait3A_149 : memref<512x64xf32, #tpu.memory_space<hbm>>) dst(%arg11 : memref<128x64xf32, #tpu.memory_space<vmem>>)
    %add3A_150 = arith.constant 512 : i32
    %add3A_151 = arith.addi %mul3A_0, %add3A_150 : i32
    "tpu.region"() ({
      %run_scoped3A_335 = tpu.sem_alloc : memref<!tpu.dma_semaphore, #tpu.memory_space<semaphore_mem>>
      %dma_start3A_336 = arith.constant 0 : i32
      %dma_start3A_337 = tpu.memref_slice %arg8[%add3A_151, %dma_start3A_336] : memref<10240x64xf32, #tpu.memory_space<vmem_shared>> -> memref<128x64xf32, #tpu.memory_space<vmem_shared>>
      %dma_start3A_338 = arith.constant 0 : i32
      %dma_start3A_339 = tpu.memref_slice %arg8[%add3A_151, %dma_start3A_338] : memref<10240x64xf32, #tpu.memory_space<vmem_shared>> -> memref<128x64xf32, #tpu.memory_space<vmem_shared>>
      tpu.enqueue_dma source(%arg11 : memref<128x64xf32, #tpu.memory_space<vmem>>) target(%dma_start3A_339 : memref<128x64xf32, #tpu.memory_space<vmem_shared>>) target_semaphore(%run_scoped3A_335 : memref<!tpu.dma_semaphore, #tpu.memory_space<semaphore_mem>>)
      %dma_wait3A_340 = arith.constant 0 : i32
      %dma_wait3A_341 = tpu.memref_slice %arg8[%add3A_151, %dma_wait3A_340] : memref<10240x64xf32, #tpu.memory_space<vmem_shared>> -> memref<128x64xf32, #tpu.memory_space<vmem_shared>>
      %dma_wait3A_342 = arith.constant 0 : i32
      %dma_wait3A_343 = tpu.memref_slice %arg8[%add3A_151, %dma_wait3A_342] : memref<10240x64xf32, #tpu.memory_space<vmem_shared>> -> memref<128x64xf32, #tpu.memory_space<vmem_shared>>
      tpu.wait_dma2 semaphore(%run_scoped3A_335 : memref<!tpu.dma_semaphore, #tpu.memory_space<semaphore_mem>>) src(%arg11 : memref<128x64xf32, #tpu.memory_space<vmem>>) dst(%dma_wait3A_343 : memref<128x64xf32, #tpu.memory_space<vmem_shared>>)
      tpu.yield
    }) : () -> ()
    "tpu.region"() ({
      %run_scoped3A_335 = tpu.sem_alloc : memref<!tpu.dma_semaphore, #tpu.memory_space<semaphore_mem>>
      %dma_start3A_336 = arith.constant 0 : i32
      %dma_start3A_337 = tpu.memref_slice %arg7[%add3A_151, %dma_start3A_336] : memref<10240x64xf32, #tpu.memory_space<vmem_shared>> -> memref<128x64xf32, #tpu.memory_space<vmem_shared>>
      %dma_start3A_338 = arith.constant 0 : i32
      %dma_start3A_339 = tpu.memref_slice %arg7[%add3A_151, %dma_start3A_338] : memref<10240x64xf32, #tpu.memory_space<vmem_shared>> -> memref<128x64xf32, #tpu.memory_space<vmem_shared>>
      tpu.enqueue_dma source(%arg11 : memref<128x64xf32, #tpu.memory_space<vmem>>) target(%dma_start3A_339 : memref<128x64xf32, #tpu.memory_space<vmem_shared>>) target_semaphore(%run_scoped3A_335 : memref<!tpu.dma_semaphore, #tpu.memory_space<semaphore_mem>>)
      %dma_wait3A_340 = arith.constant 0 : i32
      %dma_wait3A_341 = tpu.memref_slice %arg7[%add3A_151, %dma_wait3A_340] : memref<10240x64xf32, #tpu.memory_space<vmem_shared>> -> memref<128x64xf32, #tpu.memory_space<vmem_shared>>
      %dma_wait3A_342 = arith.constant 0 : i32
      %dma_wait3A_343 = tpu.memref_slice %arg7[%add3A_151, %dma_wait3A_342] : memref<10240x64xf32, #tpu.memory_space<vmem_shared>> -> memref<128x64xf32, #tpu.memory_space<vmem_shared>>
      tpu.wait_dma2 semaphore(%run_scoped3A_335 : memref<!tpu.dma_semaphore, #tpu.memory_space<semaphore_mem>>) src(%arg11 : memref<128x64xf32, #tpu.memory_space<vmem>>) dst(%dma_wait3A_343 : memref<128x64xf32, #tpu.memory_space<vmem_shared>>)
      tpu.yield
    }) : () -> ()
    %barrier3A = arith.constant 0 : index
    tpu.barrier barrier_id(%barrier3A)
    %dma_wait3A_152 = arith.constant 0 : i32
    %dma_wait3A_153 = arith.constant 0 : i32
    %dma_wait3A_154 = arith.constant 0 : i32
    %dma_wait3A_155 = tpu.memref_slice %arg4[%arg1, %dma_wait3A_153, %dma_wait3A_154] : memref<16x2x10496xi32, #tpu.memory_space<hbm>> -> memref<1x2x10496xi32, #tpu.memory_space<hbm>>
    %dma_wait3A_156 = tpu.memref_squeeze %dma_wait3A_155 : memref<1x2x10496xi32, #tpu.memory_space<hbm>> -> memref<2x10496xi32, #tpu.memory_space<hbm>>
    %dma_wait3A_157 = arith.constant 0 : i32
    %dma_wait3A_158 = tpu.memref_slice %dma_wait3A_156[%dma_wait3A_152, %dma_wait3A_157] : memref<2x10496xi32, #tpu.memory_space<hbm>> -> memref<1x10496xi32, #tpu.memory_space<hbm>>
    %dma_wait3A_159 = tpu.memref_squeeze %dma_wait3A_158 : memref<1x10496xi32, #tpu.memory_space<hbm>> -> memref<10496xi32, #tpu.memory_space<hbm>>
    %dma_wait3A_160 = arith.constant 0 : i32
    %dma_wait3A_161 = arith.constant 0 : i32
    %dma_wait3A_162 = tpu.memref_slice %arg4[%arg1, %dma_wait3A_160, %dma_wait3A_161] : memref<16x2x10496xi32, #tpu.memory_space<hbm>> -> memref<1x2x10496xi32, #tpu.memory_space<hbm>>
    %dma_wait3A_163 = tpu.memref_squeeze %dma_wait3A_162 : memref<1x2x10496xi32, #tpu.memory_space<hbm>> -> memref<2x10496xi32, #tpu.memory_space<hbm>>
    %dma_wait3A_164 = arith.constant 0 : i32
    %dma_wait3A_165 = tpu.memref_slice %dma_wait3A_163[%dma_wait3A_152, %dma_wait3A_164] : memref<2x10496xi32, #tpu.memory_space<hbm>> -> memref<1x10496xi32, #tpu.memory_space<hbm>>
    %dma_wait3A_166 = tpu.memref_squeeze %dma_wait3A_165 : memref<1x10496xi32, #tpu.memory_space<hbm>> -> memref<10496xi32, #tpu.memory_space<hbm>>
    tpu.wait_dma2 semaphore(%arg17 : memref<!tpu.dma_semaphore, #tpu.memory_space<semaphore_mem>>) src(%dma_wait3A_166 : memref<10496xi32, #tpu.memory_space<hbm>>) dst(%arg9 : memref<10496xi32, #tpu.memory_space<vmem>>)
    %dma_wait3A_167 = arith.constant 0 : i32
    %dma_wait3A_168 = arith.constant 0 : i32
    %dma_wait3A_169 = arith.constant 0 : i32
    %dma_wait3A_170 = arith.constant 0 : i32
    %dma_wait3A_171 = tpu.memref_slice %arg5[%arg1, %dma_wait3A_168, %dma_wait3A_169, %dma_wait3A_170] : memref<16x2x80x128xi32, #tpu.memory_space<hbm>> -> memref<1x2x80x128xi32, #tpu.memory_space<hbm>>
    %dma_wait3A_172 = tpu.memref_squeeze %dma_wait3A_171 : memref<1x2x80x128xi32, #tpu.memory_space<hbm>> -> memref<2x80x128xi32, #tpu.memory_space<hbm>>
    %dma_wait3A_173 = arith.constant 0 : i32
    %dma_wait3A_174 = arith.constant 0 : i32
    %dma_wait3A_175 = tpu.memref_slice %dma_wait3A_172[%dma_wait3A_167, %dma_wait3A_173, %dma_wait3A_174] : memref<2x80x128xi32, #tpu.memory_space<hbm>> -> memref<1x80x128xi32, #tpu.memory_space<hbm>>
    %dma_wait3A_176 = tpu.memref_squeeze %dma_wait3A_175 : memref<1x80x128xi32, #tpu.memory_space<hbm>> -> memref<80x128xi32, #tpu.memory_space<hbm>>
    %dma_wait3A_177 = arith.constant 0 : i32
    %dma_wait3A_178 = arith.constant 0 : i32
    %dma_wait3A_179 = arith.constant 0 : i32
    %dma_wait3A_180 = tpu.memref_slice %arg5[%arg1, %dma_wait3A_177, %dma_wait3A_178, %dma_wait3A_179] : memref<16x2x80x128xi32, #tpu.memory_space<hbm>> -> memref<1x2x80x128xi32, #tpu.memory_space<hbm>>
    %dma_wait3A_181 = tpu.memref_squeeze %dma_wait3A_180 : memref<1x2x80x128xi32, #tpu.memory_space<hbm>> -> memref<2x80x128xi32, #tpu.memory_space<hbm>>
    %dma_wait3A_182 = arith.constant 0 : i32
    %dma_wait3A_183 = arith.constant 0 : i32
    %dma_wait3A_184 = tpu.memref_slice %dma_wait3A_181[%dma_wait3A_167, %dma_wait3A_182, %dma_wait3A_183] : memref<2x80x128xi32, #tpu.memory_space<hbm>> -> memref<1x80x128xi32, #tpu.memory_space<hbm>>
    %dma_wait3A_185 = tpu.memref_squeeze %dma_wait3A_184 : memref<1x80x128xi32, #tpu.memory_space<hbm>> -> memref<80x128xi32, #tpu.memory_space<hbm>>
    tpu.wait_dma2 semaphore(%arg18 : memref<!tpu.dma_semaphore, #tpu.memory_space<semaphore_mem>>) src(%dma_wait3A_185 : memref<80x128xi32, #tpu.memory_space<hbm>>) dst(%arg10 : memref<80x128xi32, #tpu.memory_space<vmem>>)
    %dma_start3A_186 = arith.constant 0 : i32
    %dma_start3A_187 = tpu.memref_slice %arg9[%dma_start3A_186] : memref<10496xi32, #tpu.memory_space<vmem>> -> memref<128xi32, #tpu.memory_space<vmem>>
    %dma_start3A_188 = arith.constant 0 : i32
    %dma_start3A_189 = arith.constant 0 : i32
    %dma_start3A_190 = tpu.memref_slice %arg8[%dma_start3A_188, %dma_start3A_189] : memref<10240x64xf32, #tpu.memory_space<vmem_shared>> -> memref<10240x64xf32, #tpu.memory_space<vmem_shared>>
    tpu.enqueue_indirect_dma source(%dma_start3A_190 : memref<10240x64xf32, #tpu.memory_space<vmem_shared>>) target(%arg11 : memref<128x64xf32, #tpu.memory_space<vmem>>) offsets(%dma_start3A_187 : memref<128xi32, #tpu.memory_space<vmem>>) semaphore(%arg14 : memref<!tpu.dma_semaphore, #tpu.memory_space<semaphore_mem>>)
    %dma_start3A_191 = arith.constant 128 : i32
    %dma_start3A_192 = tpu.memref_slice %arg9[%dma_start3A_191] : memref<10496xi32, #tpu.memory_space<vmem>> -> memref<128xi32, #tpu.memory_space<vmem>>
    %dma_start3A_193 = arith.constant 0 : i32
    %dma_start3A_194 = arith.constant 0 : i32
    %dma_start3A_195 = tpu.memref_slice %arg8[%dma_start3A_193, %dma_start3A_194] : memref<10240x64xf32, #tpu.memory_space<vmem_shared>> -> memref<10240x64xf32, #tpu.memory_space<vmem_shared>>
    tpu.enqueue_indirect_dma source(%dma_start3A_195 : memref<10240x64xf32, #tpu.memory_space<vmem_shared>>) target(%arg12 : memref<128x64xf32, #tpu.memory_space<vmem>>) offsets(%dma_start3A_192 : memref<128xi32, #tpu.memory_space<vmem>>) semaphore(%arg15 : memref<!tpu.dma_semaphore, #tpu.memory_space<semaphore_mem>>)
    %dma_wait3A_196 = arith.constant 0 : i32
    %dma_wait3A_197 = tpu.memref_slice %arg9[%dma_wait3A_196] : memref<10496xi32, #tpu.memory_space<vmem>> -> memref<128xi32, #tpu.memory_space<vmem>>
    %dma_wait3A_198 = arith.constant 0 : i32
    %dma_wait3A_199 = arith.constant 0 : i32
    %dma_wait3A_200 = tpu.memref_slice %arg8[%dma_wait3A_198, %dma_wait3A_199] : memref<10240x64xf32, #tpu.memory_space<vmem_shared>> -> memref<10240x64xf32, #tpu.memory_space<vmem_shared>>
    tpu.wait_indirect_dma semaphore(%arg14 : memref<!tpu.dma_semaphore, #tpu.memory_space<semaphore_mem>>) src(%dma_wait3A_200 : memref<10240x64xf32, #tpu.memory_space<vmem_shared>>) dst(%arg11 : memref<128x64xf32, #tpu.memory_space<vmem>>)
    %dma_start3A_201 = arith.constant 0 : i32
    %dma_start3A_202 = arith.constant 0 : i32
    %dma_start3A_203 = tpu.memref_slice %arg10[%dma_start3A_201, %dma_start3A_202] : memref<80x128xi32, #tpu.memory_space<vmem>> -> memref<1x128xi32, #tpu.memory_space<vmem>>
    %dma_start3A_204 = tpu.memref_squeeze %dma_start3A_203 : memref<1x128xi32, #tpu.memory_space<vmem>> -> memref<128xi32, #tpu.memory_space<vmem>>
    %dma_start3A_205 = arith.constant 0 : i32
    %dma_start3A_206 = arith.constant 0 : i32
    %dma_start3A_207 = tpu.memref_slice %arg7[%dma_start3A_205, %dma_start3A_206] : memref<10240x64xf32, #tpu.memory_space<vmem_shared>> -> memref<10240x64xf32, #tpu.memory_space<vmem_shared>>
    tpu.enqueue_indirect_dma source(%arg11 : memref<128x64xf32, #tpu.memory_space<vmem>>) target(%dma_start3A_207 : memref<10240x64xf32, #tpu.memory_space<vmem_shared>>) offsets(%dma_start3A_204 : memref<128xi32, #tpu.memory_space<vmem>>) semaphore(%arg17 : memref<!tpu.dma_semaphore, #tpu.memory_space<semaphore_mem>>) {add = true}
    %dma_start3A_208 = arith.constant 256 : i32
    %dma_start3A_209 = tpu.memref_slice %arg9[%dma_start3A_208] : memref<10496xi32, #tpu.memory_space<vmem>> -> memref<128xi32, #tpu.memory_space<vmem>>
    %dma_start3A_210 = arith.constant 0 : i32
    %dma_start3A_211 = arith.constant 0 : i32
    %dma_start3A_212 = tpu.memref_slice %arg8[%dma_start3A_210, %dma_start3A_211] : memref<10240x64xf32, #tpu.memory_space<vmem_shared>> -> memref<10240x64xf32, #tpu.memory_space<vmem_shared>>
    tpu.enqueue_indirect_dma source(%dma_start3A_212 : memref<10240x64xf32, #tpu.memory_space<vmem_shared>>) target(%arg13 : memref<128x64xf32, #tpu.memory_space<vmem>>) offsets(%dma_start3A_209 : memref<128xi32, #tpu.memory_space<vmem>>) semaphore(%arg16 : memref<!tpu.dma_semaphore, #tpu.memory_space<semaphore_mem>>)
    %dma_wait3A_213 = arith.constant 0 : i32
    %dma_wait3A_214 = tpu.memref_slice %arg9[%dma_wait3A_213] : memref<10496xi32, #tpu.memory_space<vmem>> -> memref<128xi32, #tpu.memory_space<vmem>>
    %dma_wait3A_215 = arith.constant 0 : i32
    %dma_wait3A_216 = arith.constant 0 : i32
    %dma_wait3A_217 = tpu.memref_slice %arg8[%dma_wait3A_215, %dma_wait3A_216] : memref<10240x64xf32, #tpu.memory_space<vmem_shared>> -> memref<10240x64xf32, #tpu.memory_space<vmem_shared>>
    tpu.wait_indirect_dma semaphore(%arg15 : memref<!tpu.dma_semaphore, #tpu.memory_space<semaphore_mem>>) src(%dma_wait3A_217 : memref<10240x64xf32, #tpu.memory_space<vmem_shared>>) dst(%arg12 : memref<128x64xf32, #tpu.memory_space<vmem>>)
    %dma_start3A_218 = arith.constant 1 : i32
    %dma_start3A_219 = arith.constant 0 : i32
    %dma_start3A_220 = tpu.memref_slice %arg10[%dma_start3A_218, %dma_start3A_219] : memref<80x128xi32, #tpu.memory_space<vmem>> -> memref<1x128xi32, #tpu.memory_space<vmem>>
    %dma_start3A_221 = tpu.memref_squeeze %dma_start3A_220 : memref<1x128xi32, #tpu.memory_space<vmem>> -> memref<128xi32, #tpu.memory_space<vmem>>
    %dma_start3A_222 = arith.constant 0 : i32
    %dma_start3A_223 = arith.constant 0 : i32
    %dma_start3A_224 = tpu.memref_slice %arg7[%dma_start3A_222, %dma_start3A_223] : memref<10240x64xf32, #tpu.memory_space<vmem_shared>> -> memref<10240x64xf32, #tpu.memory_space<vmem_shared>>
    tpu.enqueue_indirect_dma source(%arg12 : memref<128x64xf32, #tpu.memory_space<vmem>>) target(%dma_start3A_224 : memref<10240x64xf32, #tpu.memory_space<vmem_shared>>) offsets(%dma_start3A_221 : memref<128xi32, #tpu.memory_space<vmem>>) semaphore(%arg18 : memref<!tpu.dma_semaphore, #tpu.memory_space<semaphore_mem>>) {add = true}
    %dma_wait3A_225 = arith.constant 0 : i32
    %dma_wait3A_226 = arith.constant 0 : i32
    %dma_wait3A_227 = tpu.memref_slice %arg10[%dma_wait3A_225, %dma_wait3A_226] : memref<80x128xi32, #tpu.memory_space<vmem>> -> memref<1x128xi32, #tpu.memory_space<vmem>>
    %dma_wait3A_228 = tpu.memref_squeeze %dma_wait3A_227 : memref<1x128xi32, #tpu.memory_space<vmem>> -> memref<128xi32, #tpu.memory_space<vmem>>
    %dma_wait3A_229 = arith.constant 0 : i32
    %dma_wait3A_230 = arith.constant 0 : i32
    %dma_wait3A_231 = tpu.memref_slice %arg7[%dma_wait3A_229, %dma_wait3A_230] : memref<10240x64xf32, #tpu.memory_space<vmem_shared>> -> memref<10240x64xf32, #tpu.memory_space<vmem_shared>>
    tpu.wait_indirect_dma semaphore(%arg17 : memref<!tpu.dma_semaphore, #tpu.memory_space<semaphore_mem>>) src(%arg11 : memref<128x64xf32, #tpu.memory_space<vmem>>) dst(%dma_wait3A_231 : memref<10240x64xf32, #tpu.memory_space<vmem_shared>>)
    %dma_start3A_232 = arith.constant 384 : i32
    %dma_start3A_233 = tpu.memref_slice %arg9[%dma_start3A_232] : memref<10496xi32, #tpu.memory_space<vmem>> -> memref<128xi32, #tpu.memory_space<vmem>>
    %dma_start3A_234 = arith.constant 0 : i32
    %dma_start3A_235 = arith.constant 0 : i32
    %dma_start3A_236 = tpu.memref_slice %arg8[%dma_start3A_234, %dma_start3A_235] : memref<10240x64xf32, #tpu.memory_space<vmem_shared>> -> memref<10240x64xf32, #tpu.memory_space<vmem_shared>>
    tpu.enqueue_indirect_dma source(%dma_start3A_236 : memref<10240x64xf32, #tpu.memory_space<vmem_shared>>) target(%arg11 : memref<128x64xf32, #tpu.memory_space<vmem>>) offsets(%dma_start3A_233 : memref<128xi32, #tpu.memory_space<vmem>>) semaphore(%arg14 : memref<!tpu.dma_semaphore, #tpu.memory_space<semaphore_mem>>)
    %scan3A = arith.constant 0 : i32
    %scan3A_237 = arith.constant 0 : i32
    %scan3A_238 = arith.constant 13 : i32
    %scan3A_239 = arith.addi %scan3A_237, %scan3A_238 : i32
    %scan3A_240 = arith.constant 1 : i32
    scf.for %scan3A_335 = %scan3A_237 to %scan3A_239 step %scan3A_240  : i32 {
      %mul3A_336 = arith.constant 6 : i32
      %mul3A_337 = arith.muli %mul3A_336, %scan3A_335 : i32
      %add3A_338 = arith.constant 2 : i32
      %add3A_339 = arith.addi %mul3A_337, %add3A_338 : i32
      %add3A_340 = arith.constant 0 : i32
      %add3A_341 = arith.addi %add3A_339, %add3A_340 : i32
      %dma_wait3A_342 = arith.constant 0 : i32
      %dma_wait3A_343 = tpu.memref_slice %arg9[%dma_wait3A_342] : memref<10496xi32, #tpu.memory_space<vmem>> -> memref<128xi32, #tpu.memory_space<vmem>>
      %dma_wait3A_344 = arith.constant 0 : i32
      %dma_wait3A_345 = arith.constant 0 : i32
      %dma_wait3A_346 = tpu.memref_slice %arg8[%dma_wait3A_344, %dma_wait3A_345] : memref<10240x64xf32, #tpu.memory_space<vmem_shared>> -> memref<10240x64xf32, #tpu.memory_space<vmem_shared>>
      tpu.wait_indirect_dma semaphore(%arg16 : memref<!tpu.dma_semaphore, #tpu.memory_space<semaphore_mem>>) src(%dma_wait3A_346 : memref<10240x64xf32, #tpu.memory_space<vmem_shared>>) dst(%arg13 : memref<128x64xf32, #tpu.memory_space<vmem>>)
      %dma_start3A_347 = arith.constant 0 : i32
      %dma_start3A_348 = tpu.memref_slice %arg10[%add3A_341, %dma_start3A_347] : memref<80x128xi32, #tpu.memory_space<vmem>> -> memref<1x128xi32, #tpu.memory_space<vmem>>
      %dma_start3A_349 = tpu.memref_squeeze %dma_start3A_348 : memref<1x128xi32, #tpu.memory_space<vmem>> -> memref<128xi32, #tpu.memory_space<vmem>>
      %dma_start3A_350 = arith.constant 0 : i32
      %dma_start3A_351 = arith.constant 0 : i32
      %dma_start3A_352 = tpu.memref_slice %arg7[%dma_start3A_350, %dma_start3A_351] : memref<10240x64xf32, #tpu.memory_space<vmem_shared>> -> memref<10240x64xf32, #tpu.memory_space<vmem_shared>>
      tpu.enqueue_indirect_dma source(%arg13 : memref<128x64xf32, #tpu.memory_space<vmem>>) target(%dma_start3A_352 : memref<10240x64xf32, #tpu.memory_space<vmem_shared>>) offsets(%dma_start3A_349 : memref<128xi32, #tpu.memory_space<vmem>>) semaphore(%arg19 : memref<!tpu.dma_semaphore, #tpu.memory_space<semaphore_mem>>) {add = true}
      %dma_wait3A_353 = arith.constant 0 : i32
      %dma_wait3A_354 = arith.constant 0 : i32
      %dma_wait3A_355 = tpu.memref_slice %arg10[%dma_wait3A_353, %dma_wait3A_354] : memref<80x128xi32, #tpu.memory_space<vmem>> -> memref<1x128xi32, #tpu.memory_space<vmem>>
      %dma_wait3A_356 = tpu.memref_squeeze %dma_wait3A_355 : memref<1x128xi32, #tpu.memory_space<vmem>> -> memref<128xi32, #tpu.memory_space<vmem>>
      %dma_wait3A_357 = arith.constant 0 : i32
      %dma_wait3A_358 = arith.constant 0 : i32
      %dma_wait3A_359 = tpu.memref_slice %arg7[%dma_wait3A_357, %dma_wait3A_358] : memref<10240x64xf32, #tpu.memory_space<vmem_shared>> -> memref<10240x64xf32, #tpu.memory_space<vmem_shared>>
      tpu.wait_indirect_dma semaphore(%arg18 : memref<!tpu.dma_semaphore, #tpu.memory_space<semaphore_mem>>) src(%arg12 : memref<128x64xf32, #tpu.memory_space<vmem>>) dst(%dma_wait3A_359 : memref<10240x64xf32, #tpu.memory_space<vmem_shared>>)
      %add3A_360 = arith.constant 2 : i32
      %add3A_361 = arith.addi %add3A_341, %add3A_360 : i32
      %mul3A_362 = arith.constant 128 : i32
      %mul3A_363 = arith.muli %add3A_361, %mul3A_362 : i32
      %dma_start3A_364 = tpu.memref_slice %arg9[%mul3A_363] : memref<10496xi32, #tpu.memory_space<vmem>> -> memref<128xi32, #tpu.memory_space<vmem>>
      %dma_start3A_365 = arith.constant 0 : i32
      %dma_start3A_366 = arith.constant 0 : i32
      %dma_start3A_367 = tpu.memref_slice %arg8[%dma_start3A_365, %dma_start3A_366] : memref<10240x64xf32, #tpu.memory_space<vmem_shared>> -> memref<10240x64xf32, #tpu.memory_space<vmem_shared>>
      tpu.enqueue_indirect_dma source(%dma_start3A_367 : memref<10240x64xf32, #tpu.memory_space<vmem_shared>>) target(%arg12 : memref<128x64xf32, #tpu.memory_space<vmem>>) offsets(%dma_start3A_364 : memref<128xi32, #tpu.memory_space<vmem>>) semaphore(%arg15 : memref<!tpu.dma_semaphore, #tpu.memory_space<semaphore_mem>>)
      %mul3A_368 = arith.constant 6 : i32
      %mul3A_369 = arith.muli %mul3A_368, %scan3A_335 : i32
      %add3A_370 = arith.constant 2 : i32
      %add3A_371 = arith.addi %mul3A_369, %add3A_370 : i32
      %add3A_372 = arith.constant 1 : i32
      %add3A_373 = arith.addi %add3A_371, %add3A_372 : i32
      %dma_wait3A_374 = arith.constant 0 : i32
      %dma_wait3A_375 = tpu.memref_slice %arg9[%dma_wait3A_374] : memref<10496xi32, #tpu.memory_space<vmem>> -> memref<128xi32, #tpu.memory_space<vmem>>
      %dma_wait3A_376 = arith.constant 0 : i32
      %dma_wait3A_377 = arith.constant 0 : i32
      %dma_wait3A_378 = tpu.memref_slice %arg8[%dma_wait3A_376, %dma_wait3A_377] : memref<10240x64xf32, #tpu.memory_space<vmem_shared>> -> memref<10240x64xf32, #tpu.memory_space<vmem_shared>>
      tpu.wait_indirect_dma semaphore(%arg14 : memref<!tpu.dma_semaphore, #tpu.memory_space<semaphore_mem>>) src(%dma_wait3A_378 : memref<10240x64xf32, #tpu.memory_space<vmem_shared>>) dst(%arg11 : memref<128x64xf32, #tpu.memory_space<vmem>>)
      %dma_start3A_379 = arith.constant 0 : i32
      %dma_start3A_380 = tpu.memref_slice %arg10[%add3A_373, %dma_start3A_379] : memref<80x128xi32, #tpu.memory_space<vmem>> -> memref<1x128xi32, #tpu.memory_space<vmem>>
      %dma_start3A_381 = tpu.memref_squeeze %dma_start3A_380 : memref<1x128xi32, #tpu.memory_space<vmem>> -> memref<128xi32, #tpu.memory_space<vmem>>
      %dma_start3A_382 = arith.constant 0 : i32
      %dma_start3A_383 = arith.constant 0 : i32
      %dma_start3A_384 = tpu.memref_slice %arg7[%dma_start3A_382, %dma_start3A_383] : memref<10240x64xf32, #tpu.memory_space<vmem_shared>> -> memref<10240x64xf32, #tpu.memory_space<vmem_shared>>
      tpu.enqueue_indirect_dma source(%arg11 : memref<128x64xf32, #tpu.memory_space<vmem>>) target(%dma_start3A_384 : memref<10240x64xf32, #tpu.memory_space<vmem_shared>>) offsets(%dma_start3A_381 : memref<128xi32, #tpu.memory_space<vmem>>) semaphore(%arg17 : memref<!tpu.dma_semaphore, #tpu.memory_space<semaphore_mem>>) {add = true}
      %dma_wait3A_385 = arith.constant 0 : i32
      %dma_wait3A_386 = arith.constant 0 : i32
      %dma_wait3A_387 = tpu.memref_slice %arg10[%dma_wait3A_385, %dma_wait3A_386] : memref<80x128xi32, #tpu.memory_space<vmem>> -> memref<1x128xi32, #tpu.memory_space<vmem>>
      %dma_wait3A_388 = tpu.memref_squeeze %dma_wait3A_387 : memref<1x128xi32, #tpu.memory_space<vmem>> -> memref<128xi32, #tpu.memory_space<vmem>>
      %dma_wait3A_389 = arith.constant 0 : i32
      %dma_wait3A_390 = arith.constant 0 : i32
      %dma_wait3A_391 = tpu.memref_slice %arg7[%dma_wait3A_389, %dma_wait3A_390] : memref<10240x64xf32, #tpu.memory_space<vmem_shared>> -> memref<10240x64xf32, #tpu.memory_space<vmem_shared>>
      tpu.wait_indirect_dma semaphore(%arg19 : memref<!tpu.dma_semaphore, #tpu.memory_space<semaphore_mem>>) src(%arg13 : memref<128x64xf32, #tpu.memory_space<vmem>>) dst(%dma_wait3A_391 : memref<10240x64xf32, #tpu.memory_space<vmem_shared>>)
      %add3A_392 = arith.constant 2 : i32
      %add3A_393 = arith.addi %add3A_373, %add3A_392 : i32
      %mul3A_394 = arith.constant 128 : i32
      %mul3A_395 = arith.muli %add3A_393, %mul3A_394 : i32
      %dma_start3A_396 = tpu.memref_slice %arg9[%mul3A_395] : memref<10496xi32, #tpu.memory_space<vmem>> -> memref<128xi32, #tpu.memory_space<vmem>>
      %dma_start3A_397 = arith.constant 0 : i32
      %dma_start3A_398 = arith.constant 0 : i32
      %dma_start3A_399 = tpu.memref_slice %arg8[%dma_start3A_397, %dma_start3A_398] : memref<10240x64xf32, #tpu.memory_space<vmem_shared>> -> memref<10240x64xf32, #tpu.memory_space<vmem_shared>>
      tpu.enqueue_indirect_dma source(%dma_start3A_399 : memref<10240x64xf32, #tpu.memory_space<vmem_shared>>) target(%arg13 : memref<128x64xf32, #tpu.memory_space<vmem>>) offsets(%dma_start3A_396 : memref<128xi32, #tpu.memory_space<vmem>>) semaphore(%arg16 : memref<!tpu.dma_semaphore, #tpu.memory_space<semaphore_mem>>)
      %mul3A_400 = arith.constant 6 : i32
      %mul3A_401 = arith.muli %mul3A_400, %scan3A_335 : i32
      %add3A_402 = arith.constant 2 : i32
      %add3A_403 = arith.addi %mul3A_401, %add3A_402 : i32
      %add3A_404 = arith.constant 2 : i32
      %add3A_405 = arith.addi %add3A_403, %add3A_404 : i32
      %dma_wait3A_406 = arith.constant 0 : i32
      %dma_wait3A_407 = tpu.memref_slice %arg9[%dma_wait3A_406] : memref<10496xi32, #tpu.memory_space<vmem>> -> memref<128xi32, #tpu.memory_space<vmem>>
      %dma_wait3A_408 = arith.constant 0 : i32
      %dma_wait3A_409 = arith.constant 0 : i32
      %dma_wait3A_410 = tpu.memref_slice %arg8[%dma_wait3A_408, %dma_wait3A_409] : memref<10240x64xf32, #tpu.memory_space<vmem_shared>> -> memref<10240x64xf32, #tpu.memory_space<vmem_shared>>
      tpu.wait_indirect_dma semaphore(%arg15 : memref<!tpu.dma_semaphore, #tpu.memory_space<semaphore_mem>>) src(%dma_wait3A_410 : memref<10240x64xf32, #tpu.memory_space<vmem_shared>>) dst(%arg12 : memref<128x64xf32, #tpu.memory_space<vmem>>)
      %dma_start3A_411 = arith.constant 0 : i32
      %dma_start3A_412 = tpu.memref_slice %arg10[%add3A_405, %dma_start3A_411] : memref<80x128xi32, #tpu.memory_space<vmem>> -> memref<1x128xi32, #tpu.memory_space<vmem>>
      %dma_start3A_413 = tpu.memref_squeeze %dma_start3A_412 : memref<1x128xi32, #tpu.memory_space<vmem>> -> memref<128xi32, #tpu.memory_space<vmem>>
      %dma_start3A_414 = arith.constant 0 : i32
      %dma_start3A_415 = arith.constant 0 : i32
      %dma_start3A_416 = tpu.memref_slice %arg7[%dma_start3A_414, %dma_start3A_415] : memref<10240x64xf32, #tpu.memory_space<vmem_shared>> -> memref<10240x64xf32, #tpu.memory_space<vmem_shared>>
      tpu.enqueue_indirect_dma source(%arg12 : memref<128x64xf32, #tpu.memory_space<vmem>>) target(%dma_start3A_416 : memref<10240x64xf32, #tpu.memory_space<vmem_shared>>) offsets(%dma_start3A_413 : memref<128xi32, #tpu.memory_space<vmem>>) semaphore(%arg18 : memref<!tpu.dma_semaphore, #tpu.memory_space<semaphore_mem>>) {add = true}
      %dma_wait3A_417 = arith.constant 0 : i32
      %dma_wait3A_418 = arith.constant 0 : i32
      %dma_wait3A_419 = tpu.memref_slice %arg10[%dma_wait3A_417, %dma_wait3A_418] : memref<80x128xi32, #tpu.memory_space<vmem>> -> memref<1x128xi32, #tpu.memory_space<vmem>>
      %dma_wait3A_420 = tpu.memref_squeeze %dma_wait3A_419 : memref<1x128xi32, #tpu.memory_space<vmem>> -> memref<128xi32, #tpu.memory_space<vmem>>
      %dma_wait3A_421 = arith.constant 0 : i32
      %dma_wait3A_422 = arith.constant 0 : i32
      %dma_wait3A_423 = tpu.memref_slice %arg7[%dma_wait3A_421, %dma_wait3A_422] : memref<10240x64xf32, #tpu.memory_space<vmem_shared>> -> memref<10240x64xf32, #tpu.memory_space<vmem_shared>>
      tpu.wait_indirect_dma semaphore(%arg17 : memref<!tpu.dma_semaphore, #tpu.memory_space<semaphore_mem>>) src(%arg11 : memref<128x64xf32, #tpu.memory_space<vmem>>) dst(%dma_wait3A_423 : memref<10240x64xf32, #tpu.memory_space<vmem_shared>>)
      %add3A_424 = arith.constant 2 : i32
      %add3A_425 = arith.addi %add3A_405, %add3A_424 : i32
      %mul3A_426 = arith.constant 128 : i32
      %mul3A_427 = arith.muli %add3A_425, %mul3A_426 : i32
      %dma_start3A_428 = tpu.memref_slice %arg9[%mul3A_427] : memref<10496xi32, #tpu.memory_space<vmem>> -> memref<128xi32, #tpu.memory_space<vmem>>
      %dma_start3A_429 = arith.constant 0 : i32
      %dma_start3A_430 = arith.constant 0 : i32
      %dma_start3A_431 = tpu.memref_slice %arg8[%dma_start3A_429, %dma_start3A_430] : memref<10240x64xf32, #tpu.memory_space<vmem_shared>> -> memref<10240x64xf32, #tpu.memory_space<vmem_shared>>
      tpu.enqueue_indirect_dma source(%dma_start3A_431 : memref<10240x64xf32, #tpu.memory_space<vmem_shared>>) target(%arg11 : memref<128x64xf32, #tpu.memory_space<vmem>>) offsets(%dma_start3A_428 : memref<128xi32, #tpu.memory_space<vmem>>) semaphore(%arg14 : memref<!tpu.dma_semaphore, #tpu.memory_space<semaphore_mem>>)
      %mul3A_432 = arith.constant 6 : i32
      %mul3A_433 = arith.muli %mul3A_432, %scan3A_335 : i32
      %add3A_434 = arith.constant 2 : i32
      %add3A_435 = arith.addi %mul3A_433, %add3A_434 : i32
      %add3A_436 = arith.constant 3 : i32
      %add3A_437 = arith.addi %add3A_435, %add3A_436 : i32
      %dma_wait3A_438 = arith.constant 0 : i32
      %dma_wait3A_439 = tpu.memref_slice %arg9[%dma_wait3A_438] : memref<10496xi32, #tpu.memory_space<vmem>> -> memref<128xi32, #tpu.memory_space<vmem>>
      %dma_wait3A_440 = arith.constant 0 : i32
      %dma_wait3A_441 = arith.constant 0 : i32
      %dma_wait3A_442 = tpu.memref_slice %arg8[%dma_wait3A_440, %dma_wait3A_441] : memref<10240x64xf32, #tpu.memory_space<vmem_shared>> -> memref<10240x64xf32, #tpu.memory_space<vmem_shared>>
      tpu.wait_indirect_dma semaphore(%arg16 : memref<!tpu.dma_semaphore, #tpu.memory_space<semaphore_mem>>) src(%dma_wait3A_442 : memref<10240x64xf32, #tpu.memory_space<vmem_shared>>) dst(%arg13 : memref<128x64xf32, #tpu.memory_space<vmem>>)
      %dma_start3A_443 = arith.constant 0 : i32
      %dma_start3A_444 = tpu.memref_slice %arg10[%add3A_437, %dma_start3A_443] : memref<80x128xi32, #tpu.memory_space<vmem>> -> memref<1x128xi32, #tpu.memory_space<vmem>>
      %dma_start3A_445 = tpu.memref_squeeze %dma_start3A_444 : memref<1x128xi32, #tpu.memory_space<vmem>> -> memref<128xi32, #tpu.memory_space<vmem>>
      %dma_start3A_446 = arith.constant 0 : i32
      %dma_start3A_447 = arith.constant 0 : i32
      %dma_start3A_448 = tpu.memref_slice %arg7[%dma_start3A_446, %dma_start3A_447] : memref<10240x64xf32, #tpu.memory_space<vmem_shared>> -> memref<10240x64xf32, #tpu.memory_space<vmem_shared>>
      tpu.enqueue_indirect_dma source(%arg13 : memref<128x64xf32, #tpu.memory_space<vmem>>) target(%dma_start3A_448 : memref<10240x64xf32, #tpu.memory_space<vmem_shared>>) offsets(%dma_start3A_445 : memref<128xi32, #tpu.memory_space<vmem>>) semaphore(%arg19 : memref<!tpu.dma_semaphore, #tpu.memory_space<semaphore_mem>>) {add = true}
      %dma_wait3A_449 = arith.constant 0 : i32
      %dma_wait3A_450 = arith.constant 0 : i32
      %dma_wait3A_451 = tpu.memref_slice %arg10[%dma_wait3A_449, %dma_wait3A_450] : memref<80x128xi32, #tpu.memory_space<vmem>> -> memref<1x128xi32, #tpu.memory_space<vmem>>
      %dma_wait3A_452 = tpu.memref_squeeze %dma_wait3A_451 : memref<1x128xi32, #tpu.memory_space<vmem>> -> memref<128xi32, #tpu.memory_space<vmem>>
      %dma_wait3A_453 = arith.constant 0 : i32
      %dma_wait3A_454 = arith.constant 0 : i32
      %dma_wait3A_455 = tpu.memref_slice %arg7[%dma_wait3A_453, %dma_wait3A_454] : memref<10240x64xf32, #tpu.memory_space<vmem_shared>> -> memref<10240x64xf32, #tpu.memory_space<vmem_shared>>
      tpu.wait_indirect_dma semaphore(%arg18 : memref<!tpu.dma_semaphore, #tpu.memory_space<semaphore_mem>>) src(%arg12 : memref<128x64xf32, #tpu.memory_space<vmem>>) dst(%dma_wait3A_455 : memref<10240x64xf32, #tpu.memory_space<vmem_shared>>)
      %add3A_456 = arith.constant 2 : i32
      %add3A_457 = arith.addi %add3A_437, %add3A_456 : i32
      %mul3A_458 = arith.constant 128 : i32
      %mul3A_459 = arith.muli %add3A_457, %mul3A_458 : i32
      %dma_start3A_460 = tpu.memref_slice %arg9[%mul3A_459] : memref<10496xi32, #tpu.memory_space<vmem>> -> memref<128xi32, #tpu.memory_space<vmem>>
      %dma_start3A_461 = arith.constant 0 : i32
      %dma_start3A_462 = arith.constant 0 : i32
      %dma_start3A_463 = tpu.memref_slice %arg8[%dma_start3A_461, %dma_start3A_462] : memref<10240x64xf32, #tpu.memory_space<vmem_shared>> -> memref<10240x64xf32, #tpu.memory_space<vmem_shared>>
      tpu.enqueue_indirect_dma source(%dma_start3A_463 : memref<10240x64xf32, #tpu.memory_space<vmem_shared>>) target(%arg12 : memref<128x64xf32, #tpu.memory_space<vmem>>) offsets(%dma_start3A_460 : memref<128xi32, #tpu.memory_space<vmem>>) semaphore(%arg15 : memref<!tpu.dma_semaphore, #tpu.memory_space<semaphore_mem>>)
      %mul3A_464 = arith.constant 6 : i32
      %mul3A_465 = arith.muli %mul3A_464, %scan3A_335 : i32
      %add3A_466 = arith.constant 2 : i32
      %add3A_467 = arith.addi %mul3A_465, %add3A_466 : i32
      %add3A_468 = arith.constant 4 : i32
      %add3A_469 = arith.addi %add3A_467, %add3A_468 : i32
      %dma_wait3A_470 = arith.constant 0 : i32
      %dma_wait3A_471 = tpu.memref_slice %arg9[%dma_wait3A_470] : memref<10496xi32, #tpu.memory_space<vmem>> -> memref<128xi32, #tpu.memory_space<vmem>>
      %dma_wait3A_472 = arith.constant 0 : i32
      %dma_wait3A_473 = arith.constant 0 : i32
      %dma_wait3A_474 = tpu.memref_slice %arg8[%dma_wait3A_472, %dma_wait3A_473] : memref<10240x64xf32, #tpu.memory_space<vmem_shared>> -> memref<10240x64xf32, #tpu.memory_space<vmem_shared>>
      tpu.wait_indirect_dma semaphore(%arg14 : memref<!tpu.dma_semaphore, #tpu.memory_space<semaphore_mem>>) src(%dma_wait3A_474 : memref<10240x64xf32, #tpu.memory_space<vmem_shared>>) dst(%arg11 : memref<128x64xf32, #tpu.memory_space<vmem>>)
      %dma_start3A_475 = arith.constant 0 : i32
      %dma_start3A_476 = tpu.memref_slice %arg10[%add3A_469, %dma_start3A_475] : memref<80x128xi32, #tpu.memory_space<vmem>> -> memref<1x128xi32, #tpu.memory_space<vmem>>
      %dma_start3A_477 = tpu.memref_squeeze %dma_start3A_476 : memref<1x128xi32, #tpu.memory_space<vmem>> -> memref<128xi32, #tpu.memory_space<vmem>>
      %dma_start3A_478 = arith.constant 0 : i32
      %dma_start3A_479 = arith.constant 0 : i32
      %dma_start3A_480 = tpu.memref_slice %arg7[%dma_start3A_478, %dma_start3A_479] : memref<10240x64xf32, #tpu.memory_space<vmem_shared>> -> memref<10240x64xf32, #tpu.memory_space<vmem_shared>>
      tpu.enqueue_indirect_dma source(%arg11 : memref<128x64xf32, #tpu.memory_space<vmem>>) target(%dma_start3A_480 : memref<10240x64xf32, #tpu.memory_space<vmem_shared>>) offsets(%dma_start3A_477 : memref<128xi32, #tpu.memory_space<vmem>>) semaphore(%arg17 : memref<!tpu.dma_semaphore, #tpu.memory_space<semaphore_mem>>) {add = true}
      %dma_wait3A_481 = arith.constant 0 : i32
      %dma_wait3A_482 = arith.constant 0 : i32
      %dma_wait3A_483 = tpu.memref_slice %arg10[%dma_wait3A_481, %dma_wait3A_482] : memref<80x128xi32, #tpu.memory_space<vmem>> -> memref<1x128xi32, #tpu.memory_space<vmem>>
      %dma_wait3A_484 = tpu.memref_squeeze %dma_wait3A_483 : memref<1x128xi32, #tpu.memory_space<vmem>> -> memref<128xi32, #tpu.memory_space<vmem>>
      %dma_wait3A_485 = arith.constant 0 : i32
      %dma_wait3A_486 = arith.constant 0 : i32
      %dma_wait3A_487 = tpu.memref_slice %arg7[%dma_wait3A_485, %dma_wait3A_486] : memref<10240x64xf32, #tpu.memory_space<vmem_shared>> -> memref<10240x64xf32, #tpu.memory_space<vmem_shared>>
      tpu.wait_indirect_dma semaphore(%arg19 : memref<!tpu.dma_semaphore, #tpu.memory_space<semaphore_mem>>) src(%arg13 : memref<128x64xf32, #tpu.memory_space<vmem>>) dst(%dma_wait3A_487 : memref<10240x64xf32, #tpu.memory_space<vmem_shared>>)
      %add3A_488 = arith.constant 2 : i32
      %add3A_489 = arith.addi %add3A_469, %add3A_488 : i32
      %mul3A_490 = arith.constant 128 : i32
      %mul3A_491 = arith.muli %add3A_489, %mul3A_490 : i32
      %dma_start3A_492 = tpu.memref_slice %arg9[%mul3A_491] : memref<10496xi32, #tpu.memory_space<vmem>> -> memref<128xi32, #tpu.memory_space<vmem>>
      %dma_start3A_493 = arith.constant 0 : i32
      %dma_start3A_494 = arith.constant 0 : i32
      %dma_start3A_495 = tpu.memref_slice %arg8[%dma_start3A_493, %dma_start3A_494] : memref<10240x64xf32, #tpu.memory_space<vmem_shared>> -> memref<10240x64xf32, #tpu.memory_space<vmem_shared>>
      tpu.enqueue_indirect_dma source(%dma_start3A_495 : memref<10240x64xf32, #tpu.memory_space<vmem_shared>>) target(%arg13 : memref<128x64xf32, #tpu.memory_space<vmem>>) offsets(%dma_start3A_492 : memref<128xi32, #tpu.memory_space<vmem>>) semaphore(%arg16 : memref<!tpu.dma_semaphore, #tpu.memory_space<semaphore_mem>>)
      %mul3A_496 = arith.constant 6 : i32
      %mul3A_497 = arith.muli %mul3A_496, %scan3A_335 : i32
      %add3A_498 = arith.constant 2 : i32
      %add3A_499 = arith.addi %mul3A_497, %add3A_498 : i32
      %add3A_500 = arith.constant 5 : i32
      %add3A_501 = arith.addi %add3A_499, %add3A_500 : i32
      %dma_wait3A_502 = arith.constant 0 : i32
      %dma_wait3A_503 = tpu.memref_slice %arg9[%dma_wait3A_502] : memref<10496xi32, #tpu.memory_space<vmem>> -> memref<128xi32, #tpu.memory_space<vmem>>
      %dma_wait3A_504 = arith.constant 0 : i32
      %dma_wait3A_505 = arith.constant 0 : i32
      %dma_wait3A_506 = tpu.memref_slice %arg8[%dma_wait3A_504, %dma_wait3A_505] : memref<10240x64xf32, #tpu.memory_space<vmem_shared>> -> memref<10240x64xf32, #tpu.memory_space<vmem_shared>>
      tpu.wait_indirect_dma semaphore(%arg15 : memref<!tpu.dma_semaphore, #tpu.memory_space<semaphore_mem>>) src(%dma_wait3A_506 : memref<10240x64xf32, #tpu.memory_space<vmem_shared>>) dst(%arg12 : memref<128x64xf32, #tpu.memory_space<vmem>>)
      %dma_start3A_507 = arith.constant 0 : i32
      %dma_start3A_508 = tpu.memref_slice %arg10[%add3A_501, %dma_start3A_507] : memref<80x128xi32, #tpu.memory_space<vmem>> -> memref<1x128xi32, #tpu.memory_space<vmem>>
      %dma_start3A_509 = tpu.memref_squeeze %dma_start3A_508 : memref<1x128xi32, #tpu.memory_space<vmem>> -> memref<128xi32, #tpu.memory_space<vmem>>
      %dma_start3A_510 = arith.constant 0 : i32
      %dma_start3A_511 = arith.constant 0 : i32
      %dma_start3A_512 = tpu.memref_slice %arg7[%dma_start3A_510, %dma_start3A_511] : memref<10240x64xf32, #tpu.memory_space<vmem_shared>> -> memref<10240x64xf32, #tpu.memory_space<vmem_shared>>
      tpu.enqueue_indirect_dma source(%arg12 : memref<128x64xf32, #tpu.memory_space<vmem>>) target(%dma_start3A_512 : memref<10240x64xf32, #tpu.memory_space<vmem_shared>>) offsets(%dma_start3A_509 : memref<128xi32, #tpu.memory_space<vmem>>) semaphore(%arg18 : memref<!tpu.dma_semaphore, #tpu.memory_space<semaphore_mem>>) {add = true}
      %dma_wait3A_513 = arith.constant 0 : i32
      %dma_wait3A_514 = arith.constant 0 : i32
      %dma_wait3A_515 = tpu.memref_slice %arg10[%dma_wait3A_513, %dma_wait3A_514] : memref<80x128xi32, #tpu.memory_space<vmem>> -> memref<1x128xi32, #tpu.memory_space<vmem>>
      %dma_wait3A_516 = tpu.memref_squeeze %dma_wait3A_515 : memref<1x128xi32, #tpu.memory_space<vmem>> -> memref<128xi32, #tpu.memory_space<vmem>>
      %dma_wait3A_517 = arith.constant 0 : i32
      %dma_wait3A_518 = arith.constant 0 : i32
      %dma_wait3A_519 = tpu.memref_slice %arg7[%dma_wait3A_517, %dma_wait3A_518] : memref<10240x64xf32, #tpu.memory_space<vmem_shared>> -> memref<10240x64xf32, #tpu.memory_space<vmem_shared>>
      tpu.wait_indirect_dma semaphore(%arg17 : memref<!tpu.dma_semaphore, #tpu.memory_space<semaphore_mem>>) src(%arg11 : memref<128x64xf32, #tpu.memory_space<vmem>>) dst(%dma_wait3A_519 : memref<10240x64xf32, #tpu.memory_space<vmem_shared>>)
      %add3A_520 = arith.constant 2 : i32
      %add3A_521 = arith.addi %add3A_501, %add3A_520 : i32
      %mul3A_522 = arith.constant 128 : i32
      %mul3A_523 = arith.muli %add3A_521, %mul3A_522 : i32
      %dma_start3A_524 = tpu.memref_slice %arg9[%mul3A_523] : memref<10496xi32, #tpu.memory_space<vmem>> -> memref<128xi32, #tpu.memory_space<vmem>>
      %dma_start3A_525 = arith.constant 0 : i32
      %dma_start3A_526 = arith.constant 0 : i32
      %dma_start3A_527 = tpu.memref_slice %arg8[%dma_start3A_525, %dma_start3A_526] : memref<10240x64xf32, #tpu.memory_space<vmem_shared>> -> memref<10240x64xf32, #tpu.memory_space<vmem_shared>>
      tpu.enqueue_indirect_dma source(%dma_start3A_527 : memref<10240x64xf32, #tpu.memory_space<vmem_shared>>) target(%arg11 : memref<128x64xf32, #tpu.memory_space<vmem>>) offsets(%dma_start3A_524 : memref<128xi32, #tpu.memory_space<vmem>>) semaphore(%arg14 : memref<!tpu.dma_semaphore, #tpu.memory_space<semaphore_mem>>)
    }
    %scan3A_241 = arith.constant 13 : i32
    %dma_wait3A_242 = arith.constant 0 : i32
    %dma_wait3A_243 = tpu.memref_slice %arg9[%dma_wait3A_242] : memref<10496xi32, #tpu.memory_space<vmem>> -> memref<128xi32, #tpu.memory_space<vmem>>
    %dma_wait3A_244 = arith.constant 0 : i32
    %dma_wait3A_245 = arith.constant 0 : i32
    %dma_wait3A_246 = tpu.memref_slice %arg8[%dma_wait3A_244, %dma_wait3A_245] : memref<10240x64xf32, #tpu.memory_space<vmem_shared>> -> memref<10240x64xf32, #tpu.memory_space<vmem_shared>>
    tpu.wait_indirect_dma semaphore(%arg16 : memref<!tpu.dma_semaphore, #tpu.memory_space<semaphore_mem>>) src(%dma_wait3A_246 : memref<10240x64xf32, #tpu.memory_space<vmem_shared>>) dst(%arg13 : memref<128x64xf32, #tpu.memory_space<vmem>>)
    %dma_wait3A_247 = arith.constant 0 : i32
    %dma_wait3A_248 = tpu.memref_slice %arg9[%dma_wait3A_247] : memref<10496xi32, #tpu.memory_space<vmem>> -> memref<128xi32, #tpu.memory_space<vmem>>
    %dma_wait3A_249 = arith.constant 0 : i32
    %dma_wait3A_250 = arith.constant 0 : i32
    %dma_wait3A_251 = tpu.memref_slice %arg8[%dma_wait3A_249, %dma_wait3A_250] : memref<10240x64xf32, #tpu.memory_space<vmem_shared>> -> memref<10240x64xf32, #tpu.memory_space<vmem_shared>>
    tpu.wait_indirect_dma semaphore(%arg14 : memref<!tpu.dma_semaphore, #tpu.memory_space<semaphore_mem>>) src(%dma_wait3A_251 : memref<10240x64xf32, #tpu.memory_space<vmem_shared>>) dst(%arg11 : memref<128x64xf32, #tpu.memory_space<vmem>>)
    %dma_wait3A_252 = arith.constant 0 : i32
    %dma_wait3A_253 = arith.constant 0 : i32
    %dma_wait3A_254 = tpu.memref_slice %arg10[%dma_wait3A_252, %dma_wait3A_253] : memref<80x128xi32, #tpu.memory_space<vmem>> -> memref<1x128xi32, #tpu.memory_space<vmem>>
    %dma_wait3A_255 = tpu.memref_squeeze %dma_wait3A_254 : memref<1x128xi32, #tpu.memory_space<vmem>> -> memref<128xi32, #tpu.memory_space<vmem>>
    %dma_wait3A_256 = arith.constant 0 : i32
    %dma_wait3A_257 = arith.constant 0 : i32
    %dma_wait3A_258 = tpu.memref_slice %arg7[%dma_wait3A_256, %dma_wait3A_257] : memref<10240x64xf32, #tpu.memory_space<vmem_shared>> -> memref<10240x64xf32, #tpu.memory_space<vmem_shared>>
    tpu.wait_indirect_dma semaphore(%arg18 : memref<!tpu.dma_semaphore, #tpu.memory_space<semaphore_mem>>) src(%arg12 : memref<128x64xf32, #tpu.memory_space<vmem>>) dst(%dma_wait3A_258 : memref<10240x64xf32, #tpu.memory_space<vmem_shared>>)
    %run_scoped3A = arith.constant 1 : i32
    "tpu.region"() ({
      %run_scoped3A_335 = tpu.sem_alloc : memref<!tpu.dma_semaphore, #tpu.memory_space<semaphore_mem>>
      %dma_start3A_336 = arith.constant 0 : i32
      %dma_start3A_337 = arith.constant 0 : i32
      %dma_start3A_338 = tpu.memref_slice %arg4[%arg1, %dma_start3A_336, %dma_start3A_337] : memref<16x2x10496xi32, #tpu.memory_space<hbm>> -> memref<1x2x10496xi32, #tpu.memory_space<hbm>>
      %dma_start3A_339 = tpu.memref_squeeze %dma_start3A_338 : memref<1x2x10496xi32, #tpu.memory_space<hbm>> -> memref<2x10496xi32, #tpu.memory_space<hbm>>
      %dma_start3A_340 = arith.constant 0 : i32
      %dma_start3A_341 = tpu.memref_slice %dma_start3A_339[%run_scoped3A, %dma_start3A_340] : memref<2x10496xi32, #tpu.memory_space<hbm>> -> memref<1x10496xi32, #tpu.memory_space<hbm>>
      %dma_start3A_342 = tpu.memref_squeeze %dma_start3A_341 : memref<1x10496xi32, #tpu.memory_space<hbm>> -> memref<10496xi32, #tpu.memory_space<hbm>>
      %dma_start3A_343 = arith.constant 0 : i32
      %dma_start3A_344 = arith.constant 0 : i32
      %dma_start3A_345 = tpu.memref_slice %arg4[%arg1, %dma_start3A_343, %dma_start3A_344] : memref<16x2x10496xi32, #tpu.memory_space<hbm>> -> memref<1x2x10496xi32, #tpu.memory_space<hbm>>
      %dma_start3A_346 = tpu.memref_squeeze %dma_start3A_345 : memref<1x2x10496xi32, #tpu.memory_space<hbm>> -> memref<2x10496xi32, #tpu.memory_space<hbm>>
      %dma_start3A_347 = arith.constant 0 : i32
      %dma_start3A_348 = tpu.memref_slice %dma_start3A_346[%run_scoped3A, %dma_start3A_347] : memref<2x10496xi32, #tpu.memory_space<hbm>> -> memref<1x10496xi32, #tpu.memory_space<hbm>>
      %dma_start3A_349 = tpu.memref_squeeze %dma_start3A_348 : memref<1x10496xi32, #tpu.memory_space<hbm>> -> memref<10496xi32, #tpu.memory_space<hbm>>
      tpu.enqueue_dma source(%dma_start3A_349 : memref<10496xi32, #tpu.memory_space<hbm>>) target(%arg9 : memref<10496xi32, #tpu.memory_space<vmem>>) target_semaphore(%run_scoped3A_335 : memref<!tpu.dma_semaphore, #tpu.memory_space<semaphore_mem>>)
      %dma_wait3A_350 = arith.constant 0 : i32
      %dma_wait3A_351 = arith.constant 0 : i32
      %dma_wait3A_352 = tpu.memref_slice %arg4[%arg1, %dma_wait3A_350, %dma_wait3A_351] : memref<16x2x10496xi32, #tpu.memory_space<hbm>> -> memref<1x2x10496xi32, #tpu.memory_space<hbm>>
      %dma_wait3A_353 = tpu.memref_squeeze %dma_wait3A_352 : memref<1x2x10496xi32, #tpu.memory_space<hbm>> -> memref<2x10496xi32, #tpu.memory_space<hbm>>
      %dma_wait3A_354 = arith.constant 0 : i32
      %dma_wait3A_355 = tpu.memref_slice %dma_wait3A_353[%run_scoped3A, %dma_wait3A_354] : memref<2x10496xi32, #tpu.memory_space<hbm>> -> memref<1x10496xi32, #tpu.memory_space<hbm>>
      %dma_wait3A_356 = tpu.memref_squeeze %dma_wait3A_355 : memref<1x10496xi32, #tpu.memory_space<hbm>> -> memref<10496xi32, #tpu.memory_space<hbm>>
      %dma_wait3A_357 = arith.constant 0 : i32
      %dma_wait3A_358 = arith.constant 0 : i32
      %dma_wait3A_359 = tpu.memref_slice %arg4[%arg1, %dma_wait3A_357, %dma_wait3A_358] : memref<16x2x10496xi32, #tpu.memory_space<hbm>> -> memref<1x2x10496xi32, #tpu.memory_space<hbm>>
      %dma_wait3A_360 = tpu.memref_squeeze %dma_wait3A_359 : memref<1x2x10496xi32, #tpu.memory_space<hbm>> -> memref<2x10496xi32, #tpu.memory_space<hbm>>
      %dma_wait3A_361 = arith.constant 0 : i32
      %dma_wait3A_362 = tpu.memref_slice %dma_wait3A_360[%run_scoped3A, %dma_wait3A_361] : memref<2x10496xi32, #tpu.memory_space<hbm>> -> memref<1x10496xi32, #tpu.memory_space<hbm>>
      %dma_wait3A_363 = tpu.memref_squeeze %dma_wait3A_362 : memref<1x10496xi32, #tpu.memory_space<hbm>> -> memref<10496xi32, #tpu.memory_space<hbm>>
      tpu.wait_dma2 semaphore(%run_scoped3A_335 : memref<!tpu.dma_semaphore, #tpu.memory_space<semaphore_mem>>) src(%dma_wait3A_363 : memref<10496xi32, #tpu.memory_space<hbm>>) dst(%arg9 : memref<10496xi32, #tpu.memory_space<vmem>>)
      tpu.yield
    }) : () -> ()
    %run_scoped3A_259 = arith.constant 1 : i32
    "tpu.region"() ({
      %run_scoped3A_335 = tpu.sem_alloc : memref<!tpu.dma_semaphore, #tpu.memory_space<semaphore_mem>>
      %dma_start3A_336 = arith.constant 0 : i32
      %dma_start3A_337 = arith.constant 0 : i32
      %dma_start3A_338 = arith.constant 0 : i32
      %dma_start3A_339 = tpu.memref_slice %arg5[%arg1, %dma_start3A_336, %dma_start3A_337, %dma_start3A_338] : memref<16x2x80x128xi32, #tpu.memory_space<hbm>> -> memref<1x2x80x128xi32, #tpu.memory_space<hbm>>
      %dma_start3A_340 = tpu.memref_squeeze %dma_start3A_339 : memref<1x2x80x128xi32, #tpu.memory_space<hbm>> -> memref<2x80x128xi32, #tpu.memory_space<hbm>>
      %dma_start3A_341 = arith.constant 0 : i32
      %dma_start3A_342 = arith.constant 0 : i32
      %dma_start3A_343 = tpu.memref_slice %dma_start3A_340[%run_scoped3A_259, %dma_start3A_341, %dma_start3A_342] : memref<2x80x128xi32, #tpu.memory_space<hbm>> -> memref<1x80x128xi32, #tpu.memory_space<hbm>>
      %dma_start3A_344 = tpu.memref_squeeze %dma_start3A_343 : memref<1x80x128xi32, #tpu.memory_space<hbm>> -> memref<80x128xi32, #tpu.memory_space<hbm>>
      %dma_start3A_345 = arith.constant 0 : i32
      %dma_start3A_346 = arith.constant 0 : i32
      %dma_start3A_347 = arith.constant 0 : i32
      %dma_start3A_348 = tpu.memref_slice %arg5[%arg1, %dma_start3A_345, %dma_start3A_346, %dma_start3A_347] : memref<16x2x80x128xi32, #tpu.memory_space<hbm>> -> memref<1x2x80x128xi32, #tpu.memory_space<hbm>>
      %dma_start3A_349 = tpu.memref_squeeze %dma_start3A_348 : memref<1x2x80x128xi32, #tpu.memory_space<hbm>> -> memref<2x80x128xi32, #tpu.memory_space<hbm>>
      %dma_start3A_350 = arith.constant 0 : i32
      %dma_start3A_351 = arith.constant 0 : i32
      %dma_start3A_352 = tpu.memref_slice %dma_start3A_349[%run_scoped3A_259, %dma_start3A_350, %dma_start3A_351] : memref<2x80x128xi32, #tpu.memory_space<hbm>> -> memref<1x80x128xi32, #tpu.memory_space<hbm>>
      %dma_start3A_353 = tpu.memref_squeeze %dma_start3A_352 : memref<1x80x128xi32, #tpu.memory_space<hbm>> -> memref<80x128xi32, #tpu.memory_space<hbm>>
      tpu.enqueue_dma source(%dma_start3A_353 : memref<80x128xi32, #tpu.memory_space<hbm>>) target(%arg10 : memref<80x128xi32, #tpu.memory_space<vmem>>) target_semaphore(%run_scoped3A_335 : memref<!tpu.dma_semaphore, #tpu.memory_space<semaphore_mem>>)
      %dma_wait3A_354 = arith.constant 0 : i32
      %dma_wait3A_355 = arith.constant 0 : i32
      %dma_wait3A_356 = arith.constant 0 : i32
      %dma_wait3A_357 = tpu.memref_slice %arg5[%arg1, %dma_wait3A_354, %dma_wait3A_355, %dma_wait3A_356] : memref<16x2x80x128xi32, #tpu.memory_space<hbm>> -> memref<1x2x80x128xi32, #tpu.memory_space<hbm>>
      %dma_wait3A_358 = tpu.memref_squeeze %dma_wait3A_357 : memref<1x2x80x128xi32, #tpu.memory_space<hbm>> -> memref<2x80x128xi32, #tpu.memory_space<hbm>>
      %dma_wait3A_359 = arith.constant 0 : i32
      %dma_wait3A_360 = arith.constant 0 : i32
      %dma_wait3A_361 = tpu.memref_slice %dma_wait3A_358[%run_scoped3A_259, %dma_wait3A_359, %dma_wait3A_360] : memref<2x80x128xi32, #tpu.memory_space<hbm>> -> memref<1x80x128xi32, #tpu.memory_space<hbm>>
      %dma_wait3A_362 = tpu.memref_squeeze %dma_wait3A_361 : memref<1x80x128xi32, #tpu.memory_space<hbm>> -> memref<80x128xi32, #tpu.memory_space<hbm>>
      %dma_wait3A_363 = arith.constant 0 : i32
      %dma_wait3A_364 = arith.constant 0 : i32
      %dma_wait3A_365 = arith.constant 0 : i32
      %dma_wait3A_366 = tpu.memref_slice %arg5[%arg1, %dma_wait3A_363, %dma_wait3A_364, %dma_wait3A_365] : memref<16x2x80x128xi32, #tpu.memory_space<hbm>> -> memref<1x2x80x128xi32, #tpu.memory_space<hbm>>
      %dma_wait3A_367 = tpu.memref_squeeze %dma_wait3A_366 : memref<1x2x80x128xi32, #tpu.memory_space<hbm>> -> memref<2x80x128xi32, #tpu.memory_space<hbm>>
      %dma_wait3A_368 = arith.constant 0 : i32
      %dma_wait3A_369 = arith.constant 0 : i32
      %dma_wait3A_370 = tpu.memref_slice %dma_wait3A_367[%run_scoped3A_259, %dma_wait3A_368, %dma_wait3A_369] : memref<2x80x128xi32, #tpu.memory_space<hbm>> -> memref<1x80x128xi32, #tpu.memory_space<hbm>>
      %dma_wait3A_371 = tpu.memref_squeeze %dma_wait3A_370 : memref<1x80x128xi32, #tpu.memory_space<hbm>> -> memref<80x128xi32, #tpu.memory_space<hbm>>
      tpu.wait_dma2 semaphore(%run_scoped3A_335 : memref<!tpu.dma_semaphore, #tpu.memory_space<semaphore_mem>>) src(%dma_wait3A_371 : memref<80x128xi32, #tpu.memory_space<hbm>>) dst(%arg10 : memref<80x128xi32, #tpu.memory_space<vmem>>)
      tpu.yield
    }) : () -> ()
    %dma_start3A_260 = arith.constant 0 : i32
    %dma_start3A_261 = tpu.memref_slice %arg9[%dma_start3A_260] : memref<10496xi32, #tpu.memory_space<vmem>> -> memref<128xi32, #tpu.memory_space<vmem>>
    %dma_start3A_262 = arith.constant 0 : i32
    %dma_start3A_263 = arith.constant 0 : i32
    %dma_start3A_264 = tpu.memref_slice %arg8[%dma_start3A_262, %dma_start3A_263] : memref<10240x64xf32, #tpu.memory_space<vmem_shared>> -> memref<10240x64xf32, #tpu.memory_space<vmem_shared>>
    tpu.enqueue_indirect_dma source(%dma_start3A_264 : memref<10240x64xf32, #tpu.memory_space<vmem_shared>>) target(%arg11 : memref<128x64xf32, #tpu.memory_space<vmem>>) offsets(%dma_start3A_261 : memref<128xi32, #tpu.memory_space<vmem>>) semaphore(%arg14 : memref<!tpu.dma_semaphore, #tpu.memory_space<semaphore_mem>>)
    %dma_start3A_265 = arith.constant 128 : i32
    %dma_start3A_266 = tpu.memref_slice %arg9[%dma_start3A_265] : memref<10496xi32, #tpu.memory_space<vmem>> -> memref<128xi32, #tpu.memory_space<vmem>>
    %dma_start3A_267 = arith.constant 0 : i32
    %dma_start3A_268 = arith.constant 0 : i32
    %dma_start3A_269 = tpu.memref_slice %arg8[%dma_start3A_267, %dma_start3A_268] : memref<10240x64xf32, #tpu.memory_space<vmem_shared>> -> memref<10240x64xf32, #tpu.memory_space<vmem_shared>>
    tpu.enqueue_indirect_dma source(%dma_start3A_269 : memref<10240x64xf32, #tpu.memory_space<vmem_shared>>) target(%arg12 : memref<128x64xf32, #tpu.memory_space<vmem>>) offsets(%dma_start3A_266 : memref<128xi32, #tpu.memory_space<vmem>>) semaphore(%arg15 : memref<!tpu.dma_semaphore, #tpu.memory_space<semaphore_mem>>)
    %dma_wait3A_270 = arith.constant 0 : i32
    %dma_wait3A_271 = tpu.memref_slice %arg9[%dma_wait3A_270] : memref<10496xi32, #tpu.memory_space<vmem>> -> memref<128xi32, #tpu.memory_space<vmem>>
    %dma_wait3A_272 = arith.constant 0 : i32
    %dma_wait3A_273 = arith.constant 0 : i32
    %dma_wait3A_274 = tpu.memref_slice %arg8[%dma_wait3A_272, %dma_wait3A_273] : memref<10240x64xf32, #tpu.memory_space<vmem_shared>> -> memref<10240x64xf32, #tpu.memory_space<vmem_shared>>
    tpu.wait_indirect_dma semaphore(%arg14 : memref<!tpu.dma_semaphore, #tpu.memory_space<semaphore_mem>>) src(%dma_wait3A_274 : memref<10240x64xf32, #tpu.memory_space<vmem_shared>>) dst(%arg11 : memref<128x64xf32, #tpu.memory_space<vmem>>)
    %dma_start3A_275 = arith.constant 0 : i32
    %dma_start3A_276 = arith.constant 0 : i32
    %dma_start3A_277 = tpu.memref_slice %arg10[%dma_start3A_275, %dma_start3A_276] : memref<80x128xi32, #tpu.memory_space<vmem>> -> memref<1x128xi32, #tpu.memory_space<vmem>>
    %dma_start3A_278 = tpu.memref_squeeze %dma_start3A_277 : memref<1x128xi32, #tpu.memory_space<vmem>> -> memref<128xi32, #tpu.memory_space<vmem>>
    %dma_start3A_279 = arith.constant 0 : i32
    %dma_start3A_280 = arith.constant 0 : i32
    %dma_start3A_281 = tpu.memref_slice %arg7[%dma_start3A_279, %dma_start3A_280] : memref<10240x64xf32, #tpu.memory_space<vmem_shared>> -> memref<10240x64xf32, #tpu.memory_space<vmem_shared>>
    tpu.enqueue_indirect_dma source(%arg11 : memref<128x64xf32, #tpu.memory_space<vmem>>) target(%dma_start3A_281 : memref<10240x64xf32, #tpu.memory_space<vmem_shared>>) offsets(%dma_start3A_278 : memref<128xi32, #tpu.memory_space<vmem>>) semaphore(%arg17 : memref<!tpu.dma_semaphore, #tpu.memory_space<semaphore_mem>>) {add = true}
    %dma_start3A_282 = arith.constant 256 : i32
    %dma_start3A_283 = tpu.memref_slice %arg9[%dma_start3A_282] : memref<10496xi32, #tpu.memory_space<vmem>> -> memref<128xi32, #tpu.memory_space<vmem>>
    %dma_start3A_284 = arith.constant 0 : i32
    %dma_start3A_285 = arith.constant 0 : i32
    %dma_start3A_286 = tpu.memref_slice %arg8[%dma_start3A_284, %dma_start3A_285] : memref<10240x64xf32, #tpu.memory_space<vmem_shared>> -> memref<10240x64xf32, #tpu.memory_space<vmem_shared>>
    tpu.enqueue_indirect_dma source(%dma_start3A_286 : memref<10240x64xf32, #tpu.memory_space<vmem_shared>>) target(%arg13 : memref<128x64xf32, #tpu.memory_space<vmem>>) offsets(%dma_start3A_283 : memref<128xi32, #tpu.memory_space<vmem>>) semaphore(%arg16 : memref<!tpu.dma_semaphore, #tpu.memory_space<semaphore_mem>>)
    %dma_wait3A_287 = arith.constant 0 : i32
    %dma_wait3A_288 = tpu.memref_slice %arg9[%dma_wait3A_287] : memref<10496xi32, #tpu.memory_space<vmem>> -> memref<128xi32, #tpu.memory_space<vmem>>
    %dma_wait3A_289 = arith.constant 0 : i32
    %dma_wait3A_290 = arith.constant 0 : i32
    %dma_wait3A_291 = tpu.memref_slice %arg8[%dma_wait3A_289, %dma_wait3A_290] : memref<10240x64xf32, #tpu.memory_space<vmem_shared>> -> memref<10240x64xf32, #tpu.memory_space<vmem_shared>>
    tpu.wait_indirect_dma semaphore(%arg15 : memref<!tpu.dma_semaphore, #tpu.memory_space<semaphore_mem>>) src(%dma_wait3A_291 : memref<10240x64xf32, #tpu.memory_space<vmem_shared>>) dst(%arg12 : memref<128x64xf32, #tpu.memory_space<vmem>>)
    %dma_start3A_292 = arith.constant 1 : i32
    %dma_start3A_293 = arith.constant 0 : i32
    %dma_start3A_294 = tpu.memref_slice %arg10[%dma_start3A_292, %dma_start3A_293] : memref<80x128xi32, #tpu.memory_space<vmem>> -> memref<1x128xi32, #tpu.memory_space<vmem>>
    %dma_start3A_295 = tpu.memref_squeeze %dma_start3A_294 : memref<1x128xi32, #tpu.memory_space<vmem>> -> memref<128xi32, #tpu.memory_space<vmem>>
    %dma_start3A_296 = arith.constant 0 : i32
    %dma_start3A_297 = arith.constant 0 : i32
    %dma_start3A_298 = tpu.memref_slice %arg7[%dma_start3A_296, %dma_start3A_297] : memref<10240x64xf32, #tpu.memory_space<vmem_shared>> -> memref<10240x64xf32, #tpu.memory_space<vmem_shared>>
    tpu.enqueue_indirect_dma source(%arg12 : memref<128x64xf32, #tpu.memory_space<vmem>>) target(%dma_start3A_298 : memref<10240x64xf32, #tpu.memory_space<vmem_shared>>) offsets(%dma_start3A_295 : memref<128xi32, #tpu.memory_space<vmem>>) semaphore(%arg18 : memref<!tpu.dma_semaphore, #tpu.memory_space<semaphore_mem>>) {add = true}
    %dma_wait3A_299 = arith.constant 0 : i32
    %dma_wait3A_300 = arith.constant 0 : i32
    %dma_wait3A_301 = tpu.memref_slice %arg10[%dma_wait3A_299, %dma_wait3A_300] : memref<80x128xi32, #tpu.memory_space<vmem>> -> memref<1x128xi32, #tpu.memory_space<vmem>>
    %dma_wait3A_302 = tpu.memref_squeeze %dma_wait3A_301 : memref<1x128xi32, #tpu.memory_space<vmem>> -> memref<128xi32, #tpu.memory_space<vmem>>
    %dma_wait3A_303 = arith.constant 0 : i32
    %dma_wait3A_304 = arith.constant 0 : i32
    %dma_wait3A_305 = tpu.memref_slice %arg7[%dma_wait3A_303, %dma_wait3A_304] : memref<10240x64xf32, #tpu.memory_space<vmem_shared>> -> memref<10240x64xf32, #tpu.memory_space<vmem_shared>>
    tpu.wait_indirect_dma semaphore(%arg17 : memref<!tpu.dma_semaphore, #tpu.memory_space<semaphore_mem>>) src(%arg11 : memref<128x64xf32, #tpu.memory_space<vmem>>) dst(%dma_wait3A_305 : memref<10240x64xf32, #tpu.memory_space<vmem_shared>>)
    %dma_start3A_306 = arith.constant 384 : i32
    %dma_start3A_307 = tpu.memref_slice %arg9[%dma_start3A_306] : memref<10496xi32, #tpu.memory_space<vmem>> -> memref<128xi32, #tpu.memory_space<vmem>>
    %dma_start3A_308 = arith.constant 0 : i32
    %dma_start3A_309 = arith.constant 0 : i32
    %dma_start3A_310 = tpu.memref_slice %arg8[%dma_start3A_308, %dma_start3A_309] : memref<10240x64xf32, #tpu.memory_space<vmem_shared>> -> memref<10240x64xf32, #tpu.memory_space<vmem_shared>>
    tpu.enqueue_indirect_dma source(%dma_start3A_310 : memref<10240x64xf32, #tpu.memory_space<vmem_shared>>) target(%arg11 : memref<128x64xf32, #tpu.memory_space<vmem>>) offsets(%dma_start3A_307 : memref<128xi32, #tpu.memory_space<vmem>>) semaphore(%arg14 : memref<!tpu.dma_semaphore, #tpu.memory_space<semaphore_mem>>)
    %scan3A_311 = arith.constant 0 : i32
    %scan3A_312 = arith.constant 0 : i32
    %scan3A_313 = arith.constant 13 : i32
    %scan3A_314 = arith.addi %scan3A_312, %scan3A_313 : i32
    %scan3A_315 = arith.constant 1 : i32
    scf.for %scan3A_335 = %scan3A_312 to %scan3A_314 step %scan3A_315  : i32 {
      %mul3A_336 = arith.constant 6 : i32
      %mul3A_337 = arith.muli %mul3A_336, %scan3A_335 : i32
      %add3A_338 = arith.constant 2 : i32
      %add3A_339 = arith.addi %mul3A_337, %add3A_338 : i32
      %add3A_340 = arith.constant 0 : i32
      %add3A_341 = arith.addi %add3A_339, %add3A_340 : i32
      %dma_wait3A_342 = arith.constant 0 : i32
      %dma_wait3A_343 = tpu.memref_slice %arg9[%dma_wait3A_342] : memref<10496xi32, #tpu.memory_space<vmem>> -> memref<128xi32, #tpu.memory_space<vmem>>
      %dma_wait3A_344 = arith.constant 0 : i32
      %dma_wait3A_345 = arith.constant 0 : i32
      %dma_wait3A_346 = tpu.memref_slice %arg8[%dma_wait3A_344, %dma_wait3A_345] : memref<10240x64xf32, #tpu.memory_space<vmem_shared>> -> memref<10240x64xf32, #tpu.memory_space<vmem_shared>>
      tpu.wait_indirect_dma semaphore(%arg16 : memref<!tpu.dma_semaphore, #tpu.memory_space<semaphore_mem>>) src(%dma_wait3A_346 : memref<10240x64xf32, #tpu.memory_space<vmem_shared>>) dst(%arg13 : memref<128x64xf32, #tpu.memory_space<vmem>>)
      %dma_start3A_347 = arith.constant 0 : i32
      %dma_start3A_348 = tpu.memref_slice %arg10[%add3A_341, %dma_start3A_347] : memref<80x128xi32, #tpu.memory_space<vmem>> -> memref<1x128xi32, #tpu.memory_space<vmem>>
      %dma_start3A_349 = tpu.memref_squeeze %dma_start3A_348 : memref<1x128xi32, #tpu.memory_space<vmem>> -> memref<128xi32, #tpu.memory_space<vmem>>
      %dma_start3A_350 = arith.constant 0 : i32
      %dma_start3A_351 = arith.constant 0 : i32
      %dma_start3A_352 = tpu.memref_slice %arg7[%dma_start3A_350, %dma_start3A_351] : memref<10240x64xf32, #tpu.memory_space<vmem_shared>> -> memref<10240x64xf32, #tpu.memory_space<vmem_shared>>
      tpu.enqueue_indirect_dma source(%arg13 : memref<128x64xf32, #tpu.memory_space<vmem>>) target(%dma_start3A_352 : memref<10240x64xf32, #tpu.memory_space<vmem_shared>>) offsets(%dma_start3A_349 : memref<128xi32, #tpu.memory_space<vmem>>) semaphore(%arg19 : memref<!tpu.dma_semaphore, #tpu.memory_space<semaphore_mem>>) {add = true}
      %dma_wait3A_353 = arith.constant 0 : i32
      %dma_wait3A_354 = arith.constant 0 : i32
      %dma_wait3A_355 = tpu.memref_slice %arg10[%dma_wait3A_353, %dma_wait3A_354] : memref<80x128xi32, #tpu.memory_space<vmem>> -> memref<1x128xi32, #tpu.memory_space<vmem>>
      %dma_wait3A_356 = tpu.memref_squeeze %dma_wait3A_355 : memref<1x128xi32, #tpu.memory_space<vmem>> -> memref<128xi32, #tpu.memory_space<vmem>>
      %dma_wait3A_357 = arith.constant 0 : i32
      %dma_wait3A_358 = arith.constant 0 : i32
      %dma_wait3A_359 = tpu.memref_slice %arg7[%dma_wait3A_357, %dma_wait3A_358] : memref<10240x64xf32, #tpu.memory_space<vmem_shared>> -> memref<10240x64xf32, #tpu.memory_space<vmem_shared>>
      tpu.wait_indirect_dma semaphore(%arg18 : memref<!tpu.dma_semaphore, #tpu.memory_space<semaphore_mem>>) src(%arg12 : memref<128x64xf32, #tpu.memory_space<vmem>>) dst(%dma_wait3A_359 : memref<10240x64xf32, #tpu.memory_space<vmem_shared>>)
      %add3A_360 = arith.constant 2 : i32
      %add3A_361 = arith.addi %add3A_341, %add3A_360 : i32
      %mul3A_362 = arith.constant 128 : i32
      %mul3A_363 = arith.muli %add3A_361, %mul3A_362 : i32
      %dma_start3A_364 = tpu.memref_slice %arg9[%mul3A_363] : memref<10496xi32, #tpu.memory_space<vmem>> -> memref<128xi32, #tpu.memory_space<vmem>>
      %dma_start3A_365 = arith.constant 0 : i32
      %dma_start3A_366 = arith.constant 0 : i32
      %dma_start3A_367 = tpu.memref_slice %arg8[%dma_start3A_365, %dma_start3A_366] : memref<10240x64xf32, #tpu.memory_space<vmem_shared>> -> memref<10240x64xf32, #tpu.memory_space<vmem_shared>>
      tpu.enqueue_indirect_dma source(%dma_start3A_367 : memref<10240x64xf32, #tpu.memory_space<vmem_shared>>) target(%arg12 : memref<128x64xf32, #tpu.memory_space<vmem>>) offsets(%dma_start3A_364 : memref<128xi32, #tpu.memory_space<vmem>>) semaphore(%arg15 : memref<!tpu.dma_semaphore, #tpu.memory_space<semaphore_mem>>)
      %mul3A_368 = arith.constant 6 : i32
      %mul3A_369 = arith.muli %mul3A_368, %scan3A_335 : i32
      %add3A_370 = arith.constant 2 : i32
      %add3A_371 = arith.addi %mul3A_369, %add3A_370 : i32
      %add3A_372 = arith.constant 1 : i32
      %add3A_373 = arith.addi %add3A_371, %add3A_372 : i32
      %dma_wait3A_374 = arith.constant 0 : i32
      %dma_wait3A_375 = tpu.memref_slice %arg9[%dma_wait3A_374] : memref<10496xi32, #tpu.memory_space<vmem>> -> memref<128xi32, #tpu.memory_space<vmem>>
      %dma_wait3A_376 = arith.constant 0 : i32
      %dma_wait3A_377 = arith.constant 0 : i32
      %dma_wait3A_378 = tpu.memref_slice %arg8[%dma_wait3A_376, %dma_wait3A_377] : memref<10240x64xf32, #tpu.memory_space<vmem_shared>> -> memref<10240x64xf32, #tpu.memory_space<vmem_shared>>
      tpu.wait_indirect_dma semaphore(%arg14 : memref<!tpu.dma_semaphore, #tpu.memory_space<semaphore_mem>>) src(%dma_wait3A_378 : memref<10240x64xf32, #tpu.memory_space<vmem_shared>>) dst(%arg11 : memref<128x64xf32, #tpu.memory_space<vmem>>)
      %dma_start3A_379 = arith.constant 0 : i32
      %dma_start3A_380 = tpu.memref_slice %arg10[%add3A_373, %dma_start3A_379] : memref<80x128xi32, #tpu.memory_space<vmem>> -> memref<1x128xi32, #tpu.memory_space<vmem>>
      %dma_start3A_381 = tpu.memref_squeeze %dma_start3A_380 : memref<1x128xi32, #tpu.memory_space<vmem>> -> memref<128xi32, #tpu.memory_space<vmem>>
      %dma_start3A_382 = arith.constant 0 : i32
      %dma_start3A_383 = arith.constant 0 : i32
      %dma_start3A_384 = tpu.memref_slice %arg7[%dma_start3A_382, %dma_start3A_383] : memref<10240x64xf32, #tpu.memory_space<vmem_shared>> -> memref<10240x64xf32, #tpu.memory_space<vmem_shared>>
      tpu.enqueue_indirect_dma source(%arg11 : memref<128x64xf32, #tpu.memory_space<vmem>>) target(%dma_start3A_384 : memref<10240x64xf32, #tpu.memory_space<vmem_shared>>) offsets(%dma_start3A_381 : memref<128xi32, #tpu.memory_space<vmem>>) semaphore(%arg17 : memref<!tpu.dma_semaphore, #tpu.memory_space<semaphore_mem>>) {add = true}
      %dma_wait3A_385 = arith.constant 0 : i32
      %dma_wait3A_386 = arith.constant 0 : i32
      %dma_wait3A_387 = tpu.memref_slice %arg10[%dma_wait3A_385, %dma_wait3A_386] : memref<80x128xi32, #tpu.memory_space<vmem>> -> memref<1x128xi32, #tpu.memory_space<vmem>>
      %dma_wait3A_388 = tpu.memref_squeeze %dma_wait3A_387 : memref<1x128xi32, #tpu.memory_space<vmem>> -> memref<128xi32, #tpu.memory_space<vmem>>
      %dma_wait3A_389 = arith.constant 0 : i32
      %dma_wait3A_390 = arith.constant 0 : i32
      %dma_wait3A_391 = tpu.memref_slice %arg7[%dma_wait3A_389, %dma_wait3A_390] : memref<10240x64xf32, #tpu.memory_space<vmem_shared>> -> memref<10240x64xf32, #tpu.memory_space<vmem_shared>>
      tpu.wait_indirect_dma semaphore(%arg19 : memref<!tpu.dma_semaphore, #tpu.memory_space<semaphore_mem>>) src(%arg13 : memref<128x64xf32, #tpu.memory_space<vmem>>) dst(%dma_wait3A_391 : memref<10240x64xf32, #tpu.memory_space<vmem_shared>>)
      %add3A_392 = arith.constant 2 : i32
      %add3A_393 = arith.addi %add3A_373, %add3A_392 : i32
      %mul3A_394 = arith.constant 128 : i32
      %mul3A_395 = arith.muli %add3A_393, %mul3A_394 : i32
      %dma_start3A_396 = tpu.memref_slice %arg9[%mul3A_395] : memref<10496xi32, #tpu.memory_space<vmem>> -> memref<128xi32, #tpu.memory_space<vmem>>
      %dma_start3A_397 = arith.constant 0 : i32
      %dma_start3A_398 = arith.constant 0 : i32
      %dma_start3A_399 = tpu.memref_slice %arg8[%dma_start3A_397, %dma_start3A_398] : memref<10240x64xf32, #tpu.memory_space<vmem_shared>> -> memref<10240x64xf32, #tpu.memory_space<vmem_shared>>
      tpu.enqueue_indirect_dma source(%dma_start3A_399 : memref<10240x64xf32, #tpu.memory_space<vmem_shared>>) target(%arg13 : memref<128x64xf32, #tpu.memory_space<vmem>>) offsets(%dma_start3A_396 : memref<128xi32, #tpu.memory_space<vmem>>) semaphore(%arg16 : memref<!tpu.dma_semaphore, #tpu.memory_space<semaphore_mem>>)
      %mul3A_400 = arith.constant 6 : i32
      %mul3A_401 = arith.muli %mul3A_400, %scan3A_335 : i32
      %add3A_402 = arith.constant 2 : i32
      %add3A_403 = arith.addi %mul3A_401, %add3A_402 : i32
      %add3A_404 = arith.constant 2 : i32
      %add3A_405 = arith.addi %add3A_403, %add3A_404 : i32
      %dma_wait3A_406 = arith.constant 0 : i32
      %dma_wait3A_407 = tpu.memref_slice %arg9[%dma_wait3A_406] : memref<10496xi32, #tpu.memory_space<vmem>> -> memref<128xi32, #tpu.memory_space<vmem>>
      %dma_wait3A_408 = arith.constant 0 : i32
      %dma_wait3A_409 = arith.constant 0 : i32
      %dma_wait3A_410 = tpu.memref_slice %arg8[%dma_wait3A_408, %dma_wait3A_409] : memref<10240x64xf32, #tpu.memory_space<vmem_shared>> -> memref<10240x64xf32, #tpu.memory_space<vmem_shared>>
      tpu.wait_indirect_dma semaphore(%arg15 : memref<!tpu.dma_semaphore, #tpu.memory_space<semaphore_mem>>) src(%dma_wait3A_410 : memref<10240x64xf32, #tpu.memory_space<vmem_shared>>) dst(%arg12 : memref<128x64xf32, #tpu.memory_space<vmem>>)
      %dma_start3A_411 = arith.constant 0 : i32
      %dma_start3A_412 = tpu.memref_slice %arg10[%add3A_405, %dma_start3A_411] : memref<80x128xi32, #tpu.memory_space<vmem>> -> memref<1x128xi32, #tpu.memory_space<vmem>>
      %dma_start3A_413 = tpu.memref_squeeze %dma_start3A_412 : memref<1x128xi32, #tpu.memory_space<vmem>> -> memref<128xi32, #tpu.memory_space<vmem>>
      %dma_start3A_414 = arith.constant 0 : i32
      %dma_start3A_415 = arith.constant 0 : i32
      %dma_start3A_416 = tpu.memref_slice %arg7[%dma_start3A_414, %dma_start3A_415] : memref<10240x64xf32, #tpu.memory_space<vmem_shared>> -> memref<10240x64xf32, #tpu.memory_space<vmem_shared>>
      tpu.enqueue_indirect_dma source(%arg12 : memref<128x64xf32, #tpu.memory_space<vmem>>) target(%dma_start3A_416 : memref<10240x64xf32, #tpu.memory_space<vmem_shared>>) offsets(%dma_start3A_413 : memref<128xi32, #tpu.memory_space<vmem>>) semaphore(%arg18 : memref<!tpu.dma_semaphore, #tpu.memory_space<semaphore_mem>>) {add = true}
      %dma_wait3A_417 = arith.constant 0 : i32
      %dma_wait3A_418 = arith.constant 0 : i32
      %dma_wait3A_419 = tpu.memref_slice %arg10[%dma_wait3A_417, %dma_wait3A_418] : memref<80x128xi32, #tpu.memory_space<vmem>> -> memref<1x128xi32, #tpu.memory_space<vmem>>
      %dma_wait3A_420 = tpu.memref_squeeze %dma_wait3A_419 : memref<1x128xi32, #tpu.memory_space<vmem>> -> memref<128xi32, #tpu.memory_space<vmem>>
      %dma_wait3A_421 = arith.constant 0 : i32
      %dma_wait3A_422 = arith.constant 0 : i32
      %dma_wait3A_423 = tpu.memref_slice %arg7[%dma_wait3A_421, %dma_wait3A_422] : memref<10240x64xf32, #tpu.memory_space<vmem_shared>> -> memref<10240x64xf32, #tpu.memory_space<vmem_shared>>
      tpu.wait_indirect_dma semaphore(%arg17 : memref<!tpu.dma_semaphore, #tpu.memory_space<semaphore_mem>>) src(%arg11 : memref<128x64xf32, #tpu.memory_space<vmem>>) dst(%dma_wait3A_423 : memref<10240x64xf32, #tpu.memory_space<vmem_shared>>)
      %add3A_424 = arith.constant 2 : i32
      %add3A_425 = arith.addi %add3A_405, %add3A_424 : i32
      %mul3A_426 = arith.constant 128 : i32
      %mul3A_427 = arith.muli %add3A_425, %mul3A_426 : i32
      %dma_start3A_428 = tpu.memref_slice %arg9[%mul3A_427] : memref<10496xi32, #tpu.memory_space<vmem>> -> memref<128xi32, #tpu.memory_space<vmem>>
      %dma_start3A_429 = arith.constant 0 : i32
      %dma_start3A_430 = arith.constant 0 : i32
      %dma_start3A_431 = tpu.memref_slice %arg8[%dma_start3A_429, %dma_start3A_430] : memref<10240x64xf32, #tpu.memory_space<vmem_shared>> -> memref<10240x64xf32, #tpu.memory_space<vmem_shared>>
      tpu.enqueue_indirect_dma source(%dma_start3A_431 : memref<10240x64xf32, #tpu.memory_space<vmem_shared>>) target(%arg11 : memref<128x64xf32, #tpu.memory_space<vmem>>) offsets(%dma_start3A_428 : memref<128xi32, #tpu.memory_space<vmem>>) semaphore(%arg14 : memref<!tpu.dma_semaphore, #tpu.memory_space<semaphore_mem>>)
      %mul3A_432 = arith.constant 6 : i32
      %mul3A_433 = arith.muli %mul3A_432, %scan3A_335 : i32
      %add3A_434 = arith.constant 2 : i32
      %add3A_435 = arith.addi %mul3A_433, %add3A_434 : i32
      %add3A_436 = arith.constant 3 : i32
      %add3A_437 = arith.addi %add3A_435, %add3A_436 : i32
      %dma_wait3A_438 = arith.constant 0 : i32
      %dma_wait3A_439 = tpu.memref_slice %arg9[%dma_wait3A_438] : memref<10496xi32, #tpu.memory_space<vmem>> -> memref<128xi32, #tpu.memory_space<vmem>>
      %dma_wait3A_440 = arith.constant 0 : i32
      %dma_wait3A_441 = arith.constant 0 : i32
      %dma_wait3A_442 = tpu.memref_slice %arg8[%dma_wait3A_440, %dma_wait3A_441] : memref<10240x64xf32, #tpu.memory_space<vmem_shared>> -> memref<10240x64xf32, #tpu.memory_space<vmem_shared>>
      tpu.wait_indirect_dma semaphore(%arg16 : memref<!tpu.dma_semaphore, #tpu.memory_space<semaphore_mem>>) src(%dma_wait3A_442 : memref<10240x64xf32, #tpu.memory_space<vmem_shared>>) dst(%arg13 : memref<128x64xf32, #tpu.memory_space<vmem>>)
      %dma_start3A_443 = arith.constant 0 : i32
      %dma_start3A_444 = tpu.memref_slice %arg10[%add3A_437, %dma_start3A_443] : memref<80x128xi32, #tpu.memory_space<vmem>> -> memref<1x128xi32, #tpu.memory_space<vmem>>
      %dma_start3A_445 = tpu.memref_squeeze %dma_start3A_444 : memref<1x128xi32, #tpu.memory_space<vmem>> -> memref<128xi32, #tpu.memory_space<vmem>>
      %dma_start3A_446 = arith.constant 0 : i32
      %dma_start3A_447 = arith.constant 0 : i32
      %dma_start3A_448 = tpu.memref_slice %arg7[%dma_start3A_446, %dma_start3A_447] : memref<10240x64xf32, #tpu.memory_space<vmem_shared>> -> memref<10240x64xf32, #tpu.memory_space<vmem_shared>>
      tpu.enqueue_indirect_dma source(%arg13 : memref<128x64xf32, #tpu.memory_space<vmem>>) target(%dma_start3A_448 : memref<10240x64xf32, #tpu.memory_space<vmem_shared>>) offsets(%dma_start3A_445 : memref<128xi32, #tpu.memory_space<vmem>>) semaphore(%arg19 : memref<!tpu.dma_semaphore, #tpu.memory_space<semaphore_mem>>) {add = true}
      %dma_wait3A_449 = arith.constant 0 : i32
      %dma_wait3A_450 = arith.constant 0 : i32
      %dma_wait3A_451 = tpu.memref_slice %arg10[%dma_wait3A_449, %dma_wait3A_450] : memref<80x128xi32, #tpu.memory_space<vmem>> -> memref<1x128xi32, #tpu.memory_space<vmem>>
      %dma_wait3A_452 = tpu.memref_squeeze %dma_wait3A_451 : memref<1x128xi32, #tpu.memory_space<vmem>> -> memref<128xi32, #tpu.memory_space<vmem>>
      %dma_wait3A_453 = arith.constant 0 : i32
      %dma_wait3A_454 = arith.constant 0 : i32
      %dma_wait3A_455 = tpu.memref_slice %arg7[%dma_wait3A_453, %dma_wait3A_454] : memref<10240x64xf32, #tpu.memory_space<vmem_shared>> -> memref<10240x64xf32, #tpu.memory_space<vmem_shared>>
      tpu.wait_indirect_dma semaphore(%arg18 : memref<!tpu.dma_semaphore, #tpu.memory_space<semaphore_mem>>) src(%arg12 : memref<128x64xf32, #tpu.memory_space<vmem>>) dst(%dma_wait3A_455 : memref<10240x64xf32, #tpu.memory_space<vmem_shared>>)
      %add3A_456 = arith.constant 2 : i32
      %add3A_457 = arith.addi %add3A_437, %add3A_456 : i32
      %mul3A_458 = arith.constant 128 : i32
      %mul3A_459 = arith.muli %add3A_457, %mul3A_458 : i32
      %dma_start3A_460 = tpu.memref_slice %arg9[%mul3A_459] : memref<10496xi32, #tpu.memory_space<vmem>> -> memref<128xi32, #tpu.memory_space<vmem>>
      %dma_start3A_461 = arith.constant 0 : i32
      %dma_start3A_462 = arith.constant 0 : i32
      %dma_start3A_463 = tpu.memref_slice %arg8[%dma_start3A_461, %dma_start3A_462] : memref<10240x64xf32, #tpu.memory_space<vmem_shared>> -> memref<10240x64xf32, #tpu.memory_space<vmem_shared>>
      tpu.enqueue_indirect_dma source(%dma_start3A_463 : memref<10240x64xf32, #tpu.memory_space<vmem_shared>>) target(%arg12 : memref<128x64xf32, #tpu.memory_space<vmem>>) offsets(%dma_start3A_460 : memref<128xi32, #tpu.memory_space<vmem>>) semaphore(%arg15 : memref<!tpu.dma_semaphore, #tpu.memory_space<semaphore_mem>>)
      %mul3A_464 = arith.constant 6 : i32
      %mul3A_465 = arith.muli %mul3A_464, %scan3A_335 : i32
      %add3A_466 = arith.constant 2 : i32
      %add3A_467 = arith.addi %mul3A_465, %add3A_466 : i32
      %add3A_468 = arith.constant 4 : i32
      %add3A_469 = arith.addi %add3A_467, %add3A_468 : i32
      %dma_wait3A_470 = arith.constant 0 : i32
      %dma_wait3A_471 = tpu.memref_slice %arg9[%dma_wait3A_470] : memref<10496xi32, #tpu.memory_space<vmem>> -> memref<128xi32, #tpu.memory_space<vmem>>
      %dma_wait3A_472 = arith.constant 0 : i32
      %dma_wait3A_473 = arith.constant 0 : i32
      %dma_wait3A_474 = tpu.memref_slice %arg8[%dma_wait3A_472, %dma_wait3A_473] : memref<10240x64xf32, #tpu.memory_space<vmem_shared>> -> memref<10240x64xf32, #tpu.memory_space<vmem_shared>>
      tpu.wait_indirect_dma semaphore(%arg14 : memref<!tpu.dma_semaphore, #tpu.memory_space<semaphore_mem>>) src(%dma_wait3A_474 : memref<10240x64xf32, #tpu.memory_space<vmem_shared>>) dst(%arg11 : memref<128x64xf32, #tpu.memory_space<vmem>>)
      %dma_start3A_475 = arith.constant 0 : i32
      %dma_start3A_476 = tpu.memref_slice %arg10[%add3A_469, %dma_start3A_475] : memref<80x128xi32, #tpu.memory_space<vmem>> -> memref<1x128xi32, #tpu.memory_space<vmem>>
      %dma_start3A_477 = tpu.memref_squeeze %dma_start3A_476 : memref<1x128xi32, #tpu.memory_space<vmem>> -> memref<128xi32, #tpu.memory_space<vmem>>
      %dma_start3A_478 = arith.constant 0 : i32
      %dma_start3A_479 = arith.constant 0 : i32
      %dma_start3A_480 = tpu.memref_slice %arg7[%dma_start3A_478, %dma_start3A_479] : memref<10240x64xf32, #tpu.memory_space<vmem_shared>> -> memref<10240x64xf32, #tpu.memory_space<vmem_shared>>
      tpu.enqueue_indirect_dma source(%arg11 : memref<128x64xf32, #tpu.memory_space<vmem>>) target(%dma_start3A_480 : memref<10240x64xf32, #tpu.memory_space<vmem_shared>>) offsets(%dma_start3A_477 : memref<128xi32, #tpu.memory_space<vmem>>) semaphore(%arg17 : memref<!tpu.dma_semaphore, #tpu.memory_space<semaphore_mem>>) {add = true}
      %dma_wait3A_481 = arith.constant 0 : i32
      %dma_wait3A_482 = arith.constant 0 : i32
      %dma_wait3A_483 = tpu.memref_slice %arg10[%dma_wait3A_481, %dma_wait3A_482] : memref<80x128xi32, #tpu.memory_space<vmem>> -> memref<1x128xi32, #tpu.memory_space<vmem>>
      %dma_wait3A_484 = tpu.memref_squeeze %dma_wait3A_483 : memref<1x128xi32, #tpu.memory_space<vmem>> -> memref<128xi32, #tpu.memory_space<vmem>>
      %dma_wait3A_485 = arith.constant 0 : i32
      %dma_wait3A_486 = arith.constant 0 : i32
      %dma_wait3A_487 = tpu.memref_slice %arg7[%dma_wait3A_485, %dma_wait3A_486] : memref<10240x64xf32, #tpu.memory_space<vmem_shared>> -> memref<10240x64xf32, #tpu.memory_space<vmem_shared>>
      tpu.wait_indirect_dma semaphore(%arg19 : memref<!tpu.dma_semaphore, #tpu.memory_space<semaphore_mem>>) src(%arg13 : memref<128x64xf32, #tpu.memory_space<vmem>>) dst(%dma_wait3A_487 : memref<10240x64xf32, #tpu.memory_space<vmem_shared>>)
      %add3A_488 = arith.constant 2 : i32
      %add3A_489 = arith.addi %add3A_469, %add3A_488 : i32
      %mul3A_490 = arith.constant 128 : i32
      %mul3A_491 = arith.muli %add3A_489, %mul3A_490 : i32
      %dma_start3A_492 = tpu.memref_slice %arg9[%mul3A_491] : memref<10496xi32, #tpu.memory_space<vmem>> -> memref<128xi32, #tpu.memory_space<vmem>>
      %dma_start3A_493 = arith.constant 0 : i32
      %dma_start3A_494 = arith.constant 0 : i32
      %dma_start3A_495 = tpu.memref_slice %arg8[%dma_start3A_493, %dma_start3A_494] : memref<10240x64xf32, #tpu.memory_space<vmem_shared>> -> memref<10240x64xf32, #tpu.memory_space<vmem_shared>>
      tpu.enqueue_indirect_dma source(%dma_start3A_495 : memref<10240x64xf32, #tpu.memory_space<vmem_shared>>) target(%arg13 : memref<128x64xf32, #tpu.memory_space<vmem>>) offsets(%dma_start3A_492 : memref<128xi32, #tpu.memory_space<vmem>>) semaphore(%arg16 : memref<!tpu.dma_semaphore, #tpu.memory_space<semaphore_mem>>)
      %mul3A_496 = arith.constant 6 : i32
      %mul3A_497 = arith.muli %mul3A_496, %scan3A_335 : i32
      %add3A_498 = arith.constant 2 : i32
      %add3A_499 = arith.addi %mul3A_497, %add3A_498 : i32
      %add3A_500 = arith.constant 5 : i32
      %add3A_501 = arith.addi %add3A_499, %add3A_500 : i32
      %dma_wait3A_502 = arith.constant 0 : i32
      %dma_wait3A_503 = tpu.memref_slice %arg9[%dma_wait3A_502] : memref<10496xi32, #tpu.memory_space<vmem>> -> memref<128xi32, #tpu.memory_space<vmem>>
      %dma_wait3A_504 = arith.constant 0 : i32
      %dma_wait3A_505 = arith.constant 0 : i32
      %dma_wait3A_506 = tpu.memref_slice %arg8[%dma_wait3A_504, %dma_wait3A_505] : memref<10240x64xf32, #tpu.memory_space<vmem_shared>> -> memref<10240x64xf32, #tpu.memory_space<vmem_shared>>
      tpu.wait_indirect_dma semaphore(%arg15 : memref<!tpu.dma_semaphore, #tpu.memory_space<semaphore_mem>>) src(%dma_wait3A_506 : memref<10240x64xf32, #tpu.memory_space<vmem_shared>>) dst(%arg12 : memref<128x64xf32, #tpu.memory_space<vmem>>)
      %dma_start3A_507 = arith.constant 0 : i32
      %dma_start3A_508 = tpu.memref_slice %arg10[%add3A_501, %dma_start3A_507] : memref<80x128xi32, #tpu.memory_space<vmem>> -> memref<1x128xi32, #tpu.memory_space<vmem>>
      %dma_start3A_509 = tpu.memref_squeeze %dma_start3A_508 : memref<1x128xi32, #tpu.memory_space<vmem>> -> memref<128xi32, #tpu.memory_space<vmem>>
      %dma_start3A_510 = arith.constant 0 : i32
      %dma_start3A_511 = arith.constant 0 : i32
      %dma_start3A_512 = tpu.memref_slice %arg7[%dma_start3A_510, %dma_start3A_511] : memref<10240x64xf32, #tpu.memory_space<vmem_shared>> -> memref<10240x64xf32, #tpu.memory_space<vmem_shared>>
      tpu.enqueue_indirect_dma source(%arg12 : memref<128x64xf32, #tpu.memory_space<vmem>>) target(%dma_start3A_512 : memref<10240x64xf32, #tpu.memory_space<vmem_shared>>) offsets(%dma_start3A_509 : memref<128xi32, #tpu.memory_space<vmem>>) semaphore(%arg18 : memref<!tpu.dma_semaphore, #tpu.memory_space<semaphore_mem>>) {add = true}
      %dma_wait3A_513 = arith.constant 0 : i32
      %dma_wait3A_514 = arith.constant 0 : i32
      %dma_wait3A_515 = tpu.memref_slice %arg10[%dma_wait3A_513, %dma_wait3A_514] : memref<80x128xi32, #tpu.memory_space<vmem>> -> memref<1x128xi32, #tpu.memory_space<vmem>>
      %dma_wait3A_516 = tpu.memref_squeeze %dma_wait3A_515 : memref<1x128xi32, #tpu.memory_space<vmem>> -> memref<128xi32, #tpu.memory_space<vmem>>
      %dma_wait3A_517 = arith.constant 0 : i32
      %dma_wait3A_518 = arith.constant 0 : i32
      %dma_wait3A_519 = tpu.memref_slice %arg7[%dma_wait3A_517, %dma_wait3A_518] : memref<10240x64xf32, #tpu.memory_space<vmem_shared>> -> memref<10240x64xf32, #tpu.memory_space<vmem_shared>>
      tpu.wait_indirect_dma semaphore(%arg17 : memref<!tpu.dma_semaphore, #tpu.memory_space<semaphore_mem>>) src(%arg11 : memref<128x64xf32, #tpu.memory_space<vmem>>) dst(%dma_wait3A_519 : memref<10240x64xf32, #tpu.memory_space<vmem_shared>>)
      %add3A_520 = arith.constant 2 : i32
      %add3A_521 = arith.addi %add3A_501, %add3A_520 : i32
      %mul3A_522 = arith.constant 128 : i32
      %mul3A_523 = arith.muli %add3A_521, %mul3A_522 : i32
      %dma_start3A_524 = tpu.memref_slice %arg9[%mul3A_523] : memref<10496xi32, #tpu.memory_space<vmem>> -> memref<128xi32, #tpu.memory_space<vmem>>
      %dma_start3A_525 = arith.constant 0 : i32
      %dma_start3A_526 = arith.constant 0 : i32
      %dma_start3A_527 = tpu.memref_slice %arg8[%dma_start3A_525, %dma_start3A_526] : memref<10240x64xf32, #tpu.memory_space<vmem_shared>> -> memref<10240x64xf32, #tpu.memory_space<vmem_shared>>
      tpu.enqueue_indirect_dma source(%dma_start3A_527 : memref<10240x64xf32, #tpu.memory_space<vmem_shared>>) target(%arg11 : memref<128x64xf32, #tpu.memory_space<vmem>>) offsets(%dma_start3A_524 : memref<128xi32, #tpu.memory_space<vmem>>) semaphore(%arg14 : memref<!tpu.dma_semaphore, #tpu.memory_space<semaphore_mem>>)
    }
    %scan3A_316 = arith.constant 13 : i32
    %dma_wait3A_317 = arith.constant 0 : i32
    %dma_wait3A_318 = tpu.memref_slice %arg9[%dma_wait3A_317] : memref<10496xi32, #tpu.memory_space<vmem>> -> memref<128xi32, #tpu.memory_space<vmem>>
    %dma_wait3A_319 = arith.constant 0 : i32
    %dma_wait3A_320 = arith.constant 0 : i32
    %dma_wait3A_321 = tpu.memref_slice %arg8[%dma_wait3A_319, %dma_wait3A_320] : memref<10240x64xf32, #tpu.memory_space<vmem_shared>> -> memref<10240x64xf32, #tpu.memory_space<vmem_shared>>
    tpu.wait_indirect_dma semaphore(%arg16 : memref<!tpu.dma_semaphore, #tpu.memory_space<semaphore_mem>>) src(%dma_wait3A_321 : memref<10240x64xf32, #tpu.memory_space<vmem_shared>>) dst(%arg13 : memref<128x64xf32, #tpu.memory_space<vmem>>)
    %dma_wait3A_322 = arith.constant 0 : i32
    %dma_wait3A_323 = tpu.memref_slice %arg9[%dma_wait3A_322] : memref<10496xi32, #tpu.memory_space<vmem>> -> memref<128xi32, #tpu.memory_space<vmem>>
    %dma_wait3A_324 = arith.constant 0 : i32
    %dma_wait3A_325 = arith.constant 0 : i32
    %dma_wait3A_326 = tpu.memref_slice %arg8[%dma_wait3A_324, %dma_wait3A_325] : memref<10240x64xf32, #tpu.memory_space<vmem_shared>> -> memref<10240x64xf32, #tpu.memory_space<vmem_shared>>
    tpu.wait_indirect_dma semaphore(%arg14 : memref<!tpu.dma_semaphore, #tpu.memory_space<semaphore_mem>>) src(%dma_wait3A_326 : memref<10240x64xf32, #tpu.memory_space<vmem_shared>>) dst(%arg11 : memref<128x64xf32, #tpu.memory_space<vmem>>)
    %dma_wait3A_327 = arith.constant 0 : i32
    %dma_wait3A_328 = arith.constant 0 : i32
    %dma_wait3A_329 = tpu.memref_slice %arg10[%dma_wait3A_327, %dma_wait3A_328] : memref<80x128xi32, #tpu.memory_space<vmem>> -> memref<1x128xi32, #tpu.memory_space<vmem>>
    %dma_wait3A_330 = tpu.memref_squeeze %dma_wait3A_329 : memref<1x128xi32, #tpu.memory_space<vmem>> -> memref<128xi32, #tpu.memory_space<vmem>>
    %dma_wait3A_331 = arith.constant 0 : i32
    %dma_wait3A_332 = arith.constant 0 : i32
    %dma_wait3A_333 = tpu.memref_slice %arg7[%dma_wait3A_331, %dma_wait3A_332] : memref<10240x64xf32, #tpu.memory_space<vmem_shared>> -> memref<10240x64xf32, #tpu.memory_space<vmem_shared>>
    tpu.wait_indirect_dma semaphore(%arg18 : memref<!tpu.dma_semaphore, #tpu.memory_space<semaphore_mem>>) src(%arg12 : memref<128x64xf32, #tpu.memory_space<vmem>>) dst(%dma_wait3A_333 : memref<10240x64xf32, #tpu.memory_space<vmem_shared>>)
    %barrier3A_334 = arith.constant 0 : index
    tpu.barrier barrier_id(%barrier3A_334)
    "tpu.region"() ({
      %run_scoped3A_335 = tpu.sem_alloc : memref<!tpu.dma_semaphore, #tpu.memory_space<semaphore_mem>>
      %dma_start3A_336 = arith.constant 0 : i32
      %dma_start3A_337 = arith.constant 0 : i32
      %dma_start3A_338 = tpu.memref_slice %arg6[%arg0, %dma_start3A_336, %dma_start3A_337] : memref<2x10240x64xf32, #tpu.memory_space<hbm>> -> memref<1x10240x64xf32, #tpu.memory_space<hbm>>
      %dma_start3A_339 = tpu.memref_squeeze %dma_start3A_338 : memref<1x10240x64xf32, #tpu.memory_space<hbm>> -> memref<10240x64xf32, #tpu.memory_space<hbm>>
      %dma_start3A_340 = arith.constant 0 : i32
      %dma_start3A_341 = tpu.memref_slice %dma_start3A_339[%mul3A_0, %dma_start3A_340] : memref<10240x64xf32, #tpu.memory_space<hbm>> -> memref<640x64xf32, #tpu.memory_space<hbm>>
      %dma_start3A_342 = arith.constant 0 : i32
      %dma_start3A_343 = tpu.memref_slice %arg7[%mul3A_0, %dma_start3A_342] : memref<10240x64xf32, #tpu.memory_space<vmem_shared>> -> memref<640x64xf32, #tpu.memory_space<vmem_shared>>
      tpu.enqueue_dma source(%dma_start3A_343 : memref<640x64xf32, #tpu.memory_space<vmem_shared>>) target(%dma_start3A_341 : memref<640x64xf32, #tpu.memory_space<hbm>>) target_semaphore(%run_scoped3A_335 : memref<!tpu.dma_semaphore, #tpu.memory_space<semaphore_mem>>)
      %dma_wait3A_344 = arith.constant 0 : i32
      %dma_wait3A_345 = arith.constant 0 : i32
      %dma_wait3A_346 = tpu.memref_slice %arg6[%arg0, %dma_wait3A_344, %dma_wait3A_345] : memref<2x10240x64xf32, #tpu.memory_space<hbm>> -> memref<1x10240x64xf32, #tpu.memory_space<hbm>>
      %dma_wait3A_347 = tpu.memref_squeeze %dma_wait3A_346 : memref<1x10240x64xf32, #tpu.memory_space<hbm>> -> memref<10240x64xf32, #tpu.memory_space<hbm>>
      %dma_wait3A_348 = arith.constant 0 : i32
      %dma_wait3A_349 = tpu.memref_slice %dma_wait3A_347[%mul3A_0, %dma_wait3A_348] : memref<10240x64xf32, #tpu.memory_space<hbm>> -> memref<640x64xf32, #tpu.memory_space<hbm>>
      %dma_wait3A_350 = arith.constant 0 : i32
      %dma_wait3A_351 = tpu.memref_slice %arg7[%mul3A_0, %dma_wait3A_350] : memref<10240x64xf32, #tpu.memory_space<vmem_shared>> -> memref<640x64xf32, #tpu.memory_space<vmem_shared>>
      tpu.wait_dma2 semaphore(%run_scoped3A_335 : memref<!tpu.dma_semaphore, #tpu.memory_space<semaphore_mem>>) src(%dma_wait3A_351 : memref<640x64xf32, #tpu.memory_space<vmem_shared>>) dst(%dma_wait3A_349 : memref<640x64xf32, #tpu.memory_space<hbm>>)
      tpu.yield
    }) : () -> ()
    return
  }
}

#map = affine_map<(d0, d1) -> (0, 0, 0)>
#map1 = affine_map<(d0, d1) -> (0, 0, 0, 0)>
module attributes {stable_mosaic.version = 14 : i64} {
  func.func @_sc_edge_agg(%arg0: i32, %arg1: i32, %arg2: memref<2x10240x64xf32, #tpu.memory_space<hbm>>, %arg3: memref<16x2x10496xi32, #tpu.memory_space<hbm>>, %arg4: memref<16x2x80x128xi32, #tpu.memory_space<hbm>>, %arg5: memref<2x10240x64xf32, #tpu.memory_space<hbm>>, %arg6: memref<10240x64xf32, #tpu.memory_space<vmem_shared>>, %arg7: memref<10240x64xf32, #tpu.memory_space<vmem_shared>>, %arg8: memref<10496xi32, #tpu.memory_space<vmem>>, %arg9: memref<80x128xi32, #tpu.memory_space<vmem>>, %arg10: memref<128x64xf32, #tpu.memory_space<vmem>>, %arg11: memref<128x64xf32, #tpu.memory_space<vmem>>, %arg12: memref<128x64xf32, #tpu.memory_space<vmem>>, %arg13: memref<!tpu.dma_semaphore, #tpu.memory_space<semaphore_mem>>, %arg14: memref<!tpu.dma_semaphore, #tpu.memory_space<semaphore_mem>>, %arg15: memref<!tpu.dma_semaphore, #tpu.memory_space<semaphore_mem>>, %arg16: memref<!tpu.dma_semaphore, #tpu.memory_space<semaphore_mem>>, %arg17: memref<!tpu.dma_semaphore, #tpu.memory_space<semaphore_mem>>, %arg18: memref<!tpu.dma_semaphore, #tpu.memory_space<semaphore_mem>>) attributes {dimension_semantics = [#tpu.dimension_semantics<core_parallel>, #tpu.dimension_semantics<subcore_parallel>], iteration_bounds = array<i64: 2, 16>, scalar_prefetch = 0 : i64, scratch_operands = 13 : i64, tpu.core_type = #tpu.core_type<sc_vector_subcore>, window_params = [{transform_indices = #map}, {transform_indices = #map}, {transform_indices = #map1}, {transform_indices = #map}]} {
    %mul3A = arith.constant 640 : i32
    %mul3A_0 = arith.muli %arg1, %mul3A : i32
    %dma_start3A = arith.constant 0 : i32
    %dma_start3A_1 = tpu.memref_slice %arg6[%mul3A_0, %dma_start3A] : memref<10240x64xf32, #tpu.memory_space<vmem_shared>> -> memref<640x64xf32, #tpu.memory_space<vmem_shared>>
    %dma_start3A_2 = arith.constant 0 : i32
    %dma_start3A_3 = arith.constant 0 : i32
    %dma_start3A_4 = tpu.memref_slice %arg2[%arg0, %dma_start3A_2, %dma_start3A_3] : memref<2x10240x64xf32, #tpu.memory_space<hbm>> -> memref<1x10240x64xf32, #tpu.memory_space<hbm>>
    %dma_start3A_5 = tpu.memref_squeeze %dma_start3A_4 : memref<1x10240x64xf32, #tpu.memory_space<hbm>> -> memref<10240x64xf32, #tpu.memory_space<hbm>>
    %dma_start3A_6 = arith.constant 0 : i32
    %dma_start3A_7 = tpu.memref_slice %dma_start3A_5[%mul3A_0, %dma_start3A_6] : memref<10240x64xf32, #tpu.memory_space<hbm>> -> memref<640x64xf32, #tpu.memory_space<hbm>>
    tpu.enqueue_dma source(%dma_start3A_7 : memref<640x64xf32, #tpu.memory_space<hbm>>) target(%dma_start3A_1 : memref<640x64xf32, #tpu.memory_space<vmem_shared>>) target_semaphore(%arg16 : memref<!tpu.dma_semaphore, #tpu.memory_space<semaphore_mem>>)
    %dma_start3A_8 = arith.constant 0 : i32
    %dma_start3A_9 = tpu.memref_slice %arg7[%mul3A_0, %dma_start3A_8] : memref<10240x64xf32, #tpu.memory_space<vmem_shared>> -> memref<640x64xf32, #tpu.memory_space<vmem_shared>>
    %dma_start3A_10 = arith.constant 0 : i32
    %dma_start3A_11 = arith.constant 0 : i32
    %dma_start3A_12 = tpu.memref_slice %arg2[%arg0, %dma_start3A_10, %dma_start3A_11] : memref<2x10240x64xf32, #tpu.memory_space<hbm>> -> memref<1x10240x64xf32, #tpu.memory_space<hbm>>
    %dma_start3A_13 = tpu.memref_squeeze %dma_start3A_12 : memref<1x10240x64xf32, #tpu.memory_space<hbm>> -> memref<10240x64xf32, #tpu.memory_space<hbm>>
    %dma_start3A_14 = arith.constant 0 : i32
    %dma_start3A_15 = tpu.memref_slice %dma_start3A_13[%mul3A_0, %dma_start3A_14] : memref<10240x64xf32, #tpu.memory_space<hbm>> -> memref<640x64xf32, #tpu.memory_space<hbm>>
    tpu.enqueue_dma source(%dma_start3A_15 : memref<640x64xf32, #tpu.memory_space<hbm>>) target(%dma_start3A_9 : memref<640x64xf32, #tpu.memory_space<vmem_shared>>) target_semaphore(%arg17 : memref<!tpu.dma_semaphore, #tpu.memory_space<semaphore_mem>>)
    %dma_start3A_16 = arith.constant 0 : i32
    %dma_start3A_17 = arith.constant 0 : i32
    %dma_start3A_18 = arith.constant 0 : i32
    %dma_start3A_19 = tpu.memref_slice %arg3[%arg1, %dma_start3A_17, %dma_start3A_18] : memref<16x2x10496xi32, #tpu.memory_space<hbm>> -> memref<1x2x10496xi32, #tpu.memory_space<hbm>>
    %dma_start3A_20 = tpu.memref_squeeze %dma_start3A_19 : memref<1x2x10496xi32, #tpu.memory_space<hbm>> -> memref<2x10496xi32, #tpu.memory_space<hbm>>
    %dma_start3A_21 = arith.constant 0 : i32
    %dma_start3A_22 = tpu.memref_slice %dma_start3A_20[%dma_start3A_16, %dma_start3A_21] : memref<2x10496xi32, #tpu.memory_space<hbm>> -> memref<1x10496xi32, #tpu.memory_space<hbm>>
    %dma_start3A_23 = tpu.memref_squeeze %dma_start3A_22 : memref<1x10496xi32, #tpu.memory_space<hbm>> -> memref<10496xi32, #tpu.memory_space<hbm>>
    %dma_start3A_24 = arith.constant 0 : i32
    %dma_start3A_25 = arith.constant 0 : i32
    %dma_start3A_26 = tpu.memref_slice %arg3[%arg1, %dma_start3A_24, %dma_start3A_25] : memref<16x2x10496xi32, #tpu.memory_space<hbm>> -> memref<1x2x10496xi32, #tpu.memory_space<hbm>>
    %dma_start3A_27 = tpu.memref_squeeze %dma_start3A_26 : memref<1x2x10496xi32, #tpu.memory_space<hbm>> -> memref<2x10496xi32, #tpu.memory_space<hbm>>
    %dma_start3A_28 = arith.constant 0 : i32
    %dma_start3A_29 = tpu.memref_slice %dma_start3A_27[%dma_start3A_16, %dma_start3A_28] : memref<2x10496xi32, #tpu.memory_space<hbm>> -> memref<1x10496xi32, #tpu.memory_space<hbm>>
    %dma_start3A_30 = tpu.memref_squeeze %dma_start3A_29 : memref<1x10496xi32, #tpu.memory_space<hbm>> -> memref<10496xi32, #tpu.memory_space<hbm>>
    tpu.enqueue_dma source(%dma_start3A_30 : memref<10496xi32, #tpu.memory_space<hbm>>) target(%arg8 : memref<10496xi32, #tpu.memory_space<vmem>>) target_semaphore(%arg13 : memref<!tpu.dma_semaphore, #tpu.memory_space<semaphore_mem>>)
    %dma_start3A_31 = arith.constant 0 : i32
    %dma_start3A_32 = arith.constant 0 : i32
    %dma_start3A_33 = arith.constant 0 : i32
    %dma_start3A_34 = arith.constant 0 : i32
    %dma_start3A_35 = tpu.memref_slice %arg4[%arg1, %dma_start3A_32, %dma_start3A_33, %dma_start3A_34] : memref<16x2x80x128xi32, #tpu.memory_space<hbm>> -> memref<1x2x80x128xi32, #tpu.memory_space<hbm>>
    %dma_start3A_36 = tpu.memref_squeeze %dma_start3A_35 : memref<1x2x80x128xi32, #tpu.memory_space<hbm>> -> memref<2x80x128xi32, #tpu.memory_space<hbm>>
    %dma_start3A_37 = arith.constant 0 : i32
    %dma_start3A_38 = arith.constant 0 : i32
    %dma_start3A_39 = tpu.memref_slice %dma_start3A_36[%dma_start3A_31, %dma_start3A_37, %dma_start3A_38] : memref<2x80x128xi32, #tpu.memory_space<hbm>> -> memref<1x80x128xi32, #tpu.memory_space<hbm>>
    %dma_start3A_40 = tpu.memref_squeeze %dma_start3A_39 : memref<1x80x128xi32, #tpu.memory_space<hbm>> -> memref<80x128xi32, #tpu.memory_space<hbm>>
    %dma_start3A_41 = arith.constant 0 : i32
    %dma_start3A_42 = arith.constant 0 : i32
    %dma_start3A_43 = arith.constant 0 : i32
    %dma_start3A_44 = tpu.memref_slice %arg4[%arg1, %dma_start3A_41, %dma_start3A_42, %dma_start3A_43] : memref<16x2x80x128xi32, #tpu.memory_space<hbm>> -> memref<1x2x80x128xi32, #tpu.memory_space<hbm>>
    %dma_start3A_45 = tpu.memref_squeeze %dma_start3A_44 : memref<1x2x80x128xi32, #tpu.memory_space<hbm>> -> memref<2x80x128xi32, #tpu.memory_space<hbm>>
    %dma_start3A_46 = arith.constant 0 : i32
    %dma_start3A_47 = arith.constant 0 : i32
    %dma_start3A_48 = tpu.memref_slice %dma_start3A_45[%dma_start3A_31, %dma_start3A_46, %dma_start3A_47] : memref<2x80x128xi32, #tpu.memory_space<hbm>> -> memref<1x80x128xi32, #tpu.memory_space<hbm>>
    %dma_start3A_49 = tpu.memref_squeeze %dma_start3A_48 : memref<1x80x128xi32, #tpu.memory_space<hbm>> -> memref<80x128xi32, #tpu.memory_space<hbm>>
    tpu.enqueue_dma source(%dma_start3A_49 : memref<80x128xi32, #tpu.memory_space<hbm>>) target(%arg9 : memref<80x128xi32, #tpu.memory_space<vmem>>) target_semaphore(%arg14 : memref<!tpu.dma_semaphore, #tpu.memory_space<semaphore_mem>>)
    %dma_wait3A = arith.constant 0 : i32
    %dma_wait3A_50 = tpu.memref_slice %arg6[%mul3A_0, %dma_wait3A] : memref<10240x64xf32, #tpu.memory_space<vmem_shared>> -> memref<640x64xf32, #tpu.memory_space<vmem_shared>>
    %dma_wait3A_51 = arith.constant 0 : i32
    %dma_wait3A_52 = arith.constant 0 : i32
    %dma_wait3A_53 = tpu.memref_slice %arg2[%arg0, %dma_wait3A_51, %dma_wait3A_52] : memref<2x10240x64xf32, #tpu.memory_space<hbm>> -> memref<1x10240x64xf32, #tpu.memory_space<hbm>>
    %dma_wait3A_54 = tpu.memref_squeeze %dma_wait3A_53 : memref<1x10240x64xf32, #tpu.memory_space<hbm>> -> memref<10240x64xf32, #tpu.memory_space<hbm>>
    %dma_wait3A_55 = arith.constant 0 : i32
    %dma_wait3A_56 = tpu.memref_slice %dma_wait3A_54[%mul3A_0, %dma_wait3A_55] : memref<10240x64xf32, #tpu.memory_space<hbm>> -> memref<640x64xf32, #tpu.memory_space<hbm>>
    tpu.wait_dma2 semaphore(%arg16 : memref<!tpu.dma_semaphore, #tpu.memory_space<semaphore_mem>>) src(%dma_wait3A_56 : memref<640x64xf32, #tpu.memory_space<hbm>>) dst(%dma_wait3A_50 : memref<640x64xf32, #tpu.memory_space<vmem_shared>>)
    %dma_wait3A_57 = arith.constant 0 : i32
    %dma_wait3A_58 = tpu.memref_slice %arg7[%mul3A_0, %dma_wait3A_57] : memref<10240x64xf32, #tpu.memory_space<vmem_shared>> -> memref<640x64xf32, #tpu.memory_space<vmem_shared>>
    %dma_wait3A_59 = arith.constant 0 : i32
    %dma_wait3A_60 = arith.constant 0 : i32
    %dma_wait3A_61 = tpu.memref_slice %arg2[%arg0, %dma_wait3A_59, %dma_wait3A_60] : memref<2x10240x64xf32, #tpu.memory_space<hbm>> -> memref<1x10240x64xf32, #tpu.memory_space<hbm>>
    %dma_wait3A_62 = tpu.memref_squeeze %dma_wait3A_61 : memref<1x10240x64xf32, #tpu.memory_space<hbm>> -> memref<10240x64xf32, #tpu.memory_space<hbm>>
    %dma_wait3A_63 = arith.constant 0 : i32
    %dma_wait3A_64 = tpu.memref_slice %dma_wait3A_62[%mul3A_0, %dma_wait3A_63] : memref<10240x64xf32, #tpu.memory_space<hbm>> -> memref<640x64xf32, #tpu.memory_space<hbm>>
    tpu.wait_dma2 semaphore(%arg17 : memref<!tpu.dma_semaphore, #tpu.memory_space<semaphore_mem>>) src(%dma_wait3A_64 : memref<640x64xf32, #tpu.memory_space<hbm>>) dst(%dma_wait3A_58 : memref<640x64xf32, #tpu.memory_space<vmem_shared>>)
    %barrier3A = arith.constant 0 : index
    tpu.barrier barrier_id(%barrier3A)
    %dma_wait3A_65 = arith.constant 0 : i32
    %dma_wait3A_66 = arith.constant 0 : i32
    %dma_wait3A_67 = arith.constant 0 : i32
    %dma_wait3A_68 = tpu.memref_slice %arg3[%arg1, %dma_wait3A_66, %dma_wait3A_67] : memref<16x2x10496xi32, #tpu.memory_space<hbm>> -> memref<1x2x10496xi32, #tpu.memory_space<hbm>>
    %dma_wait3A_69 = tpu.memref_squeeze %dma_wait3A_68 : memref<1x2x10496xi32, #tpu.memory_space<hbm>> -> memref<2x10496xi32, #tpu.memory_space<hbm>>
    %dma_wait3A_70 = arith.constant 0 : i32
    %dma_wait3A_71 = tpu.memref_slice %dma_wait3A_69[%dma_wait3A_65, %dma_wait3A_70] : memref<2x10496xi32, #tpu.memory_space<hbm>> -> memref<1x10496xi32, #tpu.memory_space<hbm>>
    %dma_wait3A_72 = tpu.memref_squeeze %dma_wait3A_71 : memref<1x10496xi32, #tpu.memory_space<hbm>> -> memref<10496xi32, #tpu.memory_space<hbm>>
    %dma_wait3A_73 = arith.constant 0 : i32
    %dma_wait3A_74 = arith.constant 0 : i32
    %dma_wait3A_75 = tpu.memref_slice %arg3[%arg1, %dma_wait3A_73, %dma_wait3A_74] : memref<16x2x10496xi32, #tpu.memory_space<hbm>> -> memref<1x2x10496xi32, #tpu.memory_space<hbm>>
    %dma_wait3A_76 = tpu.memref_squeeze %dma_wait3A_75 : memref<1x2x10496xi32, #tpu.memory_space<hbm>> -> memref<2x10496xi32, #tpu.memory_space<hbm>>
    %dma_wait3A_77 = arith.constant 0 : i32
    %dma_wait3A_78 = tpu.memref_slice %dma_wait3A_76[%dma_wait3A_65, %dma_wait3A_77] : memref<2x10496xi32, #tpu.memory_space<hbm>> -> memref<1x10496xi32, #tpu.memory_space<hbm>>
    %dma_wait3A_79 = tpu.memref_squeeze %dma_wait3A_78 : memref<1x10496xi32, #tpu.memory_space<hbm>> -> memref<10496xi32, #tpu.memory_space<hbm>>
    tpu.wait_dma2 semaphore(%arg13 : memref<!tpu.dma_semaphore, #tpu.memory_space<semaphore_mem>>) src(%dma_wait3A_79 : memref<10496xi32, #tpu.memory_space<hbm>>) dst(%arg8 : memref<10496xi32, #tpu.memory_space<vmem>>)
    %dma_wait3A_80 = arith.constant 0 : i32
    %dma_wait3A_81 = arith.constant 0 : i32
    %dma_wait3A_82 = arith.constant 0 : i32
    %dma_wait3A_83 = arith.constant 0 : i32
    %dma_wait3A_84 = tpu.memref_slice %arg4[%arg1, %dma_wait3A_81, %dma_wait3A_82, %dma_wait3A_83] : memref<16x2x80x128xi32, #tpu.memory_space<hbm>> -> memref<1x2x80x128xi32, #tpu.memory_space<hbm>>
    %dma_wait3A_85 = tpu.memref_squeeze %dma_wait3A_84 : memref<1x2x80x128xi32, #tpu.memory_space<hbm>> -> memref<2x80x128xi32, #tpu.memory_space<hbm>>
    %dma_wait3A_86 = arith.constant 0 : i32
    %dma_wait3A_87 = arith.constant 0 : i32
    %dma_wait3A_88 = tpu.memref_slice %dma_wait3A_85[%dma_wait3A_80, %dma_wait3A_86, %dma_wait3A_87] : memref<2x80x128xi32, #tpu.memory_space<hbm>> -> memref<1x80x128xi32, #tpu.memory_space<hbm>>
    %dma_wait3A_89 = tpu.memref_squeeze %dma_wait3A_88 : memref<1x80x128xi32, #tpu.memory_space<hbm>> -> memref<80x128xi32, #tpu.memory_space<hbm>>
    %dma_wait3A_90 = arith.constant 0 : i32
    %dma_wait3A_91 = arith.constant 0 : i32
    %dma_wait3A_92 = arith.constant 0 : i32
    %dma_wait3A_93 = tpu.memref_slice %arg4[%arg1, %dma_wait3A_90, %dma_wait3A_91, %dma_wait3A_92] : memref<16x2x80x128xi32, #tpu.memory_space<hbm>> -> memref<1x2x80x128xi32, #tpu.memory_space<hbm>>
    %dma_wait3A_94 = tpu.memref_squeeze %dma_wait3A_93 : memref<1x2x80x128xi32, #tpu.memory_space<hbm>> -> memref<2x80x128xi32, #tpu.memory_space<hbm>>
    %dma_wait3A_95 = arith.constant 0 : i32
    %dma_wait3A_96 = arith.constant 0 : i32
    %dma_wait3A_97 = tpu.memref_slice %dma_wait3A_94[%dma_wait3A_80, %dma_wait3A_95, %dma_wait3A_96] : memref<2x80x128xi32, #tpu.memory_space<hbm>> -> memref<1x80x128xi32, #tpu.memory_space<hbm>>
    %dma_wait3A_98 = tpu.memref_squeeze %dma_wait3A_97 : memref<1x80x128xi32, #tpu.memory_space<hbm>> -> memref<80x128xi32, #tpu.memory_space<hbm>>
    tpu.wait_dma2 semaphore(%arg14 : memref<!tpu.dma_semaphore, #tpu.memory_space<semaphore_mem>>) src(%dma_wait3A_98 : memref<80x128xi32, #tpu.memory_space<hbm>>) dst(%arg9 : memref<80x128xi32, #tpu.memory_space<vmem>>)
    %dma_start3A_99 = arith.constant 0 : i32
    %dma_start3A_100 = tpu.memref_slice %arg8[%dma_start3A_99] : memref<10496xi32, #tpu.memory_space<vmem>> -> memref<128xi32, #tpu.memory_space<vmem>>
    %dma_start3A_101 = arith.constant 0 : i32
    %dma_start3A_102 = arith.constant 0 : i32
    %dma_start3A_103 = tpu.memref_slice %arg7[%dma_start3A_101, %dma_start3A_102] : memref<10240x64xf32, #tpu.memory_space<vmem_shared>> -> memref<10240x64xf32, #tpu.memory_space<vmem_shared>>
    tpu.enqueue_indirect_dma source(%dma_start3A_103 : memref<10240x64xf32, #tpu.memory_space<vmem_shared>>) target(%arg10 : memref<128x64xf32, #tpu.memory_space<vmem>>) offsets(%dma_start3A_100 : memref<128xi32, #tpu.memory_space<vmem>>) semaphore(%arg13 : memref<!tpu.dma_semaphore, #tpu.memory_space<semaphore_mem>>)
    %dma_start3A_104 = arith.constant 128 : i32
    %dma_start3A_105 = tpu.memref_slice %arg8[%dma_start3A_104] : memref<10496xi32, #tpu.memory_space<vmem>> -> memref<128xi32, #tpu.memory_space<vmem>>
    %dma_start3A_106 = arith.constant 0 : i32
    %dma_start3A_107 = arith.constant 0 : i32
    %dma_start3A_108 = tpu.memref_slice %arg7[%dma_start3A_106, %dma_start3A_107] : memref<10240x64xf32, #tpu.memory_space<vmem_shared>> -> memref<10240x64xf32, #tpu.memory_space<vmem_shared>>
    tpu.enqueue_indirect_dma source(%dma_start3A_108 : memref<10240x64xf32, #tpu.memory_space<vmem_shared>>) target(%arg11 : memref<128x64xf32, #tpu.memory_space<vmem>>) offsets(%dma_start3A_105 : memref<128xi32, #tpu.memory_space<vmem>>) semaphore(%arg14 : memref<!tpu.dma_semaphore, #tpu.memory_space<semaphore_mem>>)
    %dma_wait3A_109 = arith.constant 0 : i32
    %dma_wait3A_110 = tpu.memref_slice %arg8[%dma_wait3A_109] : memref<10496xi32, #tpu.memory_space<vmem>> -> memref<128xi32, #tpu.memory_space<vmem>>
    %dma_wait3A_111 = arith.constant 0 : i32
    %dma_wait3A_112 = arith.constant 0 : i32
    %dma_wait3A_113 = tpu.memref_slice %arg7[%dma_wait3A_111, %dma_wait3A_112] : memref<10240x64xf32, #tpu.memory_space<vmem_shared>> -> memref<10240x64xf32, #tpu.memory_space<vmem_shared>>
    tpu.wait_indirect_dma semaphore(%arg13 : memref<!tpu.dma_semaphore, #tpu.memory_space<semaphore_mem>>) src(%dma_wait3A_113 : memref<10240x64xf32, #tpu.memory_space<vmem_shared>>) dst(%arg10 : memref<128x64xf32, #tpu.memory_space<vmem>>)
    %dma_start3A_114 = arith.constant 0 : i32
    %dma_start3A_115 = arith.constant 0 : i32
    %dma_start3A_116 = tpu.memref_slice %arg9[%dma_start3A_114, %dma_start3A_115] : memref<80x128xi32, #tpu.memory_space<vmem>> -> memref<1x128xi32, #tpu.memory_space<vmem>>
    %dma_start3A_117 = tpu.memref_squeeze %dma_start3A_116 : memref<1x128xi32, #tpu.memory_space<vmem>> -> memref<128xi32, #tpu.memory_space<vmem>>
    %dma_start3A_118 = arith.constant 0 : i32
    %dma_start3A_119 = arith.constant 0 : i32
    %dma_start3A_120 = tpu.memref_slice %arg6[%dma_start3A_118, %dma_start3A_119] : memref<10240x64xf32, #tpu.memory_space<vmem_shared>> -> memref<10240x64xf32, #tpu.memory_space<vmem_shared>>
    tpu.enqueue_indirect_dma source(%arg10 : memref<128x64xf32, #tpu.memory_space<vmem>>) target(%dma_start3A_120 : memref<10240x64xf32, #tpu.memory_space<vmem_shared>>) offsets(%dma_start3A_117 : memref<128xi32, #tpu.memory_space<vmem>>) semaphore(%arg16 : memref<!tpu.dma_semaphore, #tpu.memory_space<semaphore_mem>>) {add = true}
    %dma_start3A_121 = arith.constant 256 : i32
    %dma_start3A_122 = tpu.memref_slice %arg8[%dma_start3A_121] : memref<10496xi32, #tpu.memory_space<vmem>> -> memref<128xi32, #tpu.memory_space<vmem>>
    %dma_start3A_123 = arith.constant 0 : i32
    %dma_start3A_124 = arith.constant 0 : i32
    %dma_start3A_125 = tpu.memref_slice %arg7[%dma_start3A_123, %dma_start3A_124] : memref<10240x64xf32, #tpu.memory_space<vmem_shared>> -> memref<10240x64xf32, #tpu.memory_space<vmem_shared>>
    tpu.enqueue_indirect_dma source(%dma_start3A_125 : memref<10240x64xf32, #tpu.memory_space<vmem_shared>>) target(%arg12 : memref<128x64xf32, #tpu.memory_space<vmem>>) offsets(%dma_start3A_122 : memref<128xi32, #tpu.memory_space<vmem>>) semaphore(%arg15 : memref<!tpu.dma_semaphore, #tpu.memory_space<semaphore_mem>>)
    %dma_wait3A_126 = arith.constant 0 : i32
    %dma_wait3A_127 = tpu.memref_slice %arg8[%dma_wait3A_126] : memref<10496xi32, #tpu.memory_space<vmem>> -> memref<128xi32, #tpu.memory_space<vmem>>
    %dma_wait3A_128 = arith.constant 0 : i32
    %dma_wait3A_129 = arith.constant 0 : i32
    %dma_wait3A_130 = tpu.memref_slice %arg7[%dma_wait3A_128, %dma_wait3A_129] : memref<10240x64xf32, #tpu.memory_space<vmem_shared>> -> memref<10240x64xf32, #tpu.memory_space<vmem_shared>>
    tpu.wait_indirect_dma semaphore(%arg14 : memref<!tpu.dma_semaphore, #tpu.memory_space<semaphore_mem>>) src(%dma_wait3A_130 : memref<10240x64xf32, #tpu.memory_space<vmem_shared>>) dst(%arg11 : memref<128x64xf32, #tpu.memory_space<vmem>>)
    %dma_start3A_131 = arith.constant 1 : i32
    %dma_start3A_132 = arith.constant 0 : i32
    %dma_start3A_133 = tpu.memref_slice %arg9[%dma_start3A_131, %dma_start3A_132] : memref<80x128xi32, #tpu.memory_space<vmem>> -> memref<1x128xi32, #tpu.memory_space<vmem>>
    %dma_start3A_134 = tpu.memref_squeeze %dma_start3A_133 : memref<1x128xi32, #tpu.memory_space<vmem>> -> memref<128xi32, #tpu.memory_space<vmem>>
    %dma_start3A_135 = arith.constant 0 : i32
    %dma_start3A_136 = arith.constant 0 : i32
    %dma_start3A_137 = tpu.memref_slice %arg6[%dma_start3A_135, %dma_start3A_136] : memref<10240x64xf32, #tpu.memory_space<vmem_shared>> -> memref<10240x64xf32, #tpu.memory_space<vmem_shared>>
    tpu.enqueue_indirect_dma source(%arg11 : memref<128x64xf32, #tpu.memory_space<vmem>>) target(%dma_start3A_137 : memref<10240x64xf32, #tpu.memory_space<vmem_shared>>) offsets(%dma_start3A_134 : memref<128xi32, #tpu.memory_space<vmem>>) semaphore(%arg17 : memref<!tpu.dma_semaphore, #tpu.memory_space<semaphore_mem>>) {add = true}
    %dma_wait3A_138 = arith.constant 0 : i32
    %dma_wait3A_139 = arith.constant 0 : i32
    %dma_wait3A_140 = tpu.memref_slice %arg9[%dma_wait3A_138, %dma_wait3A_139] : memref<80x128xi32, #tpu.memory_space<vmem>> -> memref<1x128xi32, #tpu.memory_space<vmem>>
    %dma_wait3A_141 = tpu.memref_squeeze %dma_wait3A_140 : memref<1x128xi32, #tpu.memory_space<vmem>> -> memref<128xi32, #tpu.memory_space<vmem>>
    %dma_wait3A_142 = arith.constant 0 : i32
    %dma_wait3A_143 = arith.constant 0 : i32
    %dma_wait3A_144 = tpu.memref_slice %arg6[%dma_wait3A_142, %dma_wait3A_143] : memref<10240x64xf32, #tpu.memory_space<vmem_shared>> -> memref<10240x64xf32, #tpu.memory_space<vmem_shared>>
    tpu.wait_indirect_dma semaphore(%arg16 : memref<!tpu.dma_semaphore, #tpu.memory_space<semaphore_mem>>) src(%arg10 : memref<128x64xf32, #tpu.memory_space<vmem>>) dst(%dma_wait3A_144 : memref<10240x64xf32, #tpu.memory_space<vmem_shared>>)
    %dma_start3A_145 = arith.constant 384 : i32
    %dma_start3A_146 = tpu.memref_slice %arg8[%dma_start3A_145] : memref<10496xi32, #tpu.memory_space<vmem>> -> memref<128xi32, #tpu.memory_space<vmem>>
    %dma_start3A_147 = arith.constant 0 : i32
    %dma_start3A_148 = arith.constant 0 : i32
    %dma_start3A_149 = tpu.memref_slice %arg7[%dma_start3A_147, %dma_start3A_148] : memref<10240x64xf32, #tpu.memory_space<vmem_shared>> -> memref<10240x64xf32, #tpu.memory_space<vmem_shared>>
    tpu.enqueue_indirect_dma source(%dma_start3A_149 : memref<10240x64xf32, #tpu.memory_space<vmem_shared>>) target(%arg10 : memref<128x64xf32, #tpu.memory_space<vmem>>) offsets(%dma_start3A_146 : memref<128xi32, #tpu.memory_space<vmem>>) semaphore(%arg13 : memref<!tpu.dma_semaphore, #tpu.memory_space<semaphore_mem>>)
    %scan3A = arith.constant 0 : i32
    %scan3A_150 = arith.constant 0 : i32
    %scan3A_151 = arith.constant 13 : i32
    %scan3A_152 = arith.addi %scan3A_150, %scan3A_151 : i32
    %scan3A_153 = arith.constant 1 : i32
    scf.for %scan3A_248 = %scan3A_150 to %scan3A_152 step %scan3A_153  : i32 {
      %mul3A_249 = arith.constant 6 : i32
      %mul3A_250 = arith.muli %mul3A_249, %scan3A_248 : i32
      %add3A = arith.constant 2 : i32
      %add3A_251 = arith.addi %mul3A_250, %add3A : i32
      %add3A_252 = arith.constant 0 : i32
      %add3A_253 = arith.addi %add3A_251, %add3A_252 : i32
      %dma_wait3A_254 = arith.constant 0 : i32
      %dma_wait3A_255 = tpu.memref_slice %arg8[%dma_wait3A_254] : memref<10496xi32, #tpu.memory_space<vmem>> -> memref<128xi32, #tpu.memory_space<vmem>>
      %dma_wait3A_256 = arith.constant 0 : i32
      %dma_wait3A_257 = arith.constant 0 : i32
      %dma_wait3A_258 = tpu.memref_slice %arg7[%dma_wait3A_256, %dma_wait3A_257] : memref<10240x64xf32, #tpu.memory_space<vmem_shared>> -> memref<10240x64xf32, #tpu.memory_space<vmem_shared>>
      tpu.wait_indirect_dma semaphore(%arg15 : memref<!tpu.dma_semaphore, #tpu.memory_space<semaphore_mem>>) src(%dma_wait3A_258 : memref<10240x64xf32, #tpu.memory_space<vmem_shared>>) dst(%arg12 : memref<128x64xf32, #tpu.memory_space<vmem>>)
      %dma_start3A_259 = arith.constant 0 : i32
      %dma_start3A_260 = tpu.memref_slice %arg9[%add3A_253, %dma_start3A_259] : memref<80x128xi32, #tpu.memory_space<vmem>> -> memref<1x128xi32, #tpu.memory_space<vmem>>
      %dma_start3A_261 = tpu.memref_squeeze %dma_start3A_260 : memref<1x128xi32, #tpu.memory_space<vmem>> -> memref<128xi32, #tpu.memory_space<vmem>>
      %dma_start3A_262 = arith.constant 0 : i32
      %dma_start3A_263 = arith.constant 0 : i32
      %dma_start3A_264 = tpu.memref_slice %arg6[%dma_start3A_262, %dma_start3A_263] : memref<10240x64xf32, #tpu.memory_space<vmem_shared>> -> memref<10240x64xf32, #tpu.memory_space<vmem_shared>>
      tpu.enqueue_indirect_dma source(%arg12 : memref<128x64xf32, #tpu.memory_space<vmem>>) target(%dma_start3A_264 : memref<10240x64xf32, #tpu.memory_space<vmem_shared>>) offsets(%dma_start3A_261 : memref<128xi32, #tpu.memory_space<vmem>>) semaphore(%arg18 : memref<!tpu.dma_semaphore, #tpu.memory_space<semaphore_mem>>) {add = true}
      %dma_wait3A_265 = arith.constant 0 : i32
      %dma_wait3A_266 = arith.constant 0 : i32
      %dma_wait3A_267 = tpu.memref_slice %arg9[%dma_wait3A_265, %dma_wait3A_266] : memref<80x128xi32, #tpu.memory_space<vmem>> -> memref<1x128xi32, #tpu.memory_space<vmem>>
      %dma_wait3A_268 = tpu.memref_squeeze %dma_wait3A_267 : memref<1x128xi32, #tpu.memory_space<vmem>> -> memref<128xi32, #tpu.memory_space<vmem>>
      %dma_wait3A_269 = arith.constant 0 : i32
      %dma_wait3A_270 = arith.constant 0 : i32
      %dma_wait3A_271 = tpu.memref_slice %arg6[%dma_wait3A_269, %dma_wait3A_270] : memref<10240x64xf32, #tpu.memory_space<vmem_shared>> -> memref<10240x64xf32, #tpu.memory_space<vmem_shared>>
      tpu.wait_indirect_dma semaphore(%arg17 : memref<!tpu.dma_semaphore, #tpu.memory_space<semaphore_mem>>) src(%arg11 : memref<128x64xf32, #tpu.memory_space<vmem>>) dst(%dma_wait3A_271 : memref<10240x64xf32, #tpu.memory_space<vmem_shared>>)
      %add3A_272 = arith.constant 2 : i32
      %add3A_273 = arith.addi %add3A_253, %add3A_272 : i32
      %mul3A_274 = arith.constant 128 : i32
      %mul3A_275 = arith.muli %add3A_273, %mul3A_274 : i32
      %dma_start3A_276 = tpu.memref_slice %arg8[%mul3A_275] : memref<10496xi32, #tpu.memory_space<vmem>> -> memref<128xi32, #tpu.memory_space<vmem>>
      %dma_start3A_277 = arith.constant 0 : i32
      %dma_start3A_278 = arith.constant 0 : i32
      %dma_start3A_279 = tpu.memref_slice %arg7[%dma_start3A_277, %dma_start3A_278] : memref<10240x64xf32, #tpu.memory_space<vmem_shared>> -> memref<10240x64xf32, #tpu.memory_space<vmem_shared>>
      tpu.enqueue_indirect_dma source(%dma_start3A_279 : memref<10240x64xf32, #tpu.memory_space<vmem_shared>>) target(%arg11 : memref<128x64xf32, #tpu.memory_space<vmem>>) offsets(%dma_start3A_276 : memref<128xi32, #tpu.memory_space<vmem>>) semaphore(%arg14 : memref<!tpu.dma_semaphore, #tpu.memory_space<semaphore_mem>>)
      %mul3A_280 = arith.constant 6 : i32
      %mul3A_281 = arith.muli %mul3A_280, %scan3A_248 : i32
      %add3A_282 = arith.constant 2 : i32
      %add3A_283 = arith.addi %mul3A_281, %add3A_282 : i32
      %add3A_284 = arith.constant 1 : i32
      %add3A_285 = arith.addi %add3A_283, %add3A_284 : i32
      %dma_wait3A_286 = arith.constant 0 : i32
      %dma_wait3A_287 = tpu.memref_slice %arg8[%dma_wait3A_286] : memref<10496xi32, #tpu.memory_space<vmem>> -> memref<128xi32, #tpu.memory_space<vmem>>
      %dma_wait3A_288 = arith.constant 0 : i32
      %dma_wait3A_289 = arith.constant 0 : i32
      %dma_wait3A_290 = tpu.memref_slice %arg7[%dma_wait3A_288, %dma_wait3A_289] : memref<10240x64xf32, #tpu.memory_space<vmem_shared>> -> memref<10240x64xf32, #tpu.memory_space<vmem_shared>>
      tpu.wait_indirect_dma semaphore(%arg13 : memref<!tpu.dma_semaphore, #tpu.memory_space<semaphore_mem>>) src(%dma_wait3A_290 : memref<10240x64xf32, #tpu.memory_space<vmem_shared>>) dst(%arg10 : memref<128x64xf32, #tpu.memory_space<vmem>>)
      %dma_start3A_291 = arith.constant 0 : i32
      %dma_start3A_292 = tpu.memref_slice %arg9[%add3A_285, %dma_start3A_291] : memref<80x128xi32, #tpu.memory_space<vmem>> -> memref<1x128xi32, #tpu.memory_space<vmem>>
      %dma_start3A_293 = tpu.memref_squeeze %dma_start3A_292 : memref<1x128xi32, #tpu.memory_space<vmem>> -> memref<128xi32, #tpu.memory_space<vmem>>
      %dma_start3A_294 = arith.constant 0 : i32
      %dma_start3A_295 = arith.constant 0 : i32
      %dma_start3A_296 = tpu.memref_slice %arg6[%dma_start3A_294, %dma_start3A_295] : memref<10240x64xf32, #tpu.memory_space<vmem_shared>> -> memref<10240x64xf32, #tpu.memory_space<vmem_shared>>
      tpu.enqueue_indirect_dma source(%arg10 : memref<128x64xf32, #tpu.memory_space<vmem>>) target(%dma_start3A_296 : memref<10240x64xf32, #tpu.memory_space<vmem_shared>>) offsets(%dma_start3A_293 : memref<128xi32, #tpu.memory_space<vmem>>) semaphore(%arg16 : memref<!tpu.dma_semaphore, #tpu.memory_space<semaphore_mem>>) {add = true}
      %dma_wait3A_297 = arith.constant 0 : i32
      %dma_wait3A_298 = arith.constant 0 : i32
      %dma_wait3A_299 = tpu.memref_slice %arg9[%dma_wait3A_297, %dma_wait3A_298] : memref<80x128xi32, #tpu.memory_space<vmem>> -> memref<1x128xi32, #tpu.memory_space<vmem>>
      %dma_wait3A_300 = tpu.memref_squeeze %dma_wait3A_299 : memref<1x128xi32, #tpu.memory_space<vmem>> -> memref<128xi32, #tpu.memory_space<vmem>>
      %dma_wait3A_301 = arith.constant 0 : i32
      %dma_wait3A_302 = arith.constant 0 : i32
      %dma_wait3A_303 = tpu.memref_slice %arg6[%dma_wait3A_301, %dma_wait3A_302] : memref<10240x64xf32, #tpu.memory_space<vmem_shared>> -> memref<10240x64xf32, #tpu.memory_space<vmem_shared>>
      tpu.wait_indirect_dma semaphore(%arg18 : memref<!tpu.dma_semaphore, #tpu.memory_space<semaphore_mem>>) src(%arg12 : memref<128x64xf32, #tpu.memory_space<vmem>>) dst(%dma_wait3A_303 : memref<10240x64xf32, #tpu.memory_space<vmem_shared>>)
      %add3A_304 = arith.constant 2 : i32
      %add3A_305 = arith.addi %add3A_285, %add3A_304 : i32
      %mul3A_306 = arith.constant 128 : i32
      %mul3A_307 = arith.muli %add3A_305, %mul3A_306 : i32
      %dma_start3A_308 = tpu.memref_slice %arg8[%mul3A_307] : memref<10496xi32, #tpu.memory_space<vmem>> -> memref<128xi32, #tpu.memory_space<vmem>>
      %dma_start3A_309 = arith.constant 0 : i32
      %dma_start3A_310 = arith.constant 0 : i32
      %dma_start3A_311 = tpu.memref_slice %arg7[%dma_start3A_309, %dma_start3A_310] : memref<10240x64xf32, #tpu.memory_space<vmem_shared>> -> memref<10240x64xf32, #tpu.memory_space<vmem_shared>>
      tpu.enqueue_indirect_dma source(%dma_start3A_311 : memref<10240x64xf32, #tpu.memory_space<vmem_shared>>) target(%arg12 : memref<128x64xf32, #tpu.memory_space<vmem>>) offsets(%dma_start3A_308 : memref<128xi32, #tpu.memory_space<vmem>>) semaphore(%arg15 : memref<!tpu.dma_semaphore, #tpu.memory_space<semaphore_mem>>)
      %mul3A_312 = arith.constant 6 : i32
      %mul3A_313 = arith.muli %mul3A_312, %scan3A_248 : i32
      %add3A_314 = arith.constant 2 : i32
      %add3A_315 = arith.addi %mul3A_313, %add3A_314 : i32
      %add3A_316 = arith.constant 2 : i32
      %add3A_317 = arith.addi %add3A_315, %add3A_316 : i32
      %dma_wait3A_318 = arith.constant 0 : i32
      %dma_wait3A_319 = tpu.memref_slice %arg8[%dma_wait3A_318] : memref<10496xi32, #tpu.memory_space<vmem>> -> memref<128xi32, #tpu.memory_space<vmem>>
      %dma_wait3A_320 = arith.constant 0 : i32
      %dma_wait3A_321 = arith.constant 0 : i32
      %dma_wait3A_322 = tpu.memref_slice %arg7[%dma_wait3A_320, %dma_wait3A_321] : memref<10240x64xf32, #tpu.memory_space<vmem_shared>> -> memref<10240x64xf32, #tpu.memory_space<vmem_shared>>
      tpu.wait_indirect_dma semaphore(%arg14 : memref<!tpu.dma_semaphore, #tpu.memory_space<semaphore_mem>>) src(%dma_wait3A_322 : memref<10240x64xf32, #tpu.memory_space<vmem_shared>>) dst(%arg11 : memref<128x64xf32, #tpu.memory_space<vmem>>)
      %dma_start3A_323 = arith.constant 0 : i32
      %dma_start3A_324 = tpu.memref_slice %arg9[%add3A_317, %dma_start3A_323] : memref<80x128xi32, #tpu.memory_space<vmem>> -> memref<1x128xi32, #tpu.memory_space<vmem>>
      %dma_start3A_325 = tpu.memref_squeeze %dma_start3A_324 : memref<1x128xi32, #tpu.memory_space<vmem>> -> memref<128xi32, #tpu.memory_space<vmem>>
      %dma_start3A_326 = arith.constant 0 : i32
      %dma_start3A_327 = arith.constant 0 : i32
      %dma_start3A_328 = tpu.memref_slice %arg6[%dma_start3A_326, %dma_start3A_327] : memref<10240x64xf32, #tpu.memory_space<vmem_shared>> -> memref<10240x64xf32, #tpu.memory_space<vmem_shared>>
      tpu.enqueue_indirect_dma source(%arg11 : memref<128x64xf32, #tpu.memory_space<vmem>>) target(%dma_start3A_328 : memref<10240x64xf32, #tpu.memory_space<vmem_shared>>) offsets(%dma_start3A_325 : memref<128xi32, #tpu.memory_space<vmem>>) semaphore(%arg17 : memref<!tpu.dma_semaphore, #tpu.memory_space<semaphore_mem>>) {add = true}
      %dma_wait3A_329 = arith.constant 0 : i32
      %dma_wait3A_330 = arith.constant 0 : i32
      %dma_wait3A_331 = tpu.memref_slice %arg9[%dma_wait3A_329, %dma_wait3A_330] : memref<80x128xi32, #tpu.memory_space<vmem>> -> memref<1x128xi32, #tpu.memory_space<vmem>>
      %dma_wait3A_332 = tpu.memref_squeeze %dma_wait3A_331 : memref<1x128xi32, #tpu.memory_space<vmem>> -> memref<128xi32, #tpu.memory_space<vmem>>
      %dma_wait3A_333 = arith.constant 0 : i32
      %dma_wait3A_334 = arith.constant 0 : i32
      %dma_wait3A_335 = tpu.memref_slice %arg6[%dma_wait3A_333, %dma_wait3A_334] : memref<10240x64xf32, #tpu.memory_space<vmem_shared>> -> memref<10240x64xf32, #tpu.memory_space<vmem_shared>>
      tpu.wait_indirect_dma semaphore(%arg16 : memref<!tpu.dma_semaphore, #tpu.memory_space<semaphore_mem>>) src(%arg10 : memref<128x64xf32, #tpu.memory_space<vmem>>) dst(%dma_wait3A_335 : memref<10240x64xf32, #tpu.memory_space<vmem_shared>>)
      %add3A_336 = arith.constant 2 : i32
      %add3A_337 = arith.addi %add3A_317, %add3A_336 : i32
      %mul3A_338 = arith.constant 128 : i32
      %mul3A_339 = arith.muli %add3A_337, %mul3A_338 : i32
      %dma_start3A_340 = tpu.memref_slice %arg8[%mul3A_339] : memref<10496xi32, #tpu.memory_space<vmem>> -> memref<128xi32, #tpu.memory_space<vmem>>
      %dma_start3A_341 = arith.constant 0 : i32
      %dma_start3A_342 = arith.constant 0 : i32
      %dma_start3A_343 = tpu.memref_slice %arg7[%dma_start3A_341, %dma_start3A_342] : memref<10240x64xf32, #tpu.memory_space<vmem_shared>> -> memref<10240x64xf32, #tpu.memory_space<vmem_shared>>
      tpu.enqueue_indirect_dma source(%dma_start3A_343 : memref<10240x64xf32, #tpu.memory_space<vmem_shared>>) target(%arg10 : memref<128x64xf32, #tpu.memory_space<vmem>>) offsets(%dma_start3A_340 : memref<128xi32, #tpu.memory_space<vmem>>) semaphore(%arg13 : memref<!tpu.dma_semaphore, #tpu.memory_space<semaphore_mem>>)
      %mul3A_344 = arith.constant 6 : i32
      %mul3A_345 = arith.muli %mul3A_344, %scan3A_248 : i32
      %add3A_346 = arith.constant 2 : i32
      %add3A_347 = arith.addi %mul3A_345, %add3A_346 : i32
      %add3A_348 = arith.constant 3 : i32
      %add3A_349 = arith.addi %add3A_347, %add3A_348 : i32
      %dma_wait3A_350 = arith.constant 0 : i32
      %dma_wait3A_351 = tpu.memref_slice %arg8[%dma_wait3A_350] : memref<10496xi32, #tpu.memory_space<vmem>> -> memref<128xi32, #tpu.memory_space<vmem>>
      %dma_wait3A_352 = arith.constant 0 : i32
      %dma_wait3A_353 = arith.constant 0 : i32
      %dma_wait3A_354 = tpu.memref_slice %arg7[%dma_wait3A_352, %dma_wait3A_353] : memref<10240x64xf32, #tpu.memory_space<vmem_shared>> -> memref<10240x64xf32, #tpu.memory_space<vmem_shared>>
      tpu.wait_indirect_dma semaphore(%arg15 : memref<!tpu.dma_semaphore, #tpu.memory_space<semaphore_mem>>) src(%dma_wait3A_354 : memref<10240x64xf32, #tpu.memory_space<vmem_shared>>) dst(%arg12 : memref<128x64xf32, #tpu.memory_space<vmem>>)
      %dma_start3A_355 = arith.constant 0 : i32
      %dma_start3A_356 = tpu.memref_slice %arg9[%add3A_349, %dma_start3A_355] : memref<80x128xi32, #tpu.memory_space<vmem>> -> memref<1x128xi32, #tpu.memory_space<vmem>>
      %dma_start3A_357 = tpu.memref_squeeze %dma_start3A_356 : memref<1x128xi32, #tpu.memory_space<vmem>> -> memref<128xi32, #tpu.memory_space<vmem>>
      %dma_start3A_358 = arith.constant 0 : i32
      %dma_start3A_359 = arith.constant 0 : i32
      %dma_start3A_360 = tpu.memref_slice %arg6[%dma_start3A_358, %dma_start3A_359] : memref<10240x64xf32, #tpu.memory_space<vmem_shared>> -> memref<10240x64xf32, #tpu.memory_space<vmem_shared>>
      tpu.enqueue_indirect_dma source(%arg12 : memref<128x64xf32, #tpu.memory_space<vmem>>) target(%dma_start3A_360 : memref<10240x64xf32, #tpu.memory_space<vmem_shared>>) offsets(%dma_start3A_357 : memref<128xi32, #tpu.memory_space<vmem>>) semaphore(%arg18 : memref<!tpu.dma_semaphore, #tpu.memory_space<semaphore_mem>>) {add = true}
      %dma_wait3A_361 = arith.constant 0 : i32
      %dma_wait3A_362 = arith.constant 0 : i32
      %dma_wait3A_363 = tpu.memref_slice %arg9[%dma_wait3A_361, %dma_wait3A_362] : memref<80x128xi32, #tpu.memory_space<vmem>> -> memref<1x128xi32, #tpu.memory_space<vmem>>
      %dma_wait3A_364 = tpu.memref_squeeze %dma_wait3A_363 : memref<1x128xi32, #tpu.memory_space<vmem>> -> memref<128xi32, #tpu.memory_space<vmem>>
      %dma_wait3A_365 = arith.constant 0 : i32
      %dma_wait3A_366 = arith.constant 0 : i32
      %dma_wait3A_367 = tpu.memref_slice %arg6[%dma_wait3A_365, %dma_wait3A_366] : memref<10240x64xf32, #tpu.memory_space<vmem_shared>> -> memref<10240x64xf32, #tpu.memory_space<vmem_shared>>
      tpu.wait_indirect_dma semaphore(%arg17 : memref<!tpu.dma_semaphore, #tpu.memory_space<semaphore_mem>>) src(%arg11 : memref<128x64xf32, #tpu.memory_space<vmem>>) dst(%dma_wait3A_367 : memref<10240x64xf32, #tpu.memory_space<vmem_shared>>)
      %add3A_368 = arith.constant 2 : i32
      %add3A_369 = arith.addi %add3A_349, %add3A_368 : i32
      %mul3A_370 = arith.constant 128 : i32
      %mul3A_371 = arith.muli %add3A_369, %mul3A_370 : i32
      %dma_start3A_372 = tpu.memref_slice %arg8[%mul3A_371] : memref<10496xi32, #tpu.memory_space<vmem>> -> memref<128xi32, #tpu.memory_space<vmem>>
      %dma_start3A_373 = arith.constant 0 : i32
      %dma_start3A_374 = arith.constant 0 : i32
      %dma_start3A_375 = tpu.memref_slice %arg7[%dma_start3A_373, %dma_start3A_374] : memref<10240x64xf32, #tpu.memory_space<vmem_shared>> -> memref<10240x64xf32, #tpu.memory_space<vmem_shared>>
      tpu.enqueue_indirect_dma source(%dma_start3A_375 : memref<10240x64xf32, #tpu.memory_space<vmem_shared>>) target(%arg11 : memref<128x64xf32, #tpu.memory_space<vmem>>) offsets(%dma_start3A_372 : memref<128xi32, #tpu.memory_space<vmem>>) semaphore(%arg14 : memref<!tpu.dma_semaphore, #tpu.memory_space<semaphore_mem>>)
      %mul3A_376 = arith.constant 6 : i32
      %mul3A_377 = arith.muli %mul3A_376, %scan3A_248 : i32
      %add3A_378 = arith.constant 2 : i32
      %add3A_379 = arith.addi %mul3A_377, %add3A_378 : i32
      %add3A_380 = arith.constant 4 : i32
      %add3A_381 = arith.addi %add3A_379, %add3A_380 : i32
      %dma_wait3A_382 = arith.constant 0 : i32
      %dma_wait3A_383 = tpu.memref_slice %arg8[%dma_wait3A_382] : memref<10496xi32, #tpu.memory_space<vmem>> -> memref<128xi32, #tpu.memory_space<vmem>>
      %dma_wait3A_384 = arith.constant 0 : i32
      %dma_wait3A_385 = arith.constant 0 : i32
      %dma_wait3A_386 = tpu.memref_slice %arg7[%dma_wait3A_384, %dma_wait3A_385] : memref<10240x64xf32, #tpu.memory_space<vmem_shared>> -> memref<10240x64xf32, #tpu.memory_space<vmem_shared>>
      tpu.wait_indirect_dma semaphore(%arg13 : memref<!tpu.dma_semaphore, #tpu.memory_space<semaphore_mem>>) src(%dma_wait3A_386 : memref<10240x64xf32, #tpu.memory_space<vmem_shared>>) dst(%arg10 : memref<128x64xf32, #tpu.memory_space<vmem>>)
      %dma_start3A_387 = arith.constant 0 : i32
      %dma_start3A_388 = tpu.memref_slice %arg9[%add3A_381, %dma_start3A_387] : memref<80x128xi32, #tpu.memory_space<vmem>> -> memref<1x128xi32, #tpu.memory_space<vmem>>
      %dma_start3A_389 = tpu.memref_squeeze %dma_start3A_388 : memref<1x128xi32, #tpu.memory_space<vmem>> -> memref<128xi32, #tpu.memory_space<vmem>>
      %dma_start3A_390 = arith.constant 0 : i32
      %dma_start3A_391 = arith.constant 0 : i32
      %dma_start3A_392 = tpu.memref_slice %arg6[%dma_start3A_390, %dma_start3A_391] : memref<10240x64xf32, #tpu.memory_space<vmem_shared>> -> memref<10240x64xf32, #tpu.memory_space<vmem_shared>>
      tpu.enqueue_indirect_dma source(%arg10 : memref<128x64xf32, #tpu.memory_space<vmem>>) target(%dma_start3A_392 : memref<10240x64xf32, #tpu.memory_space<vmem_shared>>) offsets(%dma_start3A_389 : memref<128xi32, #tpu.memory_space<vmem>>) semaphore(%arg16 : memref<!tpu.dma_semaphore, #tpu.memory_space<semaphore_mem>>) {add = true}
      %dma_wait3A_393 = arith.constant 0 : i32
      %dma_wait3A_394 = arith.constant 0 : i32
      %dma_wait3A_395 = tpu.memref_slice %arg9[%dma_wait3A_393, %dma_wait3A_394] : memref<80x128xi32, #tpu.memory_space<vmem>> -> memref<1x128xi32, #tpu.memory_space<vmem>>
      %dma_wait3A_396 = tpu.memref_squeeze %dma_wait3A_395 : memref<1x128xi32, #tpu.memory_space<vmem>> -> memref<128xi32, #tpu.memory_space<vmem>>
      %dma_wait3A_397 = arith.constant 0 : i32
      %dma_wait3A_398 = arith.constant 0 : i32
      %dma_wait3A_399 = tpu.memref_slice %arg6[%dma_wait3A_397, %dma_wait3A_398] : memref<10240x64xf32, #tpu.memory_space<vmem_shared>> -> memref<10240x64xf32, #tpu.memory_space<vmem_shared>>
      tpu.wait_indirect_dma semaphore(%arg18 : memref<!tpu.dma_semaphore, #tpu.memory_space<semaphore_mem>>) src(%arg12 : memref<128x64xf32, #tpu.memory_space<vmem>>) dst(%dma_wait3A_399 : memref<10240x64xf32, #tpu.memory_space<vmem_shared>>)
      %add3A_400 = arith.constant 2 : i32
      %add3A_401 = arith.addi %add3A_381, %add3A_400 : i32
      %mul3A_402 = arith.constant 128 : i32
      %mul3A_403 = arith.muli %add3A_401, %mul3A_402 : i32
      %dma_start3A_404 = tpu.memref_slice %arg8[%mul3A_403] : memref<10496xi32, #tpu.memory_space<vmem>> -> memref<128xi32, #tpu.memory_space<vmem>>
      %dma_start3A_405 = arith.constant 0 : i32
      %dma_start3A_406 = arith.constant 0 : i32
      %dma_start3A_407 = tpu.memref_slice %arg7[%dma_start3A_405, %dma_start3A_406] : memref<10240x64xf32, #tpu.memory_space<vmem_shared>> -> memref<10240x64xf32, #tpu.memory_space<vmem_shared>>
      tpu.enqueue_indirect_dma source(%dma_start3A_407 : memref<10240x64xf32, #tpu.memory_space<vmem_shared>>) target(%arg12 : memref<128x64xf32, #tpu.memory_space<vmem>>) offsets(%dma_start3A_404 : memref<128xi32, #tpu.memory_space<vmem>>) semaphore(%arg15 : memref<!tpu.dma_semaphore, #tpu.memory_space<semaphore_mem>>)
      %mul3A_408 = arith.constant 6 : i32
      %mul3A_409 = arith.muli %mul3A_408, %scan3A_248 : i32
      %add3A_410 = arith.constant 2 : i32
      %add3A_411 = arith.addi %mul3A_409, %add3A_410 : i32
      %add3A_412 = arith.constant 5 : i32
      %add3A_413 = arith.addi %add3A_411, %add3A_412 : i32
      %dma_wait3A_414 = arith.constant 0 : i32
      %dma_wait3A_415 = tpu.memref_slice %arg8[%dma_wait3A_414] : memref<10496xi32, #tpu.memory_space<vmem>> -> memref<128xi32, #tpu.memory_space<vmem>>
      %dma_wait3A_416 = arith.constant 0 : i32
      %dma_wait3A_417 = arith.constant 0 : i32
      %dma_wait3A_418 = tpu.memref_slice %arg7[%dma_wait3A_416, %dma_wait3A_417] : memref<10240x64xf32, #tpu.memory_space<vmem_shared>> -> memref<10240x64xf32, #tpu.memory_space<vmem_shared>>
      tpu.wait_indirect_dma semaphore(%arg14 : memref<!tpu.dma_semaphore, #tpu.memory_space<semaphore_mem>>) src(%dma_wait3A_418 : memref<10240x64xf32, #tpu.memory_space<vmem_shared>>) dst(%arg11 : memref<128x64xf32, #tpu.memory_space<vmem>>)
      %dma_start3A_419 = arith.constant 0 : i32
      %dma_start3A_420 = tpu.memref_slice %arg9[%add3A_413, %dma_start3A_419] : memref<80x128xi32, #tpu.memory_space<vmem>> -> memref<1x128xi32, #tpu.memory_space<vmem>>
      %dma_start3A_421 = tpu.memref_squeeze %dma_start3A_420 : memref<1x128xi32, #tpu.memory_space<vmem>> -> memref<128xi32, #tpu.memory_space<vmem>>
      %dma_start3A_422 = arith.constant 0 : i32
      %dma_start3A_423 = arith.constant 0 : i32
      %dma_start3A_424 = tpu.memref_slice %arg6[%dma_start3A_422, %dma_start3A_423] : memref<10240x64xf32, #tpu.memory_space<vmem_shared>> -> memref<10240x64xf32, #tpu.memory_space<vmem_shared>>
      tpu.enqueue_indirect_dma source(%arg11 : memref<128x64xf32, #tpu.memory_space<vmem>>) target(%dma_start3A_424 : memref<10240x64xf32, #tpu.memory_space<vmem_shared>>) offsets(%dma_start3A_421 : memref<128xi32, #tpu.memory_space<vmem>>) semaphore(%arg17 : memref<!tpu.dma_semaphore, #tpu.memory_space<semaphore_mem>>) {add = true}
      %dma_wait3A_425 = arith.constant 0 : i32
      %dma_wait3A_426 = arith.constant 0 : i32
      %dma_wait3A_427 = tpu.memref_slice %arg9[%dma_wait3A_425, %dma_wait3A_426] : memref<80x128xi32, #tpu.memory_space<vmem>> -> memref<1x128xi32, #tpu.memory_space<vmem>>
      %dma_wait3A_428 = tpu.memref_squeeze %dma_wait3A_427 : memref<1x128xi32, #tpu.memory_space<vmem>> -> memref<128xi32, #tpu.memory_space<vmem>>
      %dma_wait3A_429 = arith.constant 0 : i32
      %dma_wait3A_430 = arith.constant 0 : i32
      %dma_wait3A_431 = tpu.memref_slice %arg6[%dma_wait3A_429, %dma_wait3A_430] : memref<10240x64xf32, #tpu.memory_space<vmem_shared>> -> memref<10240x64xf32, #tpu.memory_space<vmem_shared>>
      tpu.wait_indirect_dma semaphore(%arg16 : memref<!tpu.dma_semaphore, #tpu.memory_space<semaphore_mem>>) src(%arg10 : memref<128x64xf32, #tpu.memory_space<vmem>>) dst(%dma_wait3A_431 : memref<10240x64xf32, #tpu.memory_space<vmem_shared>>)
      %add3A_432 = arith.constant 2 : i32
      %add3A_433 = arith.addi %add3A_413, %add3A_432 : i32
      %mul3A_434 = arith.constant 128 : i32
      %mul3A_435 = arith.muli %add3A_433, %mul3A_434 : i32
      %dma_start3A_436 = tpu.memref_slice %arg8[%mul3A_435] : memref<10496xi32, #tpu.memory_space<vmem>> -> memref<128xi32, #tpu.memory_space<vmem>>
      %dma_start3A_437 = arith.constant 0 : i32
      %dma_start3A_438 = arith.constant 0 : i32
      %dma_start3A_439 = tpu.memref_slice %arg7[%dma_start3A_437, %dma_start3A_438] : memref<10240x64xf32, #tpu.memory_space<vmem_shared>> -> memref<10240x64xf32, #tpu.memory_space<vmem_shared>>
      tpu.enqueue_indirect_dma source(%dma_start3A_439 : memref<10240x64xf32, #tpu.memory_space<vmem_shared>>) target(%arg10 : memref<128x64xf32, #tpu.memory_space<vmem>>) offsets(%dma_start3A_436 : memref<128xi32, #tpu.memory_space<vmem>>) semaphore(%arg13 : memref<!tpu.dma_semaphore, #tpu.memory_space<semaphore_mem>>)
    }
    %scan3A_154 = arith.constant 13 : i32
    %dma_wait3A_155 = arith.constant 0 : i32
    %dma_wait3A_156 = tpu.memref_slice %arg8[%dma_wait3A_155] : memref<10496xi32, #tpu.memory_space<vmem>> -> memref<128xi32, #tpu.memory_space<vmem>>
    %dma_wait3A_157 = arith.constant 0 : i32
    %dma_wait3A_158 = arith.constant 0 : i32
    %dma_wait3A_159 = tpu.memref_slice %arg7[%dma_wait3A_157, %dma_wait3A_158] : memref<10240x64xf32, #tpu.memory_space<vmem_shared>> -> memref<10240x64xf32, #tpu.memory_space<vmem_shared>>
    tpu.wait_indirect_dma semaphore(%arg15 : memref<!tpu.dma_semaphore, #tpu.memory_space<semaphore_mem>>) src(%dma_wait3A_159 : memref<10240x64xf32, #tpu.memory_space<vmem_shared>>) dst(%arg12 : memref<128x64xf32, #tpu.memory_space<vmem>>)
    %dma_wait3A_160 = arith.constant 0 : i32
    %dma_wait3A_161 = tpu.memref_slice %arg8[%dma_wait3A_160] : memref<10496xi32, #tpu.memory_space<vmem>> -> memref<128xi32, #tpu.memory_space<vmem>>
    %dma_wait3A_162 = arith.constant 0 : i32
    %dma_wait3A_163 = arith.constant 0 : i32
    %dma_wait3A_164 = tpu.memref_slice %arg7[%dma_wait3A_162, %dma_wait3A_163] : memref<10240x64xf32, #tpu.memory_space<vmem_shared>> -> memref<10240x64xf32, #tpu.memory_space<vmem_shared>>
    tpu.wait_indirect_dma semaphore(%arg13 : memref<!tpu.dma_semaphore, #tpu.memory_space<semaphore_mem>>) src(%dma_wait3A_164 : memref<10240x64xf32, #tpu.memory_space<vmem_shared>>) dst(%arg10 : memref<128x64xf32, #tpu.memory_space<vmem>>)
    %dma_wait3A_165 = arith.constant 0 : i32
    %dma_wait3A_166 = arith.constant 0 : i32
    %dma_wait3A_167 = tpu.memref_slice %arg9[%dma_wait3A_165, %dma_wait3A_166] : memref<80x128xi32, #tpu.memory_space<vmem>> -> memref<1x128xi32, #tpu.memory_space<vmem>>
    %dma_wait3A_168 = tpu.memref_squeeze %dma_wait3A_167 : memref<1x128xi32, #tpu.memory_space<vmem>> -> memref<128xi32, #tpu.memory_space<vmem>>
    %dma_wait3A_169 = arith.constant 0 : i32
    %dma_wait3A_170 = arith.constant 0 : i32
    %dma_wait3A_171 = tpu.memref_slice %arg6[%dma_wait3A_169, %dma_wait3A_170] : memref<10240x64xf32, #tpu.memory_space<vmem_shared>> -> memref<10240x64xf32, #tpu.memory_space<vmem_shared>>
    tpu.wait_indirect_dma semaphore(%arg17 : memref<!tpu.dma_semaphore, #tpu.memory_space<semaphore_mem>>) src(%arg11 : memref<128x64xf32, #tpu.memory_space<vmem>>) dst(%dma_wait3A_171 : memref<10240x64xf32, #tpu.memory_space<vmem_shared>>)
    %run_scoped3A = arith.constant 1 : i32
    "tpu.region"() ({
      %run_scoped3A_248 = tpu.sem_alloc : memref<!tpu.dma_semaphore, #tpu.memory_space<semaphore_mem>>
      %dma_start3A_249 = arith.constant 0 : i32
      %dma_start3A_250 = arith.constant 0 : i32
      %dma_start3A_251 = tpu.memref_slice %arg3[%arg1, %dma_start3A_249, %dma_start3A_250] : memref<16x2x10496xi32, #tpu.memory_space<hbm>> -> memref<1x2x10496xi32, #tpu.memory_space<hbm>>
      %dma_start3A_252 = tpu.memref_squeeze %dma_start3A_251 : memref<1x2x10496xi32, #tpu.memory_space<hbm>> -> memref<2x10496xi32, #tpu.memory_space<hbm>>
      %dma_start3A_253 = arith.constant 0 : i32
      %dma_start3A_254 = tpu.memref_slice %dma_start3A_252[%run_scoped3A, %dma_start3A_253] : memref<2x10496xi32, #tpu.memory_space<hbm>> -> memref<1x10496xi32, #tpu.memory_space<hbm>>
      %dma_start3A_255 = tpu.memref_squeeze %dma_start3A_254 : memref<1x10496xi32, #tpu.memory_space<hbm>> -> memref<10496xi32, #tpu.memory_space<hbm>>
      %dma_start3A_256 = arith.constant 0 : i32
      %dma_start3A_257 = arith.constant 0 : i32
      %dma_start3A_258 = tpu.memref_slice %arg3[%arg1, %dma_start3A_256, %dma_start3A_257] : memref<16x2x10496xi32, #tpu.memory_space<hbm>> -> memref<1x2x10496xi32, #tpu.memory_space<hbm>>
      %dma_start3A_259 = tpu.memref_squeeze %dma_start3A_258 : memref<1x2x10496xi32, #tpu.memory_space<hbm>> -> memref<2x10496xi32, #tpu.memory_space<hbm>>
      %dma_start3A_260 = arith.constant 0 : i32
      %dma_start3A_261 = tpu.memref_slice %dma_start3A_259[%run_scoped3A, %dma_start3A_260] : memref<2x10496xi32, #tpu.memory_space<hbm>> -> memref<1x10496xi32, #tpu.memory_space<hbm>>
      %dma_start3A_262 = tpu.memref_squeeze %dma_start3A_261 : memref<1x10496xi32, #tpu.memory_space<hbm>> -> memref<10496xi32, #tpu.memory_space<hbm>>
      tpu.enqueue_dma source(%dma_start3A_262 : memref<10496xi32, #tpu.memory_space<hbm>>) target(%arg8 : memref<10496xi32, #tpu.memory_space<vmem>>) target_semaphore(%run_scoped3A_248 : memref<!tpu.dma_semaphore, #tpu.memory_space<semaphore_mem>>)
      %dma_wait3A_263 = arith.constant 0 : i32
      %dma_wait3A_264 = arith.constant 0 : i32
      %dma_wait3A_265 = tpu.memref_slice %arg3[%arg1, %dma_wait3A_263, %dma_wait3A_264] : memref<16x2x10496xi32, #tpu.memory_space<hbm>> -> memref<1x2x10496xi32, #tpu.memory_space<hbm>>
      %dma_wait3A_266 = tpu.memref_squeeze %dma_wait3A_265 : memref<1x2x10496xi32, #tpu.memory_space<hbm>> -> memref<2x10496xi32, #tpu.memory_space<hbm>>
      %dma_wait3A_267 = arith.constant 0 : i32
      %dma_wait3A_268 = tpu.memref_slice %dma_wait3A_266[%run_scoped3A, %dma_wait3A_267] : memref<2x10496xi32, #tpu.memory_space<hbm>> -> memref<1x10496xi32, #tpu.memory_space<hbm>>
      %dma_wait3A_269 = tpu.memref_squeeze %dma_wait3A_268 : memref<1x10496xi32, #tpu.memory_space<hbm>> -> memref<10496xi32, #tpu.memory_space<hbm>>
      %dma_wait3A_270 = arith.constant 0 : i32
      %dma_wait3A_271 = arith.constant 0 : i32
      %dma_wait3A_272 = tpu.memref_slice %arg3[%arg1, %dma_wait3A_270, %dma_wait3A_271] : memref<16x2x10496xi32, #tpu.memory_space<hbm>> -> memref<1x2x10496xi32, #tpu.memory_space<hbm>>
      %dma_wait3A_273 = tpu.memref_squeeze %dma_wait3A_272 : memref<1x2x10496xi32, #tpu.memory_space<hbm>> -> memref<2x10496xi32, #tpu.memory_space<hbm>>
      %dma_wait3A_274 = arith.constant 0 : i32
      %dma_wait3A_275 = tpu.memref_slice %dma_wait3A_273[%run_scoped3A, %dma_wait3A_274] : memref<2x10496xi32, #tpu.memory_space<hbm>> -> memref<1x10496xi32, #tpu.memory_space<hbm>>
      %dma_wait3A_276 = tpu.memref_squeeze %dma_wait3A_275 : memref<1x10496xi32, #tpu.memory_space<hbm>> -> memref<10496xi32, #tpu.memory_space<hbm>>
      tpu.wait_dma2 semaphore(%run_scoped3A_248 : memref<!tpu.dma_semaphore, #tpu.memory_space<semaphore_mem>>) src(%dma_wait3A_276 : memref<10496xi32, #tpu.memory_space<hbm>>) dst(%arg8 : memref<10496xi32, #tpu.memory_space<vmem>>)
      tpu.yield
    }) : () -> ()
    %run_scoped3A_172 = arith.constant 1 : i32
    "tpu.region"() ({
      %run_scoped3A_248 = tpu.sem_alloc : memref<!tpu.dma_semaphore, #tpu.memory_space<semaphore_mem>>
      %dma_start3A_249 = arith.constant 0 : i32
      %dma_start3A_250 = arith.constant 0 : i32
      %dma_start3A_251 = arith.constant 0 : i32
      %dma_start3A_252 = tpu.memref_slice %arg4[%arg1, %dma_start3A_249, %dma_start3A_250, %dma_start3A_251] : memref<16x2x80x128xi32, #tpu.memory_space<hbm>> -> memref<1x2x80x128xi32, #tpu.memory_space<hbm>>
      %dma_start3A_253 = tpu.memref_squeeze %dma_start3A_252 : memref<1x2x80x128xi32, #tpu.memory_space<hbm>> -> memref<2x80x128xi32, #tpu.memory_space<hbm>>
      %dma_start3A_254 = arith.constant 0 : i32
      %dma_start3A_255 = arith.constant 0 : i32
      %dma_start3A_256 = tpu.memref_slice %dma_start3A_253[%run_scoped3A_172, %dma_start3A_254, %dma_start3A_255] : memref<2x80x128xi32, #tpu.memory_space<hbm>> -> memref<1x80x128xi32, #tpu.memory_space<hbm>>
      %dma_start3A_257 = tpu.memref_squeeze %dma_start3A_256 : memref<1x80x128xi32, #tpu.memory_space<hbm>> -> memref<80x128xi32, #tpu.memory_space<hbm>>
      %dma_start3A_258 = arith.constant 0 : i32
      %dma_start3A_259 = arith.constant 0 : i32
      %dma_start3A_260 = arith.constant 0 : i32
      %dma_start3A_261 = tpu.memref_slice %arg4[%arg1, %dma_start3A_258, %dma_start3A_259, %dma_start3A_260] : memref<16x2x80x128xi32, #tpu.memory_space<hbm>> -> memref<1x2x80x128xi32, #tpu.memory_space<hbm>>
      %dma_start3A_262 = tpu.memref_squeeze %dma_start3A_261 : memref<1x2x80x128xi32, #tpu.memory_space<hbm>> -> memref<2x80x128xi32, #tpu.memory_space<hbm>>
      %dma_start3A_263 = arith.constant 0 : i32
      %dma_start3A_264 = arith.constant 0 : i32
      %dma_start3A_265 = tpu.memref_slice %dma_start3A_262[%run_scoped3A_172, %dma_start3A_263, %dma_start3A_264] : memref<2x80x128xi32, #tpu.memory_space<hbm>> -> memref<1x80x128xi32, #tpu.memory_space<hbm>>
      %dma_start3A_266 = tpu.memref_squeeze %dma_start3A_265 : memref<1x80x128xi32, #tpu.memory_space<hbm>> -> memref<80x128xi32, #tpu.memory_space<hbm>>
      tpu.enqueue_dma source(%dma_start3A_266 : memref<80x128xi32, #tpu.memory_space<hbm>>) target(%arg9 : memref<80x128xi32, #tpu.memory_space<vmem>>) target_semaphore(%run_scoped3A_248 : memref<!tpu.dma_semaphore, #tpu.memory_space<semaphore_mem>>)
      %dma_wait3A_267 = arith.constant 0 : i32
      %dma_wait3A_268 = arith.constant 0 : i32
      %dma_wait3A_269 = arith.constant 0 : i32
      %dma_wait3A_270 = tpu.memref_slice %arg4[%arg1, %dma_wait3A_267, %dma_wait3A_268, %dma_wait3A_269] : memref<16x2x80x128xi32, #tpu.memory_space<hbm>> -> memref<1x2x80x128xi32, #tpu.memory_space<hbm>>
      %dma_wait3A_271 = tpu.memref_squeeze %dma_wait3A_270 : memref<1x2x80x128xi32, #tpu.memory_space<hbm>> -> memref<2x80x128xi32, #tpu.memory_space<hbm>>
      %dma_wait3A_272 = arith.constant 0 : i32
      %dma_wait3A_273 = arith.constant 0 : i32
      %dma_wait3A_274 = tpu.memref_slice %dma_wait3A_271[%run_scoped3A_172, %dma_wait3A_272, %dma_wait3A_273] : memref<2x80x128xi32, #tpu.memory_space<hbm>> -> memref<1x80x128xi32, #tpu.memory_space<hbm>>
      %dma_wait3A_275 = tpu.memref_squeeze %dma_wait3A_274 : memref<1x80x128xi32, #tpu.memory_space<hbm>> -> memref<80x128xi32, #tpu.memory_space<hbm>>
      %dma_wait3A_276 = arith.constant 0 : i32
      %dma_wait3A_277 = arith.constant 0 : i32
      %dma_wait3A_278 = arith.constant 0 : i32
      %dma_wait3A_279 = tpu.memref_slice %arg4[%arg1, %dma_wait3A_276, %dma_wait3A_277, %dma_wait3A_278] : memref<16x2x80x128xi32, #tpu.memory_space<hbm>> -> memref<1x2x80x128xi32, #tpu.memory_space<hbm>>
      %dma_wait3A_280 = tpu.memref_squeeze %dma_wait3A_279 : memref<1x2x80x128xi32, #tpu.memory_space<hbm>> -> memref<2x80x128xi32, #tpu.memory_space<hbm>>
      %dma_wait3A_281 = arith.constant 0 : i32
      %dma_wait3A_282 = arith.constant 0 : i32
      %dma_wait3A_283 = tpu.memref_slice %dma_wait3A_280[%run_scoped3A_172, %dma_wait3A_281, %dma_wait3A_282] : memref<2x80x128xi32, #tpu.memory_space<hbm>> -> memref<1x80x128xi32, #tpu.memory_space<hbm>>
      %dma_wait3A_284 = tpu.memref_squeeze %dma_wait3A_283 : memref<1x80x128xi32, #tpu.memory_space<hbm>> -> memref<80x128xi32, #tpu.memory_space<hbm>>
      tpu.wait_dma2 semaphore(%run_scoped3A_248 : memref<!tpu.dma_semaphore, #tpu.memory_space<semaphore_mem>>) src(%dma_wait3A_284 : memref<80x128xi32, #tpu.memory_space<hbm>>) dst(%arg9 : memref<80x128xi32, #tpu.memory_space<vmem>>)
      tpu.yield
    }) : () -> ()
    %dma_start3A_173 = arith.constant 0 : i32
    %dma_start3A_174 = tpu.memref_slice %arg8[%dma_start3A_173] : memref<10496xi32, #tpu.memory_space<vmem>> -> memref<128xi32, #tpu.memory_space<vmem>>
    %dma_start3A_175 = arith.constant 0 : i32
    %dma_start3A_176 = arith.constant 0 : i32
    %dma_start3A_177 = tpu.memref_slice %arg7[%dma_start3A_175, %dma_start3A_176] : memref<10240x64xf32, #tpu.memory_space<vmem_shared>> -> memref<10240x64xf32, #tpu.memory_space<vmem_shared>>
    tpu.enqueue_indirect_dma source(%dma_start3A_177 : memref<10240x64xf32, #tpu.memory_space<vmem_shared>>) target(%arg10 : memref<128x64xf32, #tpu.memory_space<vmem>>) offsets(%dma_start3A_174 : memref<128xi32, #tpu.memory_space<vmem>>) semaphore(%arg13 : memref<!tpu.dma_semaphore, #tpu.memory_space<semaphore_mem>>)
    %dma_start3A_178 = arith.constant 128 : i32
    %dma_start3A_179 = tpu.memref_slice %arg8[%dma_start3A_178] : memref<10496xi32, #tpu.memory_space<vmem>> -> memref<128xi32, #tpu.memory_space<vmem>>
    %dma_start3A_180 = arith.constant 0 : i32
    %dma_start3A_181 = arith.constant 0 : i32
    %dma_start3A_182 = tpu.memref_slice %arg7[%dma_start3A_180, %dma_start3A_181] : memref<10240x64xf32, #tpu.memory_space<vmem_shared>> -> memref<10240x64xf32, #tpu.memory_space<vmem_shared>>
    tpu.enqueue_indirect_dma source(%dma_start3A_182 : memref<10240x64xf32, #tpu.memory_space<vmem_shared>>) target(%arg11 : memref<128x64xf32, #tpu.memory_space<vmem>>) offsets(%dma_start3A_179 : memref<128xi32, #tpu.memory_space<vmem>>) semaphore(%arg14 : memref<!tpu.dma_semaphore, #tpu.memory_space<semaphore_mem>>)
    %dma_wait3A_183 = arith.constant 0 : i32
    %dma_wait3A_184 = tpu.memref_slice %arg8[%dma_wait3A_183] : memref<10496xi32, #tpu.memory_space<vmem>> -> memref<128xi32, #tpu.memory_space<vmem>>
    %dma_wait3A_185 = arith.constant 0 : i32
    %dma_wait3A_186 = arith.constant 0 : i32
    %dma_wait3A_187 = tpu.memref_slice %arg7[%dma_wait3A_185, %dma_wait3A_186] : memref<10240x64xf32, #tpu.memory_space<vmem_shared>> -> memref<10240x64xf32, #tpu.memory_space<vmem_shared>>
    tpu.wait_indirect_dma semaphore(%arg13 : memref<!tpu.dma_semaphore, #tpu.memory_space<semaphore_mem>>) src(%dma_wait3A_187 : memref<10240x64xf32, #tpu.memory_space<vmem_shared>>) dst(%arg10 : memref<128x64xf32, #tpu.memory_space<vmem>>)
    %dma_start3A_188 = arith.constant 0 : i32
    %dma_start3A_189 = arith.constant 0 : i32
    %dma_start3A_190 = tpu.memref_slice %arg9[%dma_start3A_188, %dma_start3A_189] : memref<80x128xi32, #tpu.memory_space<vmem>> -> memref<1x128xi32, #tpu.memory_space<vmem>>
    %dma_start3A_191 = tpu.memref_squeeze %dma_start3A_190 : memref<1x128xi32, #tpu.memory_space<vmem>> -> memref<128xi32, #tpu.memory_space<vmem>>
    %dma_start3A_192 = arith.constant 0 : i32
    %dma_start3A_193 = arith.constant 0 : i32
    %dma_start3A_194 = tpu.memref_slice %arg6[%dma_start3A_192, %dma_start3A_193] : memref<10240x64xf32, #tpu.memory_space<vmem_shared>> -> memref<10240x64xf32, #tpu.memory_space<vmem_shared>>
    tpu.enqueue_indirect_dma source(%arg10 : memref<128x64xf32, #tpu.memory_space<vmem>>) target(%dma_start3A_194 : memref<10240x64xf32, #tpu.memory_space<vmem_shared>>) offsets(%dma_start3A_191 : memref<128xi32, #tpu.memory_space<vmem>>) semaphore(%arg16 : memref<!tpu.dma_semaphore, #tpu.memory_space<semaphore_mem>>) {add = true}
    %dma_start3A_195 = arith.constant 256 : i32
    %dma_start3A_196 = tpu.memref_slice %arg8[%dma_start3A_195] : memref<10496xi32, #tpu.memory_space<vmem>> -> memref<128xi32, #tpu.memory_space<vmem>>
    %dma_start3A_197 = arith.constant 0 : i32
    %dma_start3A_198 = arith.constant 0 : i32
    %dma_start3A_199 = tpu.memref_slice %arg7[%dma_start3A_197, %dma_start3A_198] : memref<10240x64xf32, #tpu.memory_space<vmem_shared>> -> memref<10240x64xf32, #tpu.memory_space<vmem_shared>>
    tpu.enqueue_indirect_dma source(%dma_start3A_199 : memref<10240x64xf32, #tpu.memory_space<vmem_shared>>) target(%arg12 : memref<128x64xf32, #tpu.memory_space<vmem>>) offsets(%dma_start3A_196 : memref<128xi32, #tpu.memory_space<vmem>>) semaphore(%arg15 : memref<!tpu.dma_semaphore, #tpu.memory_space<semaphore_mem>>)
    %dma_wait3A_200 = arith.constant 0 : i32
    %dma_wait3A_201 = tpu.memref_slice %arg8[%dma_wait3A_200] : memref<10496xi32, #tpu.memory_space<vmem>> -> memref<128xi32, #tpu.memory_space<vmem>>
    %dma_wait3A_202 = arith.constant 0 : i32
    %dma_wait3A_203 = arith.constant 0 : i32
    %dma_wait3A_204 = tpu.memref_slice %arg7[%dma_wait3A_202, %dma_wait3A_203] : memref<10240x64xf32, #tpu.memory_space<vmem_shared>> -> memref<10240x64xf32, #tpu.memory_space<vmem_shared>>
    tpu.wait_indirect_dma semaphore(%arg14 : memref<!tpu.dma_semaphore, #tpu.memory_space<semaphore_mem>>) src(%dma_wait3A_204 : memref<10240x64xf32, #tpu.memory_space<vmem_shared>>) dst(%arg11 : memref<128x64xf32, #tpu.memory_space<vmem>>)
    %dma_start3A_205 = arith.constant 1 : i32
    %dma_start3A_206 = arith.constant 0 : i32
    %dma_start3A_207 = tpu.memref_slice %arg9[%dma_start3A_205, %dma_start3A_206] : memref<80x128xi32, #tpu.memory_space<vmem>> -> memref<1x128xi32, #tpu.memory_space<vmem>>
    %dma_start3A_208 = tpu.memref_squeeze %dma_start3A_207 : memref<1x128xi32, #tpu.memory_space<vmem>> -> memref<128xi32, #tpu.memory_space<vmem>>
    %dma_start3A_209 = arith.constant 0 : i32
    %dma_start3A_210 = arith.constant 0 : i32
    %dma_start3A_211 = tpu.memref_slice %arg6[%dma_start3A_209, %dma_start3A_210] : memref<10240x64xf32, #tpu.memory_space<vmem_shared>> -> memref<10240x64xf32, #tpu.memory_space<vmem_shared>>
    tpu.enqueue_indirect_dma source(%arg11 : memref<128x64xf32, #tpu.memory_space<vmem>>) target(%dma_start3A_211 : memref<10240x64xf32, #tpu.memory_space<vmem_shared>>) offsets(%dma_start3A_208 : memref<128xi32, #tpu.memory_space<vmem>>) semaphore(%arg17 : memref<!tpu.dma_semaphore, #tpu.memory_space<semaphore_mem>>) {add = true}
    %dma_wait3A_212 = arith.constant 0 : i32
    %dma_wait3A_213 = arith.constant 0 : i32
    %dma_wait3A_214 = tpu.memref_slice %arg9[%dma_wait3A_212, %dma_wait3A_213] : memref<80x128xi32, #tpu.memory_space<vmem>> -> memref<1x128xi32, #tpu.memory_space<vmem>>
    %dma_wait3A_215 = tpu.memref_squeeze %dma_wait3A_214 : memref<1x128xi32, #tpu.memory_space<vmem>> -> memref<128xi32, #tpu.memory_space<vmem>>
    %dma_wait3A_216 = arith.constant 0 : i32
    %dma_wait3A_217 = arith.constant 0 : i32
    %dma_wait3A_218 = tpu.memref_slice %arg6[%dma_wait3A_216, %dma_wait3A_217] : memref<10240x64xf32, #tpu.memory_space<vmem_shared>> -> memref<10240x64xf32, #tpu.memory_space<vmem_shared>>
    tpu.wait_indirect_dma semaphore(%arg16 : memref<!tpu.dma_semaphore, #tpu.memory_space<semaphore_mem>>) src(%arg10 : memref<128x64xf32, #tpu.memory_space<vmem>>) dst(%dma_wait3A_218 : memref<10240x64xf32, #tpu.memory_space<vmem_shared>>)
    %dma_start3A_219 = arith.constant 384 : i32
    %dma_start3A_220 = tpu.memref_slice %arg8[%dma_start3A_219] : memref<10496xi32, #tpu.memory_space<vmem>> -> memref<128xi32, #tpu.memory_space<vmem>>
    %dma_start3A_221 = arith.constant 0 : i32
    %dma_start3A_222 = arith.constant 0 : i32
    %dma_start3A_223 = tpu.memref_slice %arg7[%dma_start3A_221, %dma_start3A_222] : memref<10240x64xf32, #tpu.memory_space<vmem_shared>> -> memref<10240x64xf32, #tpu.memory_space<vmem_shared>>
    tpu.enqueue_indirect_dma source(%dma_start3A_223 : memref<10240x64xf32, #tpu.memory_space<vmem_shared>>) target(%arg10 : memref<128x64xf32, #tpu.memory_space<vmem>>) offsets(%dma_start3A_220 : memref<128xi32, #tpu.memory_space<vmem>>) semaphore(%arg13 : memref<!tpu.dma_semaphore, #tpu.memory_space<semaphore_mem>>)
    %scan3A_224 = arith.constant 0 : i32
    %scan3A_225 = arith.constant 0 : i32
    %scan3A_226 = arith.constant 13 : i32
    %scan3A_227 = arith.addi %scan3A_225, %scan3A_226 : i32
    %scan3A_228 = arith.constant 1 : i32
    scf.for %scan3A_248 = %scan3A_225 to %scan3A_227 step %scan3A_228  : i32 {
      %mul3A_249 = arith.constant 6 : i32
      %mul3A_250 = arith.muli %mul3A_249, %scan3A_248 : i32
      %add3A = arith.constant 2 : i32
      %add3A_251 = arith.addi %mul3A_250, %add3A : i32
      %add3A_252 = arith.constant 0 : i32
      %add3A_253 = arith.addi %add3A_251, %add3A_252 : i32
      %dma_wait3A_254 = arith.constant 0 : i32
      %dma_wait3A_255 = tpu.memref_slice %arg8[%dma_wait3A_254] : memref<10496xi32, #tpu.memory_space<vmem>> -> memref<128xi32, #tpu.memory_space<vmem>>
      %dma_wait3A_256 = arith.constant 0 : i32
      %dma_wait3A_257 = arith.constant 0 : i32
      %dma_wait3A_258 = tpu.memref_slice %arg7[%dma_wait3A_256, %dma_wait3A_257] : memref<10240x64xf32, #tpu.memory_space<vmem_shared>> -> memref<10240x64xf32, #tpu.memory_space<vmem_shared>>
      tpu.wait_indirect_dma semaphore(%arg15 : memref<!tpu.dma_semaphore, #tpu.memory_space<semaphore_mem>>) src(%dma_wait3A_258 : memref<10240x64xf32, #tpu.memory_space<vmem_shared>>) dst(%arg12 : memref<128x64xf32, #tpu.memory_space<vmem>>)
      %dma_start3A_259 = arith.constant 0 : i32
      %dma_start3A_260 = tpu.memref_slice %arg9[%add3A_253, %dma_start3A_259] : memref<80x128xi32, #tpu.memory_space<vmem>> -> memref<1x128xi32, #tpu.memory_space<vmem>>
      %dma_start3A_261 = tpu.memref_squeeze %dma_start3A_260 : memref<1x128xi32, #tpu.memory_space<vmem>> -> memref<128xi32, #tpu.memory_space<vmem>>
      %dma_start3A_262 = arith.constant 0 : i32
      %dma_start3A_263 = arith.constant 0 : i32
      %dma_start3A_264 = tpu.memref_slice %arg6[%dma_start3A_262, %dma_start3A_263] : memref<10240x64xf32, #tpu.memory_space<vmem_shared>> -> memref<10240x64xf32, #tpu.memory_space<vmem_shared>>
      tpu.enqueue_indirect_dma source(%arg12 : memref<128x64xf32, #tpu.memory_space<vmem>>) target(%dma_start3A_264 : memref<10240x64xf32, #tpu.memory_space<vmem_shared>>) offsets(%dma_start3A_261 : memref<128xi32, #tpu.memory_space<vmem>>) semaphore(%arg18 : memref<!tpu.dma_semaphore, #tpu.memory_space<semaphore_mem>>) {add = true}
      %dma_wait3A_265 = arith.constant 0 : i32
      %dma_wait3A_266 = arith.constant 0 : i32
      %dma_wait3A_267 = tpu.memref_slice %arg9[%dma_wait3A_265, %dma_wait3A_266] : memref<80x128xi32, #tpu.memory_space<vmem>> -> memref<1x128xi32, #tpu.memory_space<vmem>>
      %dma_wait3A_268 = tpu.memref_squeeze %dma_wait3A_267 : memref<1x128xi32, #tpu.memory_space<vmem>> -> memref<128xi32, #tpu.memory_space<vmem>>
      %dma_wait3A_269 = arith.constant 0 : i32
      %dma_wait3A_270 = arith.constant 0 : i32
      %dma_wait3A_271 = tpu.memref_slice %arg6[%dma_wait3A_269, %dma_wait3A_270] : memref<10240x64xf32, #tpu.memory_space<vmem_shared>> -> memref<10240x64xf32, #tpu.memory_space<vmem_shared>>
      tpu.wait_indirect_dma semaphore(%arg17 : memref<!tpu.dma_semaphore, #tpu.memory_space<semaphore_mem>>) src(%arg11 : memref<128x64xf32, #tpu.memory_space<vmem>>) dst(%dma_wait3A_271 : memref<10240x64xf32, #tpu.memory_space<vmem_shared>>)
      %add3A_272 = arith.constant 2 : i32
      %add3A_273 = arith.addi %add3A_253, %add3A_272 : i32
      %mul3A_274 = arith.constant 128 : i32
      %mul3A_275 = arith.muli %add3A_273, %mul3A_274 : i32
      %dma_start3A_276 = tpu.memref_slice %arg8[%mul3A_275] : memref<10496xi32, #tpu.memory_space<vmem>> -> memref<128xi32, #tpu.memory_space<vmem>>
      %dma_start3A_277 = arith.constant 0 : i32
      %dma_start3A_278 = arith.constant 0 : i32
      %dma_start3A_279 = tpu.memref_slice %arg7[%dma_start3A_277, %dma_start3A_278] : memref<10240x64xf32, #tpu.memory_space<vmem_shared>> -> memref<10240x64xf32, #tpu.memory_space<vmem_shared>>
      tpu.enqueue_indirect_dma source(%dma_start3A_279 : memref<10240x64xf32, #tpu.memory_space<vmem_shared>>) target(%arg11 : memref<128x64xf32, #tpu.memory_space<vmem>>) offsets(%dma_start3A_276 : memref<128xi32, #tpu.memory_space<vmem>>) semaphore(%arg14 : memref<!tpu.dma_semaphore, #tpu.memory_space<semaphore_mem>>)
      %mul3A_280 = arith.constant 6 : i32
      %mul3A_281 = arith.muli %mul3A_280, %scan3A_248 : i32
      %add3A_282 = arith.constant 2 : i32
      %add3A_283 = arith.addi %mul3A_281, %add3A_282 : i32
      %add3A_284 = arith.constant 1 : i32
      %add3A_285 = arith.addi %add3A_283, %add3A_284 : i32
      %dma_wait3A_286 = arith.constant 0 : i32
      %dma_wait3A_287 = tpu.memref_slice %arg8[%dma_wait3A_286] : memref<10496xi32, #tpu.memory_space<vmem>> -> memref<128xi32, #tpu.memory_space<vmem>>
      %dma_wait3A_288 = arith.constant 0 : i32
      %dma_wait3A_289 = arith.constant 0 : i32
      %dma_wait3A_290 = tpu.memref_slice %arg7[%dma_wait3A_288, %dma_wait3A_289] : memref<10240x64xf32, #tpu.memory_space<vmem_shared>> -> memref<10240x64xf32, #tpu.memory_space<vmem_shared>>
      tpu.wait_indirect_dma semaphore(%arg13 : memref<!tpu.dma_semaphore, #tpu.memory_space<semaphore_mem>>) src(%dma_wait3A_290 : memref<10240x64xf32, #tpu.memory_space<vmem_shared>>) dst(%arg10 : memref<128x64xf32, #tpu.memory_space<vmem>>)
      %dma_start3A_291 = arith.constant 0 : i32
      %dma_start3A_292 = tpu.memref_slice %arg9[%add3A_285, %dma_start3A_291] : memref<80x128xi32, #tpu.memory_space<vmem>> -> memref<1x128xi32, #tpu.memory_space<vmem>>
      %dma_start3A_293 = tpu.memref_squeeze %dma_start3A_292 : memref<1x128xi32, #tpu.memory_space<vmem>> -> memref<128xi32, #tpu.memory_space<vmem>>
      %dma_start3A_294 = arith.constant 0 : i32
      %dma_start3A_295 = arith.constant 0 : i32
      %dma_start3A_296 = tpu.memref_slice %arg6[%dma_start3A_294, %dma_start3A_295] : memref<10240x64xf32, #tpu.memory_space<vmem_shared>> -> memref<10240x64xf32, #tpu.memory_space<vmem_shared>>
      tpu.enqueue_indirect_dma source(%arg10 : memref<128x64xf32, #tpu.memory_space<vmem>>) target(%dma_start3A_296 : memref<10240x64xf32, #tpu.memory_space<vmem_shared>>) offsets(%dma_start3A_293 : memref<128xi32, #tpu.memory_space<vmem>>) semaphore(%arg16 : memref<!tpu.dma_semaphore, #tpu.memory_space<semaphore_mem>>) {add = true}
      %dma_wait3A_297 = arith.constant 0 : i32
      %dma_wait3A_298 = arith.constant 0 : i32
      %dma_wait3A_299 = tpu.memref_slice %arg9[%dma_wait3A_297, %dma_wait3A_298] : memref<80x128xi32, #tpu.memory_space<vmem>> -> memref<1x128xi32, #tpu.memory_space<vmem>>
      %dma_wait3A_300 = tpu.memref_squeeze %dma_wait3A_299 : memref<1x128xi32, #tpu.memory_space<vmem>> -> memref<128xi32, #tpu.memory_space<vmem>>
      %dma_wait3A_301 = arith.constant 0 : i32
      %dma_wait3A_302 = arith.constant 0 : i32
      %dma_wait3A_303 = tpu.memref_slice %arg6[%dma_wait3A_301, %dma_wait3A_302] : memref<10240x64xf32, #tpu.memory_space<vmem_shared>> -> memref<10240x64xf32, #tpu.memory_space<vmem_shared>>
      tpu.wait_indirect_dma semaphore(%arg18 : memref<!tpu.dma_semaphore, #tpu.memory_space<semaphore_mem>>) src(%arg12 : memref<128x64xf32, #tpu.memory_space<vmem>>) dst(%dma_wait3A_303 : memref<10240x64xf32, #tpu.memory_space<vmem_shared>>)
      %add3A_304 = arith.constant 2 : i32
      %add3A_305 = arith.addi %add3A_285, %add3A_304 : i32
      %mul3A_306 = arith.constant 128 : i32
      %mul3A_307 = arith.muli %add3A_305, %mul3A_306 : i32
      %dma_start3A_308 = tpu.memref_slice %arg8[%mul3A_307] : memref<10496xi32, #tpu.memory_space<vmem>> -> memref<128xi32, #tpu.memory_space<vmem>>
      %dma_start3A_309 = arith.constant 0 : i32
      %dma_start3A_310 = arith.constant 0 : i32
      %dma_start3A_311 = tpu.memref_slice %arg7[%dma_start3A_309, %dma_start3A_310] : memref<10240x64xf32, #tpu.memory_space<vmem_shared>> -> memref<10240x64xf32, #tpu.memory_space<vmem_shared>>
      tpu.enqueue_indirect_dma source(%dma_start3A_311 : memref<10240x64xf32, #tpu.memory_space<vmem_shared>>) target(%arg12 : memref<128x64xf32, #tpu.memory_space<vmem>>) offsets(%dma_start3A_308 : memref<128xi32, #tpu.memory_space<vmem>>) semaphore(%arg15 : memref<!tpu.dma_semaphore, #tpu.memory_space<semaphore_mem>>)
      %mul3A_312 = arith.constant 6 : i32
      %mul3A_313 = arith.muli %mul3A_312, %scan3A_248 : i32
      %add3A_314 = arith.constant 2 : i32
      %add3A_315 = arith.addi %mul3A_313, %add3A_314 : i32
      %add3A_316 = arith.constant 2 : i32
      %add3A_317 = arith.addi %add3A_315, %add3A_316 : i32
      %dma_wait3A_318 = arith.constant 0 : i32
      %dma_wait3A_319 = tpu.memref_slice %arg8[%dma_wait3A_318] : memref<10496xi32, #tpu.memory_space<vmem>> -> memref<128xi32, #tpu.memory_space<vmem>>
      %dma_wait3A_320 = arith.constant 0 : i32
      %dma_wait3A_321 = arith.constant 0 : i32
      %dma_wait3A_322 = tpu.memref_slice %arg7[%dma_wait3A_320, %dma_wait3A_321] : memref<10240x64xf32, #tpu.memory_space<vmem_shared>> -> memref<10240x64xf32, #tpu.memory_space<vmem_shared>>
      tpu.wait_indirect_dma semaphore(%arg14 : memref<!tpu.dma_semaphore, #tpu.memory_space<semaphore_mem>>) src(%dma_wait3A_322 : memref<10240x64xf32, #tpu.memory_space<vmem_shared>>) dst(%arg11 : memref<128x64xf32, #tpu.memory_space<vmem>>)
      %dma_start3A_323 = arith.constant 0 : i32
      %dma_start3A_324 = tpu.memref_slice %arg9[%add3A_317, %dma_start3A_323] : memref<80x128xi32, #tpu.memory_space<vmem>> -> memref<1x128xi32, #tpu.memory_space<vmem>>
      %dma_start3A_325 = tpu.memref_squeeze %dma_start3A_324 : memref<1x128xi32, #tpu.memory_space<vmem>> -> memref<128xi32, #tpu.memory_space<vmem>>
      %dma_start3A_326 = arith.constant 0 : i32
      %dma_start3A_327 = arith.constant 0 : i32
      %dma_start3A_328 = tpu.memref_slice %arg6[%dma_start3A_326, %dma_start3A_327] : memref<10240x64xf32, #tpu.memory_space<vmem_shared>> -> memref<10240x64xf32, #tpu.memory_space<vmem_shared>>
      tpu.enqueue_indirect_dma source(%arg11 : memref<128x64xf32, #tpu.memory_space<vmem>>) target(%dma_start3A_328 : memref<10240x64xf32, #tpu.memory_space<vmem_shared>>) offsets(%dma_start3A_325 : memref<128xi32, #tpu.memory_space<vmem>>) semaphore(%arg17 : memref<!tpu.dma_semaphore, #tpu.memory_space<semaphore_mem>>) {add = true}
      %dma_wait3A_329 = arith.constant 0 : i32
      %dma_wait3A_330 = arith.constant 0 : i32
      %dma_wait3A_331 = tpu.memref_slice %arg9[%dma_wait3A_329, %dma_wait3A_330] : memref<80x128xi32, #tpu.memory_space<vmem>> -> memref<1x128xi32, #tpu.memory_space<vmem>>
      %dma_wait3A_332 = tpu.memref_squeeze %dma_wait3A_331 : memref<1x128xi32, #tpu.memory_space<vmem>> -> memref<128xi32, #tpu.memory_space<vmem>>
      %dma_wait3A_333 = arith.constant 0 : i32
      %dma_wait3A_334 = arith.constant 0 : i32
      %dma_wait3A_335 = tpu.memref_slice %arg6[%dma_wait3A_333, %dma_wait3A_334] : memref<10240x64xf32, #tpu.memory_space<vmem_shared>> -> memref<10240x64xf32, #tpu.memory_space<vmem_shared>>
      tpu.wait_indirect_dma semaphore(%arg16 : memref<!tpu.dma_semaphore, #tpu.memory_space<semaphore_mem>>) src(%arg10 : memref<128x64xf32, #tpu.memory_space<vmem>>) dst(%dma_wait3A_335 : memref<10240x64xf32, #tpu.memory_space<vmem_shared>>)
      %add3A_336 = arith.constant 2 : i32
      %add3A_337 = arith.addi %add3A_317, %add3A_336 : i32
      %mul3A_338 = arith.constant 128 : i32
      %mul3A_339 = arith.muli %add3A_337, %mul3A_338 : i32
      %dma_start3A_340 = tpu.memref_slice %arg8[%mul3A_339] : memref<10496xi32, #tpu.memory_space<vmem>> -> memref<128xi32, #tpu.memory_space<vmem>>
      %dma_start3A_341 = arith.constant 0 : i32
      %dma_start3A_342 = arith.constant 0 : i32
      %dma_start3A_343 = tpu.memref_slice %arg7[%dma_start3A_341, %dma_start3A_342] : memref<10240x64xf32, #tpu.memory_space<vmem_shared>> -> memref<10240x64xf32, #tpu.memory_space<vmem_shared>>
      tpu.enqueue_indirect_dma source(%dma_start3A_343 : memref<10240x64xf32, #tpu.memory_space<vmem_shared>>) target(%arg10 : memref<128x64xf32, #tpu.memory_space<vmem>>) offsets(%dma_start3A_340 : memref<128xi32, #tpu.memory_space<vmem>>) semaphore(%arg13 : memref<!tpu.dma_semaphore, #tpu.memory_space<semaphore_mem>>)
      %mul3A_344 = arith.constant 6 : i32
      %mul3A_345 = arith.muli %mul3A_344, %scan3A_248 : i32
      %add3A_346 = arith.constant 2 : i32
      %add3A_347 = arith.addi %mul3A_345, %add3A_346 : i32
      %add3A_348 = arith.constant 3 : i32
      %add3A_349 = arith.addi %add3A_347, %add3A_348 : i32
      %dma_wait3A_350 = arith.constant 0 : i32
      %dma_wait3A_351 = tpu.memref_slice %arg8[%dma_wait3A_350] : memref<10496xi32, #tpu.memory_space<vmem>> -> memref<128xi32, #tpu.memory_space<vmem>>
      %dma_wait3A_352 = arith.constant 0 : i32
      %dma_wait3A_353 = arith.constant 0 : i32
      %dma_wait3A_354 = tpu.memref_slice %arg7[%dma_wait3A_352, %dma_wait3A_353] : memref<10240x64xf32, #tpu.memory_space<vmem_shared>> -> memref<10240x64xf32, #tpu.memory_space<vmem_shared>>
      tpu.wait_indirect_dma semaphore(%arg15 : memref<!tpu.dma_semaphore, #tpu.memory_space<semaphore_mem>>) src(%dma_wait3A_354 : memref<10240x64xf32, #tpu.memory_space<vmem_shared>>) dst(%arg12 : memref<128x64xf32, #tpu.memory_space<vmem>>)
      %dma_start3A_355 = arith.constant 0 : i32
      %dma_start3A_356 = tpu.memref_slice %arg9[%add3A_349, %dma_start3A_355] : memref<80x128xi32, #tpu.memory_space<vmem>> -> memref<1x128xi32, #tpu.memory_space<vmem>>
      %dma_start3A_357 = tpu.memref_squeeze %dma_start3A_356 : memref<1x128xi32, #tpu.memory_space<vmem>> -> memref<128xi32, #tpu.memory_space<vmem>>
      %dma_start3A_358 = arith.constant 0 : i32
      %dma_start3A_359 = arith.constant 0 : i32
      %dma_start3A_360 = tpu.memref_slice %arg6[%dma_start3A_358, %dma_start3A_359] : memref<10240x64xf32, #tpu.memory_space<vmem_shared>> -> memref<10240x64xf32, #tpu.memory_space<vmem_shared>>
      tpu.enqueue_indirect_dma source(%arg12 : memref<128x64xf32, #tpu.memory_space<vmem>>) target(%dma_start3A_360 : memref<10240x64xf32, #tpu.memory_space<vmem_shared>>) offsets(%dma_start3A_357 : memref<128xi32, #tpu.memory_space<vmem>>) semaphore(%arg18 : memref<!tpu.dma_semaphore, #tpu.memory_space<semaphore_mem>>) {add = true}
      %dma_wait3A_361 = arith.constant 0 : i32
      %dma_wait3A_362 = arith.constant 0 : i32
      %dma_wait3A_363 = tpu.memref_slice %arg9[%dma_wait3A_361, %dma_wait3A_362] : memref<80x128xi32, #tpu.memory_space<vmem>> -> memref<1x128xi32, #tpu.memory_space<vmem>>
      %dma_wait3A_364 = tpu.memref_squeeze %dma_wait3A_363 : memref<1x128xi32, #tpu.memory_space<vmem>> -> memref<128xi32, #tpu.memory_space<vmem>>
      %dma_wait3A_365 = arith.constant 0 : i32
      %dma_wait3A_366 = arith.constant 0 : i32
      %dma_wait3A_367 = tpu.memref_slice %arg6[%dma_wait3A_365, %dma_wait3A_366] : memref<10240x64xf32, #tpu.memory_space<vmem_shared>> -> memref<10240x64xf32, #tpu.memory_space<vmem_shared>>
      tpu.wait_indirect_dma semaphore(%arg17 : memref<!tpu.dma_semaphore, #tpu.memory_space<semaphore_mem>>) src(%arg11 : memref<128x64xf32, #tpu.memory_space<vmem>>) dst(%dma_wait3A_367 : memref<10240x64xf32, #tpu.memory_space<vmem_shared>>)
      %add3A_368 = arith.constant 2 : i32
      %add3A_369 = arith.addi %add3A_349, %add3A_368 : i32
      %mul3A_370 = arith.constant 128 : i32
      %mul3A_371 = arith.muli %add3A_369, %mul3A_370 : i32
      %dma_start3A_372 = tpu.memref_slice %arg8[%mul3A_371] : memref<10496xi32, #tpu.memory_space<vmem>> -> memref<128xi32, #tpu.memory_space<vmem>>
      %dma_start3A_373 = arith.constant 0 : i32
      %dma_start3A_374 = arith.constant 0 : i32
      %dma_start3A_375 = tpu.memref_slice %arg7[%dma_start3A_373, %dma_start3A_374] : memref<10240x64xf32, #tpu.memory_space<vmem_shared>> -> memref<10240x64xf32, #tpu.memory_space<vmem_shared>>
      tpu.enqueue_indirect_dma source(%dma_start3A_375 : memref<10240x64xf32, #tpu.memory_space<vmem_shared>>) target(%arg11 : memref<128x64xf32, #tpu.memory_space<vmem>>) offsets(%dma_start3A_372 : memref<128xi32, #tpu.memory_space<vmem>>) semaphore(%arg14 : memref<!tpu.dma_semaphore, #tpu.memory_space<semaphore_mem>>)
      %mul3A_376 = arith.constant 6 : i32
      %mul3A_377 = arith.muli %mul3A_376, %scan3A_248 : i32
      %add3A_378 = arith.constant 2 : i32
      %add3A_379 = arith.addi %mul3A_377, %add3A_378 : i32
      %add3A_380 = arith.constant 4 : i32
      %add3A_381 = arith.addi %add3A_379, %add3A_380 : i32
      %dma_wait3A_382 = arith.constant 0 : i32
      %dma_wait3A_383 = tpu.memref_slice %arg8[%dma_wait3A_382] : memref<10496xi32, #tpu.memory_space<vmem>> -> memref<128xi32, #tpu.memory_space<vmem>>
      %dma_wait3A_384 = arith.constant 0 : i32
      %dma_wait3A_385 = arith.constant 0 : i32
      %dma_wait3A_386 = tpu.memref_slice %arg7[%dma_wait3A_384, %dma_wait3A_385] : memref<10240x64xf32, #tpu.memory_space<vmem_shared>> -> memref<10240x64xf32, #tpu.memory_space<vmem_shared>>
      tpu.wait_indirect_dma semaphore(%arg13 : memref<!tpu.dma_semaphore, #tpu.memory_space<semaphore_mem>>) src(%dma_wait3A_386 : memref<10240x64xf32, #tpu.memory_space<vmem_shared>>) dst(%arg10 : memref<128x64xf32, #tpu.memory_space<vmem>>)
      %dma_start3A_387 = arith.constant 0 : i32
      %dma_start3A_388 = tpu.memref_slice %arg9[%add3A_381, %dma_start3A_387] : memref<80x128xi32, #tpu.memory_space<vmem>> -> memref<1x128xi32, #tpu.memory_space<vmem>>
      %dma_start3A_389 = tpu.memref_squeeze %dma_start3A_388 : memref<1x128xi32, #tpu.memory_space<vmem>> -> memref<128xi32, #tpu.memory_space<vmem>>
      %dma_start3A_390 = arith.constant 0 : i32
      %dma_start3A_391 = arith.constant 0 : i32
      %dma_start3A_392 = tpu.memref_slice %arg6[%dma_start3A_390, %dma_start3A_391] : memref<10240x64xf32, #tpu.memory_space<vmem_shared>> -> memref<10240x64xf32, #tpu.memory_space<vmem_shared>>
      tpu.enqueue_indirect_dma source(%arg10 : memref<128x64xf32, #tpu.memory_space<vmem>>) target(%dma_start3A_392 : memref<10240x64xf32, #tpu.memory_space<vmem_shared>>) offsets(%dma_start3A_389 : memref<128xi32, #tpu.memory_space<vmem>>) semaphore(%arg16 : memref<!tpu.dma_semaphore, #tpu.memory_space<semaphore_mem>>) {add = true}
      %dma_wait3A_393 = arith.constant 0 : i32
      %dma_wait3A_394 = arith.constant 0 : i32
      %dma_wait3A_395 = tpu.memref_slice %arg9[%dma_wait3A_393, %dma_wait3A_394] : memref<80x128xi32, #tpu.memory_space<vmem>> -> memref<1x128xi32, #tpu.memory_space<vmem>>
      %dma_wait3A_396 = tpu.memref_squeeze %dma_wait3A_395 : memref<1x128xi32, #tpu.memory_space<vmem>> -> memref<128xi32, #tpu.memory_space<vmem>>
      %dma_wait3A_397 = arith.constant 0 : i32
      %dma_wait3A_398 = arith.constant 0 : i32
      %dma_wait3A_399 = tpu.memref_slice %arg6[%dma_wait3A_397, %dma_wait3A_398] : memref<10240x64xf32, #tpu.memory_space<vmem_shared>> -> memref<10240x64xf32, #tpu.memory_space<vmem_shared>>
      tpu.wait_indirect_dma semaphore(%arg18 : memref<!tpu.dma_semaphore, #tpu.memory_space<semaphore_mem>>) src(%arg12 : memref<128x64xf32, #tpu.memory_space<vmem>>) dst(%dma_wait3A_399 : memref<10240x64xf32, #tpu.memory_space<vmem_shared>>)
      %add3A_400 = arith.constant 2 : i32
      %add3A_401 = arith.addi %add3A_381, %add3A_400 : i32
      %mul3A_402 = arith.constant 128 : i32
      %mul3A_403 = arith.muli %add3A_401, %mul3A_402 : i32
      %dma_start3A_404 = tpu.memref_slice %arg8[%mul3A_403] : memref<10496xi32, #tpu.memory_space<vmem>> -> memref<128xi32, #tpu.memory_space<vmem>>
      %dma_start3A_405 = arith.constant 0 : i32
      %dma_start3A_406 = arith.constant 0 : i32
      %dma_start3A_407 = tpu.memref_slice %arg7[%dma_start3A_405, %dma_start3A_406] : memref<10240x64xf32, #tpu.memory_space<vmem_shared>> -> memref<10240x64xf32, #tpu.memory_space<vmem_shared>>
      tpu.enqueue_indirect_dma source(%dma_start3A_407 : memref<10240x64xf32, #tpu.memory_space<vmem_shared>>) target(%arg12 : memref<128x64xf32, #tpu.memory_space<vmem>>) offsets(%dma_start3A_404 : memref<128xi32, #tpu.memory_space<vmem>>) semaphore(%arg15 : memref<!tpu.dma_semaphore, #tpu.memory_space<semaphore_mem>>)
      %mul3A_408 = arith.constant 6 : i32
      %mul3A_409 = arith.muli %mul3A_408, %scan3A_248 : i32
      %add3A_410 = arith.constant 2 : i32
      %add3A_411 = arith.addi %mul3A_409, %add3A_410 : i32
      %add3A_412 = arith.constant 5 : i32
      %add3A_413 = arith.addi %add3A_411, %add3A_412 : i32
      %dma_wait3A_414 = arith.constant 0 : i32
      %dma_wait3A_415 = tpu.memref_slice %arg8[%dma_wait3A_414] : memref<10496xi32, #tpu.memory_space<vmem>> -> memref<128xi32, #tpu.memory_space<vmem>>
      %dma_wait3A_416 = arith.constant 0 : i32
      %dma_wait3A_417 = arith.constant 0 : i32
      %dma_wait3A_418 = tpu.memref_slice %arg7[%dma_wait3A_416, %dma_wait3A_417] : memref<10240x64xf32, #tpu.memory_space<vmem_shared>> -> memref<10240x64xf32, #tpu.memory_space<vmem_shared>>
      tpu.wait_indirect_dma semaphore(%arg14 : memref<!tpu.dma_semaphore, #tpu.memory_space<semaphore_mem>>) src(%dma_wait3A_418 : memref<10240x64xf32, #tpu.memory_space<vmem_shared>>) dst(%arg11 : memref<128x64xf32, #tpu.memory_space<vmem>>)
      %dma_start3A_419 = arith.constant 0 : i32
      %dma_start3A_420 = tpu.memref_slice %arg9[%add3A_413, %dma_start3A_419] : memref<80x128xi32, #tpu.memory_space<vmem>> -> memref<1x128xi32, #tpu.memory_space<vmem>>
      %dma_start3A_421 = tpu.memref_squeeze %dma_start3A_420 : memref<1x128xi32, #tpu.memory_space<vmem>> -> memref<128xi32, #tpu.memory_space<vmem>>
      %dma_start3A_422 = arith.constant 0 : i32
      %dma_start3A_423 = arith.constant 0 : i32
      %dma_start3A_424 = tpu.memref_slice %arg6[%dma_start3A_422, %dma_start3A_423] : memref<10240x64xf32, #tpu.memory_space<vmem_shared>> -> memref<10240x64xf32, #tpu.memory_space<vmem_shared>>
      tpu.enqueue_indirect_dma source(%arg11 : memref<128x64xf32, #tpu.memory_space<vmem>>) target(%dma_start3A_424 : memref<10240x64xf32, #tpu.memory_space<vmem_shared>>) offsets(%dma_start3A_421 : memref<128xi32, #tpu.memory_space<vmem>>) semaphore(%arg17 : memref<!tpu.dma_semaphore, #tpu.memory_space<semaphore_mem>>) {add = true}
      %dma_wait3A_425 = arith.constant 0 : i32
      %dma_wait3A_426 = arith.constant 0 : i32
      %dma_wait3A_427 = tpu.memref_slice %arg9[%dma_wait3A_425, %dma_wait3A_426] : memref<80x128xi32, #tpu.memory_space<vmem>> -> memref<1x128xi32, #tpu.memory_space<vmem>>
      %dma_wait3A_428 = tpu.memref_squeeze %dma_wait3A_427 : memref<1x128xi32, #tpu.memory_space<vmem>> -> memref<128xi32, #tpu.memory_space<vmem>>
      %dma_wait3A_429 = arith.constant 0 : i32
      %dma_wait3A_430 = arith.constant 0 : i32
      %dma_wait3A_431 = tpu.memref_slice %arg6[%dma_wait3A_429, %dma_wait3A_430] : memref<10240x64xf32, #tpu.memory_space<vmem_shared>> -> memref<10240x64xf32, #tpu.memory_space<vmem_shared>>
      tpu.wait_indirect_dma semaphore(%arg16 : memref<!tpu.dma_semaphore, #tpu.memory_space<semaphore_mem>>) src(%arg10 : memref<128x64xf32, #tpu.memory_space<vmem>>) dst(%dma_wait3A_431 : memref<10240x64xf32, #tpu.memory_space<vmem_shared>>)
      %add3A_432 = arith.constant 2 : i32
      %add3A_433 = arith.addi %add3A_413, %add3A_432 : i32
      %mul3A_434 = arith.constant 128 : i32
      %mul3A_435 = arith.muli %add3A_433, %mul3A_434 : i32
      %dma_start3A_436 = tpu.memref_slice %arg8[%mul3A_435] : memref<10496xi32, #tpu.memory_space<vmem>> -> memref<128xi32, #tpu.memory_space<vmem>>
      %dma_start3A_437 = arith.constant 0 : i32
      %dma_start3A_438 = arith.constant 0 : i32
      %dma_start3A_439 = tpu.memref_slice %arg7[%dma_start3A_437, %dma_start3A_438] : memref<10240x64xf32, #tpu.memory_space<vmem_shared>> -> memref<10240x64xf32, #tpu.memory_space<vmem_shared>>
      tpu.enqueue_indirect_dma source(%dma_start3A_439 : memref<10240x64xf32, #tpu.memory_space<vmem_shared>>) target(%arg10 : memref<128x64xf32, #tpu.memory_space<vmem>>) offsets(%dma_start3A_436 : memref<128xi32, #tpu.memory_space<vmem>>) semaphore(%arg13 : memref<!tpu.dma_semaphore, #tpu.memory_space<semaphore_mem>>)
    }
    %scan3A_229 = arith.constant 13 : i32
    %dma_wait3A_230 = arith.constant 0 : i32
    %dma_wait3A_231 = tpu.memref_slice %arg8[%dma_wait3A_230] : memref<10496xi32, #tpu.memory_space<vmem>> -> memref<128xi32, #tpu.memory_space<vmem>>
    %dma_wait3A_232 = arith.constant 0 : i32
    %dma_wait3A_233 = arith.constant 0 : i32
    %dma_wait3A_234 = tpu.memref_slice %arg7[%dma_wait3A_232, %dma_wait3A_233] : memref<10240x64xf32, #tpu.memory_space<vmem_shared>> -> memref<10240x64xf32, #tpu.memory_space<vmem_shared>>
    tpu.wait_indirect_dma semaphore(%arg15 : memref<!tpu.dma_semaphore, #tpu.memory_space<semaphore_mem>>) src(%dma_wait3A_234 : memref<10240x64xf32, #tpu.memory_space<vmem_shared>>) dst(%arg12 : memref<128x64xf32, #tpu.memory_space<vmem>>)
    %dma_wait3A_235 = arith.constant 0 : i32
    %dma_wait3A_236 = tpu.memref_slice %arg8[%dma_wait3A_235] : memref<10496xi32, #tpu.memory_space<vmem>> -> memref<128xi32, #tpu.memory_space<vmem>>
    %dma_wait3A_237 = arith.constant 0 : i32
    %dma_wait3A_238 = arith.constant 0 : i32
    %dma_wait3A_239 = tpu.memref_slice %arg7[%dma_wait3A_237, %dma_wait3A_238] : memref<10240x64xf32, #tpu.memory_space<vmem_shared>> -> memref<10240x64xf32, #tpu.memory_space<vmem_shared>>
    tpu.wait_indirect_dma semaphore(%arg13 : memref<!tpu.dma_semaphore, #tpu.memory_space<semaphore_mem>>) src(%dma_wait3A_239 : memref<10240x64xf32, #tpu.memory_space<vmem_shared>>) dst(%arg10 : memref<128x64xf32, #tpu.memory_space<vmem>>)
    %dma_wait3A_240 = arith.constant 0 : i32
    %dma_wait3A_241 = arith.constant 0 : i32
    %dma_wait3A_242 = tpu.memref_slice %arg9[%dma_wait3A_240, %dma_wait3A_241] : memref<80x128xi32, #tpu.memory_space<vmem>> -> memref<1x128xi32, #tpu.memory_space<vmem>>
    %dma_wait3A_243 = tpu.memref_squeeze %dma_wait3A_242 : memref<1x128xi32, #tpu.memory_space<vmem>> -> memref<128xi32, #tpu.memory_space<vmem>>
    %dma_wait3A_244 = arith.constant 0 : i32
    %dma_wait3A_245 = arith.constant 0 : i32
    %dma_wait3A_246 = tpu.memref_slice %arg6[%dma_wait3A_244, %dma_wait3A_245] : memref<10240x64xf32, #tpu.memory_space<vmem_shared>> -> memref<10240x64xf32, #tpu.memory_space<vmem_shared>>
    tpu.wait_indirect_dma semaphore(%arg17 : memref<!tpu.dma_semaphore, #tpu.memory_space<semaphore_mem>>) src(%arg11 : memref<128x64xf32, #tpu.memory_space<vmem>>) dst(%dma_wait3A_246 : memref<10240x64xf32, #tpu.memory_space<vmem_shared>>)
    %barrier3A_247 = arith.constant 0 : index
    tpu.barrier barrier_id(%barrier3A_247)
    "tpu.region"() ({
      %run_scoped3A_248 = tpu.sem_alloc : memref<!tpu.dma_semaphore, #tpu.memory_space<semaphore_mem>>
      %dma_start3A_249 = arith.constant 0 : i32
      %dma_start3A_250 = arith.constant 0 : i32
      %dma_start3A_251 = tpu.memref_slice %arg5[%arg0, %dma_start3A_249, %dma_start3A_250] : memref<2x10240x64xf32, #tpu.memory_space<hbm>> -> memref<1x10240x64xf32, #tpu.memory_space<hbm>>
      %dma_start3A_252 = tpu.memref_squeeze %dma_start3A_251 : memref<1x10240x64xf32, #tpu.memory_space<hbm>> -> memref<10240x64xf32, #tpu.memory_space<hbm>>
      %dma_start3A_253 = arith.constant 0 : i32
      %dma_start3A_254 = tpu.memref_slice %dma_start3A_252[%mul3A_0, %dma_start3A_253] : memref<10240x64xf32, #tpu.memory_space<hbm>> -> memref<640x64xf32, #tpu.memory_space<hbm>>
      %dma_start3A_255 = arith.constant 0 : i32
      %dma_start3A_256 = tpu.memref_slice %arg6[%mul3A_0, %dma_start3A_255] : memref<10240x64xf32, #tpu.memory_space<vmem_shared>> -> memref<640x64xf32, #tpu.memory_space<vmem_shared>>
      tpu.enqueue_dma source(%dma_start3A_256 : memref<640x64xf32, #tpu.memory_space<vmem_shared>>) target(%dma_start3A_254 : memref<640x64xf32, #tpu.memory_space<hbm>>) target_semaphore(%run_scoped3A_248 : memref<!tpu.dma_semaphore, #tpu.memory_space<semaphore_mem>>)
      %dma_wait3A_257 = arith.constant 0 : i32
      %dma_wait3A_258 = arith.constant 0 : i32
      %dma_wait3A_259 = tpu.memref_slice %arg5[%arg0, %dma_wait3A_257, %dma_wait3A_258] : memref<2x10240x64xf32, #tpu.memory_space<hbm>> -> memref<1x10240x64xf32, #tpu.memory_space<hbm>>
      %dma_wait3A_260 = tpu.memref_squeeze %dma_wait3A_259 : memref<1x10240x64xf32, #tpu.memory_space<hbm>> -> memref<10240x64xf32, #tpu.memory_space<hbm>>
      %dma_wait3A_261 = arith.constant 0 : i32
      %dma_wait3A_262 = tpu.memref_slice %dma_wait3A_260[%mul3A_0, %dma_wait3A_261] : memref<10240x64xf32, #tpu.memory_space<hbm>> -> memref<640x64xf32, #tpu.memory_space<hbm>>
      %dma_wait3A_263 = arith.constant 0 : i32
      %dma_wait3A_264 = tpu.memref_slice %arg6[%mul3A_0, %dma_wait3A_263] : memref<10240x64xf32, #tpu.memory_space<vmem_shared>> -> memref<640x64xf32, #tpu.memory_space<vmem_shared>>
      tpu.wait_dma2 semaphore(%run_scoped3A_248 : memref<!tpu.dma_semaphore, #tpu.memory_space<semaphore_mem>>) src(%dma_wait3A_264 : memref<640x64xf32, #tpu.memory_space<vmem_shared>>) dst(%dma_wait3A_262 : memref<640x64xf32, #tpu.memory_space<hbm>>)
      tpu.yield
    }) : () -> ()
    return
  }
}

#map = affine_map<(d0, d1) -> (0, 0, 0)>
#map1 = affine_map<(d0, d1) -> (0, 0, 0, 0)>
module attributes {stable_mosaic.version = 14 : i64} {
  func.func @_sc_edge_agg(%arg0: i32, %arg1: i32, %arg2: memref<2x10240x64xf32, #tpu.memory_space<hbm>>, %arg3: memref<16x2x10496xi32, #tpu.memory_space<hbm>>, %arg4: memref<16x2x80x128xi32, #tpu.memory_space<hbm>>, %arg5: memref<2x10240x64xf32, #tpu.memory_space<hbm>>, %arg6: memref<10240x64xf32, #tpu.memory_space<vmem_shared>>, %arg7: memref<10240x64xf32, #tpu.memory_space<vmem_shared>>, %arg8: memref<10496xi32, #tpu.memory_space<vmem>>, %arg9: memref<80x128xi32, #tpu.memory_space<vmem>>, %arg10: memref<128x64xf32, #tpu.memory_space<vmem>>, %arg11: memref<128x64xf32, #tpu.memory_space<vmem>>, %arg12: memref<128x64xf32, #tpu.memory_space<vmem>>, %arg13: memref<!tpu.dma_semaphore, #tpu.memory_space<semaphore_mem>>, %arg14: memref<!tpu.dma_semaphore, #tpu.memory_space<semaphore_mem>>, %arg15: memref<!tpu.dma_semaphore, #tpu.memory_space<semaphore_mem>>, %arg16: memref<!tpu.dma_semaphore, #tpu.memory_space<semaphore_mem>>, %arg17: memref<!tpu.dma_semaphore, #tpu.memory_space<semaphore_mem>>, %arg18: memref<!tpu.dma_semaphore, #tpu.memory_space<semaphore_mem>>) attributes {dimension_semantics = [#tpu.dimension_semantics<core_parallel>, #tpu.dimension_semantics<subcore_parallel>], iteration_bounds = array<i64: 2, 16>, scalar_prefetch = 0 : i64, scratch_operands = 13 : i64, tpu.core_type = #tpu.core_type<sc_vector_subcore>, window_params = [{transform_indices = #map}, {transform_indices = #map}, {transform_indices = #map1}, {transform_indices = #map}]} {
    %mul3A = arith.constant 640 : i32
    %mul3A_0 = arith.muli %arg1, %mul3A : i32
    %dma_start3A = arith.constant 0 : i32
    %dma_start3A_1 = tpu.memref_slice %arg6[%mul3A_0, %dma_start3A] : memref<10240x64xf32, #tpu.memory_space<vmem_shared>> -> memref<640x64xf32, #tpu.memory_space<vmem_shared>>
    %dma_start3A_2 = arith.constant 0 : i32
    %dma_start3A_3 = arith.constant 0 : i32
    %dma_start3A_4 = tpu.memref_slice %arg2[%arg0, %dma_start3A_2, %dma_start3A_3] : memref<2x10240x64xf32, #tpu.memory_space<hbm>> -> memref<1x10240x64xf32, #tpu.memory_space<hbm>>
    %dma_start3A_5 = tpu.memref_squeeze %dma_start3A_4 : memref<1x10240x64xf32, #tpu.memory_space<hbm>> -> memref<10240x64xf32, #tpu.memory_space<hbm>>
    %dma_start3A_6 = arith.constant 0 : i32
    %dma_start3A_7 = tpu.memref_slice %dma_start3A_5[%mul3A_0, %dma_start3A_6] : memref<10240x64xf32, #tpu.memory_space<hbm>> -> memref<640x64xf32, #tpu.memory_space<hbm>>
    tpu.enqueue_dma source(%dma_start3A_7 : memref<640x64xf32, #tpu.memory_space<hbm>>) target(%dma_start3A_1 : memref<640x64xf32, #tpu.memory_space<vmem_shared>>) target_semaphore(%arg16 : memref<!tpu.dma_semaphore, #tpu.memory_space<semaphore_mem>>)
    %dma_start3A_8 = arith.constant 0 : i32
    %dma_start3A_9 = tpu.memref_slice %arg7[%mul3A_0, %dma_start3A_8] : memref<10240x64xf32, #tpu.memory_space<vmem_shared>> -> memref<640x64xf32, #tpu.memory_space<vmem_shared>>
    %dma_start3A_10 = arith.constant 0 : i32
    %dma_start3A_11 = arith.constant 0 : i32
    %dma_start3A_12 = tpu.memref_slice %arg2[%arg0, %dma_start3A_10, %dma_start3A_11] : memref<2x10240x64xf32, #tpu.memory_space<hbm>> -> memref<1x10240x64xf32, #tpu.memory_space<hbm>>
    %dma_start3A_13 = tpu.memref_squeeze %dma_start3A_12 : memref<1x10240x64xf32, #tpu.memory_space<hbm>> -> memref<10240x64xf32, #tpu.memory_space<hbm>>
    %dma_start3A_14 = arith.constant 0 : i32
    %dma_start3A_15 = tpu.memref_slice %dma_start3A_13[%mul3A_0, %dma_start3A_14] : memref<10240x64xf32, #tpu.memory_space<hbm>> -> memref<640x64xf32, #tpu.memory_space<hbm>>
    tpu.enqueue_dma source(%dma_start3A_15 : memref<640x64xf32, #tpu.memory_space<hbm>>) target(%dma_start3A_9 : memref<640x64xf32, #tpu.memory_space<vmem_shared>>) target_semaphore(%arg17 : memref<!tpu.dma_semaphore, #tpu.memory_space<semaphore_mem>>)
    %dma_start3A_16 = arith.constant 0 : i32
    %dma_start3A_17 = arith.constant 0 : i32
    %dma_start3A_18 = arith.constant 0 : i32
    %dma_start3A_19 = tpu.memref_slice %arg3[%arg1, %dma_start3A_17, %dma_start3A_18] : memref<16x2x10496xi32, #tpu.memory_space<hbm>> -> memref<1x2x10496xi32, #tpu.memory_space<hbm>>
    %dma_start3A_20 = tpu.memref_squeeze %dma_start3A_19 : memref<1x2x10496xi32, #tpu.memory_space<hbm>> -> memref<2x10496xi32, #tpu.memory_space<hbm>>
    %dma_start3A_21 = arith.constant 0 : i32
    %dma_start3A_22 = tpu.memref_slice %dma_start3A_20[%dma_start3A_16, %dma_start3A_21] : memref<2x10496xi32, #tpu.memory_space<hbm>> -> memref<1x10496xi32, #tpu.memory_space<hbm>>
    %dma_start3A_23 = tpu.memref_squeeze %dma_start3A_22 : memref<1x10496xi32, #tpu.memory_space<hbm>> -> memref<10496xi32, #tpu.memory_space<hbm>>
    %dma_start3A_24 = arith.constant 0 : i32
    %dma_start3A_25 = arith.constant 0 : i32
    %dma_start3A_26 = tpu.memref_slice %arg3[%arg1, %dma_start3A_24, %dma_start3A_25] : memref<16x2x10496xi32, #tpu.memory_space<hbm>> -> memref<1x2x10496xi32, #tpu.memory_space<hbm>>
    %dma_start3A_27 = tpu.memref_squeeze %dma_start3A_26 : memref<1x2x10496xi32, #tpu.memory_space<hbm>> -> memref<2x10496xi32, #tpu.memory_space<hbm>>
    %dma_start3A_28 = arith.constant 0 : i32
    %dma_start3A_29 = tpu.memref_slice %dma_start3A_27[%dma_start3A_16, %dma_start3A_28] : memref<2x10496xi32, #tpu.memory_space<hbm>> -> memref<1x10496xi32, #tpu.memory_space<hbm>>
    %dma_start3A_30 = tpu.memref_squeeze %dma_start3A_29 : memref<1x10496xi32, #tpu.memory_space<hbm>> -> memref<10496xi32, #tpu.memory_space<hbm>>
    tpu.enqueue_dma source(%dma_start3A_30 : memref<10496xi32, #tpu.memory_space<hbm>>) target(%arg8 : memref<10496xi32, #tpu.memory_space<vmem>>) target_semaphore(%arg13 : memref<!tpu.dma_semaphore, #tpu.memory_space<semaphore_mem>>)
    %dma_start3A_31 = arith.constant 0 : i32
    %dma_start3A_32 = arith.constant 0 : i32
    %dma_start3A_33 = arith.constant 0 : i32
    %dma_start3A_34 = arith.constant 0 : i32
    %dma_start3A_35 = tpu.memref_slice %arg4[%arg1, %dma_start3A_32, %dma_start3A_33, %dma_start3A_34] : memref<16x2x80x128xi32, #tpu.memory_space<hbm>> -> memref<1x2x80x128xi32, #tpu.memory_space<hbm>>
    %dma_start3A_36 = tpu.memref_squeeze %dma_start3A_35 : memref<1x2x80x128xi32, #tpu.memory_space<hbm>> -> memref<2x80x128xi32, #tpu.memory_space<hbm>>
    %dma_start3A_37 = arith.constant 0 : i32
    %dma_start3A_38 = arith.constant 0 : i32
    %dma_start3A_39 = tpu.memref_slice %dma_start3A_36[%dma_start3A_31, %dma_start3A_37, %dma_start3A_38] : memref<2x80x128xi32, #tpu.memory_space<hbm>> -> memref<1x80x128xi32, #tpu.memory_space<hbm>>
    %dma_start3A_40 = tpu.memref_squeeze %dma_start3A_39 : memref<1x80x128xi32, #tpu.memory_space<hbm>> -> memref<80x128xi32, #tpu.memory_space<hbm>>
    %dma_start3A_41 = arith.constant 0 : i32
    %dma_start3A_42 = arith.constant 0 : i32
    %dma_start3A_43 = arith.constant 0 : i32
    %dma_start3A_44 = tpu.memref_slice %arg4[%arg1, %dma_start3A_41, %dma_start3A_42, %dma_start3A_43] : memref<16x2x80x128xi32, #tpu.memory_space<hbm>> -> memref<1x2x80x128xi32, #tpu.memory_space<hbm>>
    %dma_start3A_45 = tpu.memref_squeeze %dma_start3A_44 : memref<1x2x80x128xi32, #tpu.memory_space<hbm>> -> memref<2x80x128xi32, #tpu.memory_space<hbm>>
    %dma_start3A_46 = arith.constant 0 : i32
    %dma_start3A_47 = arith.constant 0 : i32
    %dma_start3A_48 = tpu.memref_slice %dma_start3A_45[%dma_start3A_31, %dma_start3A_46, %dma_start3A_47] : memref<2x80x128xi32, #tpu.memory_space<hbm>> -> memref<1x80x128xi32, #tpu.memory_space<hbm>>
    %dma_start3A_49 = tpu.memref_squeeze %dma_start3A_48 : memref<1x80x128xi32, #tpu.memory_space<hbm>> -> memref<80x128xi32, #tpu.memory_space<hbm>>
    tpu.enqueue_dma source(%dma_start3A_49 : memref<80x128xi32, #tpu.memory_space<hbm>>) target(%arg9 : memref<80x128xi32, #tpu.memory_space<vmem>>) target_semaphore(%arg14 : memref<!tpu.dma_semaphore, #tpu.memory_space<semaphore_mem>>)
    %dma_wait3A = arith.constant 0 : i32
    %dma_wait3A_50 = tpu.memref_slice %arg6[%mul3A_0, %dma_wait3A] : memref<10240x64xf32, #tpu.memory_space<vmem_shared>> -> memref<640x64xf32, #tpu.memory_space<vmem_shared>>
    %dma_wait3A_51 = arith.constant 0 : i32
    %dma_wait3A_52 = arith.constant 0 : i32
    %dma_wait3A_53 = tpu.memref_slice %arg2[%arg0, %dma_wait3A_51, %dma_wait3A_52] : memref<2x10240x64xf32, #tpu.memory_space<hbm>> -> memref<1x10240x64xf32, #tpu.memory_space<hbm>>
    %dma_wait3A_54 = tpu.memref_squeeze %dma_wait3A_53 : memref<1x10240x64xf32, #tpu.memory_space<hbm>> -> memref<10240x64xf32, #tpu.memory_space<hbm>>
    %dma_wait3A_55 = arith.constant 0 : i32
    %dma_wait3A_56 = tpu.memref_slice %dma_wait3A_54[%mul3A_0, %dma_wait3A_55] : memref<10240x64xf32, #tpu.memory_space<hbm>> -> memref<640x64xf32, #tpu.memory_space<hbm>>
    tpu.wait_dma2 semaphore(%arg16 : memref<!tpu.dma_semaphore, #tpu.memory_space<semaphore_mem>>) src(%dma_wait3A_56 : memref<640x64xf32, #tpu.memory_space<hbm>>) dst(%dma_wait3A_50 : memref<640x64xf32, #tpu.memory_space<vmem_shared>>)
    %dma_wait3A_57 = arith.constant 0 : i32
    %dma_wait3A_58 = tpu.memref_slice %arg7[%mul3A_0, %dma_wait3A_57] : memref<10240x64xf32, #tpu.memory_space<vmem_shared>> -> memref<640x64xf32, #tpu.memory_space<vmem_shared>>
    %dma_wait3A_59 = arith.constant 0 : i32
    %dma_wait3A_60 = arith.constant 0 : i32
    %dma_wait3A_61 = tpu.memref_slice %arg2[%arg0, %dma_wait3A_59, %dma_wait3A_60] : memref<2x10240x64xf32, #tpu.memory_space<hbm>> -> memref<1x10240x64xf32, #tpu.memory_space<hbm>>
    %dma_wait3A_62 = tpu.memref_squeeze %dma_wait3A_61 : memref<1x10240x64xf32, #tpu.memory_space<hbm>> -> memref<10240x64xf32, #tpu.memory_space<hbm>>
    %dma_wait3A_63 = arith.constant 0 : i32
    %dma_wait3A_64 = tpu.memref_slice %dma_wait3A_62[%mul3A_0, %dma_wait3A_63] : memref<10240x64xf32, #tpu.memory_space<hbm>> -> memref<640x64xf32, #tpu.memory_space<hbm>>
    tpu.wait_dma2 semaphore(%arg17 : memref<!tpu.dma_semaphore, #tpu.memory_space<semaphore_mem>>) src(%dma_wait3A_64 : memref<640x64xf32, #tpu.memory_space<hbm>>) dst(%dma_wait3A_58 : memref<640x64xf32, #tpu.memory_space<vmem_shared>>)
    %barrier3A = arith.constant 0 : index
    tpu.barrier barrier_id(%barrier3A)
    %dma_wait3A_65 = arith.constant 0 : i32
    %dma_wait3A_66 = arith.constant 0 : i32
    %dma_wait3A_67 = arith.constant 0 : i32
    %dma_wait3A_68 = tpu.memref_slice %arg3[%arg1, %dma_wait3A_66, %dma_wait3A_67] : memref<16x2x10496xi32, #tpu.memory_space<hbm>> -> memref<1x2x10496xi32, #tpu.memory_space<hbm>>
    %dma_wait3A_69 = tpu.memref_squeeze %dma_wait3A_68 : memref<1x2x10496xi32, #tpu.memory_space<hbm>> -> memref<2x10496xi32, #tpu.memory_space<hbm>>
    %dma_wait3A_70 = arith.constant 0 : i32
    %dma_wait3A_71 = tpu.memref_slice %dma_wait3A_69[%dma_wait3A_65, %dma_wait3A_70] : memref<2x10496xi32, #tpu.memory_space<hbm>> -> memref<1x10496xi32, #tpu.memory_space<hbm>>
    %dma_wait3A_72 = tpu.memref_squeeze %dma_wait3A_71 : memref<1x10496xi32, #tpu.memory_space<hbm>> -> memref<10496xi32, #tpu.memory_space<hbm>>
    %dma_wait3A_73 = arith.constant 0 : i32
    %dma_wait3A_74 = arith.constant 0 : i32
    %dma_wait3A_75 = tpu.memref_slice %arg3[%arg1, %dma_wait3A_73, %dma_wait3A_74] : memref<16x2x10496xi32, #tpu.memory_space<hbm>> -> memref<1x2x10496xi32, #tpu.memory_space<hbm>>
    %dma_wait3A_76 = tpu.memref_squeeze %dma_wait3A_75 : memref<1x2x10496xi32, #tpu.memory_space<hbm>> -> memref<2x10496xi32, #tpu.memory_space<hbm>>
    %dma_wait3A_77 = arith.constant 0 : i32
    %dma_wait3A_78 = tpu.memref_slice %dma_wait3A_76[%dma_wait3A_65, %dma_wait3A_77] : memref<2x10496xi32, #tpu.memory_space<hbm>> -> memref<1x10496xi32, #tpu.memory_space<hbm>>
    %dma_wait3A_79 = tpu.memref_squeeze %dma_wait3A_78 : memref<1x10496xi32, #tpu.memory_space<hbm>> -> memref<10496xi32, #tpu.memory_space<hbm>>
    tpu.wait_dma2 semaphore(%arg13 : memref<!tpu.dma_semaphore, #tpu.memory_space<semaphore_mem>>) src(%dma_wait3A_79 : memref<10496xi32, #tpu.memory_space<hbm>>) dst(%arg8 : memref<10496xi32, #tpu.memory_space<vmem>>)
    %dma_wait3A_80 = arith.constant 0 : i32
    %dma_wait3A_81 = arith.constant 0 : i32
    %dma_wait3A_82 = arith.constant 0 : i32
    %dma_wait3A_83 = arith.constant 0 : i32
    %dma_wait3A_84 = tpu.memref_slice %arg4[%arg1, %dma_wait3A_81, %dma_wait3A_82, %dma_wait3A_83] : memref<16x2x80x128xi32, #tpu.memory_space<hbm>> -> memref<1x2x80x128xi32, #tpu.memory_space<hbm>>
    %dma_wait3A_85 = tpu.memref_squeeze %dma_wait3A_84 : memref<1x2x80x128xi32, #tpu.memory_space<hbm>> -> memref<2x80x128xi32, #tpu.memory_space<hbm>>
    %dma_wait3A_86 = arith.constant 0 : i32
    %dma_wait3A_87 = arith.constant 0 : i32
    %dma_wait3A_88 = tpu.memref_slice %dma_wait3A_85[%dma_wait3A_80, %dma_wait3A_86, %dma_wait3A_87] : memref<2x80x128xi32, #tpu.memory_space<hbm>> -> memref<1x80x128xi32, #tpu.memory_space<hbm>>
    %dma_wait3A_89 = tpu.memref_squeeze %dma_wait3A_88 : memref<1x80x128xi32, #tpu.memory_space<hbm>> -> memref<80x128xi32, #tpu.memory_space<hbm>>
    %dma_wait3A_90 = arith.constant 0 : i32
    %dma_wait3A_91 = arith.constant 0 : i32
    %dma_wait3A_92 = arith.constant 0 : i32
    %dma_wait3A_93 = tpu.memref_slice %arg4[%arg1, %dma_wait3A_90, %dma_wait3A_91, %dma_wait3A_92] : memref<16x2x80x128xi32, #tpu.memory_space<hbm>> -> memref<1x2x80x128xi32, #tpu.memory_space<hbm>>
    %dma_wait3A_94 = tpu.memref_squeeze %dma_wait3A_93 : memref<1x2x80x128xi32, #tpu.memory_space<hbm>> -> memref<2x80x128xi32, #tpu.memory_space<hbm>>
    %dma_wait3A_95 = arith.constant 0 : i32
    %dma_wait3A_96 = arith.constant 0 : i32
    %dma_wait3A_97 = tpu.memref_slice %dma_wait3A_94[%dma_wait3A_80, %dma_wait3A_95, %dma_wait3A_96] : memref<2x80x128xi32, #tpu.memory_space<hbm>> -> memref<1x80x128xi32, #tpu.memory_space<hbm>>
    %dma_wait3A_98 = tpu.memref_squeeze %dma_wait3A_97 : memref<1x80x128xi32, #tpu.memory_space<hbm>> -> memref<80x128xi32, #tpu.memory_space<hbm>>
    tpu.wait_dma2 semaphore(%arg14 : memref<!tpu.dma_semaphore, #tpu.memory_space<semaphore_mem>>) src(%dma_wait3A_98 : memref<80x128xi32, #tpu.memory_space<hbm>>) dst(%arg9 : memref<80x128xi32, #tpu.memory_space<vmem>>)
    %dma_start3A_99 = arith.constant 0 : i32
    %dma_start3A_100 = tpu.memref_slice %arg8[%dma_start3A_99] : memref<10496xi32, #tpu.memory_space<vmem>> -> memref<128xi32, #tpu.memory_space<vmem>>
    %dma_start3A_101 = arith.constant 0 : i32
    %dma_start3A_102 = arith.constant 0 : i32
    %dma_start3A_103 = tpu.memref_slice %arg7[%dma_start3A_101, %dma_start3A_102] : memref<10240x64xf32, #tpu.memory_space<vmem_shared>> -> memref<10240x64xf32, #tpu.memory_space<vmem_shared>>
    tpu.enqueue_indirect_dma source(%dma_start3A_103 : memref<10240x64xf32, #tpu.memory_space<vmem_shared>>) target(%arg10 : memref<128x64xf32, #tpu.memory_space<vmem>>) offsets(%dma_start3A_100 : memref<128xi32, #tpu.memory_space<vmem>>) semaphore(%arg13 : memref<!tpu.dma_semaphore, #tpu.memory_space<semaphore_mem>>)
    %dma_start3A_104 = arith.constant 128 : i32
    %dma_start3A_105 = tpu.memref_slice %arg8[%dma_start3A_104] : memref<10496xi32, #tpu.memory_space<vmem>> -> memref<128xi32, #tpu.memory_space<vmem>>
    %dma_start3A_106 = arith.constant 0 : i32
    %dma_start3A_107 = arith.constant 0 : i32
    %dma_start3A_108 = tpu.memref_slice %arg7[%dma_start3A_106, %dma_start3A_107] : memref<10240x64xf32, #tpu.memory_space<vmem_shared>> -> memref<10240x64xf32, #tpu.memory_space<vmem_shared>>
    tpu.enqueue_indirect_dma source(%dma_start3A_108 : memref<10240x64xf32, #tpu.memory_space<vmem_shared>>) target(%arg11 : memref<128x64xf32, #tpu.memory_space<vmem>>) offsets(%dma_start3A_105 : memref<128xi32, #tpu.memory_space<vmem>>) semaphore(%arg14 : memref<!tpu.dma_semaphore, #tpu.memory_space<semaphore_mem>>)
    %dma_wait3A_109 = arith.constant 0 : i32
    %dma_wait3A_110 = tpu.memref_slice %arg8[%dma_wait3A_109] : memref<10496xi32, #tpu.memory_space<vmem>> -> memref<128xi32, #tpu.memory_space<vmem>>
    %dma_wait3A_111 = arith.constant 0 : i32
    %dma_wait3A_112 = arith.constant 0 : i32
    %dma_wait3A_113 = tpu.memref_slice %arg7[%dma_wait3A_111, %dma_wait3A_112] : memref<10240x64xf32, #tpu.memory_space<vmem_shared>> -> memref<10240x64xf32, #tpu.memory_space<vmem_shared>>
    tpu.wait_indirect_dma semaphore(%arg13 : memref<!tpu.dma_semaphore, #tpu.memory_space<semaphore_mem>>) src(%dma_wait3A_113 : memref<10240x64xf32, #tpu.memory_space<vmem_shared>>) dst(%arg10 : memref<128x64xf32, #tpu.memory_space<vmem>>)
    %dma_start3A_114 = arith.constant 0 : i32
    %dma_start3A_115 = arith.constant 0 : i32
    %dma_start3A_116 = tpu.memref_slice %arg9[%dma_start3A_114, %dma_start3A_115] : memref<80x128xi32, #tpu.memory_space<vmem>> -> memref<1x128xi32, #tpu.memory_space<vmem>>
    %dma_start3A_117 = tpu.memref_squeeze %dma_start3A_116 : memref<1x128xi32, #tpu.memory_space<vmem>> -> memref<128xi32, #tpu.memory_space<vmem>>
    %dma_start3A_118 = arith.constant 0 : i32
    %dma_start3A_119 = arith.constant 0 : i32
    %dma_start3A_120 = tpu.memref_slice %arg6[%dma_start3A_118, %dma_start3A_119] : memref<10240x64xf32, #tpu.memory_space<vmem_shared>> -> memref<10240x64xf32, #tpu.memory_space<vmem_shared>>
    tpu.enqueue_indirect_dma source(%arg10 : memref<128x64xf32, #tpu.memory_space<vmem>>) target(%dma_start3A_120 : memref<10240x64xf32, #tpu.memory_space<vmem_shared>>) offsets(%dma_start3A_117 : memref<128xi32, #tpu.memory_space<vmem>>) semaphore(%arg16 : memref<!tpu.dma_semaphore, #tpu.memory_space<semaphore_mem>>) {add = true}
    %dma_start3A_121 = arith.constant 256 : i32
    %dma_start3A_122 = tpu.memref_slice %arg8[%dma_start3A_121] : memref<10496xi32, #tpu.memory_space<vmem>> -> memref<128xi32, #tpu.memory_space<vmem>>
    %dma_start3A_123 = arith.constant 0 : i32
    %dma_start3A_124 = arith.constant 0 : i32
    %dma_start3A_125 = tpu.memref_slice %arg7[%dma_start3A_123, %dma_start3A_124] : memref<10240x64xf32, #tpu.memory_space<vmem_shared>> -> memref<10240x64xf32, #tpu.memory_space<vmem_shared>>
    tpu.enqueue_indirect_dma source(%dma_start3A_125 : memref<10240x64xf32, #tpu.memory_space<vmem_shared>>) target(%arg12 : memref<128x64xf32, #tpu.memory_space<vmem>>) offsets(%dma_start3A_122 : memref<128xi32, #tpu.memory_space<vmem>>) semaphore(%arg15 : memref<!tpu.dma_semaphore, #tpu.memory_space<semaphore_mem>>)
    %dma_wait3A_126 = arith.constant 0 : i32
    %dma_wait3A_127 = tpu.memref_slice %arg8[%dma_wait3A_126] : memref<10496xi32, #tpu.memory_space<vmem>> -> memref<128xi32, #tpu.memory_space<vmem>>
    %dma_wait3A_128 = arith.constant 0 : i32
    %dma_wait3A_129 = arith.constant 0 : i32
    %dma_wait3A_130 = tpu.memref_slice %arg7[%dma_wait3A_128, %dma_wait3A_129] : memref<10240x64xf32, #tpu.memory_space<vmem_shared>> -> memref<10240x64xf32, #tpu.memory_space<vmem_shared>>
    tpu.wait_indirect_dma semaphore(%arg14 : memref<!tpu.dma_semaphore, #tpu.memory_space<semaphore_mem>>) src(%dma_wait3A_130 : memref<10240x64xf32, #tpu.memory_space<vmem_shared>>) dst(%arg11 : memref<128x64xf32, #tpu.memory_space<vmem>>)
    %dma_start3A_131 = arith.constant 1 : i32
    %dma_start3A_132 = arith.constant 0 : i32
    %dma_start3A_133 = tpu.memref_slice %arg9[%dma_start3A_131, %dma_start3A_132] : memref<80x128xi32, #tpu.memory_space<vmem>> -> memref<1x128xi32, #tpu.memory_space<vmem>>
    %dma_start3A_134 = tpu.memref_squeeze %dma_start3A_133 : memref<1x128xi32, #tpu.memory_space<vmem>> -> memref<128xi32, #tpu.memory_space<vmem>>
    %dma_start3A_135 = arith.constant 0 : i32
    %dma_start3A_136 = arith.constant 0 : i32
    %dma_start3A_137 = tpu.memref_slice %arg6[%dma_start3A_135, %dma_start3A_136] : memref<10240x64xf32, #tpu.memory_space<vmem_shared>> -> memref<10240x64xf32, #tpu.memory_space<vmem_shared>>
    tpu.enqueue_indirect_dma source(%arg11 : memref<128x64xf32, #tpu.memory_space<vmem>>) target(%dma_start3A_137 : memref<10240x64xf32, #tpu.memory_space<vmem_shared>>) offsets(%dma_start3A_134 : memref<128xi32, #tpu.memory_space<vmem>>) semaphore(%arg17 : memref<!tpu.dma_semaphore, #tpu.memory_space<semaphore_mem>>) {add = true}
    %dma_wait3A_138 = arith.constant 0 : i32
    %dma_wait3A_139 = arith.constant 0 : i32
    %dma_wait3A_140 = tpu.memref_slice %arg9[%dma_wait3A_138, %dma_wait3A_139] : memref<80x128xi32, #tpu.memory_space<vmem>> -> memref<1x128xi32, #tpu.memory_space<vmem>>
    %dma_wait3A_141 = tpu.memref_squeeze %dma_wait3A_140 : memref<1x128xi32, #tpu.memory_space<vmem>> -> memref<128xi32, #tpu.memory_space<vmem>>
    %dma_wait3A_142 = arith.constant 0 : i32
    %dma_wait3A_143 = arith.constant 0 : i32
    %dma_wait3A_144 = tpu.memref_slice %arg6[%dma_wait3A_142, %dma_wait3A_143] : memref<10240x64xf32, #tpu.memory_space<vmem_shared>> -> memref<10240x64xf32, #tpu.memory_space<vmem_shared>>
    tpu.wait_indirect_dma semaphore(%arg16 : memref<!tpu.dma_semaphore, #tpu.memory_space<semaphore_mem>>) src(%arg10 : memref<128x64xf32, #tpu.memory_space<vmem>>) dst(%dma_wait3A_144 : memref<10240x64xf32, #tpu.memory_space<vmem_shared>>)
    %dma_start3A_145 = arith.constant 384 : i32
    %dma_start3A_146 = tpu.memref_slice %arg8[%dma_start3A_145] : memref<10496xi32, #tpu.memory_space<vmem>> -> memref<128xi32, #tpu.memory_space<vmem>>
    %dma_start3A_147 = arith.constant 0 : i32
    %dma_start3A_148 = arith.constant 0 : i32
    %dma_start3A_149 = tpu.memref_slice %arg7[%dma_start3A_147, %dma_start3A_148] : memref<10240x64xf32, #tpu.memory_space<vmem_shared>> -> memref<10240x64xf32, #tpu.memory_space<vmem_shared>>
    tpu.enqueue_indirect_dma source(%dma_start3A_149 : memref<10240x64xf32, #tpu.memory_space<vmem_shared>>) target(%arg10 : memref<128x64xf32, #tpu.memory_space<vmem>>) offsets(%dma_start3A_146 : memref<128xi32, #tpu.memory_space<vmem>>) semaphore(%arg13 : memref<!tpu.dma_semaphore, #tpu.memory_space<semaphore_mem>>)
    %scan3A = arith.constant 0 : i32
    %scan3A_150 = arith.constant 0 : i32
    %scan3A_151 = arith.constant 13 : i32
    %scan3A_152 = arith.addi %scan3A_150, %scan3A_151 : i32
    %scan3A_153 = arith.constant 1 : i32
    scf.for %scan3A_248 = %scan3A_150 to %scan3A_152 step %scan3A_153  : i32 {
      %mul3A_249 = arith.constant 6 : i32
      %mul3A_250 = arith.muli %mul3A_249, %scan3A_248 : i32
      %add3A = arith.constant 2 : i32
      %add3A_251 = arith.addi %mul3A_250, %add3A : i32
      %add3A_252 = arith.constant 0 : i32
      %add3A_253 = arith.addi %add3A_251, %add3A_252 : i32
      %dma_wait3A_254 = arith.constant 0 : i32
      %dma_wait3A_255 = tpu.memref_slice %arg8[%dma_wait3A_254] : memref<10496xi32, #tpu.memory_space<vmem>> -> memref<128xi32, #tpu.memory_space<vmem>>
      %dma_wait3A_256 = arith.constant 0 : i32
      %dma_wait3A_257 = arith.constant 0 : i32
      %dma_wait3A_258 = tpu.memref_slice %arg7[%dma_wait3A_256, %dma_wait3A_257] : memref<10240x64xf32, #tpu.memory_space<vmem_shared>> -> memref<10240x64xf32, #tpu.memory_space<vmem_shared>>
      tpu.wait_indirect_dma semaphore(%arg15 : memref<!tpu.dma_semaphore, #tpu.memory_space<semaphore_mem>>) src(%dma_wait3A_258 : memref<10240x64xf32, #tpu.memory_space<vmem_shared>>) dst(%arg12 : memref<128x64xf32, #tpu.memory_space<vmem>>)
      %dma_start3A_259 = arith.constant 0 : i32
      %dma_start3A_260 = tpu.memref_slice %arg9[%add3A_253, %dma_start3A_259] : memref<80x128xi32, #tpu.memory_space<vmem>> -> memref<1x128xi32, #tpu.memory_space<vmem>>
      %dma_start3A_261 = tpu.memref_squeeze %dma_start3A_260 : memref<1x128xi32, #tpu.memory_space<vmem>> -> memref<128xi32, #tpu.memory_space<vmem>>
      %dma_start3A_262 = arith.constant 0 : i32
      %dma_start3A_263 = arith.constant 0 : i32
      %dma_start3A_264 = tpu.memref_slice %arg6[%dma_start3A_262, %dma_start3A_263] : memref<10240x64xf32, #tpu.memory_space<vmem_shared>> -> memref<10240x64xf32, #tpu.memory_space<vmem_shared>>
      tpu.enqueue_indirect_dma source(%arg12 : memref<128x64xf32, #tpu.memory_space<vmem>>) target(%dma_start3A_264 : memref<10240x64xf32, #tpu.memory_space<vmem_shared>>) offsets(%dma_start3A_261 : memref<128xi32, #tpu.memory_space<vmem>>) semaphore(%arg18 : memref<!tpu.dma_semaphore, #tpu.memory_space<semaphore_mem>>) {add = true}
      %dma_wait3A_265 = arith.constant 0 : i32
      %dma_wait3A_266 = arith.constant 0 : i32
      %dma_wait3A_267 = tpu.memref_slice %arg9[%dma_wait3A_265, %dma_wait3A_266] : memref<80x128xi32, #tpu.memory_space<vmem>> -> memref<1x128xi32, #tpu.memory_space<vmem>>
      %dma_wait3A_268 = tpu.memref_squeeze %dma_wait3A_267 : memref<1x128xi32, #tpu.memory_space<vmem>> -> memref<128xi32, #tpu.memory_space<vmem>>
      %dma_wait3A_269 = arith.constant 0 : i32
      %dma_wait3A_270 = arith.constant 0 : i32
      %dma_wait3A_271 = tpu.memref_slice %arg6[%dma_wait3A_269, %dma_wait3A_270] : memref<10240x64xf32, #tpu.memory_space<vmem_shared>> -> memref<10240x64xf32, #tpu.memory_space<vmem_shared>>
      tpu.wait_indirect_dma semaphore(%arg17 : memref<!tpu.dma_semaphore, #tpu.memory_space<semaphore_mem>>) src(%arg11 : memref<128x64xf32, #tpu.memory_space<vmem>>) dst(%dma_wait3A_271 : memref<10240x64xf32, #tpu.memory_space<vmem_shared>>)
      %add3A_272 = arith.constant 2 : i32
      %add3A_273 = arith.addi %add3A_253, %add3A_272 : i32
      %mul3A_274 = arith.constant 128 : i32
      %mul3A_275 = arith.muli %add3A_273, %mul3A_274 : i32
      %dma_start3A_276 = tpu.memref_slice %arg8[%mul3A_275] : memref<10496xi32, #tpu.memory_space<vmem>> -> memref<128xi32, #tpu.memory_space<vmem>>
      %dma_start3A_277 = arith.constant 0 : i32
      %dma_start3A_278 = arith.constant 0 : i32
      %dma_start3A_279 = tpu.memref_slice %arg7[%dma_start3A_277, %dma_start3A_278] : memref<10240x64xf32, #tpu.memory_space<vmem_shared>> -> memref<10240x64xf32, #tpu.memory_space<vmem_shared>>
      tpu.enqueue_indirect_dma source(%dma_start3A_279 : memref<10240x64xf32, #tpu.memory_space<vmem_shared>>) target(%arg11 : memref<128x64xf32, #tpu.memory_space<vmem>>) offsets(%dma_start3A_276 : memref<128xi32, #tpu.memory_space<vmem>>) semaphore(%arg14 : memref<!tpu.dma_semaphore, #tpu.memory_space<semaphore_mem>>)
      %mul3A_280 = arith.constant 6 : i32
      %mul3A_281 = arith.muli %mul3A_280, %scan3A_248 : i32
      %add3A_282 = arith.constant 2 : i32
      %add3A_283 = arith.addi %mul3A_281, %add3A_282 : i32
      %add3A_284 = arith.constant 1 : i32
      %add3A_285 = arith.addi %add3A_283, %add3A_284 : i32
      %dma_wait3A_286 = arith.constant 0 : i32
      %dma_wait3A_287 = tpu.memref_slice %arg8[%dma_wait3A_286] : memref<10496xi32, #tpu.memory_space<vmem>> -> memref<128xi32, #tpu.memory_space<vmem>>
      %dma_wait3A_288 = arith.constant 0 : i32
      %dma_wait3A_289 = arith.constant 0 : i32
      %dma_wait3A_290 = tpu.memref_slice %arg7[%dma_wait3A_288, %dma_wait3A_289] : memref<10240x64xf32, #tpu.memory_space<vmem_shared>> -> memref<10240x64xf32, #tpu.memory_space<vmem_shared>>
      tpu.wait_indirect_dma semaphore(%arg13 : memref<!tpu.dma_semaphore, #tpu.memory_space<semaphore_mem>>) src(%dma_wait3A_290 : memref<10240x64xf32, #tpu.memory_space<vmem_shared>>) dst(%arg10 : memref<128x64xf32, #tpu.memory_space<vmem>>)
      %dma_start3A_291 = arith.constant 0 : i32
      %dma_start3A_292 = tpu.memref_slice %arg9[%add3A_285, %dma_start3A_291] : memref<80x128xi32, #tpu.memory_space<vmem>> -> memref<1x128xi32, #tpu.memory_space<vmem>>
      %dma_start3A_293 = tpu.memref_squeeze %dma_start3A_292 : memref<1x128xi32, #tpu.memory_space<vmem>> -> memref<128xi32, #tpu.memory_space<vmem>>
      %dma_start3A_294 = arith.constant 0 : i32
      %dma_start3A_295 = arith.constant 0 : i32
      %dma_start3A_296 = tpu.memref_slice %arg6[%dma_start3A_294, %dma_start3A_295] : memref<10240x64xf32, #tpu.memory_space<vmem_shared>> -> memref<10240x64xf32, #tpu.memory_space<vmem_shared>>
      tpu.enqueue_indirect_dma source(%arg10 : memref<128x64xf32, #tpu.memory_space<vmem>>) target(%dma_start3A_296 : memref<10240x64xf32, #tpu.memory_space<vmem_shared>>) offsets(%dma_start3A_293 : memref<128xi32, #tpu.memory_space<vmem>>) semaphore(%arg16 : memref<!tpu.dma_semaphore, #tpu.memory_space<semaphore_mem>>) {add = true}
      %dma_wait3A_297 = arith.constant 0 : i32
      %dma_wait3A_298 = arith.constant 0 : i32
      %dma_wait3A_299 = tpu.memref_slice %arg9[%dma_wait3A_297, %dma_wait3A_298] : memref<80x128xi32, #tpu.memory_space<vmem>> -> memref<1x128xi32, #tpu.memory_space<vmem>>
      %dma_wait3A_300 = tpu.memref_squeeze %dma_wait3A_299 : memref<1x128xi32, #tpu.memory_space<vmem>> -> memref<128xi32, #tpu.memory_space<vmem>>
      %dma_wait3A_301 = arith.constant 0 : i32
      %dma_wait3A_302 = arith.constant 0 : i32
      %dma_wait3A_303 = tpu.memref_slice %arg6[%dma_wait3A_301, %dma_wait3A_302] : memref<10240x64xf32, #tpu.memory_space<vmem_shared>> -> memref<10240x64xf32, #tpu.memory_space<vmem_shared>>
      tpu.wait_indirect_dma semaphore(%arg18 : memref<!tpu.dma_semaphore, #tpu.memory_space<semaphore_mem>>) src(%arg12 : memref<128x64xf32, #tpu.memory_space<vmem>>) dst(%dma_wait3A_303 : memref<10240x64xf32, #tpu.memory_space<vmem_shared>>)
      %add3A_304 = arith.constant 2 : i32
      %add3A_305 = arith.addi %add3A_285, %add3A_304 : i32
      %mul3A_306 = arith.constant 128 : i32
      %mul3A_307 = arith.muli %add3A_305, %mul3A_306 : i32
      %dma_start3A_308 = tpu.memref_slice %arg8[%mul3A_307] : memref<10496xi32, #tpu.memory_space<vmem>> -> memref<128xi32, #tpu.memory_space<vmem>>
      %dma_start3A_309 = arith.constant 0 : i32
      %dma_start3A_310 = arith.constant 0 : i32
      %dma_start3A_311 = tpu.memref_slice %arg7[%dma_start3A_309, %dma_start3A_310] : memref<10240x64xf32, #tpu.memory_space<vmem_shared>> -> memref<10240x64xf32, #tpu.memory_space<vmem_shared>>
      tpu.enqueue_indirect_dma source(%dma_start3A_311 : memref<10240x64xf32, #tpu.memory_space<vmem_shared>>) target(%arg12 : memref<128x64xf32, #tpu.memory_space<vmem>>) offsets(%dma_start3A_308 : memref<128xi32, #tpu.memory_space<vmem>>) semaphore(%arg15 : memref<!tpu.dma_semaphore, #tpu.memory_space<semaphore_mem>>)
      %mul3A_312 = arith.constant 6 : i32
      %mul3A_313 = arith.muli %mul3A_312, %scan3A_248 : i32
      %add3A_314 = arith.constant 2 : i32
      %add3A_315 = arith.addi %mul3A_313, %add3A_314 : i32
      %add3A_316 = arith.constant 2 : i32
      %add3A_317 = arith.addi %add3A_315, %add3A_316 : i32
      %dma_wait3A_318 = arith.constant 0 : i32
      %dma_wait3A_319 = tpu.memref_slice %arg8[%dma_wait3A_318] : memref<10496xi32, #tpu.memory_space<vmem>> -> memref<128xi32, #tpu.memory_space<vmem>>
      %dma_wait3A_320 = arith.constant 0 : i32
      %dma_wait3A_321 = arith.constant 0 : i32
      %dma_wait3A_322 = tpu.memref_slice %arg7[%dma_wait3A_320, %dma_wait3A_321] : memref<10240x64xf32, #tpu.memory_space<vmem_shared>> -> memref<10240x64xf32, #tpu.memory_space<vmem_shared>>
      tpu.wait_indirect_dma semaphore(%arg14 : memref<!tpu.dma_semaphore, #tpu.memory_space<semaphore_mem>>) src(%dma_wait3A_322 : memref<10240x64xf32, #tpu.memory_space<vmem_shared>>) dst(%arg11 : memref<128x64xf32, #tpu.memory_space<vmem>>)
      %dma_start3A_323 = arith.constant 0 : i32
      %dma_start3A_324 = tpu.memref_slice %arg9[%add3A_317, %dma_start3A_323] : memref<80x128xi32, #tpu.memory_space<vmem>> -> memref<1x128xi32, #tpu.memory_space<vmem>>
      %dma_start3A_325 = tpu.memref_squeeze %dma_start3A_324 : memref<1x128xi32, #tpu.memory_space<vmem>> -> memref<128xi32, #tpu.memory_space<vmem>>
      %dma_start3A_326 = arith.constant 0 : i32
      %dma_start3A_327 = arith.constant 0 : i32
      %dma_start3A_328 = tpu.memref_slice %arg6[%dma_start3A_326, %dma_start3A_327] : memref<10240x64xf32, #tpu.memory_space<vmem_shared>> -> memref<10240x64xf32, #tpu.memory_space<vmem_shared>>
      tpu.enqueue_indirect_dma source(%arg11 : memref<128x64xf32, #tpu.memory_space<vmem>>) target(%dma_start3A_328 : memref<10240x64xf32, #tpu.memory_space<vmem_shared>>) offsets(%dma_start3A_325 : memref<128xi32, #tpu.memory_space<vmem>>) semaphore(%arg17 : memref<!tpu.dma_semaphore, #tpu.memory_space<semaphore_mem>>) {add = true}
      %dma_wait3A_329 = arith.constant 0 : i32
      %dma_wait3A_330 = arith.constant 0 : i32
      %dma_wait3A_331 = tpu.memref_slice %arg9[%dma_wait3A_329, %dma_wait3A_330] : memref<80x128xi32, #tpu.memory_space<vmem>> -> memref<1x128xi32, #tpu.memory_space<vmem>>
      %dma_wait3A_332 = tpu.memref_squeeze %dma_wait3A_331 : memref<1x128xi32, #tpu.memory_space<vmem>> -> memref<128xi32, #tpu.memory_space<vmem>>
      %dma_wait3A_333 = arith.constant 0 : i32
      %dma_wait3A_334 = arith.constant 0 : i32
      %dma_wait3A_335 = tpu.memref_slice %arg6[%dma_wait3A_333, %dma_wait3A_334] : memref<10240x64xf32, #tpu.memory_space<vmem_shared>> -> memref<10240x64xf32, #tpu.memory_space<vmem_shared>>
      tpu.wait_indirect_dma semaphore(%arg16 : memref<!tpu.dma_semaphore, #tpu.memory_space<semaphore_mem>>) src(%arg10 : memref<128x64xf32, #tpu.memory_space<vmem>>) dst(%dma_wait3A_335 : memref<10240x64xf32, #tpu.memory_space<vmem_shared>>)
      %add3A_336 = arith.constant 2 : i32
      %add3A_337 = arith.addi %add3A_317, %add3A_336 : i32
      %mul3A_338 = arith.constant 128 : i32
      %mul3A_339 = arith.muli %add3A_337, %mul3A_338 : i32
      %dma_start3A_340 = tpu.memref_slice %arg8[%mul3A_339] : memref<10496xi32, #tpu.memory_space<vmem>> -> memref<128xi32, #tpu.memory_space<vmem>>
      %dma_start3A_341 = arith.constant 0 : i32
      %dma_start3A_342 = arith.constant 0 : i32
      %dma_start3A_343 = tpu.memref_slice %arg7[%dma_start3A_341, %dma_start3A_342] : memref<10240x64xf32, #tpu.memory_space<vmem_shared>> -> memref<10240x64xf32, #tpu.memory_space<vmem_shared>>
      tpu.enqueue_indirect_dma source(%dma_start3A_343 : memref<10240x64xf32, #tpu.memory_space<vmem_shared>>) target(%arg10 : memref<128x64xf32, #tpu.memory_space<vmem>>) offsets(%dma_start3A_340 : memref<128xi32, #tpu.memory_space<vmem>>) semaphore(%arg13 : memref<!tpu.dma_semaphore, #tpu.memory_space<semaphore_mem>>)
      %mul3A_344 = arith.constant 6 : i32
      %mul3A_345 = arith.muli %mul3A_344, %scan3A_248 : i32
      %add3A_346 = arith.constant 2 : i32
      %add3A_347 = arith.addi %mul3A_345, %add3A_346 : i32
      %add3A_348 = arith.constant 3 : i32
      %add3A_349 = arith.addi %add3A_347, %add3A_348 : i32
      %dma_wait3A_350 = arith.constant 0 : i32
      %dma_wait3A_351 = tpu.memref_slice %arg8[%dma_wait3A_350] : memref<10496xi32, #tpu.memory_space<vmem>> -> memref<128xi32, #tpu.memory_space<vmem>>
      %dma_wait3A_352 = arith.constant 0 : i32
      %dma_wait3A_353 = arith.constant 0 : i32
      %dma_wait3A_354 = tpu.memref_slice %arg7[%dma_wait3A_352, %dma_wait3A_353] : memref<10240x64xf32, #tpu.memory_space<vmem_shared>> -> memref<10240x64xf32, #tpu.memory_space<vmem_shared>>
      tpu.wait_indirect_dma semaphore(%arg15 : memref<!tpu.dma_semaphore, #tpu.memory_space<semaphore_mem>>) src(%dma_wait3A_354 : memref<10240x64xf32, #tpu.memory_space<vmem_shared>>) dst(%arg12 : memref<128x64xf32, #tpu.memory_space<vmem>>)
      %dma_start3A_355 = arith.constant 0 : i32
      %dma_start3A_356 = tpu.memref_slice %arg9[%add3A_349, %dma_start3A_355] : memref<80x128xi32, #tpu.memory_space<vmem>> -> memref<1x128xi32, #tpu.memory_space<vmem>>
      %dma_start3A_357 = tpu.memref_squeeze %dma_start3A_356 : memref<1x128xi32, #tpu.memory_space<vmem>> -> memref<128xi32, #tpu.memory_space<vmem>>
      %dma_start3A_358 = arith.constant 0 : i32
      %dma_start3A_359 = arith.constant 0 : i32
      %dma_start3A_360 = tpu.memref_slice %arg6[%dma_start3A_358, %dma_start3A_359] : memref<10240x64xf32, #tpu.memory_space<vmem_shared>> -> memref<10240x64xf32, #tpu.memory_space<vmem_shared>>
      tpu.enqueue_indirect_dma source(%arg12 : memref<128x64xf32, #tpu.memory_space<vmem>>) target(%dma_start3A_360 : memref<10240x64xf32, #tpu.memory_space<vmem_shared>>) offsets(%dma_start3A_357 : memref<128xi32, #tpu.memory_space<vmem>>) semaphore(%arg18 : memref<!tpu.dma_semaphore, #tpu.memory_space<semaphore_mem>>) {add = true}
      %dma_wait3A_361 = arith.constant 0 : i32
      %dma_wait3A_362 = arith.constant 0 : i32
      %dma_wait3A_363 = tpu.memref_slice %arg9[%dma_wait3A_361, %dma_wait3A_362] : memref<80x128xi32, #tpu.memory_space<vmem>> -> memref<1x128xi32, #tpu.memory_space<vmem>>
      %dma_wait3A_364 = tpu.memref_squeeze %dma_wait3A_363 : memref<1x128xi32, #tpu.memory_space<vmem>> -> memref<128xi32, #tpu.memory_space<vmem>>
      %dma_wait3A_365 = arith.constant 0 : i32
      %dma_wait3A_366 = arith.constant 0 : i32
      %dma_wait3A_367 = tpu.memref_slice %arg6[%dma_wait3A_365, %dma_wait3A_366] : memref<10240x64xf32, #tpu.memory_space<vmem_shared>> -> memref<10240x64xf32, #tpu.memory_space<vmem_shared>>
      tpu.wait_indirect_dma semaphore(%arg17 : memref<!tpu.dma_semaphore, #tpu.memory_space<semaphore_mem>>) src(%arg11 : memref<128x64xf32, #tpu.memory_space<vmem>>) dst(%dma_wait3A_367 : memref<10240x64xf32, #tpu.memory_space<vmem_shared>>)
      %add3A_368 = arith.constant 2 : i32
      %add3A_369 = arith.addi %add3A_349, %add3A_368 : i32
      %mul3A_370 = arith.constant 128 : i32
      %mul3A_371 = arith.muli %add3A_369, %mul3A_370 : i32
      %dma_start3A_372 = tpu.memref_slice %arg8[%mul3A_371] : memref<10496xi32, #tpu.memory_space<vmem>> -> memref<128xi32, #tpu.memory_space<vmem>>
      %dma_start3A_373 = arith.constant 0 : i32
      %dma_start3A_374 = arith.constant 0 : i32
      %dma_start3A_375 = tpu.memref_slice %arg7[%dma_start3A_373, %dma_start3A_374] : memref<10240x64xf32, #tpu.memory_space<vmem_shared>> -> memref<10240x64xf32, #tpu.memory_space<vmem_shared>>
      tpu.enqueue_indirect_dma source(%dma_start3A_375 : memref<10240x64xf32, #tpu.memory_space<vmem_shared>>) target(%arg11 : memref<128x64xf32, #tpu.memory_space<vmem>>) offsets(%dma_start3A_372 : memref<128xi32, #tpu.memory_space<vmem>>) semaphore(%arg14 : memref<!tpu.dma_semaphore, #tpu.memory_space<semaphore_mem>>)
      %mul3A_376 = arith.constant 6 : i32
      %mul3A_377 = arith.muli %mul3A_376, %scan3A_248 : i32
      %add3A_378 = arith.constant 2 : i32
      %add3A_379 = arith.addi %mul3A_377, %add3A_378 : i32
      %add3A_380 = arith.constant 4 : i32
      %add3A_381 = arith.addi %add3A_379, %add3A_380 : i32
      %dma_wait3A_382 = arith.constant 0 : i32
      %dma_wait3A_383 = tpu.memref_slice %arg8[%dma_wait3A_382] : memref<10496xi32, #tpu.memory_space<vmem>> -> memref<128xi32, #tpu.memory_space<vmem>>
      %dma_wait3A_384 = arith.constant 0 : i32
      %dma_wait3A_385 = arith.constant 0 : i32
      %dma_wait3A_386 = tpu.memref_slice %arg7[%dma_wait3A_384, %dma_wait3A_385] : memref<10240x64xf32, #tpu.memory_space<vmem_shared>> -> memref<10240x64xf32, #tpu.memory_space<vmem_shared>>
      tpu.wait_indirect_dma semaphore(%arg13 : memref<!tpu.dma_semaphore, #tpu.memory_space<semaphore_mem>>) src(%dma_wait3A_386 : memref<10240x64xf32, #tpu.memory_space<vmem_shared>>) dst(%arg10 : memref<128x64xf32, #tpu.memory_space<vmem>>)
      %dma_start3A_387 = arith.constant 0 : i32
      %dma_start3A_388 = tpu.memref_slice %arg9[%add3A_381, %dma_start3A_387] : memref<80x128xi32, #tpu.memory_space<vmem>> -> memref<1x128xi32, #tpu.memory_space<vmem>>
      %dma_start3A_389 = tpu.memref_squeeze %dma_start3A_388 : memref<1x128xi32, #tpu.memory_space<vmem>> -> memref<128xi32, #tpu.memory_space<vmem>>
      %dma_start3A_390 = arith.constant 0 : i32
      %dma_start3A_391 = arith.constant 0 : i32
      %dma_start3A_392 = tpu.memref_slice %arg6[%dma_start3A_390, %dma_start3A_391] : memref<10240x64xf32, #tpu.memory_space<vmem_shared>> -> memref<10240x64xf32, #tpu.memory_space<vmem_shared>>
      tpu.enqueue_indirect_dma source(%arg10 : memref<128x64xf32, #tpu.memory_space<vmem>>) target(%dma_start3A_392 : memref<10240x64xf32, #tpu.memory_space<vmem_shared>>) offsets(%dma_start3A_389 : memref<128xi32, #tpu.memory_space<vmem>>) semaphore(%arg16 : memref<!tpu.dma_semaphore, #tpu.memory_space<semaphore_mem>>) {add = true}
      %dma_wait3A_393 = arith.constant 0 : i32
      %dma_wait3A_394 = arith.constant 0 : i32
      %dma_wait3A_395 = tpu.memref_slice %arg9[%dma_wait3A_393, %dma_wait3A_394] : memref<80x128xi32, #tpu.memory_space<vmem>> -> memref<1x128xi32, #tpu.memory_space<vmem>>
      %dma_wait3A_396 = tpu.memref_squeeze %dma_wait3A_395 : memref<1x128xi32, #tpu.memory_space<vmem>> -> memref<128xi32, #tpu.memory_space<vmem>>
      %dma_wait3A_397 = arith.constant 0 : i32
      %dma_wait3A_398 = arith.constant 0 : i32
      %dma_wait3A_399 = tpu.memref_slice %arg6[%dma_wait3A_397, %dma_wait3A_398] : memref<10240x64xf32, #tpu.memory_space<vmem_shared>> -> memref<10240x64xf32, #tpu.memory_space<vmem_shared>>
      tpu.wait_indirect_dma semaphore(%arg18 : memref<!tpu.dma_semaphore, #tpu.memory_space<semaphore_mem>>) src(%arg12 : memref<128x64xf32, #tpu.memory_space<vmem>>) dst(%dma_wait3A_399 : memref<10240x64xf32, #tpu.memory_space<vmem_shared>>)
      %add3A_400 = arith.constant 2 : i32
      %add3A_401 = arith.addi %add3A_381, %add3A_400 : i32
      %mul3A_402 = arith.constant 128 : i32
      %mul3A_403 = arith.muli %add3A_401, %mul3A_402 : i32
      %dma_start3A_404 = tpu.memref_slice %arg8[%mul3A_403] : memref<10496xi32, #tpu.memory_space<vmem>> -> memref<128xi32, #tpu.memory_space<vmem>>
      %dma_start3A_405 = arith.constant 0 : i32
      %dma_start3A_406 = arith.constant 0 : i32
      %dma_start3A_407 = tpu.memref_slice %arg7[%dma_start3A_405, %dma_start3A_406] : memref<10240x64xf32, #tpu.memory_space<vmem_shared>> -> memref<10240x64xf32, #tpu.memory_space<vmem_shared>>
      tpu.enqueue_indirect_dma source(%dma_start3A_407 : memref<10240x64xf32, #tpu.memory_space<vmem_shared>>) target(%arg12 : memref<128x64xf32, #tpu.memory_space<vmem>>) offsets(%dma_start3A_404 : memref<128xi32, #tpu.memory_space<vmem>>) semaphore(%arg15 : memref<!tpu.dma_semaphore, #tpu.memory_space<semaphore_mem>>)
      %mul3A_408 = arith.constant 6 : i32
      %mul3A_409 = arith.muli %mul3A_408, %scan3A_248 : i32
      %add3A_410 = arith.constant 2 : i32
      %add3A_411 = arith.addi %mul3A_409, %add3A_410 : i32
      %add3A_412 = arith.constant 5 : i32
      %add3A_413 = arith.addi %add3A_411, %add3A_412 : i32
      %dma_wait3A_414 = arith.constant 0 : i32
      %dma_wait3A_415 = tpu.memref_slice %arg8[%dma_wait3A_414] : memref<10496xi32, #tpu.memory_space<vmem>> -> memref<128xi32, #tpu.memory_space<vmem>>
      %dma_wait3A_416 = arith.constant 0 : i32
      %dma_wait3A_417 = arith.constant 0 : i32
      %dma_wait3A_418 = tpu.memref_slice %arg7[%dma_wait3A_416, %dma_wait3A_417] : memref<10240x64xf32, #tpu.memory_space<vmem_shared>> -> memref<10240x64xf32, #tpu.memory_space<vmem_shared>>
      tpu.wait_indirect_dma semaphore(%arg14 : memref<!tpu.dma_semaphore, #tpu.memory_space<semaphore_mem>>) src(%dma_wait3A_418 : memref<10240x64xf32, #tpu.memory_space<vmem_shared>>) dst(%arg11 : memref<128x64xf32, #tpu.memory_space<vmem>>)
      %dma_start3A_419 = arith.constant 0 : i32
      %dma_start3A_420 = tpu.memref_slice %arg9[%add3A_413, %dma_start3A_419] : memref<80x128xi32, #tpu.memory_space<vmem>> -> memref<1x128xi32, #tpu.memory_space<vmem>>
      %dma_start3A_421 = tpu.memref_squeeze %dma_start3A_420 : memref<1x128xi32, #tpu.memory_space<vmem>> -> memref<128xi32, #tpu.memory_space<vmem>>
      %dma_start3A_422 = arith.constant 0 : i32
      %dma_start3A_423 = arith.constant 0 : i32
      %dma_start3A_424 = tpu.memref_slice %arg6[%dma_start3A_422, %dma_start3A_423] : memref<10240x64xf32, #tpu.memory_space<vmem_shared>> -> memref<10240x64xf32, #tpu.memory_space<vmem_shared>>
      tpu.enqueue_indirect_dma source(%arg11 : memref<128x64xf32, #tpu.memory_space<vmem>>) target(%dma_start3A_424 : memref<10240x64xf32, #tpu.memory_space<vmem_shared>>) offsets(%dma_start3A_421 : memref<128xi32, #tpu.memory_space<vmem>>) semaphore(%arg17 : memref<!tpu.dma_semaphore, #tpu.memory_space<semaphore_mem>>) {add = true}
      %dma_wait3A_425 = arith.constant 0 : i32
      %dma_wait3A_426 = arith.constant 0 : i32
      %dma_wait3A_427 = tpu.memref_slice %arg9[%dma_wait3A_425, %dma_wait3A_426] : memref<80x128xi32, #tpu.memory_space<vmem>> -> memref<1x128xi32, #tpu.memory_space<vmem>>
      %dma_wait3A_428 = tpu.memref_squeeze %dma_wait3A_427 : memref<1x128xi32, #tpu.memory_space<vmem>> -> memref<128xi32, #tpu.memory_space<vmem>>
      %dma_wait3A_429 = arith.constant 0 : i32
      %dma_wait3A_430 = arith.constant 0 : i32
      %dma_wait3A_431 = tpu.memref_slice %arg6[%dma_wait3A_429, %dma_wait3A_430] : memref<10240x64xf32, #tpu.memory_space<vmem_shared>> -> memref<10240x64xf32, #tpu.memory_space<vmem_shared>>
      tpu.wait_indirect_dma semaphore(%arg16 : memref<!tpu.dma_semaphore, #tpu.memory_space<semaphore_mem>>) src(%arg10 : memref<128x64xf32, #tpu.memory_space<vmem>>) dst(%dma_wait3A_431 : memref<10240x64xf32, #tpu.memory_space<vmem_shared>>)
      %add3A_432 = arith.constant 2 : i32
      %add3A_433 = arith.addi %add3A_413, %add3A_432 : i32
      %mul3A_434 = arith.constant 128 : i32
      %mul3A_435 = arith.muli %add3A_433, %mul3A_434 : i32
      %dma_start3A_436 = tpu.memref_slice %arg8[%mul3A_435] : memref<10496xi32, #tpu.memory_space<vmem>> -> memref<128xi32, #tpu.memory_space<vmem>>
      %dma_start3A_437 = arith.constant 0 : i32
      %dma_start3A_438 = arith.constant 0 : i32
      %dma_start3A_439 = tpu.memref_slice %arg7[%dma_start3A_437, %dma_start3A_438] : memref<10240x64xf32, #tpu.memory_space<vmem_shared>> -> memref<10240x64xf32, #tpu.memory_space<vmem_shared>>
      tpu.enqueue_indirect_dma source(%dma_start3A_439 : memref<10240x64xf32, #tpu.memory_space<vmem_shared>>) target(%arg10 : memref<128x64xf32, #tpu.memory_space<vmem>>) offsets(%dma_start3A_436 : memref<128xi32, #tpu.memory_space<vmem>>) semaphore(%arg13 : memref<!tpu.dma_semaphore, #tpu.memory_space<semaphore_mem>>)
    }
    %scan3A_154 = arith.constant 13 : i32
    %dma_wait3A_155 = arith.constant 0 : i32
    %dma_wait3A_156 = tpu.memref_slice %arg8[%dma_wait3A_155] : memref<10496xi32, #tpu.memory_space<vmem>> -> memref<128xi32, #tpu.memory_space<vmem>>
    %dma_wait3A_157 = arith.constant 0 : i32
    %dma_wait3A_158 = arith.constant 0 : i32
    %dma_wait3A_159 = tpu.memref_slice %arg7[%dma_wait3A_157, %dma_wait3A_158] : memref<10240x64xf32, #tpu.memory_space<vmem_shared>> -> memref<10240x64xf32, #tpu.memory_space<vmem_shared>>
    tpu.wait_indirect_dma semaphore(%arg15 : memref<!tpu.dma_semaphore, #tpu.memory_space<semaphore_mem>>) src(%dma_wait3A_159 : memref<10240x64xf32, #tpu.memory_space<vmem_shared>>) dst(%arg12 : memref<128x64xf32, #tpu.memory_space<vmem>>)
    %dma_wait3A_160 = arith.constant 0 : i32
    %dma_wait3A_161 = tpu.memref_slice %arg8[%dma_wait3A_160] : memref<10496xi32, #tpu.memory_space<vmem>> -> memref<128xi32, #tpu.memory_space<vmem>>
    %dma_wait3A_162 = arith.constant 0 : i32
    %dma_wait3A_163 = arith.constant 0 : i32
    %dma_wait3A_164 = tpu.memref_slice %arg7[%dma_wait3A_162, %dma_wait3A_163] : memref<10240x64xf32, #tpu.memory_space<vmem_shared>> -> memref<10240x64xf32, #tpu.memory_space<vmem_shared>>
    tpu.wait_indirect_dma semaphore(%arg13 : memref<!tpu.dma_semaphore, #tpu.memory_space<semaphore_mem>>) src(%dma_wait3A_164 : memref<10240x64xf32, #tpu.memory_space<vmem_shared>>) dst(%arg10 : memref<128x64xf32, #tpu.memory_space<vmem>>)
    %dma_wait3A_165 = arith.constant 0 : i32
    %dma_wait3A_166 = arith.constant 0 : i32
    %dma_wait3A_167 = tpu.memref_slice %arg9[%dma_wait3A_165, %dma_wait3A_166] : memref<80x128xi32, #tpu.memory_space<vmem>> -> memref<1x128xi32, #tpu.memory_space<vmem>>
    %dma_wait3A_168 = tpu.memref_squeeze %dma_wait3A_167 : memref<1x128xi32, #tpu.memory_space<vmem>> -> memref<128xi32, #tpu.memory_space<vmem>>
    %dma_wait3A_169 = arith.constant 0 : i32
    %dma_wait3A_170 = arith.constant 0 : i32
    %dma_wait3A_171 = tpu.memref_slice %arg6[%dma_wait3A_169, %dma_wait3A_170] : memref<10240x64xf32, #tpu.memory_space<vmem_shared>> -> memref<10240x64xf32, #tpu.memory_space<vmem_shared>>
    tpu.wait_indirect_dma semaphore(%arg17 : memref<!tpu.dma_semaphore, #tpu.memory_space<semaphore_mem>>) src(%arg11 : memref<128x64xf32, #tpu.memory_space<vmem>>) dst(%dma_wait3A_171 : memref<10240x64xf32, #tpu.memory_space<vmem_shared>>)
    %run_scoped3A = arith.constant 1 : i32
    "tpu.region"() ({
      %run_scoped3A_248 = tpu.sem_alloc : memref<!tpu.dma_semaphore, #tpu.memory_space<semaphore_mem>>
      %dma_start3A_249 = arith.constant 0 : i32
      %dma_start3A_250 = arith.constant 0 : i32
      %dma_start3A_251 = tpu.memref_slice %arg3[%arg1, %dma_start3A_249, %dma_start3A_250] : memref<16x2x10496xi32, #tpu.memory_space<hbm>> -> memref<1x2x10496xi32, #tpu.memory_space<hbm>>
      %dma_start3A_252 = tpu.memref_squeeze %dma_start3A_251 : memref<1x2x10496xi32, #tpu.memory_space<hbm>> -> memref<2x10496xi32, #tpu.memory_space<hbm>>
      %dma_start3A_253 = arith.constant 0 : i32
      %dma_start3A_254 = tpu.memref_slice %dma_start3A_252[%run_scoped3A, %dma_start3A_253] : memref<2x10496xi32, #tpu.memory_space<hbm>> -> memref<1x10496xi32, #tpu.memory_space<hbm>>
      %dma_start3A_255 = tpu.memref_squeeze %dma_start3A_254 : memref<1x10496xi32, #tpu.memory_space<hbm>> -> memref<10496xi32, #tpu.memory_space<hbm>>
      %dma_start3A_256 = arith.constant 0 : i32
      %dma_start3A_257 = arith.constant 0 : i32
      %dma_start3A_258 = tpu.memref_slice %arg3[%arg1, %dma_start3A_256, %dma_start3A_257] : memref<16x2x10496xi32, #tpu.memory_space<hbm>> -> memref<1x2x10496xi32, #tpu.memory_space<hbm>>
      %dma_start3A_259 = tpu.memref_squeeze %dma_start3A_258 : memref<1x2x10496xi32, #tpu.memory_space<hbm>> -> memref<2x10496xi32, #tpu.memory_space<hbm>>
      %dma_start3A_260 = arith.constant 0 : i32
      %dma_start3A_261 = tpu.memref_slice %dma_start3A_259[%run_scoped3A, %dma_start3A_260] : memref<2x10496xi32, #tpu.memory_space<hbm>> -> memref<1x10496xi32, #tpu.memory_space<hbm>>
      %dma_start3A_262 = tpu.memref_squeeze %dma_start3A_261 : memref<1x10496xi32, #tpu.memory_space<hbm>> -> memref<10496xi32, #tpu.memory_space<hbm>>
      tpu.enqueue_dma source(%dma_start3A_262 : memref<10496xi32, #tpu.memory_space<hbm>>) target(%arg8 : memref<10496xi32, #tpu.memory_space<vmem>>) target_semaphore(%run_scoped3A_248 : memref<!tpu.dma_semaphore, #tpu.memory_space<semaphore_mem>>)
      %dma_wait3A_263 = arith.constant 0 : i32
      %dma_wait3A_264 = arith.constant 0 : i32
      %dma_wait3A_265 = tpu.memref_slice %arg3[%arg1, %dma_wait3A_263, %dma_wait3A_264] : memref<16x2x10496xi32, #tpu.memory_space<hbm>> -> memref<1x2x10496xi32, #tpu.memory_space<hbm>>
      %dma_wait3A_266 = tpu.memref_squeeze %dma_wait3A_265 : memref<1x2x10496xi32, #tpu.memory_space<hbm>> -> memref<2x10496xi32, #tpu.memory_space<hbm>>
      %dma_wait3A_267 = arith.constant 0 : i32
      %dma_wait3A_268 = tpu.memref_slice %dma_wait3A_266[%run_scoped3A, %dma_wait3A_267] : memref<2x10496xi32, #tpu.memory_space<hbm>> -> memref<1x10496xi32, #tpu.memory_space<hbm>>
      %dma_wait3A_269 = tpu.memref_squeeze %dma_wait3A_268 : memref<1x10496xi32, #tpu.memory_space<hbm>> -> memref<10496xi32, #tpu.memory_space<hbm>>
      %dma_wait3A_270 = arith.constant 0 : i32
      %dma_wait3A_271 = arith.constant 0 : i32
      %dma_wait3A_272 = tpu.memref_slice %arg3[%arg1, %dma_wait3A_270, %dma_wait3A_271] : memref<16x2x10496xi32, #tpu.memory_space<hbm>> -> memref<1x2x10496xi32, #tpu.memory_space<hbm>>
      %dma_wait3A_273 = tpu.memref_squeeze %dma_wait3A_272 : memref<1x2x10496xi32, #tpu.memory_space<hbm>> -> memref<2x10496xi32, #tpu.memory_space<hbm>>
      %dma_wait3A_274 = arith.constant 0 : i32
      %dma_wait3A_275 = tpu.memref_slice %dma_wait3A_273[%run_scoped3A, %dma_wait3A_274] : memref<2x10496xi32, #tpu.memory_space<hbm>> -> memref<1x10496xi32, #tpu.memory_space<hbm>>
      %dma_wait3A_276 = tpu.memref_squeeze %dma_wait3A_275 : memref<1x10496xi32, #tpu.memory_space<hbm>> -> memref<10496xi32, #tpu.memory_space<hbm>>
      tpu.wait_dma2 semaphore(%run_scoped3A_248 : memref<!tpu.dma_semaphore, #tpu.memory_space<semaphore_mem>>) src(%dma_wait3A_276 : memref<10496xi32, #tpu.memory_space<hbm>>) dst(%arg8 : memref<10496xi32, #tpu.memory_space<vmem>>)
      tpu.yield
    }) : () -> ()
    %run_scoped3A_172 = arith.constant 1 : i32
    "tpu.region"() ({
      %run_scoped3A_248 = tpu.sem_alloc : memref<!tpu.dma_semaphore, #tpu.memory_space<semaphore_mem>>
      %dma_start3A_249 = arith.constant 0 : i32
      %dma_start3A_250 = arith.constant 0 : i32
      %dma_start3A_251 = arith.constant 0 : i32
      %dma_start3A_252 = tpu.memref_slice %arg4[%arg1, %dma_start3A_249, %dma_start3A_250, %dma_start3A_251] : memref<16x2x80x128xi32, #tpu.memory_space<hbm>> -> memref<1x2x80x128xi32, #tpu.memory_space<hbm>>
      %dma_start3A_253 = tpu.memref_squeeze %dma_start3A_252 : memref<1x2x80x128xi32, #tpu.memory_space<hbm>> -> memref<2x80x128xi32, #tpu.memory_space<hbm>>
      %dma_start3A_254 = arith.constant 0 : i32
      %dma_start3A_255 = arith.constant 0 : i32
      %dma_start3A_256 = tpu.memref_slice %dma_start3A_253[%run_scoped3A_172, %dma_start3A_254, %dma_start3A_255] : memref<2x80x128xi32, #tpu.memory_space<hbm>> -> memref<1x80x128xi32, #tpu.memory_space<hbm>>
      %dma_start3A_257 = tpu.memref_squeeze %dma_start3A_256 : memref<1x80x128xi32, #tpu.memory_space<hbm>> -> memref<80x128xi32, #tpu.memory_space<hbm>>
      %dma_start3A_258 = arith.constant 0 : i32
      %dma_start3A_259 = arith.constant 0 : i32
      %dma_start3A_260 = arith.constant 0 : i32
      %dma_start3A_261 = tpu.memref_slice %arg4[%arg1, %dma_start3A_258, %dma_start3A_259, %dma_start3A_260] : memref<16x2x80x128xi32, #tpu.memory_space<hbm>> -> memref<1x2x80x128xi32, #tpu.memory_space<hbm>>
      %dma_start3A_262 = tpu.memref_squeeze %dma_start3A_261 : memref<1x2x80x128xi32, #tpu.memory_space<hbm>> -> memref<2x80x128xi32, #tpu.memory_space<hbm>>
      %dma_start3A_263 = arith.constant 0 : i32
      %dma_start3A_264 = arith.constant 0 : i32
      %dma_start3A_265 = tpu.memref_slice %dma_start3A_262[%run_scoped3A_172, %dma_start3A_263, %dma_start3A_264] : memref<2x80x128xi32, #tpu.memory_space<hbm>> -> memref<1x80x128xi32, #tpu.memory_space<hbm>>
      %dma_start3A_266 = tpu.memref_squeeze %dma_start3A_265 : memref<1x80x128xi32, #tpu.memory_space<hbm>> -> memref<80x128xi32, #tpu.memory_space<hbm>>
      tpu.enqueue_dma source(%dma_start3A_266 : memref<80x128xi32, #tpu.memory_space<hbm>>) target(%arg9 : memref<80x128xi32, #tpu.memory_space<vmem>>) target_semaphore(%run_scoped3A_248 : memref<!tpu.dma_semaphore, #tpu.memory_space<semaphore_mem>>)
      %dma_wait3A_267 = arith.constant 0 : i32
      %dma_wait3A_268 = arith.constant 0 : i32
      %dma_wait3A_269 = arith.constant 0 : i32
      %dma_wait3A_270 = tpu.memref_slice %arg4[%arg1, %dma_wait3A_267, %dma_wait3A_268, %dma_wait3A_269] : memref<16x2x80x128xi32, #tpu.memory_space<hbm>> -> memref<1x2x80x128xi32, #tpu.memory_space<hbm>>
      %dma_wait3A_271 = tpu.memref_squeeze %dma_wait3A_270 : memref<1x2x80x128xi32, #tpu.memory_space<hbm>> -> memref<2x80x128xi32, #tpu.memory_space<hbm>>
      %dma_wait3A_272 = arith.constant 0 : i32
      %dma_wait3A_273 = arith.constant 0 : i32
      %dma_wait3A_274 = tpu.memref_slice %dma_wait3A_271[%run_scoped3A_172, %dma_wait3A_272, %dma_wait3A_273] : memref<2x80x128xi32, #tpu.memory_space<hbm>> -> memref<1x80x128xi32, #tpu.memory_space<hbm>>
      %dma_wait3A_275 = tpu.memref_squeeze %dma_wait3A_274 : memref<1x80x128xi32, #tpu.memory_space<hbm>> -> memref<80x128xi32, #tpu.memory_space<hbm>>
      %dma_wait3A_276 = arith.constant 0 : i32
      %dma_wait3A_277 = arith.constant 0 : i32
      %dma_wait3A_278 = arith.constant 0 : i32
      %dma_wait3A_279 = tpu.memref_slice %arg4[%arg1, %dma_wait3A_276, %dma_wait3A_277, %dma_wait3A_278] : memref<16x2x80x128xi32, #tpu.memory_space<hbm>> -> memref<1x2x80x128xi32, #tpu.memory_space<hbm>>
      %dma_wait3A_280 = tpu.memref_squeeze %dma_wait3A_279 : memref<1x2x80x128xi32, #tpu.memory_space<hbm>> -> memref<2x80x128xi32, #tpu.memory_space<hbm>>
      %dma_wait3A_281 = arith.constant 0 : i32
      %dma_wait3A_282 = arith.constant 0 : i32
      %dma_wait3A_283 = tpu.memref_slice %dma_wait3A_280[%run_scoped3A_172, %dma_wait3A_281, %dma_wait3A_282] : memref<2x80x128xi32, #tpu.memory_space<hbm>> -> memref<1x80x128xi32, #tpu.memory_space<hbm>>
      %dma_wait3A_284 = tpu.memref_squeeze %dma_wait3A_283 : memref<1x80x128xi32, #tpu.memory_space<hbm>> -> memref<80x128xi32, #tpu.memory_space<hbm>>
      tpu.wait_dma2 semaphore(%run_scoped3A_248 : memref<!tpu.dma_semaphore, #tpu.memory_space<semaphore_mem>>) src(%dma_wait3A_284 : memref<80x128xi32, #tpu.memory_space<hbm>>) dst(%arg9 : memref<80x128xi32, #tpu.memory_space<vmem>>)
      tpu.yield
    }) : () -> ()
    %dma_start3A_173 = arith.constant 0 : i32
    %dma_start3A_174 = tpu.memref_slice %arg8[%dma_start3A_173] : memref<10496xi32, #tpu.memory_space<vmem>> -> memref<128xi32, #tpu.memory_space<vmem>>
    %dma_start3A_175 = arith.constant 0 : i32
    %dma_start3A_176 = arith.constant 0 : i32
    %dma_start3A_177 = tpu.memref_slice %arg7[%dma_start3A_175, %dma_start3A_176] : memref<10240x64xf32, #tpu.memory_space<vmem_shared>> -> memref<10240x64xf32, #tpu.memory_space<vmem_shared>>
    tpu.enqueue_indirect_dma source(%dma_start3A_177 : memref<10240x64xf32, #tpu.memory_space<vmem_shared>>) target(%arg10 : memref<128x64xf32, #tpu.memory_space<vmem>>) offsets(%dma_start3A_174 : memref<128xi32, #tpu.memory_space<vmem>>) semaphore(%arg13 : memref<!tpu.dma_semaphore, #tpu.memory_space<semaphore_mem>>)
    %dma_start3A_178 = arith.constant 128 : i32
    %dma_start3A_179 = tpu.memref_slice %arg8[%dma_start3A_178] : memref<10496xi32, #tpu.memory_space<vmem>> -> memref<128xi32, #tpu.memory_space<vmem>>
    %dma_start3A_180 = arith.constant 0 : i32
    %dma_start3A_181 = arith.constant 0 : i32
    %dma_start3A_182 = tpu.memref_slice %arg7[%dma_start3A_180, %dma_start3A_181] : memref<10240x64xf32, #tpu.memory_space<vmem_shared>> -> memref<10240x64xf32, #tpu.memory_space<vmem_shared>>
    tpu.enqueue_indirect_dma source(%dma_start3A_182 : memref<10240x64xf32, #tpu.memory_space<vmem_shared>>) target(%arg11 : memref<128x64xf32, #tpu.memory_space<vmem>>) offsets(%dma_start3A_179 : memref<128xi32, #tpu.memory_space<vmem>>) semaphore(%arg14 : memref<!tpu.dma_semaphore, #tpu.memory_space<semaphore_mem>>)
    %dma_wait3A_183 = arith.constant 0 : i32
    %dma_wait3A_184 = tpu.memref_slice %arg8[%dma_wait3A_183] : memref<10496xi32, #tpu.memory_space<vmem>> -> memref<128xi32, #tpu.memory_space<vmem>>
    %dma_wait3A_185 = arith.constant 0 : i32
    %dma_wait3A_186 = arith.constant 0 : i32
    %dma_wait3A_187 = tpu.memref_slice %arg7[%dma_wait3A_185, %dma_wait3A_186] : memref<10240x64xf32, #tpu.memory_space<vmem_shared>> -> memref<10240x64xf32, #tpu.memory_space<vmem_shared>>
    tpu.wait_indirect_dma semaphore(%arg13 : memref<!tpu.dma_semaphore, #tpu.memory_space<semaphore_mem>>) src(%dma_wait3A_187 : memref<10240x64xf32, #tpu.memory_space<vmem_shared>>) dst(%arg10 : memref<128x64xf32, #tpu.memory_space<vmem>>)
    %dma_start3A_188 = arith.constant 0 : i32
    %dma_start3A_189 = arith.constant 0 : i32
    %dma_start3A_190 = tpu.memref_slice %arg9[%dma_start3A_188, %dma_start3A_189] : memref<80x128xi32, #tpu.memory_space<vmem>> -> memref<1x128xi32, #tpu.memory_space<vmem>>
    %dma_start3A_191 = tpu.memref_squeeze %dma_start3A_190 : memref<1x128xi32, #tpu.memory_space<vmem>> -> memref<128xi32, #tpu.memory_space<vmem>>
    %dma_start3A_192 = arith.constant 0 : i32
    %dma_start3A_193 = arith.constant 0 : i32
    %dma_start3A_194 = tpu.memref_slice %arg6[%dma_start3A_192, %dma_start3A_193] : memref<10240x64xf32, #tpu.memory_space<vmem_shared>> -> memref<10240x64xf32, #tpu.memory_space<vmem_shared>>
    tpu.enqueue_indirect_dma source(%arg10 : memref<128x64xf32, #tpu.memory_space<vmem>>) target(%dma_start3A_194 : memref<10240x64xf32, #tpu.memory_space<vmem_shared>>) offsets(%dma_start3A_191 : memref<128xi32, #tpu.memory_space<vmem>>) semaphore(%arg16 : memref<!tpu.dma_semaphore, #tpu.memory_space<semaphore_mem>>) {add = true}
    %dma_start3A_195 = arith.constant 256 : i32
    %dma_start3A_196 = tpu.memref_slice %arg8[%dma_start3A_195] : memref<10496xi32, #tpu.memory_space<vmem>> -> memref<128xi32, #tpu.memory_space<vmem>>
    %dma_start3A_197 = arith.constant 0 : i32
    %dma_start3A_198 = arith.constant 0 : i32
    %dma_start3A_199 = tpu.memref_slice %arg7[%dma_start3A_197, %dma_start3A_198] : memref<10240x64xf32, #tpu.memory_space<vmem_shared>> -> memref<10240x64xf32, #tpu.memory_space<vmem_shared>>
    tpu.enqueue_indirect_dma source(%dma_start3A_199 : memref<10240x64xf32, #tpu.memory_space<vmem_shared>>) target(%arg12 : memref<128x64xf32, #tpu.memory_space<vmem>>) offsets(%dma_start3A_196 : memref<128xi32, #tpu.memory_space<vmem>>) semaphore(%arg15 : memref<!tpu.dma_semaphore, #tpu.memory_space<semaphore_mem>>)
    %dma_wait3A_200 = arith.constant 0 : i32
    %dma_wait3A_201 = tpu.memref_slice %arg8[%dma_wait3A_200] : memref<10496xi32, #tpu.memory_space<vmem>> -> memref<128xi32, #tpu.memory_space<vmem>>
    %dma_wait3A_202 = arith.constant 0 : i32
    %dma_wait3A_203 = arith.constant 0 : i32
    %dma_wait3A_204 = tpu.memref_slice %arg7[%dma_wait3A_202, %dma_wait3A_203] : memref<10240x64xf32, #tpu.memory_space<vmem_shared>> -> memref<10240x64xf32, #tpu.memory_space<vmem_shared>>
    tpu.wait_indirect_dma semaphore(%arg14 : memref<!tpu.dma_semaphore, #tpu.memory_space<semaphore_mem>>) src(%dma_wait3A_204 : memref<10240x64xf32, #tpu.memory_space<vmem_shared>>) dst(%arg11 : memref<128x64xf32, #tpu.memory_space<vmem>>)
    %dma_start3A_205 = arith.constant 1 : i32
    %dma_start3A_206 = arith.constant 0 : i32
    %dma_start3A_207 = tpu.memref_slice %arg9[%dma_start3A_205, %dma_start3A_206] : memref<80x128xi32, #tpu.memory_space<vmem>> -> memref<1x128xi32, #tpu.memory_space<vmem>>
    %dma_start3A_208 = tpu.memref_squeeze %dma_start3A_207 : memref<1x128xi32, #tpu.memory_space<vmem>> -> memref<128xi32, #tpu.memory_space<vmem>>
    %dma_start3A_209 = arith.constant 0 : i32
    %dma_start3A_210 = arith.constant 0 : i32
    %dma_start3A_211 = tpu.memref_slice %arg6[%dma_start3A_209, %dma_start3A_210] : memref<10240x64xf32, #tpu.memory_space<vmem_shared>> -> memref<10240x64xf32, #tpu.memory_space<vmem_shared>>
    tpu.enqueue_indirect_dma source(%arg11 : memref<128x64xf32, #tpu.memory_space<vmem>>) target(%dma_start3A_211 : memref<10240x64xf32, #tpu.memory_space<vmem_shared>>) offsets(%dma_start3A_208 : memref<128xi32, #tpu.memory_space<vmem>>) semaphore(%arg17 : memref<!tpu.dma_semaphore, #tpu.memory_space<semaphore_mem>>) {add = true}
    %dma_wait3A_212 = arith.constant 0 : i32
    %dma_wait3A_213 = arith.constant 0 : i32
    %dma_wait3A_214 = tpu.memref_slice %arg9[%dma_wait3A_212, %dma_wait3A_213] : memref<80x128xi32, #tpu.memory_space<vmem>> -> memref<1x128xi32, #tpu.memory_space<vmem>>
    %dma_wait3A_215 = tpu.memref_squeeze %dma_wait3A_214 : memref<1x128xi32, #tpu.memory_space<vmem>> -> memref<128xi32, #tpu.memory_space<vmem>>
    %dma_wait3A_216 = arith.constant 0 : i32
    %dma_wait3A_217 = arith.constant 0 : i32
    %dma_wait3A_218 = tpu.memref_slice %arg6[%dma_wait3A_216, %dma_wait3A_217] : memref<10240x64xf32, #tpu.memory_space<vmem_shared>> -> memref<10240x64xf32, #tpu.memory_space<vmem_shared>>
    tpu.wait_indirect_dma semaphore(%arg16 : memref<!tpu.dma_semaphore, #tpu.memory_space<semaphore_mem>>) src(%arg10 : memref<128x64xf32, #tpu.memory_space<vmem>>) dst(%dma_wait3A_218 : memref<10240x64xf32, #tpu.memory_space<vmem_shared>>)
    %dma_start3A_219 = arith.constant 384 : i32
    %dma_start3A_220 = tpu.memref_slice %arg8[%dma_start3A_219] : memref<10496xi32, #tpu.memory_space<vmem>> -> memref<128xi32, #tpu.memory_space<vmem>>
    %dma_start3A_221 = arith.constant 0 : i32
    %dma_start3A_222 = arith.constant 0 : i32
    %dma_start3A_223 = tpu.memref_slice %arg7[%dma_start3A_221, %dma_start3A_222] : memref<10240x64xf32, #tpu.memory_space<vmem_shared>> -> memref<10240x64xf32, #tpu.memory_space<vmem_shared>>
    tpu.enqueue_indirect_dma source(%dma_start3A_223 : memref<10240x64xf32, #tpu.memory_space<vmem_shared>>) target(%arg10 : memref<128x64xf32, #tpu.memory_space<vmem>>) offsets(%dma_start3A_220 : memref<128xi32, #tpu.memory_space<vmem>>) semaphore(%arg13 : memref<!tpu.dma_semaphore, #tpu.memory_space<semaphore_mem>>)
    %scan3A_224 = arith.constant 0 : i32
    %scan3A_225 = arith.constant 0 : i32
    %scan3A_226 = arith.constant 13 : i32
    %scan3A_227 = arith.addi %scan3A_225, %scan3A_226 : i32
    %scan3A_228 = arith.constant 1 : i32
    scf.for %scan3A_248 = %scan3A_225 to %scan3A_227 step %scan3A_228  : i32 {
      %mul3A_249 = arith.constant 6 : i32
      %mul3A_250 = arith.muli %mul3A_249, %scan3A_248 : i32
      %add3A = arith.constant 2 : i32
      %add3A_251 = arith.addi %mul3A_250, %add3A : i32
      %add3A_252 = arith.constant 0 : i32
      %add3A_253 = arith.addi %add3A_251, %add3A_252 : i32
      %dma_wait3A_254 = arith.constant 0 : i32
      %dma_wait3A_255 = tpu.memref_slice %arg8[%dma_wait3A_254] : memref<10496xi32, #tpu.memory_space<vmem>> -> memref<128xi32, #tpu.memory_space<vmem>>
      %dma_wait3A_256 = arith.constant 0 : i32
      %dma_wait3A_257 = arith.constant 0 : i32
      %dma_wait3A_258 = tpu.memref_slice %arg7[%dma_wait3A_256, %dma_wait3A_257] : memref<10240x64xf32, #tpu.memory_space<vmem_shared>> -> memref<10240x64xf32, #tpu.memory_space<vmem_shared>>
      tpu.wait_indirect_dma semaphore(%arg15 : memref<!tpu.dma_semaphore, #tpu.memory_space<semaphore_mem>>) src(%dma_wait3A_258 : memref<10240x64xf32, #tpu.memory_space<vmem_shared>>) dst(%arg12 : memref<128x64xf32, #tpu.memory_space<vmem>>)
      %dma_start3A_259 = arith.constant 0 : i32
      %dma_start3A_260 = tpu.memref_slice %arg9[%add3A_253, %dma_start3A_259] : memref<80x128xi32, #tpu.memory_space<vmem>> -> memref<1x128xi32, #tpu.memory_space<vmem>>
      %dma_start3A_261 = tpu.memref_squeeze %dma_start3A_260 : memref<1x128xi32, #tpu.memory_space<vmem>> -> memref<128xi32, #tpu.memory_space<vmem>>
      %dma_start3A_262 = arith.constant 0 : i32
      %dma_start3A_263 = arith.constant 0 : i32
      %dma_start3A_264 = tpu.memref_slice %arg6[%dma_start3A_262, %dma_start3A_263] : memref<10240x64xf32, #tpu.memory_space<vmem_shared>> -> memref<10240x64xf32, #tpu.memory_space<vmem_shared>>
      tpu.enqueue_indirect_dma source(%arg12 : memref<128x64xf32, #tpu.memory_space<vmem>>) target(%dma_start3A_264 : memref<10240x64xf32, #tpu.memory_space<vmem_shared>>) offsets(%dma_start3A_261 : memref<128xi32, #tpu.memory_space<vmem>>) semaphore(%arg18 : memref<!tpu.dma_semaphore, #tpu.memory_space<semaphore_mem>>) {add = true}
      %dma_wait3A_265 = arith.constant 0 : i32
      %dma_wait3A_266 = arith.constant 0 : i32
      %dma_wait3A_267 = tpu.memref_slice %arg9[%dma_wait3A_265, %dma_wait3A_266] : memref<80x128xi32, #tpu.memory_space<vmem>> -> memref<1x128xi32, #tpu.memory_space<vmem>>
      %dma_wait3A_268 = tpu.memref_squeeze %dma_wait3A_267 : memref<1x128xi32, #tpu.memory_space<vmem>> -> memref<128xi32, #tpu.memory_space<vmem>>
      %dma_wait3A_269 = arith.constant 0 : i32
      %dma_wait3A_270 = arith.constant 0 : i32
      %dma_wait3A_271 = tpu.memref_slice %arg6[%dma_wait3A_269, %dma_wait3A_270] : memref<10240x64xf32, #tpu.memory_space<vmem_shared>> -> memref<10240x64xf32, #tpu.memory_space<vmem_shared>>
      tpu.wait_indirect_dma semaphore(%arg17 : memref<!tpu.dma_semaphore, #tpu.memory_space<semaphore_mem>>) src(%arg11 : memref<128x64xf32, #tpu.memory_space<vmem>>) dst(%dma_wait3A_271 : memref<10240x64xf32, #tpu.memory_space<vmem_shared>>)
      %add3A_272 = arith.constant 2 : i32
      %add3A_273 = arith.addi %add3A_253, %add3A_272 : i32
      %mul3A_274 = arith.constant 128 : i32
      %mul3A_275 = arith.muli %add3A_273, %mul3A_274 : i32
      %dma_start3A_276 = tpu.memref_slice %arg8[%mul3A_275] : memref<10496xi32, #tpu.memory_space<vmem>> -> memref<128xi32, #tpu.memory_space<vmem>>
      %dma_start3A_277 = arith.constant 0 : i32
      %dma_start3A_278 = arith.constant 0 : i32
      %dma_start3A_279 = tpu.memref_slice %arg7[%dma_start3A_277, %dma_start3A_278] : memref<10240x64xf32, #tpu.memory_space<vmem_shared>> -> memref<10240x64xf32, #tpu.memory_space<vmem_shared>>
      tpu.enqueue_indirect_dma source(%dma_start3A_279 : memref<10240x64xf32, #tpu.memory_space<vmem_shared>>) target(%arg11 : memref<128x64xf32, #tpu.memory_space<vmem>>) offsets(%dma_start3A_276 : memref<128xi32, #tpu.memory_space<vmem>>) semaphore(%arg14 : memref<!tpu.dma_semaphore, #tpu.memory_space<semaphore_mem>>)
      %mul3A_280 = arith.constant 6 : i32
      %mul3A_281 = arith.muli %mul3A_280, %scan3A_248 : i32
      %add3A_282 = arith.constant 2 : i32
      %add3A_283 = arith.addi %mul3A_281, %add3A_282 : i32
      %add3A_284 = arith.constant 1 : i32
      %add3A_285 = arith.addi %add3A_283, %add3A_284 : i32
      %dma_wait3A_286 = arith.constant 0 : i32
      %dma_wait3A_287 = tpu.memref_slice %arg8[%dma_wait3A_286] : memref<10496xi32, #tpu.memory_space<vmem>> -> memref<128xi32, #tpu.memory_space<vmem>>
      %dma_wait3A_288 = arith.constant 0 : i32
      %dma_wait3A_289 = arith.constant 0 : i32
      %dma_wait3A_290 = tpu.memref_slice %arg7[%dma_wait3A_288, %dma_wait3A_289] : memref<10240x64xf32, #tpu.memory_space<vmem_shared>> -> memref<10240x64xf32, #tpu.memory_space<vmem_shared>>
      tpu.wait_indirect_dma semaphore(%arg13 : memref<!tpu.dma_semaphore, #tpu.memory_space<semaphore_mem>>) src(%dma_wait3A_290 : memref<10240x64xf32, #tpu.memory_space<vmem_shared>>) dst(%arg10 : memref<128x64xf32, #tpu.memory_space<vmem>>)
      %dma_start3A_291 = arith.constant 0 : i32
      %dma_start3A_292 = tpu.memref_slice %arg9[%add3A_285, %dma_start3A_291] : memref<80x128xi32, #tpu.memory_space<vmem>> -> memref<1x128xi32, #tpu.memory_space<vmem>>
      %dma_start3A_293 = tpu.memref_squeeze %dma_start3A_292 : memref<1x128xi32, #tpu.memory_space<vmem>> -> memref<128xi32, #tpu.memory_space<vmem>>
      %dma_start3A_294 = arith.constant 0 : i32
      %dma_start3A_295 = arith.constant 0 : i32
      %dma_start3A_296 = tpu.memref_slice %arg6[%dma_start3A_294, %dma_start3A_295] : memref<10240x64xf32, #tpu.memory_space<vmem_shared>> -> memref<10240x64xf32, #tpu.memory_space<vmem_shared>>
      tpu.enqueue_indirect_dma source(%arg10 : memref<128x64xf32, #tpu.memory_space<vmem>>) target(%dma_start3A_296 : memref<10240x64xf32, #tpu.memory_space<vmem_shared>>) offsets(%dma_start3A_293 : memref<128xi32, #tpu.memory_space<vmem>>) semaphore(%arg16 : memref<!tpu.dma_semaphore, #tpu.memory_space<semaphore_mem>>) {add = true}
      %dma_wait3A_297 = arith.constant 0 : i32
      %dma_wait3A_298 = arith.constant 0 : i32
      %dma_wait3A_299 = tpu.memref_slice %arg9[%dma_wait3A_297, %dma_wait3A_298] : memref<80x128xi32, #tpu.memory_space<vmem>> -> memref<1x128xi32, #tpu.memory_space<vmem>>
      %dma_wait3A_300 = tpu.memref_squeeze %dma_wait3A_299 : memref<1x128xi32, #tpu.memory_space<vmem>> -> memref<128xi32, #tpu.memory_space<vmem>>
      %dma_wait3A_301 = arith.constant 0 : i32
      %dma_wait3A_302 = arith.constant 0 : i32
      %dma_wait3A_303 = tpu.memref_slice %arg6[%dma_wait3A_301, %dma_wait3A_302] : memref<10240x64xf32, #tpu.memory_space<vmem_shared>> -> memref<10240x64xf32, #tpu.memory_space<vmem_shared>>
      tpu.wait_indirect_dma semaphore(%arg18 : memref<!tpu.dma_semaphore, #tpu.memory_space<semaphore_mem>>) src(%arg12 : memref<128x64xf32, #tpu.memory_space<vmem>>) dst(%dma_wait3A_303 : memref<10240x64xf32, #tpu.memory_space<vmem_shared>>)
      %add3A_304 = arith.constant 2 : i32
      %add3A_305 = arith.addi %add3A_285, %add3A_304 : i32
      %mul3A_306 = arith.constant 128 : i32
      %mul3A_307 = arith.muli %add3A_305, %mul3A_306 : i32
      %dma_start3A_308 = tpu.memref_slice %arg8[%mul3A_307] : memref<10496xi32, #tpu.memory_space<vmem>> -> memref<128xi32, #tpu.memory_space<vmem>>
      %dma_start3A_309 = arith.constant 0 : i32
      %dma_start3A_310 = arith.constant 0 : i32
      %dma_start3A_311 = tpu.memref_slice %arg7[%dma_start3A_309, %dma_start3A_310] : memref<10240x64xf32, #tpu.memory_space<vmem_shared>> -> memref<10240x64xf32, #tpu.memory_space<vmem_shared>>
      tpu.enqueue_indirect_dma source(%dma_start3A_311 : memref<10240x64xf32, #tpu.memory_space<vmem_shared>>) target(%arg12 : memref<128x64xf32, #tpu.memory_space<vmem>>) offsets(%dma_start3A_308 : memref<128xi32, #tpu.memory_space<vmem>>) semaphore(%arg15 : memref<!tpu.dma_semaphore, #tpu.memory_space<semaphore_mem>>)
      %mul3A_312 = arith.constant 6 : i32
      %mul3A_313 = arith.muli %mul3A_312, %scan3A_248 : i32
      %add3A_314 = arith.constant 2 : i32
      %add3A_315 = arith.addi %mul3A_313, %add3A_314 : i32
      %add3A_316 = arith.constant 2 : i32
      %add3A_317 = arith.addi %add3A_315, %add3A_316 : i32
      %dma_wait3A_318 = arith.constant 0 : i32
      %dma_wait3A_319 = tpu.memref_slice %arg8[%dma_wait3A_318] : memref<10496xi32, #tpu.memory_space<vmem>> -> memref<128xi32, #tpu.memory_space<vmem>>
      %dma_wait3A_320 = arith.constant 0 : i32
      %dma_wait3A_321 = arith.constant 0 : i32
      %dma_wait3A_322 = tpu.memref_slice %arg7[%dma_wait3A_320, %dma_wait3A_321] : memref<10240x64xf32, #tpu.memory_space<vmem_shared>> -> memref<10240x64xf32, #tpu.memory_space<vmem_shared>>
      tpu.wait_indirect_dma semaphore(%arg14 : memref<!tpu.dma_semaphore, #tpu.memory_space<semaphore_mem>>) src(%dma_wait3A_322 : memref<10240x64xf32, #tpu.memory_space<vmem_shared>>) dst(%arg11 : memref<128x64xf32, #tpu.memory_space<vmem>>)
      %dma_start3A_323 = arith.constant 0 : i32
      %dma_start3A_324 = tpu.memref_slice %arg9[%add3A_317, %dma_start3A_323] : memref<80x128xi32, #tpu.memory_space<vmem>> -> memref<1x128xi32, #tpu.memory_space<vmem>>
      %dma_start3A_325 = tpu.memref_squeeze %dma_start3A_324 : memref<1x128xi32, #tpu.memory_space<vmem>> -> memref<128xi32, #tpu.memory_space<vmem>>
      %dma_start3A_326 = arith.constant 0 : i32
      %dma_start3A_327 = arith.constant 0 : i32
      %dma_start3A_328 = tpu.memref_slice %arg6[%dma_start3A_326, %dma_start3A_327] : memref<10240x64xf32, #tpu.memory_space<vmem_shared>> -> memref<10240x64xf32, #tpu.memory_space<vmem_shared>>
      tpu.enqueue_indirect_dma source(%arg11 : memref<128x64xf32, #tpu.memory_space<vmem>>) target(%dma_start3A_328 : memref<10240x64xf32, #tpu.memory_space<vmem_shared>>) offsets(%dma_start3A_325 : memref<128xi32, #tpu.memory_space<vmem>>) semaphore(%arg17 : memref<!tpu.dma_semaphore, #tpu.memory_space<semaphore_mem>>) {add = true}
      %dma_wait3A_329 = arith.constant 0 : i32
      %dma_wait3A_330 = arith.constant 0 : i32
      %dma_wait3A_331 = tpu.memref_slice %arg9[%dma_wait3A_329, %dma_wait3A_330] : memref<80x128xi32, #tpu.memory_space<vmem>> -> memref<1x128xi32, #tpu.memory_space<vmem>>
      %dma_wait3A_332 = tpu.memref_squeeze %dma_wait3A_331 : memref<1x128xi32, #tpu.memory_space<vmem>> -> memref<128xi32, #tpu.memory_space<vmem>>
      %dma_wait3A_333 = arith.constant 0 : i32
      %dma_wait3A_334 = arith.constant 0 : i32
      %dma_wait3A_335 = tpu.memref_slice %arg6[%dma_wait3A_333, %dma_wait3A_334] : memref<10240x64xf32, #tpu.memory_space<vmem_shared>> -> memref<10240x64xf32, #tpu.memory_space<vmem_shared>>
      tpu.wait_indirect_dma semaphore(%arg16 : memref<!tpu.dma_semaphore, #tpu.memory_space<semaphore_mem>>) src(%arg10 : memref<128x64xf32, #tpu.memory_space<vmem>>) dst(%dma_wait3A_335 : memref<10240x64xf32, #tpu.memory_space<vmem_shared>>)
      %add3A_336 = arith.constant 2 : i32
      %add3A_337 = arith.addi %add3A_317, %add3A_336 : i32
      %mul3A_338 = arith.constant 128 : i32
      %mul3A_339 = arith.muli %add3A_337, %mul3A_338 : i32
      %dma_start3A_340 = tpu.memref_slice %arg8[%mul3A_339] : memref<10496xi32, #tpu.memory_space<vmem>> -> memref<128xi32, #tpu.memory_space<vmem>>
      %dma_start3A_341 = arith.constant 0 : i32
      %dma_start3A_342 = arith.constant 0 : i32
      %dma_start3A_343 = tpu.memref_slice %arg7[%dma_start3A_341, %dma_start3A_342] : memref<10240x64xf32, #tpu.memory_space<vmem_shared>> -> memref<10240x64xf32, #tpu.memory_space<vmem_shared>>
      tpu.enqueue_indirect_dma source(%dma_start3A_343 : memref<10240x64xf32, #tpu.memory_space<vmem_shared>>) target(%arg10 : memref<128x64xf32, #tpu.memory_space<vmem>>) offsets(%dma_start3A_340 : memref<128xi32, #tpu.memory_space<vmem>>) semaphore(%arg13 : memref<!tpu.dma_semaphore, #tpu.memory_space<semaphore_mem>>)
      %mul3A_344 = arith.constant 6 : i32
      %mul3A_345 = arith.muli %mul3A_344, %scan3A_248 : i32
      %add3A_346 = arith.constant 2 : i32
      %add3A_347 = arith.addi %mul3A_345, %add3A_346 : i32
      %add3A_348 = arith.constant 3 : i32
      %add3A_349 = arith.addi %add3A_347, %add3A_348 : i32
      %dma_wait3A_350 = arith.constant 0 : i32
      %dma_wait3A_351 = tpu.memref_slice %arg8[%dma_wait3A_350] : memref<10496xi32, #tpu.memory_space<vmem>> -> memref<128xi32, #tpu.memory_space<vmem>>
      %dma_wait3A_352 = arith.constant 0 : i32
      %dma_wait3A_353 = arith.constant 0 : i32
      %dma_wait3A_354 = tpu.memref_slice %arg7[%dma_wait3A_352, %dma_wait3A_353] : memref<10240x64xf32, #tpu.memory_space<vmem_shared>> -> memref<10240x64xf32, #tpu.memory_space<vmem_shared>>
      tpu.wait_indirect_dma semaphore(%arg15 : memref<!tpu.dma_semaphore, #tpu.memory_space<semaphore_mem>>) src(%dma_wait3A_354 : memref<10240x64xf32, #tpu.memory_space<vmem_shared>>) dst(%arg12 : memref<128x64xf32, #tpu.memory_space<vmem>>)
      %dma_start3A_355 = arith.constant 0 : i32
      %dma_start3A_356 = tpu.memref_slice %arg9[%add3A_349, %dma_start3A_355] : memref<80x128xi32, #tpu.memory_space<vmem>> -> memref<1x128xi32, #tpu.memory_space<vmem>>
      %dma_start3A_357 = tpu.memref_squeeze %dma_start3A_356 : memref<1x128xi32, #tpu.memory_space<vmem>> -> memref<128xi32, #tpu.memory_space<vmem>>
      %dma_start3A_358 = arith.constant 0 : i32
      %dma_start3A_359 = arith.constant 0 : i32
      %dma_start3A_360 = tpu.memref_slice %arg6[%dma_start3A_358, %dma_start3A_359] : memref<10240x64xf32, #tpu.memory_space<vmem_shared>> -> memref<10240x64xf32, #tpu.memory_space<vmem_shared>>
      tpu.enqueue_indirect_dma source(%arg12 : memref<128x64xf32, #tpu.memory_space<vmem>>) target(%dma_start3A_360 : memref<10240x64xf32, #tpu.memory_space<vmem_shared>>) offsets(%dma_start3A_357 : memref<128xi32, #tpu.memory_space<vmem>>) semaphore(%arg18 : memref<!tpu.dma_semaphore, #tpu.memory_space<semaphore_mem>>) {add = true}
      %dma_wait3A_361 = arith.constant 0 : i32
      %dma_wait3A_362 = arith.constant 0 : i32
      %dma_wait3A_363 = tpu.memref_slice %arg9[%dma_wait3A_361, %dma_wait3A_362] : memref<80x128xi32, #tpu.memory_space<vmem>> -> memref<1x128xi32, #tpu.memory_space<vmem>>
      %dma_wait3A_364 = tpu.memref_squeeze %dma_wait3A_363 : memref<1x128xi32, #tpu.memory_space<vmem>> -> memref<128xi32, #tpu.memory_space<vmem>>
      %dma_wait3A_365 = arith.constant 0 : i32
      %dma_wait3A_366 = arith.constant 0 : i32
      %dma_wait3A_367 = tpu.memref_slice %arg6[%dma_wait3A_365, %dma_wait3A_366] : memref<10240x64xf32, #tpu.memory_space<vmem_shared>> -> memref<10240x64xf32, #tpu.memory_space<vmem_shared>>
      tpu.wait_indirect_dma semaphore(%arg17 : memref<!tpu.dma_semaphore, #tpu.memory_space<semaphore_mem>>) src(%arg11 : memref<128x64xf32, #tpu.memory_space<vmem>>) dst(%dma_wait3A_367 : memref<10240x64xf32, #tpu.memory_space<vmem_shared>>)
      %add3A_368 = arith.constant 2 : i32
      %add3A_369 = arith.addi %add3A_349, %add3A_368 : i32
      %mul3A_370 = arith.constant 128 : i32
      %mul3A_371 = arith.muli %add3A_369, %mul3A_370 : i32
      %dma_start3A_372 = tpu.memref_slice %arg8[%mul3A_371] : memref<10496xi32, #tpu.memory_space<vmem>> -> memref<128xi32, #tpu.memory_space<vmem>>
      %dma_start3A_373 = arith.constant 0 : i32
      %dma_start3A_374 = arith.constant 0 : i32
      %dma_start3A_375 = tpu.memref_slice %arg7[%dma_start3A_373, %dma_start3A_374] : memref<10240x64xf32, #tpu.memory_space<vmem_shared>> -> memref<10240x64xf32, #tpu.memory_space<vmem_shared>>
      tpu.enqueue_indirect_dma source(%dma_start3A_375 : memref<10240x64xf32, #tpu.memory_space<vmem_shared>>) target(%arg11 : memref<128x64xf32, #tpu.memory_space<vmem>>) offsets(%dma_start3A_372 : memref<128xi32, #tpu.memory_space<vmem>>) semaphore(%arg14 : memref<!tpu.dma_semaphore, #tpu.memory_space<semaphore_mem>>)
      %mul3A_376 = arith.constant 6 : i32
      %mul3A_377 = arith.muli %mul3A_376, %scan3A_248 : i32
      %add3A_378 = arith.constant 2 : i32
      %add3A_379 = arith.addi %mul3A_377, %add3A_378 : i32
      %add3A_380 = arith.constant 4 : i32
      %add3A_381 = arith.addi %add3A_379, %add3A_380 : i32
      %dma_wait3A_382 = arith.constant 0 : i32
      %dma_wait3A_383 = tpu.memref_slice %arg8[%dma_wait3A_382] : memref<10496xi32, #tpu.memory_space<vmem>> -> memref<128xi32, #tpu.memory_space<vmem>>
      %dma_wait3A_384 = arith.constant 0 : i32
      %dma_wait3A_385 = arith.constant 0 : i32
      %dma_wait3A_386 = tpu.memref_slice %arg7[%dma_wait3A_384, %dma_wait3A_385] : memref<10240x64xf32, #tpu.memory_space<vmem_shared>> -> memref<10240x64xf32, #tpu.memory_space<vmem_shared>>
      tpu.wait_indirect_dma semaphore(%arg13 : memref<!tpu.dma_semaphore, #tpu.memory_space<semaphore_mem>>) src(%dma_wait3A_386 : memref<10240x64xf32, #tpu.memory_space<vmem_shared>>) dst(%arg10 : memref<128x64xf32, #tpu.memory_space<vmem>>)
      %dma_start3A_387 = arith.constant 0 : i32
      %dma_start3A_388 = tpu.memref_slice %arg9[%add3A_381, %dma_start3A_387] : memref<80x128xi32, #tpu.memory_space<vmem>> -> memref<1x128xi32, #tpu.memory_space<vmem>>
      %dma_start3A_389 = tpu.memref_squeeze %dma_start3A_388 : memref<1x128xi32, #tpu.memory_space<vmem>> -> memref<128xi32, #tpu.memory_space<vmem>>
      %dma_start3A_390 = arith.constant 0 : i32
      %dma_start3A_391 = arith.constant 0 : i32
      %dma_start3A_392 = tpu.memref_slice %arg6[%dma_start3A_390, %dma_start3A_391] : memref<10240x64xf32, #tpu.memory_space<vmem_shared>> -> memref<10240x64xf32, #tpu.memory_space<vmem_shared>>
      tpu.enqueue_indirect_dma source(%arg10 : memref<128x64xf32, #tpu.memory_space<vmem>>) target(%dma_start3A_392 : memref<10240x64xf32, #tpu.memory_space<vmem_shared>>) offsets(%dma_start3A_389 : memref<128xi32, #tpu.memory_space<vmem>>) semaphore(%arg16 : memref<!tpu.dma_semaphore, #tpu.memory_space<semaphore_mem>>) {add = true}
      %dma_wait3A_393 = arith.constant 0 : i32
      %dma_wait3A_394 = arith.constant 0 : i32
      %dma_wait3A_395 = tpu.memref_slice %arg9[%dma_wait3A_393, %dma_wait3A_394] : memref<80x128xi32, #tpu.memory_space<vmem>> -> memref<1x128xi32, #tpu.memory_space<vmem>>
      %dma_wait3A_396 = tpu.memref_squeeze %dma_wait3A_395 : memref<1x128xi32, #tpu.memory_space<vmem>> -> memref<128xi32, #tpu.memory_space<vmem>>
      %dma_wait3A_397 = arith.constant 0 : i32
      %dma_wait3A_398 = arith.constant 0 : i32
      %dma_wait3A_399 = tpu.memref_slice %arg6[%dma_wait3A_397, %dma_wait3A_398] : memref<10240x64xf32, #tpu.memory_space<vmem_shared>> -> memref<10240x64xf32, #tpu.memory_space<vmem_shared>>
      tpu.wait_indirect_dma semaphore(%arg18 : memref<!tpu.dma_semaphore, #tpu.memory_space<semaphore_mem>>) src(%arg12 : memref<128x64xf32, #tpu.memory_space<vmem>>) dst(%dma_wait3A_399 : memref<10240x64xf32, #tpu.memory_space<vmem_shared>>)
      %add3A_400 = arith.constant 2 : i32
      %add3A_401 = arith.addi %add3A_381, %add3A_400 : i32
      %mul3A_402 = arith.constant 128 : i32
      %mul3A_403 = arith.muli %add3A_401, %mul3A_402 : i32
      %dma_start3A_404 = tpu.memref_slice %arg8[%mul3A_403] : memref<10496xi32, #tpu.memory_space<vmem>> -> memref<128xi32, #tpu.memory_space<vmem>>
      %dma_start3A_405 = arith.constant 0 : i32
      %dma_start3A_406 = arith.constant 0 : i32
      %dma_start3A_407 = tpu.memref_slice %arg7[%dma_start3A_405, %dma_start3A_406] : memref<10240x64xf32, #tpu.memory_space<vmem_shared>> -> memref<10240x64xf32, #tpu.memory_space<vmem_shared>>
      tpu.enqueue_indirect_dma source(%dma_start3A_407 : memref<10240x64xf32, #tpu.memory_space<vmem_shared>>) target(%arg12 : memref<128x64xf32, #tpu.memory_space<vmem>>) offsets(%dma_start3A_404 : memref<128xi32, #tpu.memory_space<vmem>>) semaphore(%arg15 : memref<!tpu.dma_semaphore, #tpu.memory_space<semaphore_mem>>)
      %mul3A_408 = arith.constant 6 : i32
      %mul3A_409 = arith.muli %mul3A_408, %scan3A_248 : i32
      %add3A_410 = arith.constant 2 : i32
      %add3A_411 = arith.addi %mul3A_409, %add3A_410 : i32
      %add3A_412 = arith.constant 5 : i32
      %add3A_413 = arith.addi %add3A_411, %add3A_412 : i32
      %dma_wait3A_414 = arith.constant 0 : i32
      %dma_wait3A_415 = tpu.memref_slice %arg8[%dma_wait3A_414] : memref<10496xi32, #tpu.memory_space<vmem>> -> memref<128xi32, #tpu.memory_space<vmem>>
      %dma_wait3A_416 = arith.constant 0 : i32
      %dma_wait3A_417 = arith.constant 0 : i32
      %dma_wait3A_418 = tpu.memref_slice %arg7[%dma_wait3A_416, %dma_wait3A_417] : memref<10240x64xf32, #tpu.memory_space<vmem_shared>> -> memref<10240x64xf32, #tpu.memory_space<vmem_shared>>
      tpu.wait_indirect_dma semaphore(%arg14 : memref<!tpu.dma_semaphore, #tpu.memory_space<semaphore_mem>>) src(%dma_wait3A_418 : memref<10240x64xf32, #tpu.memory_space<vmem_shared>>) dst(%arg11 : memref<128x64xf32, #tpu.memory_space<vmem>>)
      %dma_start3A_419 = arith.constant 0 : i32
      %dma_start3A_420 = tpu.memref_slice %arg9[%add3A_413, %dma_start3A_419] : memref<80x128xi32, #tpu.memory_space<vmem>> -> memref<1x128xi32, #tpu.memory_space<vmem>>
      %dma_start3A_421 = tpu.memref_squeeze %dma_start3A_420 : memref<1x128xi32, #tpu.memory_space<vmem>> -> memref<128xi32, #tpu.memory_space<vmem>>
      %dma_start3A_422 = arith.constant 0 : i32
      %dma_start3A_423 = arith.constant 0 : i32
      %dma_start3A_424 = tpu.memref_slice %arg6[%dma_start3A_422, %dma_start3A_423] : memref<10240x64xf32, #tpu.memory_space<vmem_shared>> -> memref<10240x64xf32, #tpu.memory_space<vmem_shared>>
      tpu.enqueue_indirect_dma source(%arg11 : memref<128x64xf32, #tpu.memory_space<vmem>>) target(%dma_start3A_424 : memref<10240x64xf32, #tpu.memory_space<vmem_shared>>) offsets(%dma_start3A_421 : memref<128xi32, #tpu.memory_space<vmem>>) semaphore(%arg17 : memref<!tpu.dma_semaphore, #tpu.memory_space<semaphore_mem>>) {add = true}
      %dma_wait3A_425 = arith.constant 0 : i32
      %dma_wait3A_426 = arith.constant 0 : i32
      %dma_wait3A_427 = tpu.memref_slice %arg9[%dma_wait3A_425, %dma_wait3A_426] : memref<80x128xi32, #tpu.memory_space<vmem>> -> memref<1x128xi32, #tpu.memory_space<vmem>>
      %dma_wait3A_428 = tpu.memref_squeeze %dma_wait3A_427 : memref<1x128xi32, #tpu.memory_space<vmem>> -> memref<128xi32, #tpu.memory_space<vmem>>
      %dma_wait3A_429 = arith.constant 0 : i32
      %dma_wait3A_430 = arith.constant 0 : i32
      %dma_wait3A_431 = tpu.memref_slice %arg6[%dma_wait3A_429, %dma_wait3A_430] : memref<10240x64xf32, #tpu.memory_space<vmem_shared>> -> memref<10240x64xf32, #tpu.memory_space<vmem_shared>>
      tpu.wait_indirect_dma semaphore(%arg16 : memref<!tpu.dma_semaphore, #tpu.memory_space<semaphore_mem>>) src(%arg10 : memref<128x64xf32, #tpu.memory_space<vmem>>) dst(%dma_wait3A_431 : memref<10240x64xf32, #tpu.memory_space<vmem_shared>>)
      %add3A_432 = arith.constant 2 : i32
      %add3A_433 = arith.addi %add3A_413, %add3A_432 : i32
      %mul3A_434 = arith.constant 128 : i32
      %mul3A_435 = arith.muli %add3A_433, %mul3A_434 : i32
      %dma_start3A_436 = tpu.memref_slice %arg8[%mul3A_435] : memref<10496xi32, #tpu.memory_space<vmem>> -> memref<128xi32, #tpu.memory_space<vmem>>
      %dma_start3A_437 = arith.constant 0 : i32
      %dma_start3A_438 = arith.constant 0 : i32
      %dma_start3A_439 = tpu.memref_slice %arg7[%dma_start3A_437, %dma_start3A_438] : memref<10240x64xf32, #tpu.memory_space<vmem_shared>> -> memref<10240x64xf32, #tpu.memory_space<vmem_shared>>
      tpu.enqueue_indirect_dma source(%dma_start3A_439 : memref<10240x64xf32, #tpu.memory_space<vmem_shared>>) target(%arg10 : memref<128x64xf32, #tpu.memory_space<vmem>>) offsets(%dma_start3A_436 : memref<128xi32, #tpu.memory_space<vmem>>) semaphore(%arg13 : memref<!tpu.dma_semaphore, #tpu.memory_space<semaphore_mem>>)
    }
    %scan3A_229 = arith.constant 13 : i32
    %dma_wait3A_230 = arith.constant 0 : i32
    %dma_wait3A_231 = tpu.memref_slice %arg8[%dma_wait3A_230] : memref<10496xi32, #tpu.memory_space<vmem>> -> memref<128xi32, #tpu.memory_space<vmem>>
    %dma_wait3A_232 = arith.constant 0 : i32
    %dma_wait3A_233 = arith.constant 0 : i32
    %dma_wait3A_234 = tpu.memref_slice %arg7[%dma_wait3A_232, %dma_wait3A_233] : memref<10240x64xf32, #tpu.memory_space<vmem_shared>> -> memref<10240x64xf32, #tpu.memory_space<vmem_shared>>
    tpu.wait_indirect_dma semaphore(%arg15 : memref<!tpu.dma_semaphore, #tpu.memory_space<semaphore_mem>>) src(%dma_wait3A_234 : memref<10240x64xf32, #tpu.memory_space<vmem_shared>>) dst(%arg12 : memref<128x64xf32, #tpu.memory_space<vmem>>)
    %dma_wait3A_235 = arith.constant 0 : i32
    %dma_wait3A_236 = tpu.memref_slice %arg8[%dma_wait3A_235] : memref<10496xi32, #tpu.memory_space<vmem>> -> memref<128xi32, #tpu.memory_space<vmem>>
    %dma_wait3A_237 = arith.constant 0 : i32
    %dma_wait3A_238 = arith.constant 0 : i32
    %dma_wait3A_239 = tpu.memref_slice %arg7[%dma_wait3A_237, %dma_wait3A_238] : memref<10240x64xf32, #tpu.memory_space<vmem_shared>> -> memref<10240x64xf32, #tpu.memory_space<vmem_shared>>
    tpu.wait_indirect_dma semaphore(%arg13 : memref<!tpu.dma_semaphore, #tpu.memory_space<semaphore_mem>>) src(%dma_wait3A_239 : memref<10240x64xf32, #tpu.memory_space<vmem_shared>>) dst(%arg10 : memref<128x64xf32, #tpu.memory_space<vmem>>)
    %dma_wait3A_240 = arith.constant 0 : i32
    %dma_wait3A_241 = arith.constant 0 : i32
    %dma_wait3A_242 = tpu.memref_slice %arg9[%dma_wait3A_240, %dma_wait3A_241] : memref<80x128xi32, #tpu.memory_space<vmem>> -> memref<1x128xi32, #tpu.memory_space<vmem>>
    %dma_wait3A_243 = tpu.memref_squeeze %dma_wait3A_242 : memref<1x128xi32, #tpu.memory_space<vmem>> -> memref<128xi32, #tpu.memory_space<vmem>>
    %dma_wait3A_244 = arith.constant 0 : i32
    %dma_wait3A_245 = arith.constant 0 : i32
    %dma_wait3A_246 = tpu.memref_slice %arg6[%dma_wait3A_244, %dma_wait3A_245] : memref<10240x64xf32, #tpu.memory_space<vmem_shared>> -> memref<10240x64xf32, #tpu.memory_space<vmem_shared>>
    tpu.wait_indirect_dma semaphore(%arg17 : memref<!tpu.dma_semaphore, #tpu.memory_space<semaphore_mem>>) src(%arg11 : memref<128x64xf32, #tpu.memory_space<vmem>>) dst(%dma_wait3A_246 : memref<10240x64xf32, #tpu.memory_space<vmem_shared>>)
    %barrier3A_247 = arith.constant 0 : index
    tpu.barrier barrier_id(%barrier3A_247)
    "tpu.region"() ({
      %run_scoped3A_248 = tpu.sem_alloc : memref<!tpu.dma_semaphore, #tpu.memory_space<semaphore_mem>>
      %dma_start3A_249 = arith.constant 0 : i32
      %dma_start3A_250 = arith.constant 0 : i32
      %dma_start3A_251 = tpu.memref_slice %arg5[%arg0, %dma_start3A_249, %dma_start3A_250] : memref<2x10240x64xf32, #tpu.memory_space<hbm>> -> memref<1x10240x64xf32, #tpu.memory_space<hbm>>
      %dma_start3A_252 = tpu.memref_squeeze %dma_start3A_251 : memref<1x10240x64xf32, #tpu.memory_space<hbm>> -> memref<10240x64xf32, #tpu.memory_space<hbm>>
      %dma_start3A_253 = arith.constant 0 : i32
      %dma_start3A_254 = tpu.memref_slice %dma_start3A_252[%mul3A_0, %dma_start3A_253] : memref<10240x64xf32, #tpu.memory_space<hbm>> -> memref<640x64xf32, #tpu.memory_space<hbm>>
      %dma_start3A_255 = arith.constant 0 : i32
      %dma_start3A_256 = tpu.memref_slice %arg6[%mul3A_0, %dma_start3A_255] : memref<10240x64xf32, #tpu.memory_space<vmem_shared>> -> memref<640x64xf32, #tpu.memory_space<vmem_shared>>
      tpu.enqueue_dma source(%dma_start3A_256 : memref<640x64xf32, #tpu.memory_space<vmem_shared>>) target(%dma_start3A_254 : memref<640x64xf32, #tpu.memory_space<hbm>>) target_semaphore(%run_scoped3A_248 : memref<!tpu.dma_semaphore, #tpu.memory_space<semaphore_mem>>)
      %dma_wait3A_257 = arith.constant 0 : i32
      %dma_wait3A_258 = arith.constant 0 : i32
      %dma_wait3A_259 = tpu.memref_slice %arg5[%arg0, %dma_wait3A_257, %dma_wait3A_258] : memref<2x10240x64xf32, #tpu.memory_space<hbm>> -> memref<1x10240x64xf32, #tpu.memory_space<hbm>>
      %dma_wait3A_260 = tpu.memref_squeeze %dma_wait3A_259 : memref<1x10240x64xf32, #tpu.memory_space<hbm>> -> memref<10240x64xf32, #tpu.memory_space<hbm>>
      %dma_wait3A_261 = arith.constant 0 : i32
      %dma_wait3A_262 = tpu.memref_slice %dma_wait3A_260[%mul3A_0, %dma_wait3A_261] : memref<10240x64xf32, #tpu.memory_space<hbm>> -> memref<640x64xf32, #tpu.memory_space<hbm>>
      %dma_wait3A_263 = arith.constant 0 : i32
      %dma_wait3A_264 = tpu.memref_slice %arg6[%mul3A_0, %dma_wait3A_263] : memref<10240x64xf32, #tpu.memory_space<vmem_shared>> -> memref<640x64xf32, #tpu.memory_space<vmem_shared>>
      tpu.wait_dma2 semaphore(%run_scoped3A_248 : memref<!tpu.dma_semaphore, #tpu.memory_space<semaphore_mem>>) src(%dma_wait3A_264 : memref<640x64xf32, #tpu.memory_space<vmem_shared>>) dst(%dma_wait3A_262 : memref<640x64xf32, #tpu.memory_space<hbm>>)
      tpu.yield
    }) : () -> ()
    return
  }
}

module attributes {stable_mosaic.version = 14 : i64} {
  func.func @_table_body(%arg0: memref<512x128xf32, #tpu.memory_space<vmem>>, %arg1: memref<128x128xf32, #tpu.memory_space<vmem>>, %arg2: memref<1x128xf32, #tpu.memory_space<vmem>>, %arg3: memref<128x128xf32, #tpu.memory_space<vmem>>, %arg4: memref<1x128xf32, #tpu.memory_space<vmem>>, %arg5: memref<2x512x64xf32, #tpu.memory_space<vmem>>) attributes {dimension_semantics = [], scalar_prefetch = 0 : i64, scratch_operands = 0 : i64, tpu.core_type = #tpu.core_type<tc>} {
    %get3A = arith.constant 0 : index
    %get3A_0 = arith.constant 0 : index
    %get3A_1 = vector.load %arg0[%get3A, %get3A_0] : memref<512x128xf32, #tpu.memory_space<vmem>>, vector<512x128xf32>
    %get3A_2 = arith.constant 0 : index
    %get3A_3 = arith.constant 0 : index
    %get3A_4 = vector.load %arg1[%get3A_2, %get3A_3] : memref<128x128xf32, #tpu.memory_space<vmem>>, vector<128x128xf32>
    %dot_general3A = arith.constant dense<0.000000e+00> : vector<512x128xf32>
    %dot_general3A_5 = tpu.matmul %get3A_1, %get3A_4, %dot_general3A {dimension_numbers = #tpu.dot_dimension_numbers<[1], [0], [0], [1], [0, 0, 1, 1], [], []>, transpose_lhs_hint = false} : vector<512x128xf32>, vector<128x128xf32>, vector<512x128xf32> -> vector<512x128xf32>
    %get3A_6 = arith.constant 0 : index
    %get3A_7 = arith.constant 0 : index
    %get3A_8 = vector.load %arg2[%get3A_6, %get3A_7] : memref<1x128xf32, #tpu.memory_space<vmem>>, vector<1x128xf32>
    %add3A = vector.broadcast %get3A_8 : vector<1x128xf32> to vector<512x128xf32>
    %add3A_9 = arith.addf %dot_general3A_5, %add3A : vector<512x128xf32>
    %max3A = arith.constant 0.000000e+00 : f32
    %max3A_10 = vector.broadcast %max3A : f32 to vector<512x128xf32>
    %max3A_11 = arith.maximumf %add3A_9, %max3A_10 : vector<512x128xf32>
    %get3A_12 = arith.constant 0 : index
    %get3A_13 = arith.constant 0 : index
    %get3A_14 = vector.load %arg3[%get3A_12, %get3A_13] : memref<128x128xf32, #tpu.memory_space<vmem>>, vector<128x128xf32>
    %dot_general3A_15 = arith.constant dense<0.000000e+00> : vector<512x128xf32>
    %dot_general3A_16 = tpu.matmul %max3A_11, %get3A_14, %dot_general3A_15 {dimension_numbers = #tpu.dot_dimension_numbers<[1], [0], [0], [1], [0, 0, 1, 1], [], []>, transpose_lhs_hint = false} : vector<512x128xf32>, vector<128x128xf32>, vector<512x128xf32> -> vector<512x128xf32>
    %get3A_17 = arith.constant 0 : index
    %get3A_18 = arith.constant 0 : index
    %get3A_19 = vector.load %arg4[%get3A_17, %get3A_18] : memref<1x128xf32, #tpu.memory_space<vmem>>, vector<1x128xf32>
    %add3A_20 = vector.broadcast %get3A_19 : vector<1x128xf32> to vector<512x128xf32>
    %add3A_21 = arith.addf %dot_general3A_16, %add3A_20 : vector<512x128xf32>
    %slice3A = vector.extract_strided_slice %add3A_21 {offsets = [0, 0], sizes = [512, 64], strides = [1, 1]} : vector<512x128xf32> to vector<512x64xf32>
    %swap3A = arith.constant 0 : index
    %swap3A_22 = arith.constant 0 : index
    %swap3A_23 = arith.constant 0 : index
    %swap3A_24 = vector.load %arg5[%swap3A, %swap3A_22, %swap3A_23] : memref<2x512x64xf32, #tpu.memory_space<vmem>>, vector<1x512x64xf32>
    %swap3A_25 = vector.shape_cast %swap3A_24 : vector<1x512x64xf32> to vector<512x64xf32>
    %swap3A_26 = vector.shape_cast %slice3A : vector<512x64xf32> to vector<1x512x64xf32>
    tpu.vector_store %arg5[%swap3A, %swap3A_22, %swap3A_23], %swap3A_26 {strides = array<i32>} : memref<2x512x64xf32, #tpu.memory_space<vmem>>, vector<1x512x64xf32>,
    %slice3A_27 = vector.extract_strided_slice %add3A_21 {offsets = [0, 64], sizes = [512, 64], strides = [1, 1]} : vector<512x128xf32> to vector<512x64xf32>
    %swap3A_28 = arith.constant 1 : index
    %swap3A_29 = arith.constant 0 : index
    %swap3A_30 = arith.constant 0 : index
    %swap3A_31 = vector.load %arg5[%swap3A_28, %swap3A_29, %swap3A_30] : memref<2x512x64xf32, #tpu.memory_space<vmem>>, vector<1x512x64xf32>
    %swap3A_32 = vector.shape_cast %swap3A_31 : vector<1x512x64xf32> to vector<512x64xf32>
    %swap3A_33 = vector.shape_cast %slice3A_27 : vector<512x64xf32> to vector<1x512x64xf32>
    tpu.vector_store %arg5[%swap3A_28, %swap3A_29, %swap3A_30], %swap3A_33 {strides = array<i32>} : memref<2x512x64xf32, #tpu.memory_space<vmem>>, vector<1x512x64xf32>,
    return
  }
}

module attributes {stable_mosaic.version = 14 : i64} {
  func.func @_mlp_bn_body(%arg0: i32, %arg1: i32, %arg2: memref<1x640x64xf32, #tpu.memory_space<vmem>>, %arg3: memref<1x640x64xf32, #tpu.memory_space<vmem>>, %arg4: memref<128x128xf32, #tpu.memory_space<vmem>>, %arg5: memref<1x128xf32, #tpu.memory_space<vmem>>, %arg6: memref<128x128xf32, #tpu.memory_space<vmem>>, %arg7: memref<1x128xf32, #tpu.memory_space<vmem>>, %arg8: memref<1x128xf32, #tpu.memory_space<vmem>>, %arg9: memref<1x128xf32, #tpu.memory_space<vmem>>, %arg10: memref<2x640x64xf32, #tpu.memory_space<vmem>>, %arg11: memref<10240x128xf32, #tpu.memory_space<vmem>>, %arg12: memref<8x128xf32, #tpu.memory_space<vmem>>) attributes {dimension_semantics = [#tpu.dimension_semantics<arbitrary>, #tpu.dimension_semantics<arbitrary>], iteration_bounds = array<i64: 2, 16>, scalar_prefetch = 0 : i64, scratch_operands = 2 : i64, tpu.core_type = #tpu.core_type<tc>, window_params = [{transform_indices = @transform_0, window_bounds = array<i64: 1, 640, 64>}, {transform_indices = @transform_1, window_bounds = array<i64: 1, 640, 64>}, {pipeline_mode = #tpu.pipeline_mode<synchronous>, transform_indices = @transform_2, window_bounds = array<i64: 128, 128>}, {pipeline_mode = #tpu.pipeline_mode<synchronous>, transform_indices = @transform_3, window_bounds = array<i64: 1, 128>}, {pipeline_mode = #tpu.pipeline_mode<synchronous>, transform_indices = @transform_4, window_bounds = array<i64: 128, 128>}, {pipeline_mode = #tpu.pipeline_mode<synchronous>, transform_indices = @transform_5, window_bounds = array<i64: 1, 128>}, {pipeline_mode = #tpu.pipeline_mode<synchronous>, transform_indices = @transform_6, window_bounds = array<i64: 1, 128>}, {pipeline_mode = #tpu.pipeline_mode<synchronous>, transform_indices = @transform_7, window_bounds = array<i64: 1, 128>}, {transform_indices = @transform_8, window_bounds = array<i64: 2, 640, 64>}]} {
    %eq3A = arith.constant 0 : i32
    %eq3A_0 = arith.cmpi eq, %arg0, %eq3A : i32
    %convert_element_type3A = arith.extui %eq3A_0 : i1 to i32
    %cond3A = arith.constant 0 : i32
    %cond3A_1 = arith.cmpi ne, %convert_element_type3A, %cond3A : i32
    scf.if %cond3A_1 {
      %get3A = arith.constant 0 : index
      %get3A_7 = arith.constant 0 : index
      %get3A_8 = arith.constant 0 : index
      %get3A_9 = vector.load %arg2[%get3A, %get3A_7, %get3A_8] : memref<1x640x64xf32, #tpu.memory_space<vmem>>, vector<1x640x64xf32>
      %get3A_10 = vector.shape_cast %get3A_9 : vector<1x640x64xf32> to vector<640x64xf32>
      %get3A_11 = arith.constant 0 : index
      %get3A_12 = arith.constant 0 : index
      %get3A_13 = arith.constant 0 : index
      %get3A_14 = vector.load %arg3[%get3A_11, %get3A_12, %get3A_13] : memref<1x640x64xf32, #tpu.memory_space<vmem>>, vector<1x640x64xf32>
      %get3A_15 = vector.shape_cast %get3A_14 : vector<1x640x64xf32> to vector<640x64xf32>
      %concatenate3A = tpu.concatenate %get3A_10, %get3A_15 in 1 : vector<640x64xf32>, vector<640x64xf32> -> vector<640x128xf32>
      %get3A_16 = arith.constant 0 : index
      %get3A_17 = arith.constant 0 : index
      %get3A_18 = vector.load %arg4[%get3A_16, %get3A_17] : memref<128x128xf32, #tpu.memory_space<vmem>>, vector<128x128xf32>
      %dot_general3A = arith.constant dense<0.000000e+00> : vector<640x128xf32>
      %dot_general3A_19 = tpu.matmul %concatenate3A, %get3A_18, %dot_general3A {dimension_numbers = #tpu.dot_dimension_numbers<[1], [0], [0], [1], [0, 0, 1, 1], [], []>, transpose_lhs_hint = false} : vector<640x128xf32>, vector<128x128xf32>, vector<640x128xf32> -> vector<640x128xf32>
      %get3A_20 = arith.constant 0 : index
      %get3A_21 = arith.constant 0 : index
      %get3A_22 = vector.load %arg5[%get3A_20, %get3A_21] : memref<1x128xf32, #tpu.memory_space<vmem>>, vector<1x128xf32>
      %add3A = vector.broadcast %get3A_22 : vector<1x128xf32> to vector<640x128xf32>
      %add3A_23 = arith.addf %dot_general3A_19, %add3A : vector<640x128xf32>
      %max3A = arith.constant 0.000000e+00 : f32
      %max3A_24 = vector.broadcast %max3A : f32 to vector<640x128xf32>
      %max3A_25 = arith.maximumf %add3A_23, %max3A_24 : vector<640x128xf32>
      %get3A_26 = arith.constant 0 : index
      %get3A_27 = arith.constant 0 : index
      %get3A_28 = vector.load %arg6[%get3A_26, %get3A_27] : memref<128x128xf32, #tpu.memory_space<vmem>>, vector<128x128xf32>
      %dot_general3A_29 = arith.constant dense<0.000000e+00> : vector<640x128xf32>
      %dot_general3A_30 = tpu.matmul %max3A_25, %get3A_28, %dot_general3A_29 {dimension_numbers = #tpu.dot_dimension_numbers<[1], [0], [0], [1], [0, 0, 1, 1], [], []>, transpose_lhs_hint = false} : vector<640x128xf32>, vector<128x128xf32>, vector<640x128xf32> -> vector<640x128xf32>
      %get3A_31 = arith.constant 0 : index
      %get3A_32 = arith.constant 0 : index
      %get3A_33 = vector.load %arg7[%get3A_31, %get3A_32] : memref<1x128xf32, #tpu.memory_space<vmem>>, vector<1x128xf32>
      %add3A_34 = vector.broadcast %get3A_33 : vector<1x128xf32> to vector<640x128xf32>
      %add3A_35 = arith.addf %dot_general3A_30, %add3A_34 : vector<640x128xf32>
      %mul3A = arith.constant 640 : i32
      %mul3A_36 = arith.muli %arg1, %mul3A : i32
      %swap3A = arith.index_cast %mul3A_36 : i32 to index
      %swap3A_37 = arith.constant 0 : index
      %swap3A_38 = vector.load %arg11[%swap3A, %swap3A_37] : memref<10240x128xf32, #tpu.memory_space<vmem>>, vector<640x128xf32>
      tpu.vector_store %arg11[%swap3A, %swap3A_37], %add3A_35 {strides = array<i32>} : memref<10240x128xf32, #tpu.memory_space<vmem>>, vector<640x128xf32>,
      %iota3A = tpu.iota {dimensions = array<i32: 0>} : vector<640x1xi32>
      %mul3A_39 = arith.constant 640 : i32
      %mul3A_40 = arith.muli %arg1, %mul3A_39 : i32
      %add3A_41 = vector.broadcast %mul3A_40 : i32 to vector<640x1xi32>
      %add3A_42 = arith.addi %iota3A, %add3A_41 : vector<640x1xi32>
      %lt3A = arith.constant 10000 : i32
      %lt3A_43 = vector.broadcast %lt3A : i32 to vector<640x1xi32>
      %lt3A_44 = arith.cmpi slt, %add3A_42, %lt3A_43 : vector<640x1xi32>
      %jit3A = arith.constant 0.000000e+00 : f32
      %broadcast_in_dim3A = vector.shape_cast %lt3A_44 : vector<640x1xi1> to vector<640x1xi1>
      %broadcast_in_dim3A_45 = vector.broadcast %broadcast_in_dim3A : vector<640x1xi1> to vector<640x128xi1>
      %broadcast_in_dim3A_46 = vector.broadcast %jit3A : f32 to vector<640x128xf32>
      %select_n3A = arith.select %broadcast_in_dim3A_45, %add3A_35, %broadcast_in_dim3A_46 : vector<640x128xi1>, vector<640x128xf32>
      %reduce_sum3A = arith.constant dense<0.000000e+00> : vector<128xf32>
      %reduce_sum3A_47 = vector.multi_reduction <add>, %select_n3A, %reduce_sum3A [0] : vector<640x128xf32> to vector<128xf32>
      %broadcast_in_dim3A_48 = vector.shape_cast %reduce_sum3A_47 : vector<128xf32> to vector<1x128xf32>
      %mul3A_49 = arith.mulf %select_n3A, %select_n3A : vector<640x128xf32>
      %reduce_sum3A_50 = arith.constant dense<0.000000e+00> : vector<128xf32>
      %reduce_sum3A_51 = vector.multi_reduction <add>, %mul3A_49, %reduce_sum3A_50 [0] : vector<640x128xf32> to vector<128xf32>
      %broadcast_in_dim3A_52 = vector.shape_cast %reduce_sum3A_51 : vector<128xf32> to vector<1x128xf32>
      %broadcast_in_dim3A_53 = arith.constant 0.000000e+00 : f32
      %broadcast_in_dim3A_54 = vector.broadcast %broadcast_in_dim3A_53 : f32 to vector<6x128xf32>
      %concatenate3A_55 = tpu.concatenate %broadcast_in_dim3A_48, %broadcast_in_dim3A_52, %broadcast_in_dim3A_54 in 0 : vector<1x128xf32>, vector<1x128xf32>, vector<6x128xf32> -> vector<8x128xf32>
      %eq3A_56 = arith.constant 0 : i32
      %eq3A_57 = arith.cmpi eq, %arg1, %eq3A_56 : i32
      %convert_element_type3A_58 = arith.extui %eq3A_57 : i1 to i32
      %cond3A_59 = arith.constant 0 : i32
      %cond3A_60 = arith.cmpi ne, %convert_element_type3A_58, %cond3A_59 : i32
      scf.if %cond3A_60 {
        %swap3A_65 = arith.constant 0 : index
        %swap3A_66 = arith.constant 0 : index
        %swap3A_67 = vector.load %arg12[%swap3A_65, %swap3A_66] : memref<8x128xf32, #tpu.memory_space<vmem>>, vector<8x128xf32>
        tpu.vector_store %arg12[%swap3A_65, %swap3A_66], %concatenate3A_55 {strides = array<i32>} : memref<8x128xf32, #tpu.memory_space<vmem>>, vector<8x128xf32>,
      } else {
      }
      %gt3A = arith.constant 0 : i32
      %gt3A_61 = arith.cmpi sgt, %arg1, %gt3A : i32
      %convert_element_type3A_62 = arith.extui %gt3A_61 : i1 to i32
      %cond3A_63 = arith.constant 0 : i32
      %cond3A_64 = arith.cmpi ne, %convert_element_type3A_62, %cond3A_63 : i32
      scf.if %cond3A_64 {
        %get3A_65 = arith.constant 0 : index
        %get3A_66 = arith.constant 0 : index
        %get3A_67 = vector.load %arg12[%get3A_65, %get3A_66] : memref<8x128xf32, #tpu.memory_space<vmem>>, vector<8x128xf32>
        %add3A_68 = arith.addf %get3A_67, %concatenate3A_55 : vector<8x128xf32>
        %swap3A_69 = arith.constant 0 : index
        %swap3A_70 = arith.constant 0 : index
        %swap3A_71 = vector.load %arg12[%swap3A_69, %swap3A_70] : memref<8x128xf32, #tpu.memory_space<vmem>>, vector<8x128xf32>
        tpu.vector_store %arg12[%swap3A_69, %swap3A_70], %add3A_68 {strides = array<i32>} : memref<8x128xf32, #tpu.memory_space<vmem>>, vector<8x128xf32>,
      } else {
      }
    } else {
    }
    %eq3A_2 = arith.constant 1 : i32
    %eq3A_3 = arith.cmpi eq, %arg0, %eq3A_2 : i32
    %convert_element_type3A_4 = arith.extui %eq3A_3 : i1 to i32
    %cond3A_5 = arith.constant 0 : i32
    %cond3A_6 = arith.cmpi ne, %convert_element_type3A_4, %cond3A_5 : i32
    scf.if %cond3A_6 {
      %get3A = arith.constant 0 : index
      %get3A_7 = arith.constant 0 : index
      %get3A_8 = vector.load %arg12[%get3A, %get3A_7] : memref<8x128xf32, #tpu.memory_space<vmem>>, vector<8x128xf32>
      %slice3A = vector.extract_strided_slice %get3A_8 {offsets = [0, 0], sizes = [1, 128], strides = [1, 1]} : vector<8x128xf32> to vector<1x128xf32>
      %div3A = arith.constant 1.000000e+04 : f32
      %div3A_9 = vector.broadcast %div3A : f32 to vector<1x128xf32>
      %div3A_10 = arith.divf %slice3A, %div3A_9 : vector<1x128xf32>
      %slice3A_11 = vector.extract_strided_slice %get3A_8 {offsets = [1, 0], sizes = [1, 128], strides = [1, 1]} : vector<8x128xf32> to vector<1x128xf32>
      %div3A_12 = arith.constant 1.000000e+04 : f32
      %div3A_13 = vector.broadcast %div3A_12 : f32 to vector<1x128xf32>
      %div3A_14 = arith.divf %slice3A_11, %div3A_13 : vector<1x128xf32>
      %mul3A = arith.mulf %div3A_10, %div3A_10 : vector<1x128xf32>
      %sub3A = arith.subf %div3A_14, %mul3A : vector<1x128xf32>
      %add3A = arith.constant 9.99999974E-6 : f32
      %add3A_15 = vector.broadcast %add3A : f32 to vector<1x128xf32>
      %add3A_16 = arith.addf %sub3A, %add3A_15 : vector<1x128xf32>
      %rsqrt3A = math.rsqrt %add3A_16 : vector<1x128xf32>
      %mul3A_17 = arith.constant 640 : i32
      %mul3A_18 = arith.muli %arg1, %mul3A_17 : i32
      %get3A_19 = arith.index_cast %mul3A_18 : i32 to index
      %get3A_20 = arith.constant 0 : index
      %get3A_21 = vector.load %arg11[%get3A_19, %get3A_20] : memref<10240x128xf32, #tpu.memory_space<vmem>>, vector<640x128xf32>
      %sub3A_22 = vector.broadcast %div3A_10 : vector<1x128xf32> to vector<640x128xf32>
      %sub3A_23 = arith.subf %get3A_21, %sub3A_22 : vector<640x128xf32>
      %mul3A_24 = vector.broadcast %rsqrt3A : vector<1x128xf32> to vector<640x128xf32>
      %mul3A_25 = arith.mulf %sub3A_23, %mul3A_24 : vector<640x128xf32>
      %get3A_26 = arith.constant 0 : index
      %get3A_27 = arith.constant 0 : index
      %get3A_28 = vector.load %arg8[%get3A_26, %get3A_27] : memref<1x128xf32, #tpu.memory_space<vmem>>, vector<1x128xf32>
      %mul3A_29 = vector.broadcast %get3A_28 : vector<1x128xf32> to vector<640x128xf32>
      %mul3A_30 = arith.mulf %mul3A_25, %mul3A_29 : vector<640x128xf32>
      %get3A_31 = arith.constant 0 : index
      %get3A_32 = arith.constant 0 : index
      %get3A_33 = vector.load %arg9[%get3A_31, %get3A_32] : memref<1x128xf32, #tpu.memory_space<vmem>>, vector<1x128xf32>
      %add3A_34 = vector.broadcast %get3A_33 : vector<1x128xf32> to vector<640x128xf32>
      %add3A_35 = arith.addf %mul3A_30, %add3A_34 : vector<640x128xf32>
      %max3A = arith.constant 0.000000e+00 : f32
      %max3A_36 = vector.broadcast %max3A : f32 to vector<640x128xf32>
      %max3A_37 = arith.maximumf %add3A_35, %max3A_36 : vector<640x128xf32>
      %slice3A_38 = vector.extract_strided_slice %max3A_37 {offsets = [0, 0], sizes = [640, 64], strides = [1, 1]} : vector<640x128xf32> to vector<640x64xf32>
      %swap3A = arith.constant 0 : index
      %swap3A_39 = arith.constant 0 : index
      %swap3A_40 = arith.constant 0 : index
      %swap3A_41 = vector.load %arg10[%swap3A, %swap3A_39, %swap3A_40] : memref<2x640x64xf32, #tpu.memory_space<vmem>>, vector<1x640x64xf32>
      %swap3A_42 = vector.shape_cast %swap3A_41 : vector<1x640x64xf32> to vector<640x64xf32>
      %swap3A_43 = vector.shape_cast %slice3A_38 : vector<640x64xf32> to vector<1x640x64xf32>
      tpu.vector_store %arg10[%swap3A, %swap3A_39, %swap3A_40], %swap3A_43 {strides = array<i32>} : memref<2x640x64xf32, #tpu.memory_space<vmem>>, vector<1x640x64xf32>,
      %slice3A_44 = vector.extract_strided_slice %max3A_37 {offsets = [0, 64], sizes = [640, 64], strides = [1, 1]} : vector<640x128xf32> to vector<640x64xf32>
      %swap3A_45 = arith.constant 1 : index
      %swap3A_46 = arith.constant 0 : index
      %swap3A_47 = arith.constant 0 : index
      %swap3A_48 = vector.load %arg10[%swap3A_45, %swap3A_46, %swap3A_47] : memref<2x640x64xf32, #tpu.memory_space<vmem>>, vector<1x640x64xf32>
      %swap3A_49 = vector.shape_cast %swap3A_48 : vector<1x640x64xf32> to vector<640x64xf32>
      %swap3A_50 = vector.shape_cast %slice3A_44 : vector<640x64xf32> to vector<1x640x64xf32>
      tpu.vector_store %arg10[%swap3A_45, %swap3A_46, %swap3A_47], %swap3A_50 {strides = array<i32>} : memref<2x640x64xf32, #tpu.memory_space<vmem>>, vector<1x640x64xf32>,
    } else {
    }
    return
  }
  func.func @transform_0(%arg0: i32, %arg1: i32) -> (i32, i32, i32) {
    %sub3A = arith.constant 1 : i32
    %sub3A_0 = arith.subi %sub3A, %arg0 : i32
    %mul3A = arith.muli %arg1, %sub3A_0 : i32
    %c0_i32 = arith.constant 0 : i32
    %c0_i32_1 = arith.constant 0 : i32
    %c0_i32_2 = arith.constant 0 : i32
    return %c0_i32, %mul3A, %c0_i32_1 : i32, i32, i32
  }
  func.func @transform_1(%arg0: i32, %arg1: i32) -> (i32, i32, i32) {
    %sub3A = arith.constant 1 : i32
    %sub3A_0 = arith.subi %sub3A, %arg0 : i32
    %mul3A = arith.muli %arg1, %sub3A_0 : i32
    %c1_i32 = arith.constant 1 : i32
    %c0_i32 = arith.constant 0 : i32
    %c0_i32_1 = arith.constant 0 : i32
    return %c1_i32, %mul3A, %c0_i32 : i32, i32, i32
  }
  func.func @transform_2(%arg0: i32, %arg1: i32) -> (i32, i32) {
    %c0_i32 = arith.constant 0 : i32
    %c0_i32_0 = arith.constant 0 : i32
    %c0_i32_1 = arith.constant 0 : i32
    return %c0_i32, %c0_i32_0 : i32, i32
  }
  func.func @transform_3(%arg0: i32, %arg1: i32) -> (i32, i32) {
    %c0_i32 = arith.constant 0 : i32
    %c0_i32_0 = arith.constant 0 : i32
    %c0_i32_1 = arith.constant 0 : i32
    return %c0_i32, %c0_i32_0 : i32, i32
  }
  func.func @transform_4(%arg0: i32, %arg1: i32) -> (i32, i32) {
    %c0_i32 = arith.constant 0 : i32
    %c0_i32_0 = arith.constant 0 : i32
    %c0_i32_1 = arith.constant 0 : i32
    return %c0_i32, %c0_i32_0 : i32, i32
  }
  func.func @transform_5(%arg0: i32, %arg1: i32) -> (i32, i32) {
    %c0_i32 = arith.constant 0 : i32
    %c0_i32_0 = arith.constant 0 : i32
    %c0_i32_1 = arith.constant 0 : i32
    return %c0_i32, %c0_i32_0 : i32, i32
  }
  func.func @transform_6(%arg0: i32, %arg1: i32) -> (i32, i32) {
    %c0_i32 = arith.constant 0 : i32
    %c0_i32_0 = arith.constant 0 : i32
    %c0_i32_1 = arith.constant 0 : i32
    return %c0_i32, %c0_i32_0 : i32, i32
  }
  func.func @transform_7(%arg0: i32, %arg1: i32) -> (i32, i32) {
    %c0_i32 = arith.constant 0 : i32
    %c0_i32_0 = arith.constant 0 : i32
    %c0_i32_1 = arith.constant 0 : i32
    return %c0_i32, %c0_i32_0 : i32, i32
  }
  func.func @transform_8(%arg0: i32, %arg1: i32) -> (i32, i32, i32) {
    %mul3A = arith.muli %arg1, %arg0 : i32
    %c0_i32 = arith.constant 0 : i32
    %c0_i32_0 = arith.constant 0 : i32
    %c0_i32_1 = arith.constant 0 : i32
    return %c0_i32, %mul3A, %c0_i32_0 : i32, i32, i32
  }
}

module attributes {stable_mosaic.version = 14 : i64} {
  func.func @_pool_final_body(%arg0: i32, %arg1: memref<1x640x64xf32, #tpu.memory_space<vmem>>, %arg2: memref<1x640x64xf32, #tpu.memory_space<vmem>>, %arg3: memref<1x1x640xi32, #tpu.memory_space<vmem>>, %arg4: memref<128x128xf32, #tpu.memory_space<vmem>>, %arg5: memref<1x128xf32, #tpu.memory_space<vmem>>, %arg6: memref<128x16xf32, #tpu.memory_space<vmem>>, %arg7: memref<1x16xf32, #tpu.memory_space<vmem>>, %arg8: memref<64x16xf32, #tpu.memory_space<vmem>>, %arg9: memref<64x128xf32, #tpu.memory_space<vmem>>) attributes {dimension_semantics = [#tpu.dimension_semantics<arbitrary>], iteration_bounds = array<i64: 16>, scalar_prefetch = 0 : i64, scratch_operands = 1 : i64, tpu.core_type = #tpu.core_type<tc>, window_params = [{transform_indices = @transform_0, window_bounds = array<i64: 1, 640, 64>}, {transform_indices = @transform_1, window_bounds = array<i64: 1, 640, 64>}, {transform_indices = @transform_2, window_bounds = array<i64: 1, 1, 640>}, {pipeline_mode = #tpu.pipeline_mode<synchronous>, transform_indices = @transform_3, window_bounds = array<i64: 128, 128>}, {pipeline_mode = #tpu.pipeline_mode<synchronous>, transform_indices = @transform_4, window_bounds = array<i64: 1, 128>}, {pipeline_mode = #tpu.pipeline_mode<synchronous>, transform_indices = @transform_5, window_bounds = array<i64: 128, 16>}, {pipeline_mode = #tpu.pipeline_mode<synchronous>, transform_indices = @transform_6, window_bounds = array<i64: 1, 16>}, {pipeline_mode = #tpu.pipeline_mode<synchronous>, transform_indices = @transform_7, window_bounds = array<i64: 64, 16>}]} {
    %get3A = arith.constant 0 : index
    %get3A_0 = arith.constant 0 : index
    %get3A_1 = arith.constant 0 : index
    %get3A_2 = vector.load %arg1[%get3A, %get3A_0, %get3A_1] : memref<1x640x64xf32, #tpu.memory_space<vmem>>, vector<1x640x64xf32>
    %get3A_3 = vector.shape_cast %get3A_2 : vector<1x640x64xf32> to vector<640x64xf32>
    %get3A_4 = arith.constant 0 : index
    %get3A_5 = arith.constant 0 : index
    %get3A_6 = arith.constant 0 : index
    %get3A_7 = vector.load %arg2[%get3A_4, %get3A_5, %get3A_6] : memref<1x640x64xf32, #tpu.memory_space<vmem>>, vector<1x640x64xf32>
    %get3A_8 = vector.shape_cast %get3A_7 : vector<1x640x64xf32> to vector<640x64xf32>
    %concatenate3A = tpu.concatenate %get3A_3, %get3A_8 in 1 : vector<640x64xf32>, vector<640x64xf32> -> vector<640x128xf32>
    %get3A_9 = arith.constant 0 : index
    %get3A_10 = arith.constant 0 : index
    %get3A_11 = arith.constant 0 : index
    %get3A_12 = vector.load %arg3[%get3A_9, %get3A_10, %get3A_11] : memref<1x1x640xi32, #tpu.memory_space<vmem>>, vector<1x1x640xi32>
    %get3A_13 = vector.shape_cast %get3A_12 : vector<1x1x640xi32> to vector<640xi32>
    %iota3A = tpu.iota {dimensions = array<i32: 0>} : vector<64x640xi32>
    %broadcast_in_dim3A = vector.shape_cast %get3A_13 : vector<640xi32> to vector<1x640xi32>
    %eq3A = vector.broadcast %broadcast_in_dim3A : vector<1x640xi32> to vector<64x640xi32>
    %eq3A_14 = arith.cmpi eq, %iota3A, %eq3A : vector<64x640xi32>
    %convert_element_type3A = arith.extui %eq3A_14 : vector<64x640xi1> to vector<64x640xi32>
    %convert_element_type3A_15 = arith.sitofp %convert_element_type3A : vector<64x640xi32> to vector<64x640xf32>
    %dot_general3A = arith.constant dense<0.000000e+00> : vector<64x128xf32>
    %dot_general3A_16 = tpu.matmul %convert_element_type3A_15, %concatenate3A, %dot_general3A {dimension_numbers = #tpu.dot_dimension_numbers<[1], [0], [0], [1], [0, 0, 1, 1], [], []>, transpose_lhs_hint = false} : vector<64x640xf32>, vector<640x128xf32>, vector<64x128xf32> -> vector<64x128xf32>
    %eq3A_17 = arith.constant 0 : i32
    %eq3A_18 = arith.cmpi eq, %arg0, %eq3A_17 : i32
    %convert_element_type3A_19 = arith.extui %eq3A_18 : i1 to i32
    %cond3A = arith.constant 0 : i32
    %cond3A_20 = arith.cmpi ne, %convert_element_type3A_19, %cond3A : i32
    scf.if %cond3A_20 {
      %swap3A = arith.constant 0 : index
      %swap3A_30 = arith.constant 0 : index
      %swap3A_31 = vector.load %arg9[%swap3A, %swap3A_30] : memref<64x128xf32, #tpu.memory_space<vmem>>, vector<64x128xf32>
      tpu.vector_store %arg9[%swap3A, %swap3A_30], %dot_general3A_16 {strides = array<i32>} : memref<64x128xf32, #tpu.memory_space<vmem>>, vector<64x128xf32>,
    } else {
    }
    %gt3A = arith.constant 0 : i32
    %gt3A_21 = arith.cmpi sgt, %arg0, %gt3A : i32
    %convert_element_type3A_22 = arith.extui %gt3A_21 : i1 to i32
    %cond3A_23 = arith.constant 0 : i32
    %cond3A_24 = arith.cmpi ne, %convert_element_type3A_22, %cond3A_23 : i32
    scf.if %cond3A_24 {
      %get3A_30 = arith.constant 0 : index
      %get3A_31 = arith.constant 0 : index
      %get3A_32 = vector.load %arg9[%get3A_30, %get3A_31] : memref<64x128xf32, #tpu.memory_space<vmem>>, vector<64x128xf32>
      %add3A = arith.addf %get3A_32, %dot_general3A_16 : vector<64x128xf32>
      %swap3A = arith.constant 0 : index
      %swap3A_33 = arith.constant 0 : index
      %swap3A_34 = vector.load %arg9[%swap3A, %swap3A_33] : memref<64x128xf32, #tpu.memory_space<vmem>>, vector<64x128xf32>
      tpu.vector_store %arg9[%swap3A, %swap3A_33], %add3A {strides = array<i32>} : memref<64x128xf32, #tpu.memory_space<vmem>>, vector<64x128xf32>,
    } else {
    }
    %eq3A_25 = arith.constant 15 : i32
    %eq3A_26 = arith.cmpi eq, %arg0, %eq3A_25 : i32
    %convert_element_type3A_27 = arith.extui %eq3A_26 : i1 to i32
    %cond3A_28 = arith.constant 0 : i32
    %cond3A_29 = arith.cmpi ne, %convert_element_type3A_27, %cond3A_28 : i32
    scf.if %cond3A_29 {
      %get3A_30 = arith.constant 0 : index
      %get3A_31 = arith.constant 0 : index
      %get3A_32 = vector.load %arg9[%get3A_30, %get3A_31] : memref<64x128xf32, #tpu.memory_space<vmem>>, vector<64x128xf32>
      %get3A_33 = arith.constant 0 : index
      %get3A_34 = arith.constant 0 : index
      %get3A_35 = vector.load %arg4[%get3A_33, %get3A_34] : memref<128x128xf32, #tpu.memory_space<vmem>>, vector<128x128xf32>
      %dot_general3A_36 = arith.constant dense<0.000000e+00> : vector<64x128xf32>
      %dot_general3A_37 = tpu.matmul %get3A_32, %get3A_35, %dot_general3A_36 {dimension_numbers = #tpu.dot_dimension_numbers<[1], [0], [0], [1], [0, 0, 1, 1], [], []>, transpose_lhs_hint = false} : vector<64x128xf32>, vector<128x128xf32>, vector<64x128xf32> -> vector<64x128xf32>
      %get3A_38 = arith.constant 0 : index
      %get3A_39 = arith.constant 0 : index
      %get3A_40 = vector.load %arg5[%get3A_38, %get3A_39] : memref<1x128xf32, #tpu.memory_space<vmem>>, vector<1x128xf32>
      %add3A = vector.broadcast %get3A_40 : vector<1x128xf32> to vector<64x128xf32>
      %add3A_41 = arith.addf %dot_general3A_37, %add3A : vector<64x128xf32>
      %max3A = arith.constant 0.000000e+00 : f32
      %max3A_42 = vector.broadcast %max3A : f32 to vector<64x128xf32>
      %max3A_43 = arith.maximumf %add3A_41, %max3A_42 : vector<64x128xf32>
      %get3A_44 = arith.constant 0 : index
      %get3A_45 = arith.constant 0 : index
      %get3A_46 = vector.load %arg6[%get3A_44, %get3A_45] : memref<128x16xf32, #tpu.memory_space<vmem>>, vector<128x16xf32>
      %dot_general3A_47 = arith.constant dense<0.000000e+00> : vector<64x16xf32>
      %dot_general3A_48 = tpu.matmul %max3A_43, %get3A_46, %dot_general3A_47 {dimension_numbers = #tpu.dot_dimension_numbers<[1], [0], [0], [1], [0, 0, 1, 1], [], []>, transpose_lhs_hint = false} : vector<64x128xf32>, vector<128x16xf32>, vector<64x16xf32> -> vector<64x16xf32>
      %get3A_49 = arith.constant 0 : index
      %get3A_50 = arith.constant 0 : index
      %get3A_51 = vector.load %arg7[%get3A_49, %get3A_50] : memref<1x16xf32, #tpu.memory_space<vmem>>, vector<1x16xf32>
      %add3A_52 = vector.broadcast %get3A_51 : vector<1x16xf32> to vector<64x16xf32>
      %add3A_53 = arith.addf %dot_general3A_48, %add3A_52 : vector<64x16xf32>
      %swap3A = arith.constant 0 : index
      %swap3A_54 = arith.constant 0 : index
      %swap3A_55 = vector.load %arg8[%swap3A, %swap3A_54] : memref<64x16xf32, #tpu.memory_space<vmem>>, vector<64x16xf32>
      tpu.vector_store %arg8[%swap3A, %swap3A_54], %add3A_53 {strides = array<i32>} : memref<64x16xf32, #tpu.memory_space<vmem>>, vector<64x16xf32>,
    } else {
    }
    return
  }
  func.func @transform_0(%arg0: i32) -> (i32, i32, i32) {
    %c0_i32 = arith.constant 0 : i32
    %c0_i32_0 = arith.constant 0 : i32
    %c0_i32_1 = arith.constant 0 : i32
    return %c0_i32, %arg0, %c0_i32_0 : i32, i32, i32
  }
  func.func @transform_1(%arg0: i32) -> (i32, i32, i32) {
    %c1_i32 = arith.constant 1 : i32
    %c0_i32 = arith.constant 0 : i32
    %c0_i32_0 = arith.constant 0 : i32
    return %c1_i32, %arg0, %c0_i32 : i32, i32, i32
  }
  func.func @transform_2(%arg0: i32) -> (i32, i32, i32) {
    %c0_i32 = arith.constant 0 : i32
    %c0_i32_0 = arith.constant 0 : i32
    %c0_i32_1 = arith.constant 0 : i32
    return %arg0, %c0_i32, %c0_i32_0 : i32, i32, i32
  }
  func.func @transform_3(%arg0: i32) -> (i32, i32) {
    %c0_i32 = arith.constant 0 : i32
    %c0_i32_0 = arith.constant 0 : i32
    %c0_i32_1 = arith.constant 0 : i32
    return %c0_i32, %c0_i32_0 : i32, i32
  }
  func.func @transform_4(%arg0: i32) -> (i32, i32) {
    %c0_i32 = arith.constant 0 : i32
    %c0_i32_0 = arith.constant 0 : i32
    %c0_i32_1 = arith.constant 0 : i32
    return %c0_i32, %c0_i32_0 : i32, i32
  }
  func.func @transform_5(%arg0: i32) -> (i32, i32) {
    %c0_i32 = arith.constant 0 : i32
    %c0_i32_0 = arith.constant 0 : i32
    %c0_i32_1 = arith.constant 0 : i32
    return %c0_i32, %c0_i32_0 : i32, i32
  }
  func.func @transform_6(%arg0: i32) -> (i32, i32) {
    %c0_i32 = arith.constant 0 : i32
    %c0_i32_0 = arith.constant 0 : i32
    %c0_i32_1 = arith.constant 0 : i32
    return %c0_i32, %c0_i32_0 : i32, i32
  }
  func.func @transform_7(%arg0: i32) -> (i32, i32) {
    %c0_i32 = arith.constant 0 : i32
    %c0_i32_0 = arith.constant 0 : i32
    %c0_i32_1 = arith.constant 0 : i32
    return %c0_i32, %c0_i32_0 : i32, i32
  }
}

</mosaic_0001>

<sc_bundles>
// kernel: kernel.10.cloned.1.call-start
scs
__scs_entry_jumppad:
0x0: {  	(pc) =	sbr.rel $0x88, $3  }
0x1: {  	(tag) =	ssettag $0x0;
	lr =	simm.s32 $0x1  }
0x2: {  	[smem:$0x3F83] =	sst lr;
	_ =	strace $0xD0000000  }
0x3: {  	_ = 	snop  }
0x4: {  	_ = 	snop  }
0x5: {  	_ = 	snop  }
0x6: {  	_ = 	snop  }
0x7: {  	_ = 	snop  }
__scs_overlays_trampoline_lowered:
0x8: {  	[smem:$0x3F92] =	sst s0  }
0x9: {  	[smem:$0x3F93] =	sst s1  }
0xa: {  	[smem:$0x3F94] =	sst s2  }
0xb: {  	[smem:$0x3F95] =	sst s3  }
0xc: {  	[smem:$0x3F96] =	sst s4  }
0xd: {  	[smem:$0x3F97] =	sst s5  }
0xe: {  	[smem:$0x3F98] =	sst s6  }
0xf: {  	[smem:$0x3F99] =	sst s7  }
0x10: {  	[smem:$0x3F9A] =	sst s8  }
0x11: {  	[smem:$0x3F9B] =	sst s9;
	s0 =	simm.s32 @!p0 $0x0  }
0x12: {  	s1 =	sld [smem:$0x3F81];
	s0 =	simm.s32 @p0 $0x1  }
0x13: {  	[smem:$0x3F9C] =	sst s0;
	s0 =	simm.s32 @!p1 $0x0  }
0x14: {  	s2 =	sld [smem:$0x3F80];
	s0 =	simm.s32 @p1 $0x1  }
0x15: {  	[smem:$0x3F9D] =	sst s0;
	s0 =	simm.s32 @!p2 $0x0  }
0x16: {  	s3 =	sld [smem:$0x3FDB];
	s0 =	simm.s32 @p2 $0x1  }
0x17: {  	s4 =	simm.s32 $0x1BF5;
	[smem:$0x3F9F] =	sst s0  }
0x18: {  	s0 =	sld [smem:$0x3F82];
	_ =	swait.ge [sflag:s4], $0x0  }
0x19: {  	s7 =	sld [smem:$0x3F83]  }
0x1a: {  	s8 =	sadd.s32 $0xFFFFE003, lr  }
0x1b: {  	s9 =	sadd.s32 $0xFFFFFEF7, lr;
	s5 =	simm.s32 $0xFFFFFFFF;
	p2 =	slt.u32 s8, $0xFFFFF086  }
0x1c: {  	p1 =	slt.u32 s9, $0xF7A;
	s5 =	simm.s32 @!p2 $0x0  }
0x1d: {  	s5 =	simm.s32 @p1 $0x1;
	p0 =	seq.s32 s7, s2  }
0x1e: {  	s7 =	smul.u32 @!p0 $0xF7A, s2;
	p2 =	seq.s32 @!p0 s5, $0x0  }
0x1f: {  	s9 =	smul.u32 $0xF7A, s1;
	s8 =	simm.s32 @!p0 $0x1BF5;
	p2 =	por !p2, p0  }
0x20: {  	[sflag:s8] =	ssyncset.s32 @!p0 $0xFFFFF086;
	s6 =	sadd.s32 @!p0 s3, s7;
	s7 =	simm.s32 @!p0 $0x108  }
0x21: {  	s3 =	sadd.s32 s3, s9;
	s6 =	sadd.s32 @!p0 $0x88, s6;
	s7 =	simm.s32 @p2 $0x1082  }
0x22: {  	[simem:s7], [sflag:s8] =	dma.local @!p0 [hbm:s6], $0xF7A  }
0x23: {  	s9 =	sor.u32 $0xD0000000, s2;
	s6 =	simm.s32 $0x108;
	_ =	swait.ge @!p0 [sflag:s8], $0x0  }
0x24: {  	s3 =	sadd.s32 $0x88, s3;
	s6 =	simm.s32 @!p1 $0x1082;
	[sflag:s4] =	ssyncset.s32 $0xFFFFF086  }
0x25: {  	[simem:s6], [sflag:s4] =	dma.local [hbm:s3], $0xF7A  }
0x26: {  	[smem:$0x3F83] =	sst s1;
	(tag) =	ssettag s2;
	_ =	strace s9  }
0x27: {  	s1 =	sld [smem:$0x3F93]  }
0x28: {  	s2 =	sld [smem:$0x3F94]  }
0x29: {  	s4 =	sld [smem:$0x3F96]  }
0x2a: {  	p0 =	seq.s32 s5, $0x0;
	s5 =	sld [smem:$0x3F97]  }
0x2b: {  	s6 =	sld [smem:$0x3F98]  }
0x2c: {  	s7 =	sld [smem:$0x3F99]  }
0x2d: {  	s3 =	simm.s32 $0x108;
	s8 =	sld [smem:$0x3F9A]  }
0x2e: {  	s3 =	simm.s32 @!p0 $0x1082;
	s9 =	sld [smem:$0x3F9B]  }
0x2f: {  	lr =	sadd.s32 s0, s3;
	s0 =	sld [smem:$0x3F92]  }
0x30: {  	s3 =	sld [smem:$0x3F95]  }
0x31: {  	[smem:$0x3F9E] =	sst s10  }
0x32: {  	s10 =	sld [smem:$0x3F9C];
	_ =	sdelay $0x3  }
0x33: {  	p0 =	seq.s32 s10, $0x1;
	s10 =	sld [smem:$0x3F9E];
	_ =	sdelay $0x3  }
0x34: {  	[smem:$0x3F9E] =	sst s10  }
0x35: {  	s10 =	sld [smem:$0x3F9D];
	_ =	sdelay $0x3  }
0x36: {  	p1 =	seq.s32 s10, $0x1;
	s10 =	sld [smem:$0x3F9E];
	_ =	sdelay $0x3  }
0x37: {  	[smem:$0x3F9E] =	sst s10  }
0x38: {  	s10 =	sld [smem:$0x3F9F]  }
0x39: {  	_ = 	snop;
	(pc) =	sbr.ind lr, $3  }
0x3a: {  	_ = 	snop  }
0x3b: {  	_ = 	snop  }
0x3c: {  	p2 =	seq.s32 s10, $0x1;
	s10 =	sld [smem:$0x3F9E]  }
0x3d: {  	_ =	shalt  }
0x3e: {  	_ =	shalt  }
0x3f: {  	_ =	shalt  }
0x40: {  	_ =	shalt  }
0x41: {  	_ =	shalt  }
0x42: {  	_ =	shalt  }
0x43: {  	_ =	shalt  }
0x44: {  	_ =	shalt  }
0x45: {  	_ =	shalt  }
0x46: {  	_ =	shalt  }
0x47: {  	_ =	shalt  }
0x48: {  	_ =	shalt  }
0x49: {  	_ =	shalt  }
0x4a: {  	_ =	shalt  }
0x4b: {  	_ =	shalt  }
0x4c: {  	_ =	shalt  }
0x4d: {  	_ =	shalt  }
0x4e: {  	_ =	shalt  }
0x4f: {  	_ =	shalt  }
0x50: {  	_ =	shalt  }
0x51: {  	_ =	shalt  }
0x52: {  	_ =	shalt  }
0x53: {  	_ =	shalt  }
0x54: {  	_ =	shalt  }
0x55: {  	_ =	shalt  }
0x56: {  	_ =	shalt  }
0x57: {  	_ =	shalt  }
0x58: {  	_ =	shalt  }
0x59: {  	_ =	shalt  }
0x5a: {  	_ =	shalt  }
0x5b: {  	_ =	shalt  }
0x5c: {  	_ =	shalt  }
0x5d: {  	_ =	shalt  }
0x5e: {  	_ =	shalt  }
0x5f: {  	_ =	shalt  }
0x60: {  	_ =	shalt  }
0x61: {  	_ =	shalt  }
0x62: {  	_ =	shalt  }
0x63: {  	_ =	shalt  }
0x64: {  	_ =	shalt  }
0x65: {  	_ =	shalt  }
0x66: {  	_ =	shalt  }
0x67: {  	_ =	shalt  }
0x68: {  	_ =	shalt  }
0x69: {  	_ =	shalt  }
0x6a: {  	_ =	shalt  }
0x6b: {  	_ =	shalt  }
0x6c: {  	_ =	shalt  }
0x6d: {  	_ =	shalt  }
0x6e: {  	_ =	shalt  }
0x6f: {  	_ =	shalt  }
0x70: {  	_ =	shalt  }
0x71: {  	_ =	shalt  }
0x72: {  	_ =	shalt  }
0x73: {  	_ =	shalt  }
0x74: {  	_ =	shalt  }
0x75: {  	_ =	shalt  }
0x76: {  	_ =	shalt  }
0x77: {  	_ =	shalt  }
0x78: {  	_ =	shalt  }
0x79: {  	_ =	shalt  }
0x7a: {  	_ =	shalt  }
0x7b: {  	_ =	shalt  }
0x7c: {  	_ =	shalt  }
0x7d: {  	_ =	shalt  }
0x7e: {  	_ =	shalt  }
0x7f: {  	_ =	shalt  }
0x80: {  	_ =	shalt  }
0x81: {  	_ =	shalt  }
0x82: {  	_ =	shalt  }
0x83: {  	_ =	shalt  }
0x84: {  	_ =	shalt  }
0x85: {  	_ =	shalt  }
0x86: {  	_ =	shalt  }
0x87: {  	_ =	shalt  }
.Lfunc_end0:
.L_simem_size_0:
called_computation_lowered:
.L_overlay_start_0:
0x88: {  	s2 =	sld [smem:$0x3FD9]  }
0x89: {  	s3 =	sld [smem:$0x3FFE];
	_ =	sdelay $0x1  }
0x8a: {  	s1 =	srdreg.scid  }
0x8b: {  	s0 =	sand.u32 $0x1, s1  }
0x8c: {  	s16 =	sshll.u32 s0, $0xA;
	s2 =	sadd.s32 s3, s2  }
0x8d: {  	s2 =	sadd.s32 s2, s16  }
0x8e: {  	[smem:$0x3FAA] =	sst s2  }
0x8f: {  	_ = 	snop  }
0x90: {  	(tm) =	ssettm $0x1  }
0x91: {  	s17 =	sld [smem:$0x3FFB];
	_ =	sdelay $0x3  }
0x92: {  	_ =	strace s17  }
0x93: {  	s2 =	sld [smem:$0x3FFC];
	_ =	sdelay $0x3  }
0x94: {  	_ =	strace s2  }
0x95: {  	s2 =	sld [smem:$0x3FFD];
	_ =	sdelay $0x3  }
0x96: {  	_ =	strace s2  }
0x97: {  	_ =	strace $0x8FFFFFFF  }
0x98: {  	s18 =	sld [smem:$0x3FDB];
	_ =	sdelay $0x1  }
0x99: {  	s19 =	simm.s32 $_scs_section_size  }
0x9a: {  	s4 =	simm.s32 $_size__tile_overlayer_lowered;
	s5 =	simm.s32 $_tile_overlayer_lowered  }
0x9b: {  	s22 =	simm.s32 $0x1BFF;
	s21 =	sshll.u32 s5, $0x1;
	s2 =	sadd.s32 s19, s18  }
0x9c: {  	s6 =	simm.s32 $0x0;
	s20 =	sshll.u32 s4, $0x1;
	s4 =	sadd.s32 s21, s2  }
0x9d: {  	[timem:s6], [sflag:s22] =	dma.local [hbm:s4], s20  }
0x9e: {  	_ =	swait.ge [sflag:s22], s20  }
0x9f: {  	s3 =	ssub.s32 $0x0, s20;
	[sflag:s22] =	ssyncset.done $0x0  }
0xa0: {  	[sflag:s22] =	ssyncadd.s32 s3;
	_ =	sdelay $0x1  }
0xa1: {  	s23 =	simm.s32 $0x1B8B  }
0xa2: {  	_ =	swait.ge [sflag:s23], $0x1  }
0xa3: {  	[sflag:s23] =	ssyncset.done $0x0  }
0xa4: {  	s25 =	simm.s32 $0x1B8E;
	s24 =	sld [smem:$0x3FFE];
	[sflag:s23] =	ssyncadd.s32 $0xFFFFFFFF  }
0xa5: {  	s26 =	simm.s32 $execute0_lowered;
	[smem:$0x3FD2] =	sst s25  }
0xa6: {  	s4 =	sshll.u32 s26, $0x1;
	_ =	strace $0x80000046;
	[dreg:$0x1] =	wrdreg $0xFFFFFFFF  }
0xa7: {  	s28 =	simm.s32 $_size_execute0_lowered;
	s2 =	sadd.s32 s2, s4;
	[dreg:$0x0] =	wrdreg $0x0  }
0xa8: {  	s4 =	sshll.u32 s28, $0x1;
	[dreg:$0x2] =	wrdreg s2  }
0xa9: {  	[dreg:$0x3] =	wrdreg s4  }
0xaa: {  	[dreg:$0x4] =	wrdreg $0xC0  }
0xab: {  	_ =	task [dreg:s6], $0x5FFFF  }
0xac: {  	[dreg:$0x1] =	wrdreg $0xFFFFFFFF  }
0xad: {  	[dreg:$0x0] =	wrdreg $0x60  }
0xae: {  	[dreg:$0x2] =	wrdreg s24  }
0xaf: {  	[dreg:$0x3] =	wrdreg $0xA0000  }
0xb0: {  	[dreg:$0x4] =	wrdreg $0x0  }
0xb1: {  	[dreg:$0x5] =	wrdreg $0x9  }
0xb2: {  	_ =	task.clear_ibuf [dreg:s6], $0x6FFFF;
	_ =	strace $0x90000046  }
0xb3: {  	s29 =	simm.s32 $0x9;
	_ =	strace $0x80000048  }
0xb4: {  	_ =	swait.ge [sflag:s29], $0x1  }
0xb5: {  	[sflag:s29] =	ssyncadd.s32 $0xFFFFFFFF  }
0xb6: {  	_ =	strace $0x90000048  }
0xb7: {  	_ =	sfence  }
0xb8: {  	s30 =	sld [smem:$0x0];
	_ =	sdelay $0x2  }
0xb9: {  	s31 =	sshll.u32 s1, $0xD;
	s1 =	sshrl.u32 s1, $0x2  }
0xba: {  	s3 =	sand.u32 $0x4000, s31;
	s1 =	sadd.s32 s1, s30  }
0xbb: {  	s0 =	sor.u32 s3, s0;
	s1 =	sshll.u32 s1, $0x11  }
0xbc: {  	s0 =	sor.u32 s1, s0  }
0xbd: {  	s0 =	sadd.s32 $0x8F2B, s0  }
0xbe: {  	[sflag:s0] =	ssyncadd.remote.s32 $0x1  }
0xbf: {  	_ =	sfence.sel $0xFFFF  }
0xc0: {  	[dreg:$0x0] =	wrdreg $0xFFFFFFFF;
	(pc) =	sbr.abs _section_cstart, $3  }
0xc1: {  	[dreg:$0x1] =	wrdreg $0xFFFFFFFF  }
0xc2: {  	_ =	task.clear_ibuf [dreg:s6], $0x2FFFF;
	_ =	strace $0x9FFFFFFF  }
0xc3: {  	(tm) =	ssettm $0x7FFFFFFF  }
tec
execute0_lowered:
.L_overlay_start_1:
0x0: {  	(tag) =	ssettag $0x1  }
0x1: {  	s0 =	rddreg [dreg:$0x0]  }
0x2: {  	s2 =	rddreg [dreg:$0x1]  }
0x3: {  	s3 =	rddreg [dreg:$0x2]  }
0x4: {  	s10 =	stileid.u32;
	s4 =	simm.s32 $0x0;
	s1 =	srdreg.scid  }
0x5: {  	s28 =	simm.s32 $0x80;
	s29 =	simm.s32 $0x19100;
	s5 =	smul.u32 $0x50, s10  }
0x6: {  	s30 =	simm.s32 $0x1;
	s31 =	simm.s32 $0x4;
	s6 =	smul.u32 $0xA40, s10  }
0x7: {  	[smem:$0x7FF] =	sst s4;
	s1 =	sand.u32 $0x1, s1;
	s8 =	smul.u32 $0xA00, s10  }
0x8: {  	s13 =	smul.u32 $0xA000, s10;
	_ =	strace $0x80000047;
	s7 =	sshll.u32 s1, $0xC  }
0x9: {  	s9 =	smul.u32 $0x14000, s1;
	s1 =	ssub.s32 $0x2, s1;
	s7 =	sadd.s32 s7, s0  }
0xa: {  	s5 =	sadd.s32 s5, s0;
	s6 =	sadd.s32 s6, s0;
	s11 =	sadd.s32 s8, s0  }
0xb: {  	s12 =	sshrl.u32 s1, $0x1;
	s16 =	sadd.s32 s13, s2;
	s10 =	sadd.s32 s13, s3  }
0xc: {  	s17 =	sadd.s32 $0x2000, s13;
	s18 =	sadd.s32 $0x4000, s13;
	s21 =	sadd.s32 $0x6000, s13  }
0xd: {  	s22 =	sadd.s32 $0x8000, s13;
	s14 =	sadd.s32 $0x3E00, s6;
	[dreg:$0x7] =	wrdreg s16  }
0xe: {  	s26 =	sshrl.u32 s13, $0x3;
	s15 =	sadd.s32 $0xE200, s11;
	[dreg:$0x4] =	wrdreg s14  }
0xf: {  	s13 =	simm.s32 $0x3;
	s5 =	sadd.s32 $0x1A200, s5;
	[dreg:$0x5] =	wrdreg s15  }
0x10: {  	s1 =	ssub.s32 s1, s12;
	s12 =	sadd.s32 s17, s2;
	[dreg:$0x6] =	wrdreg s5  }
0x11: {  	s0 =	sadd.s32 s9, s0;
	s19 =	sadd.s32 s18, s2;
	[dreg:$0x8] =	wrdreg s12  }
0x12: {  	s8 =	sadd.s32 $0x18200, s7;
	s20 =	sadd.s32 s18, s3;
	[dreg:$0xa] =	wrdreg s19  }
0x13: {  	s23 =	sadd.s32 s21, s2;
	s24 =	sadd.s32 s22, s2;
	[dreg:$0xb] =	wrdreg s20  }
0x14: {  	s25 =	sadd.s32 s22, s3;
	s22 =	simm.s32 $0x14000;
	[dreg:$0xc] =	wrdreg s23  }
0x15: {  	s7 =	simm.s32 $0x1D100;
	s9 =	simm.s32 $0x2;
	[dreg:$0xe] =	wrdreg s24  }
0x16: {  	s5 =	sadd.s32 s17, s3;
	[dreg:$0xf] =	wrdreg s25;
	s19 =	sadd.s32 $0x4320, s6  }
0x17: {  	s20 =	sadd.s32 $0xE700, s11;
	s0 =	sadd.s32 $0x1A800, s0;
	s23 =	simm.s32 $0x16900  }
0x18: {  	s25 =	simm.s32 $0x1F100;
	s6 =	simm.s32 $0x14100;
	s11 =	simm.s32 $0x16980  }
0x19: {  	s12 =	simm.s32 $0x14180;
	s14 =	simm.s32 $0x6;
	s15 =	simm.s32 $0x0  }
0x1a: {  	[dreg:$0x9] =	wrdreg s5;
	s5 =	sadd.s32 s21, s3;
	s21 =	smax.u32 s1, $0x1  }
0x1b: {  	s24 =	sadd.s32 s26, s0;
	s26 =	simm.s32 $0x7;
	s0 =	simm.s32 $0x5  }
0x1c: {  	s1 =	simm.s32 $0x14080;
	[dreg:$0xd] =	wrdreg s5;
	s5 =	simm.s32 $0x1B100  }
.LBB2_1:
0x1d: {  	s16 =	rddreg [dreg:$0x4]  }
0x1e: {  	[tilespmem:s22], [sflag:$0x4] =	stream.linear.gather [hbm4b:s16+s4], $0x2900, $0x38;
	[tilespmem:$0x1F380] =	vst v63  }
0x1f: {  	s17 =	rddreg [dreg:$0x5]  }
0x20: {  	[tilespmem:s23], [sflag:$0x5] =	stream.linear.gather [hbm4b:s17+s4], $0x2800, $0x38;
	[tilespmem:$0x1F380] =	vst v63  }
0x21: {  	s18 =	rddreg [dreg:$0x6]  }
0x22: {  	[tilespmem:s25], [sflag:$0x7] =	stream.linear.gather [hbm4b:s18+s4], $0x280, $0x38;
	[tilespmem:$0x1F380] =	vst v63  }
0x23: {  	_ =	swait.ge [sflag:s26], $0x280  }
0x24: {  	[sflag:s26] =	ssyncset.done $0x0  }
0x25: {  	[sflag:s26] =	ssyncadd.s32 $0xFFFFFD80  }
0x26: {  	[tilespmem:s29], [sflag:$0x1] =	stream.indirect.gather [hbm4b:s8+s28], $0x40, s25, s28, $0xb8;
	[tilespmem:$0x1F380] =	vst v63  }
0x27: {  	_ =	swait.ge [sflag:s30], $0x2000  }
0x28: {  	[sflag:s30] =	ssyncset.done $0x0  }
0x29: {  	s17 =	rddreg [dreg:$0x7];
	[sflag:s30] =	ssyncadd.s32 $0xFFFFE000  }
0x2a: {  	[spmem:s17] =	stream.linear.scatter [tilespmem:s29], [sflag:$0x7], $0x2000, $0x38;
	[tilespmem:$0x1F380] =	vst v63  }
0x2b: {  	_ =	swait.ge [sflag:s26], $0x2000  }
0x2c: {  	[sflag:s26] =	ssyncset.done $0x0  }
0x2d: {  	[sflag:s26] =	ssyncadd.s32 $0xFFFFE000  }
0x2e: {  	[spmem:s10] =	stream.linear.scatter [tilespmem:s29], [sflag:$0x7], $0x2000, $0x38;
	[tilespmem:$0x1F380] =	vst v63  }
0x2f: {  	_ =	swait.ge [sflag:s26], $0x2000  }
0x30: {  	[sflag:s26] =	ssyncset.done $0x0  }
0x31: {  	s18 =	simm.s32 $0x1F180;
	[sflag:s26] =	ssyncadd.s32 $0xFFFFE000  }
0x32: {  	[tilespmem:s29], [sflag:$0x1] =	stream.indirect.gather [hbm4b:s8+s28], $0x40, s18, s28, $0xb8;
	[tilespmem:$0x1F380] =	vst v63  }
0x33: {  	_ =	swait.ge [sflag:s30], $0x2000  }
0x34: {  	[sflag:s30] =	ssyncset.done $0x0  }
0x35: {  	s17 =	rddreg [dreg:$0x8];
	[sflag:s30] =	ssyncadd.s32 $0xFFFFE000  }
0x36: {  	[spmem:s17] =	stream.linear.scatter [tilespmem:s29], [sflag:$0x7], $0x2000, $0x38;
	[tilespmem:$0x1F380] =	vst v63  }
0x37: {  	_ =	swait.ge [sflag:s26], $0x2000  }
0x38: {  	[sflag:s26] =	ssyncset.done $0x0  }
0x39: {  	s18 =	rddreg [dreg:$0x9];
	[sflag:s26] =	ssyncadd.s32 $0xFFFFE000  }
0x3a: {  	[spmem:s18] =	stream.linear.scatter [tilespmem:s29], [sflag:$0x7], $0x2000, $0x38;
	[tilespmem:$0x1F380] =	vst v63  }
0x3b: {  	_ =	swait.ge [sflag:s26], $0x2000  }
0x3c: {  	[sflag:s26] =	ssyncset.done $0x0  }
0x3d: {  	s17 =	simm.s32 $0x1F200;
	[sflag:s26] =	ssyncadd.s32 $0xFFFFE000  }
0x3e: {  	[tilespmem:s29], [sflag:$0x1] =	stream.indirect.gather [hbm4b:s8+s28], $0x40, s17, s28, $0xb8;
	[tilespmem:$0x1F380] =	vst v63  }
0x3f: {  	_ =	swait.ge [sflag:s30], $0x2000  }
0x40: {  	[sflag:s30] =	ssyncset.done $0x0  }
0x41: {  	s18 =	rddreg [dreg:$0xa];
	[sflag:s30] =	ssyncadd.s32 $0xFFFFE000  }
0x42: {  	[spmem:s18] =	stream.linear.scatter [tilespmem:s29], [sflag:$0x7], $0x2000, $0x38;
	[tilespmem:$0x1F380] =	vst v63  }
0x43: {  	_ =	swait.ge [sflag:s26], $0x2000  }
0x44: {  	[sflag:s26] =	ssyncset.done $0x0  }
0x45: {  	s17 =	rddreg [dreg:$0xb];
	[sflag:s26] =	ssyncadd.s32 $0xFFFFE000  }
0x46: {  	[spmem:s17] =	stream.linear.scatter [tilespmem:s29], [sflag:$0x7], $0x2000, $0x38;
	[tilespmem:$0x1F380] =	vst v63  }
0x47: {  	_ =	swait.ge [sflag:s26], $0x2000  }
0x48: {  	[sflag:s26] =	ssyncset.done $0x0  }
0x49: {  	s18 =	simm.s32 $0x1F280;
	[sflag:s26] =	ssyncadd.s32 $0xFFFFE000  }
0x4a: {  	[tilespmem:s29], [sflag:$0x1] =	stream.indirect.gather [hbm4b:s8+s28], $0x40, s18, s28, $0xb8;
	[tilespmem:$0x1F380] =	vst v63  }
0x4b: {  	_ =	swait.ge [sflag:s30], $0x2000  }
0x4c: {  	[sflag:s30] =	ssyncset.done $0x0  }
0x4d: {  	s17 =	rddreg [dreg:$0xc];
	[sflag:s30] =	ssyncadd.s32 $0xFFFFE000  }
0x4e: {  	[spmem:s17] =	stream.linear.scatter [tilespmem:s29], [sflag:$0x7], $0x2000, $0x38;
	[tilespmem:$0x1F380] =	vst v63  }
0x4f: {  	_ =	swait.ge [sflag:s26], $0x2000  }
0x50: {  	[sflag:s26] =	ssyncset.done $0x0  }
0x51: {  	s18 =	rddreg [dreg:$0xd];
	[sflag:s26] =	ssyncadd.s32 $0xFFFFE000  }
0x52: {  	[spmem:s18] =	stream.linear.scatter [tilespmem:s29], [sflag:$0x7], $0x2000, $0x38;
	[tilespmem:$0x1F380] =	vst v63  }
0x53: {  	_ =	swait.ge [sflag:s26], $0x2000  }
0x54: {  	[sflag:s26] =	ssyncset.done $0x0  }
0x55: {  	s17 =	simm.s32 $0x1F300;
	[sflag:s26] =	ssyncadd.s32 $0xFFFFE000  }
0x56: {  	[tilespmem:s29], [sflag:$0x1] =	stream.indirect.gather [hbm4b:s8+s28], $0x40, s17, s28, $0xb8;
	[tilespmem:$0x1F380] =	vst v63  }
0x57: {  	_ =	swait.ge [sflag:s30], $0x2000  }
0x58: {  	[sflag:s30] =	ssyncset.done $0x0  }
0x59: {  	s18 =	rddreg [dreg:$0xe];
	[sflag:s30] =	ssyncadd.s32 $0xFFFFE000  }
0x5a: {  	[spmem:s18] =	stream.linear.scatter [tilespmem:s29], [sflag:$0x7], $0x2000, $0x38;
	[tilespmem:$0x1F380] =	vst v63  }
0x5b: {  	_ =	swait.ge [sflag:s26], $0x2000  }
0x5c: {  	[sflag:s26] =	ssyncset.done $0x0  }
0x5d: {  	s17 =	rddreg [dreg:$0xf];
	[sflag:s26] =	ssyncadd.s32 $0xFFFFE000  }
0x5e: {  	[spmem:s17] =	stream.linear.scatter [tilespmem:s29], [sflag:$0x7], $0x2000, $0x38;
	[tilespmem:$0x1F380] =	vst v63  }
0x5f: {  	_ =	swait.ge [sflag:s26], $0x2000  }
0x60: {  	[sflag:s26] =	ssyncset.done $0x0  }
0x61: {  	[sflag:s26] =	ssyncadd.s32 $0xFFFFE000  }
0x62: {  	[bflag:$0x0] =	sbarrier.arrive $0xFFFF  }
0x63: {  	_ =	swait.ge [sflag:s31], $0x2900  }
0x64: {  	[sflag:s31] =	ssyncset.done $0x0  }
0x65: {  	[sflag:s31] =	ssyncadd.s32 $0xFFFFD700  }
0x66: {  	_ =	swait.ge [sflag:s0], $0x2800  }
0x67: {  	[sflag:s0] =	ssyncset.done $0x0  }
0x68: {  	[sflag:s0] =	ssyncadd.s32 $0xFFFFD800  }
0x69: {  	[tilespmem:s29], [sflag:$0x1] =	stream.indirect.gather [spmem:s2], $0x40, s22, s28, $0xb8;
	[tilespmem:$0x1F380] =	vst v63  }
0x6a: {  	_ = 	snop  }
0x6b: {  	[tilespmem:s5], [sflag:$0x2] =	stream.indirect.gather [spmem:s2], $0x40, s1, s28, $0xb8;
	[tilespmem:$0x1F380] =	vst v63  }
0x6c: {  	_ =	swait.ge [sflag:s30], $0x2000  }
0x6d: {  	[sflag:s30] =	ssyncset.done $0x0  }
0x6e: {  	[sflag:s30] =	ssyncadd.s32 $0xFFFFE000  }
0x6f: {  	[spmem:s3] =	stream.indirect.scatter.add.f32 [tilespmem:s29], [sflag:$0x4], $0x40, s23, s28, $0xb8;
	[tilespmem:$0x1F380] =	vst v63  }
0x70: {  	_ = 	snop  }
0x71: {  	[tilespmem:s7], [sflag:$0x3] =	stream.indirect.gather [spmem:s2], $0x40, s6, s28, $0xb8;
	[tilespmem:$0x1F380] =	vst v63  }
0x72: {  	_ =	swait.ge [sflag:s9], $0x2000  }
0x73: {  	[sflag:s9] =	ssyncset.done $0x0  }
0x74: {  	[sflag:s9] =	ssyncadd.s32 $0xFFFFE000  }
0x75: {  	[spmem:s3] =	stream.indirect.scatter.add.f32 [tilespmem:s5], [sflag:$0x5], $0x40, s11, s28, $0xb8;
	[tilespmem:$0x1F380] =	vst v63  }
0x76: {  	_ =	swait.ge [sflag:s31], $0x2000  }
0x77: {  	[sflag:s31] =	ssyncset.done $0x0  }
0x78: {  	[sflag:s31] =	ssyncadd.s32 $0xFFFFE000  }
0x79: {  	[tilespmem:s29], [sflag:$0x1] =	stream.indirect.gather [spmem:s2], $0x40, s12, s28, $0xb8;
	[tilespmem:$0x1F380] =	vst v63  }
0x7a: {  	_ =	swait.ge [sflag:s13], $0x2000  }
0x7b: {  	[sflag:s13] =	ssyncset.done $0x0  }
0x7c: {  	s18 =	simm.s32 $0x16A00;
	[sflag:s13] =	ssyncadd.s32 $0xFFFFE000  }
0x7d: {  	[spmem:s3] =	stream.indirect.scatter.add.f32 [tilespmem:s7], [sflag:$0x6], $0x40, s18, s28, $0xb8;
	[tilespmem:$0x1F380] =	vst v63  }
0x7e: {  	_ =	swait.ge [sflag:s0], $0x2000  }
0x7f: {  	[sflag:s0] =	ssyncset.done $0x0  }
0x80: {  	s17 =	simm.s32 $0x14200;
	[sflag:s0] =	ssyncadd.s32 $0xFFFFE000  }
0x81: {  	[tilespmem:s5], [sflag:$0x2] =	stream.indirect.gather [spmem:s2], $0x40, s17, s28, $0xb8;
	[tilespmem:$0x1F380] =	vst v63  }
0x82: {  	_ =	swait.ge [sflag:s30], $0x2000  }
0x83: {  	[sflag:s30] =	ssyncset.done $0x0  }
0x84: {  	s18 =	simm.s32 $0x16A80;
	[sflag:s30] =	ssyncadd.s32 $0xFFFFE000  }
0x85: {  	[spmem:s3] =	stream.indirect.scatter.add.f32 [tilespmem:s29], [sflag:$0x4], $0x40, s18, s28, $0xb8;
	[tilespmem:$0x1F380] =	vst v63  }
0x86: {  	_ =	swait.ge [sflag:s14], $0x2000  }
0x87: {  	[sflag:s14] =	ssyncset.done $0x0  }
0x88: {  	s17 =	simm.s32 $0x14280;
	[sflag:s14] =	ssyncadd.s32 $0xFFFFE000  }
0x89: {  	[tilespmem:s7], [sflag:$0x3] =	stream.indirect.gather [spmem:s2], $0x40, s17, s28, $0xb8;
	[tilespmem:$0x1F380] =	vst v63  }
0x8a: {  	_ =	swait.ge [sflag:s9], $0x2000  }
0x8b: {  	[sflag:s9] =	ssyncset.done $0x0  }
0x8c: {  	s18 =	simm.s32 $0x16B00;
	[sflag:s9] =	ssyncadd.s32 $0xFFFFE000  }
0x8d: {  	[spmem:s3] =	stream.indirect.scatter.add.f32 [tilespmem:s5], [sflag:$0x5], $0x40, s18, s28, $0xb8;
	[tilespmem:$0x1F380] =	vst v63  }
0x8e: {  	_ =	swait.ge [sflag:s31], $0x2000  }
0x8f: {  	[sflag:s31] =	ssyncset.done $0x0  }
0x90: {  	s17 =	simm.s32 $0x14300;
	[sflag:s31] =	ssyncadd.s32 $0xFFFFE000  }
0x91: {  	[tilespmem:s29], [sflag:$0x1] =	stream.indirect.gather [spmem:s2], $0x40, s17, s28, $0xb8;
	[tilespmem:$0x1F380] =	vst v63  }
0x92: {  	_ =	swait.ge [sflag:s13], $0x2000  }
0x93: {  	[sflag:s13] =	ssyncset.done $0x0  }
0x94: {  	s18 =	simm.s32 $0x16B80;
	[sflag:s13] =	ssyncadd.s32 $0xFFFFE000  }
0x95: {  	[spmem:s3] =	stream.indirect.scatter.add.f32 [tilespmem:s7], [sflag:$0x6], $0x40, s18, s28, $0xb8;
	[tilespmem:$0x1F380] =	vst v63  }
0x96: {  	_ =	swait.ge [sflag:s0], $0x2000  }
0x97: {  	[sflag:s0] =	ssyncset.done $0x0  }
0x98: {  	s17 =	simm.s32 $0x14380;
	[sflag:s0] =	ssyncadd.s32 $0xFFFFE000  }
0x99: {  	[tilespmem:s5], [sflag:$0x2] =	stream.indirect.gather [spmem:s2], $0x40, s17, s28, $0xb8;
	[tilespmem:$0x1F380] =	vst v63  }
0x9a: {  	_ =	swait.ge [sflag:s30], $0x2000  }
0x9b: {  	[sflag:s30] =	ssyncset.done $0x0  }
0x9c: {  	s18 =	simm.s32 $0x16C00;
	[sflag:s30] =	ssyncadd.s32 $0xFFFFE000  }
0x9d: {  	[spmem:s3] =	stream.indirect.scatter.add.f32 [tilespmem:s29], [sflag:$0x4], $0x40, s18, s28, $0xb8;
	[tilespmem:$0x1F380] =	vst v63  }
0x9e: {  	_ =	swait.ge [sflag:s14], $0x2000  }
0x9f: {  	[sflag:s14] =	ssyncset.done $0x0  }
0xa0: {  	s17 =	simm.s32 $0x14400;
	[sflag:s14] =	ssyncadd.s32 $0xFFFFE000  }
0xa1: {  	[tilespmem:s7], [sflag:$0x3] =	stream.indirect.gather [spmem:s2], $0x40, s17, s28, $0xb8;
	[tilespmem:$0x1F380] =	vst v63  }
0xa2: {  	_ =	swait.ge [sflag:s9], $0x2000  }
0xa3: {  	[sflag:s9] =	ssyncset.done $0x0  }
0xa4: {  	s18 =	simm.s32 $0x16C80;
	[sflag:s9] =	ssyncadd.s32 $0xFFFFE000  }
0xa5: {  	[spmem:s3] =	stream.indirect.scatter.add.f32 [tilespmem:s5], [sflag:$0x5], $0x40, s18, s28, $0xb8;
	[tilespmem:$0x1F380] =	vst v63  }
0xa6: {  	_ =	swait.ge [sflag:s31], $0x2000  }
0xa7: {  	[sflag:s31] =	ssyncset.done $0x0  }
0xa8: {  	s16 =	simm.s32 $0xC00;
	s17 =	simm.s32 $0x14480;
	[sflag:s31] =	ssyncadd.s32 $0xFFFFE000  }
.LBB2_2:
0xa9: {  	[tilespmem:s29], [sflag:$0x1] =	stream.indirect.gather [spmem:s2], $0x40, s17, s28, $0xb8;
	[tilespmem:$0x1F380] =	vst v63  }
0xaa: {  	s17 =	smov.u32 s16  }
0xab: {  	p0 =	sne.s32 s16, $0x9000;
	s16 =	sadd.s32 $0xC00, s16;
	_ =	swait.ge [sflag:s13], $0x2000  }
0xac: {  	s17 =	sshra.s32 s17, $0x2;
	[sflag:s13] =	ssyncset.done $0x0  }
0xad: {  	s18 =	sadd.s32 $0x16A00, s17;
	[sflag:s13] =	ssyncadd.s32 $0xFFFFE000  }
0xae: {  	[spmem:s3] =	stream.indirect.scatter.add.f32 [tilespmem:s7], [sflag:$0x6], $0x40, s18, s28, $0xb8;
	[tilespmem:$0x1F380] =	vst v63  }
0xaf: {  	_ =	swait.ge [sflag:s0], $0x2000  }
0xb0: {  	[sflag:s0] =	ssyncset.done $0x0  }
0xb1: {  	s18 =	sadd.s32 $0x14200, s17;
	[sflag:s0] =	ssyncadd.s32 $0xFFFFE000  }
0xb2: {  	[tilespmem:s5], [sflag:$0x2] =	stream.indirect.gather [spmem:s2], $0x40, s18, s28, $0xb8;
	[tilespmem:$0x1F380] =	vst v63  }
0xb3: {  	_ =	swait.ge [sflag:s30], $0x2000  }
0xb4: {  	[sflag:s30] =	ssyncset.done $0x0  }
0xb5: {  	s18 =	sadd.s32 $0x16A80, s17;
	[sflag:s30] =	ssyncadd.s32 $0xFFFFE000  }
0xb6: {  	[spmem:s3] =	stream.indirect.scatter.add.f32 [tilespmem:s29], [sflag:$0x4], $0x40, s18, s28, $0xb8;
	[tilespmem:$0x1F380] =	vst v63  }
0xb7: {  	_ =	swait.ge [sflag:s14], $0x2000  }
0xb8: {  	[sflag:s14] =	ssyncset.done $0x0  }
0xb9: {  	s18 =	sadd.s32 $0x14280, s17;
	[sflag:s14] =	ssyncadd.s32 $0xFFFFE000  }
0xba: {  	[tilespmem:s7], [sflag:$0x3] =	stream.indirect.gather [spmem:s2], $0x40, s18, s28, $0xb8;
	[tilespmem:$0x1F380] =	vst v63  }
0xbb: {  	_ =	swait.ge [sflag:s9], $0x2000  }
0xbc: {  	[sflag:s9] =	ssyncset.done $0x0  }
0xbd: {  	s18 =	sadd.s32 $0x16B00, s17;
	[sflag:s9] =	ssyncadd.s32 $0xFFFFE000  }
0xbe: {  	[spmem:s3] =	stream.indirect.scatter.add.f32 [tilespmem:s5], [sflag:$0x5], $0x40, s18, s28, $0xb8;
	[tilespmem:$0x1F380] =	vst v63  }
0xbf: {  	_ =	swait.ge [sflag:s31], $0x2000  }
0xc0: {  	[sflag:s31] =	ssyncset.done $0x0  }
0xc1: {  	s18 =	sadd.s32 $0x14300, s17;
	[sflag:s31] =	ssyncadd.s32 $0xFFFFE000  }
0xc2: {  	[tilespmem:s29], [sflag:$0x1] =	stream.indirect.gather [spmem:s2], $0x40, s18, s28, $0xb8;
	[tilespmem:$0x1F380] =	vst v63  }
0xc3: {  	_ =	swait.ge [sflag:s13], $0x2000  }
0xc4: {  	[sflag:s13] =	ssyncset.done $0x0  }
0xc5: {  	s18 =	sadd.s32 $0x16B80, s17;
	[sflag:s13] =	ssyncadd.s32 $0xFFFFE000  }
0xc6: {  	[spmem:s3] =	stream.indirect.scatter.add.f32 [tilespmem:s7], [sflag:$0x6], $0x40, s18, s28, $0xb8;
	[tilespmem:$0x1F380] =	vst v63  }
0xc7: {  	_ =	swait.ge [sflag:s0], $0x2000  }
0xc8: {  	[sflag:s0] =	ssyncset.done $0x0  }
0xc9: {  	s18 =	sadd.s32 $0x14380, s17;
	[sflag:s0] =	ssyncadd.s32 $0xFFFFE000  }
0xca: {  	[tilespmem:s5], [sflag:$0x2] =	stream.indirect.gather [spmem:s2], $0x40, s18, s28, $0xb8;
	[tilespmem:$0x1F380] =	vst v63  }
0xcb: {  	_ =	swait.ge [sflag:s30], $0x2000  }
0xcc: {  	[sflag:s30] =	ssyncset.done $0x0  }
0xcd: {  	s18 =	sadd.s32 $0x16C00, s17;
	[sflag:s30] =	ssyncadd.s32 $0xFFFFE000  }
0xce: {  	[spmem:s3] =	stream.indirect.scatter.add.f32 [tilespmem:s29], [sflag:$0x4], $0x40, s18, s28, $0xb8;
	[tilespmem:$0x1F380] =	vst v63  }
0xcf: {  	_ =	swait.ge [sflag:s14], $0x2000  }
0xd0: {  	[sflag:s14] =	ssyncset.done $0x0  }
0xd1: {  	s18 =	sadd.s32 $0x14400, s17;
	[sflag:s14] =	ssyncadd.s32 $0xFFFFE000  }
0xd2: {  	[tilespmem:s7], [sflag:$0x3] =	stream.indirect.gather [spmem:s2], $0x40, s18, s28, $0xb8;
	[tilespmem:$0x1F380] =	vst v63  }
0xd3: {  	_ =	swait.ge [sflag:s9], $0x2000  }
0xd4: {  	[sflag:s9] =	ssyncset.done $0x0  }
.Ltmp0:
0xd5: {  	s18 =	sadd.s32 $0x16C80, s17;
	[sflag:s9] =	ssyncadd.s32 $0xFFFFE000;
	(pc) =	sbr.rel @p0 .LBB2_2-.Ltmp0, $4  }
0xd6: {  	[spmem:s3] =	stream.indirect.scatter.add.f32 [tilespmem:s5], [sflag:$0x5], $0x40, s18, s28, $0xb8;
	[tilespmem:$0x1F380] =	vst v63  }
0xd7: {  	_ =	swait.ge [sflag:s31], $0x2000  }
0xd8: {  	[sflag:s31] =	ssyncset.done $0x0  }
0xd9: {  	s17 =	sadd.s32 $0x14480, s17;
	[sflag:s31] =	ssyncadd.s32 $0xFFFFE000  }
0xda: {  	[tilespmem:s29], [sflag:$0x1] =	stream.indirect.gather [spmem:s2], $0x40, s17, s28, $0xb8;
	[tilespmem:$0x1F380] =	vst v63  }
0xdb: {  	_ =	swait.ge [sflag:s13], $0x2000  }
0xdc: {  	[sflag:s13] =	ssyncset.done $0x0  }
0xdd: {  	[sflag:s13] =	ssyncadd.s32 $0xFFFFE000  }
0xde: {  	_ =	swait.ge [sflag:s30], $0x2000  }
0xdf: {  	[sflag:s30] =	ssyncset.done $0x0  }
0xe0: {  	[sflag:s30] =	ssyncadd.s32 $0xFFFFE000  }
0xe1: {  	_ =	swait.ge [sflag:s0], $0x2000  }
0xe2: {  	[sflag:s0] =	ssyncset.done $0x0  }
0xe3: {  	s16 =	simm.s32 $0x0;
	[sflag:s0] =	ssyncadd.s32 $0xFFFFE000  }
0xe4: {  	[tilespmem:s22], [sflag:$0x7] =	stream.linear.gather [hbm4b:s19+s16], $0x2900, $0x38;
	[tilespmem:$0x1F380] =	vst v63  }
0xe5: {  	_ =	swait.ge [sflag:s26], $0x2900  }
0xe6: {  	[sflag:s26] =	ssyncset.done $0x0  }
0xe7: {  	[sflag:s26] =	ssyncadd.s32 $0xFFFFD700  }
0xe8: {  	[tilespmem:s23], [sflag:$0x7] =	stream.linear.gather [hbm4b:s20+s16], $0x2800, $0x38;
	[tilespmem:$0x1F380] =	vst v63  }
0xe9: {  	_ =	swait.ge [sflag:s26], $0x2800  }
0xea: {  	[sflag:s26] =	ssyncset.done $0x0  }
0xeb: {  	[sflag:s26] =	ssyncadd.s32 $0xFFFFD800  }
0xec: {  	[tilespmem:s29], [sflag:$0x1] =	stream.indirect.gather [spmem:s2], $0x40, s22, s28, $0xb8;
	[tilespmem:$0x1F380] =	vst v63  }
0xed: {  	_ = 	snop  }
0xee: {  	[tilespmem:s5], [sflag:$0x2] =	stream.indirect.gather [spmem:s2], $0x40, s1, s28, $0xb8;
	[tilespmem:$0x1F380] =	vst v63  }
0xef: {  	_ =	swait.ge [sflag:s30], $0x2000  }
0xf0: {  	[sflag:s30] =	ssyncset.done $0x0  }
0xf1: {  	[sflag:s30] =	ssyncadd.s32 $0xFFFFE000  }
0xf2: {  	[spmem:s3] =	stream.indirect.scatter.add.f32 [tilespmem:s29], [sflag:$0x4], $0x40, s23, s28, $0xb8;
	[tilespmem:$0x1F380] =	vst v63  }
0xf3: {  	_ = 	snop  }
0xf4: {  	[tilespmem:s7], [sflag:$0x3] =	stream.indirect.gather [spmem:s2], $0x40, s6, s28, $0xb8;
	[tilespmem:$0x1F380] =	vst v63  }
0xf5: {  	_ =	swait.ge [sflag:s9], $0x2000  }
0xf6: {  	[sflag:s9] =	ssyncset.done $0x0  }
0xf7: {  	[sflag:s9] =	ssyncadd.s32 $0xFFFFE000  }
0xf8: {  	[spmem:s3] =	stream.indirect.scatter.add.f32 [tilespmem:s5], [sflag:$0x5], $0x40, s11, s28, $0xb8;
	[tilespmem:$0x1F380] =	vst v63  }
0xf9: {  	_ =	swait.ge [sflag:s31], $0x2000  }
0xfa: {  	[sflag:s31] =	ssyncset.done $0x0  }
0xfb: {  	[sflag:s31] =	ssyncadd.s32 $0xFFFFE000  }
0xfc: {  	[tilespmem:s29], [sflag:$0x1] =	stream.indirect.gather [spmem:s2], $0x40, s12, s28, $0xb8;
	[tilespmem:$0x1F380] =	vst v63  }
0xfd: {  	_ =	swait.ge [sflag:s13], $0x2000  }
0xfe: {  	[sflag:s13] =	ssyncset.done $0x0  }
0xff: {  	s18 =	simm.s32 $0x16A00;
	[sflag:s13] =	ssyncadd.s32 $0xFFFFE000  }
0x100: {  	[spmem:s3] =	stream.indirect.scatter.add.f32 [tilespmem:s7], [sflag:$0x6], $0x40, s18, s28, $0xb8;
	[tilespmem:$0x1F380] =	vst v63  }
0x101: {  	_ =	swait.ge [sflag:s0], $0x2000  }
0x102: {  	[sflag:s0] =	ssyncset.done $0x0  }
0x103: {  	s17 =	simm.s32 $0x14200;
	[sflag:s0] =	ssyncadd.s32 $0xFFFFE000  }
0x104: {  	[tilespmem:s5], [sflag:$0x2] =	stream.indirect.gather [spmem:s2], $0x40, s17, s28, $0xb8;
	[tilespmem:$0x1F380] =	vst v63  }
0x105: {  	_ =	swait.ge [sflag:s30], $0x2000  }
0x106: {  	[sflag:s30] =	ssyncset.done $0x0  }
0x107: {  	s18 =	simm.s32 $0x16A80;
	[sflag:s30] =	ssyncadd.s32 $0xFFFFE000  }
0x108: {  	[spmem:s3] =	stream.indirect.scatter.add.f32 [tilespmem:s29], [sflag:$0x4], $0x40, s18, s28, $0xb8;
	[tilespmem:$0x1F380] =	vst v63  }
0x109: {  	_ =	swait.ge [sflag:s14], $0x2000  }
0x10a: {  	[sflag:s14] =	ssyncset.done $0x0  }
0x10b: {  	s17 =	simm.s32 $0x14280;
	[sflag:s14] =	ssyncadd.s32 $0xFFFFE000  }
0x10c: {  	[tilespmem:s7], [sflag:$0x3] =	stream.indirect.gather [spmem:s2], $0x40, s17, s28, $0xb8;
	[tilespmem:$0x1F380] =	vst v63  }
0x10d: {  	_ =	swait.ge [sflag:s9], $0x2000  }
0x10e: {  	[sflag:s9] =	ssyncset.done $0x0  }
0x10f: {  	s18 =	simm.s32 $0x16B00;
	[sflag:s9] =	ssyncadd.s32 $0xFFFFE000  }
0x110: {  	[spmem:s3] =	stream.indirect.scatter.add.f32 [tilespmem:s5], [sflag:$0x5], $0x40, s18, s28, $0xb8;
	[tilespmem:$0x1F380] =	vst v63  }
0x111: {  	_ =	swait.ge [sflag:s31], $0x2000  }
0x112: {  	[sflag:s31] =	ssyncset.done $0x0  }
0x113: {  	s17 =	simm.s32 $0x14300;
	[sflag:s31] =	ssyncadd.s32 $0xFFFFE000  }
0x114: {  	[tilespmem:s29], [sflag:$0x1] =	stream.indirect.gather [spmem:s2], $0x40, s17, s28, $0xb8;
	[tilespmem:$0x1F380] =	vst v63  }
0x115: {  	_ =	swait.ge [sflag:s13], $0x2000  }
0x116: {  	[sflag:s13] =	ssyncset.done $0x0  }
0x117: {  	s18 =	simm.s32 $0x16B80;
	[sflag:s13] =	ssyncadd.s32 $0xFFFFE000  }
0x118: {  	[spmem:s3] =	stream.indirect.scatter.add.f32 [tilespmem:s7], [sflag:$0x6], $0x40, s18, s28, $0xb8;
	[tilespmem:$0x1F380] =	vst v63  }
0x119: {  	_ =	swait.ge [sflag:s0], $0x2000  }
0x11a: {  	[sflag:s0] =	ssyncset.done $0x0  }
0x11b: {  	s17 =	simm.s32 $0x14380;
	[sflag:s0] =	ssyncadd.s32 $0xFFFFE000  }
0x11c: {  	[tilespmem:s5], [sflag:$0x2] =	stream.indirect.gather [spmem:s2], $0x40, s17, s28, $0xb8;
	[tilespmem:$0x1F380] =	vst v63  }
0x11d: {  	_ =	swait.ge [sflag:s30], $0x2000  }
0x11e: {  	[sflag:s30] =	ssyncset.done $0x0  }
0x11f: {  	s18 =	simm.s32 $0x16C00;
	[sflag:s30] =	ssyncadd.s32 $0xFFFFE000  }
0x120: {  	[spmem:s3] =	stream.indirect.scatter.add.f32 [tilespmem:s29], [sflag:$0x4], $0x40, s18, s28, $0xb8;
	[tilespmem:$0x1F380] =	vst v63  }
0x121: {  	_ =	swait.ge [sflag:s14], $0x2000  }
0x122: {  	[sflag:s14] =	ssyncset.done $0x0  }
0x123: {  	s17 =	simm.s32 $0x14400;
	[sflag:s14] =	ssyncadd.s32 $0xFFFFE000  }
0x124: {  	[tilespmem:s7], [sflag:$0x3] =	stream.indirect.gather [spmem:s2], $0x40, s17, s28, $0xb8;
	[tilespmem:$0x1F380] =	vst v63  }
0x125: {  	_ =	swait.ge [sflag:s9], $0x2000  }
0x126: {  	[sflag:s9] =	ssyncset.done $0x0  }
0x127: {  	s18 =	simm.s32 $0x16C80;
	[sflag:s9] =	ssyncadd.s32 $0xFFFFE000  }
0x128: {  	[spmem:s3] =	stream.indirect.scatter.add.f32 [tilespmem:s5], [sflag:$0x5], $0x40, s18, s28, $0xb8;
	[tilespmem:$0x1F380] =	vst v63  }
0x129: {  	_ =	swait.ge [sflag:s31], $0x2000  }
0x12a: {  	[sflag:s31] =	ssyncset.done $0x0  }
0x12b: {  	s16 =	simm.s32 $0xC00;
	s17 =	simm.s32 $0x14480;
	[sflag:s31] =	ssyncadd.s32 $0xFFFFE000  }
.LBB2_4:
0x12c: {  	[tilespmem:s29], [sflag:$0x1] =	stream.indirect.gather [spmem:s2], $0x40, s17, s28, $0xb8;
	[tilespmem:$0x1F380] =	vst v63  }
0x12d: {  	s17 =	smov.u32 s16  }
0x12e: {  	p0 =	sne.s32 s16, $0x9000;
	s16 =	sadd.s32 $0xC00, s16;
	_ =	swait.ge [sflag:s13], $0x2000  }
0x12f: {  	s17 =	sshra.s32 s17, $0x2;
	[sflag:s13] =	ssyncset.done $0x0  }
0x130: {  	s18 =	sadd.s32 $0x16A00, s17;
	[sflag:s13] =	ssyncadd.s32 $0xFFFFE000  }
0x131: {  	[spmem:s3] =	stream.indirect.scatter.add.f32 [tilespmem:s7], [sflag:$0x6], $0x40, s18, s28, $0xb8;
	[tilespmem:$0x1F380] =	vst v63  }
0x132: {  	_ =	swait.ge [sflag:s0], $0x2000  }
0x133: {  	[sflag:s0] =	ssyncset.done $0x0  }
0x134: {  	s18 =	sadd.s32 $0x14200, s17;
	[sflag:s0] =	ssyncadd.s32 $0xFFFFE000  }
0x135: {  	[tilespmem:s5], [sflag:$0x2] =	stream.indirect.gather [spmem:s2], $0x40, s18, s28, $0xb8;
	[tilespmem:$0x1F380] =	vst v63  }
0x136: {  	_ =	swait.ge [sflag:s30], $0x2000  }
0x137: {  	[sflag:s30] =	ssyncset.done $0x0  }
0x138: {  	s18 =	sadd.s32 $0x16A80, s17;
	[sflag:s30] =	ssyncadd.s32 $0xFFFFE000  }
0x139: {  	[spmem:s3] =	stream.indirect.scatter.add.f32 [tilespmem:s29], [sflag:$0x4], $0x40, s18, s28, $0xb8;
	[tilespmem:$0x1F380] =	vst v63  }
0x13a: {  	_ =	swait.ge [sflag:s14], $0x2000  }
0x13b: {  	[sflag:s14] =	ssyncset.done $0x0  }
0x13c: {  	s18 =	sadd.s32 $0x14280, s17;
	[sflag:s14] =	ssyncadd.s32 $0xFFFFE000  }
0x13d: {  	[tilespmem:s7], [sflag:$0x3] =	stream.indirect.gather [spmem:s2], $0x40, s18, s28, $0xb8;
	[tilespmem:$0x1F380] =	vst v63  }
0x13e: {  	_ =	swait.ge [sflag:s9], $0x2000  }
0x13f: {  	[sflag:s9] =	ssyncset.done $0x0  }
0x140: {  	s18 =	sadd.s32 $0x16B00, s17;
	[sflag:s9] =	ssyncadd.s32 $0xFFFFE000  }
0x141: {  	[spmem:s3] =	stream.indirect.scatter.add.f32 [tilespmem:s5], [sflag:$0x5], $0x40, s18, s28, $0xb8;
	[tilespmem:$0x1F380] =	vst v63  }
0x142: {  	_ =	swait.ge [sflag:s31], $0x2000  }
0x143: {  	[sflag:s31] =	ssyncset.done $0x0  }
0x144: {  	s18 =	sadd.s32 $0x14300, s17;
	[sflag:s31] =	ssyncadd.s32 $0xFFFFE000  }
0x145: {  	[tilespmem:s29], [sflag:$0x1] =	stream.indirect.gather [spmem:s2], $0x40, s18, s28, $0xb8;
	[tilespmem:$0x1F380] =	vst v63  }
0x146: {  	_ =	swait.ge [sflag:s13], $0x2000  }
0x147: {  	[sflag:s13] =	ssyncset.done $0x0  }
0x148: {  	s18 =	sadd.s32 $0x16B80, s17;
	[sflag:s13] =	ssyncadd.s32 $0xFFFFE000  }
0x149: {  	[spmem:s3] =	stream.indirect.scatter.add.f32 [tilespmem:s7], [sflag:$0x6], $0x40, s18, s28, $0xb8;
	[tilespmem:$0x1F380] =	vst v63  }
0x14a: {  	_ =	swait.ge [sflag:s0], $0x2000  }
0x14b: {  	[sflag:s0] =	ssyncset.done $0x0  }
0x14c: {  	s18 =	sadd.s32 $0x14380, s17;
	[sflag:s0] =	ssyncadd.s32 $0xFFFFE000  }
0x14d: {  	[tilespmem:s5], [sflag:$0x2] =	stream.indirect.gather [spmem:s2], $0x40, s18, s28, $0xb8;
	[tilespmem:$0x1F380] =	vst v63  }
0x14e: {  	_ =	swait.ge [sflag:s30], $0x2000  }
0x14f: {  	[sflag:s30] =	ssyncset.done $0x0  }
0x150: {  	s18 =	sadd.s32 $0x16C00, s17;
	[sflag:s30] =	ssyncadd.s32 $0xFFFFE000  }
0x151: {  	[spmem:s3] =	stream.indirect.scatter.add.f32 [tilespmem:s29], [sflag:$0x4], $0x40, s18, s28, $0xb8;
	[tilespmem:$0x1F380] =	vst v63  }
0x152: {  	_ =	swait.ge [sflag:s14], $0x2000  }
0x153: {  	[sflag:s14] =	ssyncset.done $0x0  }
0x154: {  	s18 =	sadd.s32 $0x14400, s17;
	[sflag:s14] =	ssyncadd.s32 $0xFFFFE000  }
0x155: {  	[tilespmem:s7], [sflag:$0x3] =	stream.indirect.gather [spmem:s2], $0x40, s18, s28, $0xb8;
	[tilespmem:$0x1F380] =	vst v63  }
0x156: {  	_ =	swait.ge [sflag:s9], $0x2000  }
0x157: {  	[sflag:s9] =	ssyncset.done $0x0  }
.Ltmp1:
0x158: {  	s18 =	sadd.s32 $0x16C80, s17;
	[sflag:s9] =	ssyncadd.s32 $0xFFFFE000;
	(pc) =	sbr.rel @p0 .LBB2_4-.Ltmp1, $4  }
0x159: {  	[spmem:s3] =	stream.indirect.scatter.add.f32 [tilespmem:s5], [sflag:$0x5], $0x40, s18, s28, $0xb8;
	[tilespmem:$0x1F380] =	vst v63  }
0x15a: {  	_ =	swait.ge [sflag:s31], $0x2000  }
0x15b: {  	[sflag:s31] =	ssyncset.done $0x0  }
0x15c: {  	s17 =	sadd.s32 $0x14480, s17;
	[sflag:s31] =	ssyncadd.s32 $0xFFFFE000  }
0x15d: {  	[tilespmem:s29], [sflag:$0x1] =	stream.indirect.gather [spmem:s2], $0x40, s17, s28, $0xb8;
	[tilespmem:$0x1F380] =	vst v63  }
0x15e: {  	_ =	swait.ge [sflag:s13], $0x2000  }
0x15f: {  	[sflag:s13] =	ssyncset.done $0x0  }
0x160: {  	[sflag:s13] =	ssyncadd.s32 $0xFFFFE000  }
0x161: {  	_ =	swait.ge [sflag:s30], $0x2000  }
0x162: {  	[sflag:s30] =	ssyncset.done $0x0  }
0x163: {  	[sflag:s30] =	ssyncadd.s32 $0xFFFFE000  }
0x164: {  	s16 =	stileid.u32;
	_ =	swait.ge [sflag:s0], $0x2000  }
0x165: {  	s18 =	sshrl.u32 s10, $0x3;
	s15 =	sadd.s32 $0x1, s15;
	[sflag:s0] =	ssyncset.done $0x0  }
0x166: {  	s16 =	sshll.u32 s16, $0x6;
	p0 =	sne.s32 s15, s21;
	[sflag:s0] =	ssyncadd.s32 $0xFFFFE000  }
.Ltmp2:
0x167: {  	s16 =	sor.u32 $0x1C07, s16;
	[bflag:$0x0] =	sbarrier.arrive $0xFFFF;
	(pc) =	sbr.rel @p0 .LBB2_1-.Ltmp2, $4  }
0x168: {  	[hbm:s24], [sflag:s16] =	dma.local [spmem:s18], $0x1400  }
0x169: {  	_ =	swait.ge [sflag:s26], $0x1400  }
0x16a: {  	[sflag:s26] =	ssyncset.done $0x0  }
0x16b: {  	[sflag:s26] =	ssyncadd.s32 $0xFFFFEC00  }
0x16c: {  	_ =	sfence.sel $0x180000  }
0x16d: {  	[bflag:$0x0] =	sbarrier.arrive $0xFFFF  }
0x16e: {  	_ =	strace $0x90000047  }
0x16f: {  	s0 =	stileid.u32;
	[bflag:$0x2] =	sbarrier.arrive $0xFFFF  }
0x170: {  	p0 =	sne.s32 s0, $0x0;
	s0 =	rddreg [dreg:$0x3]  }
0x171: {  	s0 =	sadd.s32 @!p0 $0x100000, s0  }
0x172: {  	[sflag:s0] =	ssyncadd.tile.s32 @!p0 $0x1;
	_ =	shalt  }
.Lfunc_end2:
_tile_overlayer_lowered:
.L_overlay_start_2:
0x173: {  	(tag) =	ssettag $0x2  }
0x174: {  	s0 =	rddreg [dreg:$0x0];
	s2 =	stileid.u32  }
0x175: {  	s1 =	rddreg [dreg:$0x1];
	p0 =	sne.s32 s2, $0x0  }
0x176: {  	s3 =	rddreg [dreg:$0x2];
	[bflag:$0x3] =	sbarrier.arrive $0xFFFF;
	s2 =	simm.s32 @!p0 $0x1C07  }
0x177: {  	[timem:s3], [sflag:s2] =	dma.local @!p0 [hbm:s0], s1  }
0x178: {  	s0 =	simm.s32 @!p0 $0x7  }
0x179: {  	_ =	swait.ge @!p0 [sflag:s0], s1  }
0x17a: {  	s1 =	ssub.s32 @!p0 $0x0, s1;
	[sflag:s0] =	ssyncset.done @!p0 $0x0  }
0x17b: {  	[sflag:s0] =	ssyncadd.s32 @!p0 s1  }
0x17c: {  	[bflag:$0x3] =	sbarrier.arrive $0xFFFF  }
0x17d: {  	_ =	shalt  }

// kernel: kernel.13.cloned.1.call-start
scs
__scs_entry_jumppad:
0x0: {  	(pc) =	sbr.rel $0x88, $3  }
0x1: {  	(tag) =	ssettag $0x0;
	lr =	simm.s32 $0x1  }
0x2: {  	[smem:$0x3F83] =	sst lr;
	_ =	strace $0xD0000000  }
0x3: {  	_ = 	snop  }
0x4: {  	_ = 	snop  }
0x5: {  	_ = 	snop  }
0x6: {  	_ = 	snop  }
0x7: {  	_ = 	snop  }
__scs_overlays_trampoline_lowered:
0x8: {  	[smem:$0x3F92] =	sst s0  }
0x9: {  	[smem:$0x3F93] =	sst s1  }
0xa: {  	[smem:$0x3F94] =	sst s2  }
0xb: {  	[smem:$0x3F95] =	sst s3  }
0xc: {  	[smem:$0x3F96] =	sst s4  }
0xd: {  	[smem:$0x3F97] =	sst s5  }
0xe: {  	[smem:$0x3F98] =	sst s6  }
0xf: {  	[smem:$0x3F99] =	sst s7  }
0x10: {  	[smem:$0x3F9A] =	sst s8  }
0x11: {  	[smem:$0x3F9B] =	sst s9;
	s0 =	simm.s32 @!p0 $0x0  }
0x12: {  	s1 =	sld [smem:$0x3F81];
	s0 =	simm.s32 @p0 $0x1  }
0x13: {  	[smem:$0x3F9C] =	sst s0;
	s0 =	simm.s32 @!p1 $0x0  }
0x14: {  	s2 =	sld [smem:$0x3F80];
	s0 =	simm.s32 @p1 $0x1  }
0x15: {  	[smem:$0x3F9D] =	sst s0;
	s0 =	simm.s32 @!p2 $0x0  }
0x16: {  	s3 =	sld [smem:$0x3FDB];
	s0 =	simm.s32 @p2 $0x1  }
0x17: {  	s4 =	simm.s32 $0x1BF5;
	[smem:$0x3F9F] =	sst s0  }
0x18: {  	s0 =	sld [smem:$0x3F82];
	_ =	swait.ge [sflag:s4], $0x0  }
0x19: {  	s7 =	sld [smem:$0x3F83]  }
0x1a: {  	s8 =	sadd.s32 $0xFFFFE003, lr  }
0x1b: {  	s9 =	sadd.s32 $0xFFFFFEF7, lr;
	s5 =	simm.s32 $0xFFFFFFFF;
	p2 =	slt.u32 s8, $0xFFFFF086  }
0x1c: {  	p1 =	slt.u32 s9, $0xF7A;
	s5 =	simm.s32 @!p2 $0x0  }
0x1d: {  	s5 =	simm.s32 @p1 $0x1;
	p0 =	seq.s32 s7, s2  }
0x1e: {  	s7 =	smul.u32 @!p0 $0xF7A, s2;
	p2 =	seq.s32 @!p0 s5, $0x0  }
0x1f: {  	s9 =	smul.u32 $0xF7A, s1;
	s8 =	simm.s32 @!p0 $0x1BF5;
	p2 =	por !p2, p0  }
0x20: {  	[sflag:s8] =	ssyncset.s32 @!p0 $0xFFFFF086;
	s6 =	sadd.s32 @!p0 s3, s7;
	s7 =	simm.s32 @!p0 $0x108  }
0x21: {  	s3 =	sadd.s32 s3, s9;
	s6 =	sadd.s32 @!p0 $0x88, s6;
	s7 =	simm.s32 @p2 $0x1082  }
0x22: {  	[simem:s7], [sflag:s8] =	dma.local @!p0 [hbm:s6], $0xF7A  }
0x23: {  	s9 =	sor.u32 $0xD0000000, s2;
	s6 =	simm.s32 $0x108;
	_ =	swait.ge @!p0 [sflag:s8], $0x0  }
0x24: {  	s3 =	sadd.s32 $0x88, s3;
	s6 =	simm.s32 @!p1 $0x1082;
	[sflag:s4] =	ssyncset.s32 $0xFFFFF086  }
0x25: {  	[simem:s6], [sflag:s4] =	dma.local [hbm:s3], $0xF7A  }
0x26: {  	[smem:$0x3F83] =	sst s1;
	(tag) =	ssettag s2;
	_ =	strace s9  }
0x27: {  	s1 =	sld [smem:$0x3F93]  }
0x28: {  	s2 =	sld [smem:$0x3F94]  }
0x29: {  	s4 =	sld [smem:$0x3F96]  }
0x2a: {  	p0 =	seq.s32 s5, $0x0;
	s5 =	sld [smem:$0x3F97]  }
0x2b: {  	s6 =	sld [smem:$0x3F98]  }
0x2c: {  	s7 =	sld [smem:$0x3F99]  }
0x2d: {  	s3 =	simm.s32 $0x108;
	s8 =	sld [smem:$0x3F9A]  }
0x2e: {  	s3 =	simm.s32 @!p0 $0x1082;
	s9 =	sld [smem:$0x3F9B]  }
0x2f: {  	lr =	sadd.s32 s0, s3;
	s0 =	sld [smem:$0x3F92]  }
0x30: {  	s3 =	sld [smem:$0x3F95]  }
0x31: {  	[smem:$0x3F9E] =	sst s10  }
0x32: {  	s10 =	sld [smem:$0x3F9C];
	_ =	sdelay $0x3  }
0x33: {  	p0 =	seq.s32 s10, $0x1;
	s10 =	sld [smem:$0x3F9E];
	_ =	sdelay $0x3  }
0x34: {  	[smem:$0x3F9E] =	sst s10  }
0x35: {  	s10 =	sld [smem:$0x3F9D];
	_ =	sdelay $0x3  }
0x36: {  	p1 =	seq.s32 s10, $0x1;
	s10 =	sld [smem:$0x3F9E];
	_ =	sdelay $0x3  }
0x37: {  	[smem:$0x3F9E] =	sst s10  }
0x38: {  	s10 =	sld [smem:$0x3F9F]  }
0x39: {  	_ = 	snop;
	(pc) =	sbr.ind lr, $3  }
0x3a: {  	_ = 	snop  }
0x3b: {  	_ = 	snop  }
0x3c: {  	p2 =	seq.s32 s10, $0x1;
	s10 =	sld [smem:$0x3F9E]  }
0x3d: {  	_ =	shalt  }
0x3e: {  	_ =	shalt  }
0x3f: {  	_ =	shalt  }
0x40: {  	_ =	shalt  }
0x41: {  	_ =	shalt  }
0x42: {  	_ =	shalt  }
0x43: {  	_ =	shalt  }
0x44: {  	_ =	shalt  }
0x45: {  	_ =	shalt  }
0x46: {  	_ =	shalt  }
0x47: {  	_ =	shalt  }
0x48: {  	_ =	shalt  }
0x49: {  	_ =	shalt  }
0x4a: {  	_ =	shalt  }
0x4b: {  	_ =	shalt  }
0x4c: {  	_ =	shalt  }
0x4d: {  	_ =	shalt  }
0x4e: {  	_ =	shalt  }
0x4f: {  	_ =	shalt  }
0x50: {  	_ =	shalt  }
0x51: {  	_ =	shalt  }
0x52: {  	_ =	shalt  }
0x53: {  	_ =	shalt  }
0x54: {  	_ =	shalt  }
0x55: {  	_ =	shalt  }
0x56: {  	_ =	shalt  }
0x57: {  	_ =	shalt  }
0x58: {  	_ =	shalt  }
0x59: {  	_ =	shalt  }
0x5a: {  	_ =	shalt  }
0x5b: {  	_ =	shalt  }
0x5c: {  	_ =	shalt  }
0x5d: {  	_ =	shalt  }
0x5e: {  	_ =	shalt  }
0x5f: {  	_ =	shalt  }
0x60: {  	_ =	shalt  }
0x61: {  	_ =	shalt  }
0x62: {  	_ =	shalt  }
0x63: {  	_ =	shalt  }
0x64: {  	_ =	shalt  }
0x65: {  	_ =	shalt  }
0x66: {  	_ =	shalt  }
0x67: {  	_ =	shalt  }
0x68: {  	_ =	shalt  }
0x69: {  	_ =	shalt  }
0x6a: {  	_ =	shalt  }
0x6b: {  	_ =	shalt  }
0x6c: {  	_ =	shalt  }
0x6d: {  	_ =	shalt  }
0x6e: {  	_ =	shalt  }
0x6f: {  	_ =	shalt  }
0x70: {  	_ =	shalt  }
0x71: {  	_ =	shalt  }
0x72: {  	_ =	shalt  }
0x73: {  	_ =	shalt  }
0x74: {  	_ =	shalt  }
0x75: {  	_ =	shalt  }
0x76: {  	_ =	shalt  }
0x77: {  	_ =	shalt  }
0x78: {  	_ =	shalt  }
0x79: {  	_ =	shalt  }
0x7a: {  	_ =	shalt  }
0x7b: {  	_ =	shalt  }
0x7c: {  	_ =	shalt  }
0x7d: {  	_ =	shalt  }
0x7e: {  	_ =	shalt  }
0x7f: {  	_ =	shalt  }
0x80: {  	_ =	shalt  }
0x81: {  	_ =	shalt  }
0x82: {  	_ =	shalt  }
0x83: {  	_ =	shalt  }
0x84: {  	_ =	shalt  }
0x85: {  	_ =	shalt  }
0x86: {  	_ =	shalt  }
0x87: {  	_ =	shalt  }
.Lfunc_end0:
.L_simem_size_0:
called_computation.1_lowered:
.L_overlay_start_0:
0x88: {  	s2 =	sld [smem:$0x3FD9]  }
0x89: {  	s3 =	sld [smem:$0x3FFE];
	_ =	sdelay $0x1  }
0x8a: {  	s1 =	srdreg.scid  }
0x8b: {  	s0 =	sand.u32 $0x1, s1  }
0x8c: {  	s16 =	sshll.u32 s0, $0xA;
	s2 =	sadd.s32 s3, s2  }
0x8d: {  	s2 =	sadd.s32 s2, s16  }
0x8e: {  	[smem:$0x3FAA] =	sst s2  }
0x8f: {  	_ = 	snop  }
0x90: {  	(tm) =	ssettm $0x1  }
0x91: {  	s17 =	sld [smem:$0x3FFB];
	_ =	sdelay $0x3  }
0x92: {  	_ =	strace s17  }
0x93: {  	s2 =	sld [smem:$0x3FFC];
	_ =	sdelay $0x3  }
0x94: {  	_ =	strace s2  }
0x95: {  	s2 =	sld [smem:$0x3FFD];
	_ =	sdelay $0x3  }
0x96: {  	_ =	strace s2  }
0x97: {  	_ =	strace $0x8FFFFFFF  }
0x98: {  	s18 =	sld [smem:$0x3FDB];
	_ =	sdelay $0x1  }
0x99: {  	s19 =	simm.s32 $_scs_section_size  }
0x9a: {  	s4 =	simm.s32 $_size__tile_overlayer_lowered;
	s5 =	simm.s32 $_tile_overlayer_lowered  }
0x9b: {  	s22 =	simm.s32 $0x1BFF;
	s21 =	sshll.u32 s5, $0x1;
	s2 =	sadd.s32 s19, s18  }
0x9c: {  	s6 =	simm.s32 $0x0;
	s20 =	sshll.u32 s4, $0x1;
	s4 =	sadd.s32 s21, s2  }
0x9d: {  	[timem:s6], [sflag:s22] =	dma.local [hbm:s4], s20  }
0x9e: {  	_ =	swait.ge [sflag:s22], s20  }
0x9f: {  	s3 =	ssub.s32 $0x0, s20;
	[sflag:s22] =	ssyncset.done $0x0  }
0xa0: {  	[sflag:s22] =	ssyncadd.s32 s3;
	_ =	sdelay $0x1  }
0xa1: {  	s23 =	simm.s32 $0x1B8B  }
0xa2: {  	_ =	swait.ge [sflag:s23], $0x1  }
0xa3: {  	[sflag:s23] =	ssyncset.done $0x0  }
0xa4: {  	s25 =	simm.s32 $0x1B8E;
	s24 =	sld [smem:$0x3FFE];
	[sflag:s23] =	ssyncadd.s32 $0xFFFFFFFF  }
0xa5: {  	s26 =	simm.s32 $execute0_lowered;
	[smem:$0x3FD2] =	sst s25  }
0xa6: {  	s4 =	sshll.u32 s26, $0x1;
	_ =	strace $0x80000049;
	[dreg:$0x1] =	wrdreg $0xFFFFFFFF  }
0xa7: {  	s28 =	simm.s32 $_size_execute0_lowered;
	s2 =	sadd.s32 s2, s4;
	[dreg:$0x0] =	wrdreg $0x0  }
0xa8: {  	s4 =	sshll.u32 s28, $0x1;
	[dreg:$0x2] =	wrdreg s2  }
0xa9: {  	[dreg:$0x3] =	wrdreg s4  }
0xaa: {  	[dreg:$0x4] =	wrdreg $0xC0  }
0xab: {  	_ =	task [dreg:s6], $0x5FFFF  }
0xac: {  	[dreg:$0x1] =	wrdreg $0xFFFFFFFF  }
0xad: {  	[dreg:$0x0] =	wrdreg $0x60  }
0xae: {  	[dreg:$0x2] =	wrdreg s24  }
0xaf: {  	[dreg:$0x3] =	wrdreg $0x0  }
0xb0: {  	[dreg:$0x4] =	wrdreg $0xA0000  }
0xb1: {  	[dreg:$0x5] =	wrdreg $0x9  }
0xb2: {  	_ =	task.clear_ibuf [dreg:s6], $0x6FFFF;
	_ =	strace $0x90000049  }
0xb3: {  	s29 =	simm.s32 $0x9;
	_ =	strace $0x8000004B  }
0xb4: {  	_ =	swait.ge [sflag:s29], $0x1  }
0xb5: {  	[sflag:s29] =	ssyncadd.s32 $0xFFFFFFFF  }
0xb6: {  	_ =	strace $0x9000004B  }
0xb7: {  	_ =	sfence  }
0xb8: {  	s30 =	sld [smem:$0x0];
	_ =	sdelay $0x2  }
0xb9: {  	s31 =	sshll.u32 s1, $0xD;
	s1 =	sshrl.u32 s1, $0x2  }
0xba: {  	s3 =	sand.u32 $0x4000, s31;
	s1 =	sadd.s32 s1, s30  }
0xbb: {  	s0 =	sor.u32 s3, s0;
	s1 =	sshll.u32 s1, $0x11  }
0xbc: {  	s0 =	sor.u32 s1, s0  }
0xbd: {  	s0 =	sadd.s32 $0x8F2B, s0  }
0xbe: {  	[sflag:s0] =	ssyncadd.remote.s32 $0x1  }
0xbf: {  	_ =	sfence.sel $0xFFFF  }
0xc0: {  	[dreg:$0x0] =	wrdreg $0xFFFFFFFF;
	(pc) =	sbr.abs _section_cstart, $3  }
0xc1: {  	[dreg:$0x1] =	wrdreg $0xFFFFFFFF  }
0xc2: {  	_ =	task.clear_ibuf [dreg:s6], $0x2FFFF;
	_ =	strace $0x9FFFFFFF  }
0xc3: {  	(tm) =	ssettm $0x7FFFFFFF  }
tec
execute0_lowered:
.L_overlay_start_1:
0x0: {  	(tag) =	ssettag $0x1  }
0x1: {  	s0 =	rddreg [dreg:$0x0]  }
0x2: {  	s2 =	rddreg [dreg:$0x1]  }
0x3: {  	s3 =	rddreg [dreg:$0x2]  }
0x4: {  	s8 =	stileid.u32;
	s4 =	srdreg.scid;
	s6 =	simm.s32 $0x0  }
0x5: {  	s14 =	simm.s32 $0x14000;
	s15 =	simm.s32 $0x16900;
	s16 =	simm.s32 $0x4  }
0x6: {  	s17 =	simm.s32 $0x5;
	s18 =	simm.s32 $0x1;
	s19 =	simm.s32 $0x2  }
0x7: {  	s20 =	simm.s32 $0x80;
	s21 =	simm.s32 $0x19100;
	s22 =	simm.s32 $0x14080  }
0x8: {  	s23 =	simm.s32 $0x1B100;
	s28 =	simm.s32 $0x16980;
	s1 =	smul.u32 $0xA40, s8  }
0x9: {  	s29 =	simm.s32 $0x14180;
	s30 =	simm.s32 $0x3;
	s5 =	smul.u32 $0xA00, s8  }
0xa: {  	s4 =	sand.u32 $0x1, s4;
	[smem:$0x7FF] =	sst s6;
	s7 =	smul.u32 $0xA000, s8  }
0xb: {  	s31 =	simm.s32 $0x6;
	s24 =	smul.u32 $0x14000, s4;
	_ =	strace $0x8000004A  }
0xc: {  	s4 =	ssub.s32 $0x2, s4;
	s1 =	sadd.s32 s1, s0;
	s9 =	sadd.s32 s5, s0  }
0xd: {  	s25 =	sshrl.u32 s4, $0x1;
	s5 =	sshll.u32 s8, $0x6;
	s11 =	sadd.s32 s7, s2  }
0xe: {  	s0 =	sadd.s32 s24, s0;
	s24 =	sshrl.u32 s7, $0x3;
	s4 =	ssub.s32 s4, s25  }
0xf: {  	s8 =	sor.u32 $0x1C04, s5;
	s7 =	sadd.s32 s7, s3;
	s9 =	sadd.s32 $0xE200, s9  }
0x10: {  	s11 =	sshrl.u32 s11, $0x3;
	s12 =	sor.u32 $0x1C05, s5;
	s25 =	simm.s32 $0x14100  }
0x11: {  	s6 =	sadd.s32 s24, s0;
	[dreg:$0x4] =	wrdreg s8;
	s8 =	sadd.s32 $0x3E00, s1  }
0x12: {  	s0 =	sadd.s32 $0x40200, s0;
	s26 =	smax.u32 s4, $0x1;
	s13 =	sshrl.u32 s7, $0x3  }
0x13: {  	s1 =	simm.s32 $0x0;
	s6 =	sadd.s32 $0x18200, s6;
	[dreg:$0x5] =	wrdreg s26  }
0x14: {  	s24 =	sadd.s32 s24, s0;
	s26 =	simm.s32 $0x1D100;
	s0 =	simm.s32 $0x7  }
.LBB2_1:
0x15: {  	s4 =	rddreg [dreg:$0x4];
	s7 =	simm.s32 $0x0  }
0x16: {  	[spmem:s11], [sflag:s4] =	dma.local [hbm:s6], $0x1400  }
0x17: {  	[spmem:s13], [sflag:s12] =	dma.local [hbm:s6], $0x1400  }
0x18: {  	[tilespmem:s14], [sflag:$0x1] =	stream.linear.gather [hbm4b:s8+s7], $0x2900, $0x38;
	[tilespmem:$0x1F100] =	vst v63  }
0x19: {  	_ = 	snop  }
0x1a: {  	[tilespmem:s15], [sflag:$0x2] =	stream.linear.gather [hbm4b:s9+s7], $0x2800, $0x38;
	[tilespmem:$0x1F100] =	vst v63  }
0x1b: {  	_ =	swait.ge [sflag:s16], $0x1400  }
0x1c: {  	[sflag:s16] =	ssyncset.done $0x0  }
0x1d: {  	[sflag:s16] =	ssyncadd.s32 $0xFFFFEC00  }
0x1e: {  	_ =	swait.ge [sflag:s17], $0x1400  }
0x1f: {  	[sflag:s17] =	ssyncset.done $0x0  }
0x20: {  	[sflag:s17] =	ssyncadd.s32 $0xFFFFEC00  }
0x21: {  	[bflag:$0x0] =	sbarrier.arrive $0xFFFF  }
0x22: {  	_ =	swait.ge [sflag:s18], $0x2900  }
0x23: {  	[sflag:s18] =	ssyncset.done $0x0  }
0x24: {  	[sflag:s18] =	ssyncadd.s32 $0xFFFFD700  }
0x25: {  	_ =	swait.ge [sflag:s19], $0x2800  }
0x26: {  	[sflag:s19] =	ssyncset.done $0x0  }
0x27: {  	[sflag:s19] =	ssyncadd.s32 $0xFFFFD800  }
0x28: {  	[tilespmem:s21], [sflag:$0x1] =	stream.indirect.gather [spmem:s3], $0x40, s14, s20, $0xb8;
	[tilespmem:$0x1F100] =	vst v63  }
0x29: {  	_ = 	snop  }
0x2a: {  	[tilespmem:s23], [sflag:$0x2] =	stream.indirect.gather [spmem:s3], $0x40, s22, s20, $0xb8;
	[tilespmem:$0x1F100] =	vst v63  }
0x2b: {  	_ =	swait.ge [sflag:s18], $0x2000  }
0x2c: {  	[sflag:s18] =	ssyncset.done $0x0  }
0x2d: {  	[sflag:s18] =	ssyncadd.s32 $0xFFFFE000  }
0x2e: {  	[spmem:s2] =	stream.indirect.scatter.add.f32 [tilespmem:s21], [sflag:$0x4], $0x40, s15, s20, $0xb8;
	[tilespmem:$0x1F100] =	vst v63  }
0x2f: {  	_ = 	snop  }
0x30: {  	[tilespmem:s26], [sflag:$0x3] =	stream.indirect.gather [spmem:s3], $0x40, s25, s20, $0xb8;
	[tilespmem:$0x1F100] =	vst v63  }
0x31: {  	_ =	swait.ge [sflag:s19], $0x2000  }
0x32: {  	[sflag:s19] =	ssyncset.done $0x0  }
0x33: {  	[sflag:s19] =	ssyncadd.s32 $0xFFFFE000  }
0x34: {  	[spmem:s2] =	stream.indirect.scatter.add.f32 [tilespmem:s23], [sflag:$0x5], $0x40, s28, s20, $0xb8;
	[tilespmem:$0x1F100] =	vst v63  }
0x35: {  	_ =	swait.ge [sflag:s16], $0x2000  }
0x36: {  	[sflag:s16] =	ssyncset.done $0x0  }
0x37: {  	[sflag:s16] =	ssyncadd.s32 $0xFFFFE000  }
0x38: {  	[tilespmem:s21], [sflag:$0x1] =	stream.indirect.gather [spmem:s3], $0x40, s29, s20, $0xb8;
	[tilespmem:$0x1F100] =	vst v63  }
0x39: {  	_ =	swait.ge [sflag:s30], $0x2000  }
0x3a: {  	[sflag:s30] =	ssyncset.done $0x0  }
0x3b: {  	s10 =	simm.s32 $0x16A00;
	[sflag:s30] =	ssyncadd.s32 $0xFFFFE000  }
0x3c: {  	[spmem:s2] =	stream.indirect.scatter.add.f32 [tilespmem:s26], [sflag:$0x6], $0x40, s10, s20, $0xb8;
	[tilespmem:$0x1F100] =	vst v63  }
0x3d: {  	_ =	swait.ge [sflag:s17], $0x2000  }
0x3e: {  	[sflag:s17] =	ssyncset.done $0x0  }
0x3f: {  	s7 =	simm.s32 $0x14200;
	[sflag:s17] =	ssyncadd.s32 $0xFFFFE000  }
0x40: {  	[tilespmem:s23], [sflag:$0x2] =	stream.indirect.gather [spmem:s3], $0x40, s7, s20, $0xb8;
	[tilespmem:$0x1F100] =	vst v63  }
0x41: {  	_ =	swait.ge [sflag:s18], $0x2000  }
0x42: {  	[sflag:s18] =	ssyncset.done $0x0  }
0x43: {  	s10 =	simm.s32 $0x16A80;
	[sflag:s18] =	ssyncadd.s32 $0xFFFFE000  }
0x44: {  	[spmem:s2] =	stream.indirect.scatter.add.f32 [tilespmem:s21], [sflag:$0x4], $0x40, s10, s20, $0xb8;
	[tilespmem:$0x1F100] =	vst v63  }
0x45: {  	_ =	swait.ge [sflag:s31], $0x2000  }
0x46: {  	[sflag:s31] =	ssyncset.done $0x0  }
0x47: {  	s7 =	simm.s32 $0x14280;
	[sflag:s31] =	ssyncadd.s32 $0xFFFFE000  }
0x48: {  	[tilespmem:s26], [sflag:$0x3] =	stream.indirect.gather [spmem:s3], $0x40, s7, s20, $0xb8;
	[tilespmem:$0x1F100] =	vst v63  }
0x49: {  	_ =	swait.ge [sflag:s19], $0x2000  }
0x4a: {  	[sflag:s19] =	ssyncset.done $0x0  }
0x4b: {  	s10 =	simm.s32 $0x16B00;
	[sflag:s19] =	ssyncadd.s32 $0xFFFFE000  }
0x4c: {  	[spmem:s2] =	stream.indirect.scatter.add.f32 [tilespmem:s23], [sflag:$0x5], $0x40, s10, s20, $0xb8;
	[tilespmem:$0x1F100] =	vst v63  }
0x4d: {  	_ =	swait.ge [sflag:s16], $0x2000  }
0x4e: {  	[sflag:s16] =	ssyncset.done $0x0  }
0x4f: {  	s7 =	simm.s32 $0x14300;
	[sflag:s16] =	ssyncadd.s32 $0xFFFFE000  }
0x50: {  	[tilespmem:s21], [sflag:$0x1] =	stream.indirect.gather [spmem:s3], $0x40, s7, s20, $0xb8;
	[tilespmem:$0x1F100] =	vst v63  }
0x51: {  	_ =	swait.ge [sflag:s30], $0x2000  }
0x52: {  	[sflag:s30] =	ssyncset.done $0x0  }
0x53: {  	s10 =	simm.s32 $0x16B80;
	[sflag:s30] =	ssyncadd.s32 $0xFFFFE000  }
0x54: {  	[spmem:s2] =	stream.indirect.scatter.add.f32 [tilespmem:s26], [sflag:$0x6], $0x40, s10, s20, $0xb8;
	[tilespmem:$0x1F100] =	vst v63  }
0x55: {  	_ =	swait.ge [sflag:s17], $0x2000  }
0x56: {  	[sflag:s17] =	ssyncset.done $0x0  }
0x57: {  	s7 =	simm.s32 $0x14380;
	[sflag:s17] =	ssyncadd.s32 $0xFFFFE000  }
0x58: {  	[tilespmem:s23], [sflag:$0x2] =	stream.indirect.gather [spmem:s3], $0x40, s7, s20, $0xb8;
	[tilespmem:$0x1F100] =	vst v63  }
0x59: {  	_ =	swait.ge [sflag:s18], $0x2000  }
0x5a: {  	[sflag:s18] =	ssyncset.done $0x0  }
0x5b: {  	s10 =	simm.s32 $0x16C00;
	[sflag:s18] =	ssyncadd.s32 $0xFFFFE000  }
0x5c: {  	[spmem:s2] =	stream.indirect.scatter.add.f32 [tilespmem:s21], [sflag:$0x4], $0x40, s10, s20, $0xb8;
	[tilespmem:$0x1F100] =	vst v63  }
0x5d: {  	_ =	swait.ge [sflag:s31], $0x2000  }
0x5e: {  	[sflag:s31] =	ssyncset.done $0x0  }
0x5f: {  	s7 =	simm.s32 $0x14400;
	[sflag:s31] =	ssyncadd.s32 $0xFFFFE000  }
0x60: {  	[tilespmem:s26], [sflag:$0x3] =	stream.indirect.gather [spmem:s3], $0x40, s7, s20, $0xb8;
	[tilespmem:$0x1F100] =	vst v63  }
0x61: {  	_ =	swait.ge [sflag:s19], $0x2000  }
0x62: {  	[sflag:s19] =	ssyncset.done $0x0  }
0x63: {  	s10 =	simm.s32 $0x16C80;
	[sflag:s19] =	ssyncadd.s32 $0xFFFFE000  }
0x64: {  	[spmem:s2] =	stream.indirect.scatter.add.f32 [tilespmem:s23], [sflag:$0x5], $0x40, s10, s20, $0xb8;
	[tilespmem:$0x1F100] =	vst v63  }
0x65: {  	_ =	swait.ge [sflag:s16], $0x2000  }
0x66: {  	[sflag:s16] =	ssyncset.done $0x0  }
0x67: {  	s4 =	simm.s32 $0xC00;
	s7 =	simm.s32 $0x14480;
	[sflag:s16] =	ssyncadd.s32 $0xFFFFE000  }
.LBB2_2:
0x68: {  	[tilespmem:s21], [sflag:$0x1] =	stream.indirect.gather [spmem:s3], $0x40, s7, s20, $0xb8;
	[tilespmem:$0x1F100] =	vst v63  }
0x69: {  	s7 =	smov.u32 s4  }
0x6a: {  	p0 =	sne.s32 s4, $0x9000;
	s4 =	sadd.s32 $0xC00, s4;
	_ =	swait.ge [sflag:s30], $0x2000  }
0x6b: {  	s7 =	sshra.s32 s7, $0x2;
	[sflag:s30] =	ssyncset.done $0x0  }
0x6c: {  	s10 =	sadd.s32 $0x16A00, s7;
	[sflag:s30] =	ssyncadd.s32 $0xFFFFE000  }
0x6d: {  	[spmem:s2] =	stream.indirect.scatter.add.f32 [tilespmem:s26], [sflag:$0x6], $0x40, s10, s20, $0xb8;
	[tilespmem:$0x1F100] =	vst v63  }
0x6e: {  	_ =	swait.ge [sflag:s17], $0x2000  }
0x6f: {  	[sflag:s17] =	ssyncset.done $0x0  }
0x70: {  	s10 =	sadd.s32 $0x14200, s7;
	[sflag:s17] =	ssyncadd.s32 $0xFFFFE000  }
0x71: {  	[tilespmem:s23], [sflag:$0x2] =	stream.indirect.gather [spmem:s3], $0x40, s10, s20, $0xb8;
	[tilespmem:$0x1F100] =	vst v63  }
0x72: {  	_ =	swait.ge [sflag:s18], $0x2000  }
0x73: {  	[sflag:s18] =	ssyncset.done $0x0  }
0x74: {  	s10 =	sadd.s32 $0x16A80, s7;
	[sflag:s18] =	ssyncadd.s32 $0xFFFFE000  }
0x75: {  	[spmem:s2] =	stream.indirect.scatter.add.f32 [tilespmem:s21], [sflag:$0x4], $0x40, s10, s20, $0xb8;
	[tilespmem:$0x1F100] =	vst v63  }
0x76: {  	_ =	swait.ge [sflag:s31], $0x2000  }
0x77: {  	[sflag:s31] =	ssyncset.done $0x0  }
0x78: {  	s10 =	sadd.s32 $0x14280, s7;
	[sflag:s31] =	ssyncadd.s32 $0xFFFFE000  }
0x79: {  	[tilespmem:s26], [sflag:$0x3] =	stream.indirect.gather [spmem:s3], $0x40, s10, s20, $0xb8;
	[tilespmem:$0x1F100] =	vst v63  }
0x7a: {  	_ =	swait.ge [sflag:s19], $0x2000  }
0x7b: {  	[sflag:s19] =	ssyncset.done $0x0  }
0x7c: {  	s10 =	sadd.s32 $0x16B00, s7;
	[sflag:s19] =	ssyncadd.s32 $0xFFFFE000  }
0x7d: {  	[spmem:s2] =	stream.indirect.scatter.add.f32 [tilespmem:s23], [sflag:$0x5], $0x40, s10, s20, $0xb8;
	[tilespmem:$0x1F100] =	vst v63  }
0x7e: {  	_ =	swait.ge [sflag:s16], $0x2000  }
0x7f: {  	[sflag:s16] =	ssyncset.done $0x0  }
0x80: {  	s10 =	sadd.s32 $0x14300, s7;
	[sflag:s16] =	ssyncadd.s32 $0xFFFFE000  }
0x81: {  	[tilespmem:s21], [sflag:$0x1] =	stream.indirect.gather [spmem:s3], $0x40, s10, s20, $0xb8;
	[tilespmem:$0x1F100] =	vst v63  }
0x82: {  	_ =	swait.ge [sflag:s30], $0x2000  }
0x83: {  	[sflag:s30] =	ssyncset.done $0x0  }
0x84: {  	s10 =	sadd.s32 $0x16B80, s7;
	[sflag:s30] =	ssyncadd.s32 $0xFFFFE000  }
0x85: {  	[spmem:s2] =	stream.indirect.scatter.add.f32 [tilespmem:s26], [sflag:$0x6], $0x40, s10, s20, $0xb8;
	[tilespmem:$0x1F100] =	vst v63  }
0x86: {  	_ =	swait.ge [sflag:s17], $0x2000  }
0x87: {  	[sflag:s17] =	ssyncset.done $0x0  }
0x88: {  	s10 =	sadd.s32 $0x14380, s7;
	[sflag:s17] =	ssyncadd.s32 $0xFFFFE000  }
0x89: {  	[tilespmem:s23], [sflag:$0x2] =	stream.indirect.gather [spmem:s3], $0x40, s10, s20, $0xb8;
	[tilespmem:$0x1F100] =	vst v63  }
0x8a: {  	_ =	swait.ge [sflag:s18], $0x2000  }
0x8b: {  	[sflag:s18] =	ssyncset.done $0x0  }
0x8c: {  	s10 =	sadd.s32 $0x16C00, s7;
	[sflag:s18] =	ssyncadd.s32 $0xFFFFE000  }
0x8d: {  	[spmem:s2] =	stream.indirect.scatter.add.f32 [tilespmem:s21], [sflag:$0x4], $0x40, s10, s20, $0xb8;
	[tilespmem:$0x1F100] =	vst v63  }
0x8e: {  	_ =	swait.ge [sflag:s31], $0x2000  }
0x8f: {  	[sflag:s31] =	ssyncset.done $0x0  }
0x90: {  	s10 =	sadd.s32 $0x14400, s7;
	[sflag:s31] =	ssyncadd.s32 $0xFFFFE000  }
0x91: {  	[tilespmem:s26], [sflag:$0x3] =	stream.indirect.gather [spmem:s3], $0x40, s10, s20, $0xb8;
	[tilespmem:$0x1F100] =	vst v63  }
0x92: {  	_ =	swait.ge [sflag:s19], $0x2000  }
0x93: {  	[sflag:s19] =	ssyncset.done $0x0  }
.Ltmp0:
0x94: {  	s10 =	sadd.s32 $0x16C80, s7;
	[sflag:s19] =	ssyncadd.s32 $0xFFFFE000;
	(pc) =	sbr.rel @p0 .LBB2_2-.Ltmp0, $4  }
0x95: {  	[spmem:s2] =	stream.indirect.scatter.add.f32 [tilespmem:s23], [sflag:$0x5], $0x40, s10, s20, $0xb8;
	[tilespmem:$0x1F100] =	vst v63  }
0x96: {  	_ =	swait.ge [sflag:s16], $0x2000  }
0x97: {  	[sflag:s16] =	ssyncset.done $0x0  }
0x98: {  	s7 =	sadd.s32 $0x14480, s7;
	[sflag:s16] =	ssyncadd.s32 $0xFFFFE000  }
0x99: {  	[tilespmem:s21], [sflag:$0x1] =	stream.indirect.gather [spmem:s3], $0x40, s7, s20, $0xb8;
	[tilespmem:$0x1F100] =	vst v63  }
0x9a: {  	_ =	swait.ge [sflag:s30], $0x2000  }
0x9b: {  	[sflag:s30] =	ssyncset.done $0x0  }
0x9c: {  	[sflag:s30] =	ssyncadd.s32 $0xFFFFE000  }
0x9d: {  	_ =	swait.ge [sflag:s18], $0x2000  }
0x9e: {  	[sflag:s18] =	ssyncset.done $0x0  }
0x9f: {  	[sflag:s18] =	ssyncadd.s32 $0xFFFFE000  }
0xa0: {  	_ =	swait.ge [sflag:s17], $0x2000  }
0xa1: {  	[sflag:s17] =	ssyncset.done $0x0  }
0xa2: {  	s4 =	sadd.s32 $0x520, s8;
	s7 =	simm.s32 $0x0;
	[sflag:s17] =	ssyncadd.s32 $0xFFFFE000  }
0xa3: {  	[tilespmem:s14], [sflag:$0x7] =	stream.linear.gather [hbm4b:s4+s7], $0x2900, $0x38;
	[tilespmem:$0x1F100] =	vst v63  }
0xa4: {  	_ =	swait.ge [sflag:s0], $0x2900  }
0xa5: {  	[sflag:s0] =	ssyncset.done $0x0  }
0xa6: {  	s10 =	sadd.s32 $0x500, s9;
	[sflag:s0] =	ssyncadd.s32 $0xFFFFD700  }
0xa7: {  	[tilespmem:s15], [sflag:$0x7] =	stream.linear.gather [hbm4b:s10+s7], $0x2800, $0x38;
	[tilespmem:$0x1F100] =	vst v63  }
0xa8: {  	_ =	swait.ge [sflag:s0], $0x2800  }
0xa9: {  	[sflag:s0] =	ssyncset.done $0x0  }
0xaa: {  	[sflag:s0] =	ssyncadd.s32 $0xFFFFD800  }
0xab: {  	[tilespmem:s21], [sflag:$0x1] =	stream.indirect.gather [spmem:s3], $0x40, s14, s20, $0xb8;
	[tilespmem:$0x1F100] =	vst v63  }
0xac: {  	_ = 	snop  }
0xad: {  	[tilespmem:s23], [sflag:$0x2] =	stream.indirect.gather [spmem:s3], $0x40, s22, s20, $0xb8;
	[tilespmem:$0x1F100] =	vst v63  }
0xae: {  	_ =	swait.ge [sflag:s18], $0x2000  }
0xaf: {  	[sflag:s18] =	ssyncset.done $0x0  }
0xb0: {  	[sflag:s18] =	ssyncadd.s32 $0xFFFFE000  }
0xb1: {  	[spmem:s2] =	stream.indirect.scatter.add.f32 [tilespmem:s21], [sflag:$0x4], $0x40, s15, s20, $0xb8;
	[tilespmem:$0x1F100] =	vst v63  }
0xb2: {  	_ = 	snop  }
0xb3: {  	[tilespmem:s26], [sflag:$0x3] =	stream.indirect.gather [spmem:s3], $0x40, s25, s20, $0xb8;
	[tilespmem:$0x1F100] =	vst v63  }
0xb4: {  	_ =	swait.ge [sflag:s19], $0x2000  }
0xb5: {  	[sflag:s19] =	ssyncset.done $0x0  }
0xb6: {  	[sflag:s19] =	ssyncadd.s32 $0xFFFFE000  }
0xb7: {  	[spmem:s2] =	stream.indirect.scatter.add.f32 [tilespmem:s23], [sflag:$0x5], $0x40, s28, s20, $0xb8;
	[tilespmem:$0x1F100] =	vst v63  }
0xb8: {  	_ =	swait.ge [sflag:s16], $0x2000  }
0xb9: {  	[sflag:s16] =	ssyncset.done $0x0  }
0xba: {  	[sflag:s16] =	ssyncadd.s32 $0xFFFFE000  }
0xbb: {  	[tilespmem:s21], [sflag:$0x1] =	stream.indirect.gather [spmem:s3], $0x40, s29, s20, $0xb8;
	[tilespmem:$0x1F100] =	vst v63  }
0xbc: {  	_ =	swait.ge [sflag:s30], $0x2000  }
0xbd: {  	[sflag:s30] =	ssyncset.done $0x0  }
0xbe: {  	s10 =	simm.s32 $0x16A00;
	[sflag:s30] =	ssyncadd.s32 $0xFFFFE000  }
0xbf: {  	[spmem:s2] =	stream.indirect.scatter.add.f32 [tilespmem:s26], [sflag:$0x6], $0x40, s10, s20, $0xb8;
	[tilespmem:$0x1F100] =	vst v63  }
0xc0: {  	_ =	swait.ge [sflag:s17], $0x2000  }
0xc1: {  	[sflag:s17] =	ssyncset.done $0x0  }
0xc2: {  	s7 =	simm.s32 $0x14200;
	[sflag:s17] =	ssyncadd.s32 $0xFFFFE000  }
0xc3: {  	[tilespmem:s23], [sflag:$0x2] =	stream.indirect.gather [spmem:s3], $0x40, s7, s20, $0xb8;
	[tilespmem:$0x1F100] =	vst v63  }
0xc4: {  	_ =	swait.ge [sflag:s18], $0x2000  }
0xc5: {  	[sflag:s18] =	ssyncset.done $0x0  }
0xc6: {  	s10 =	simm.s32 $0x16A80;
	[sflag:s18] =	ssyncadd.s32 $0xFFFFE000  }
0xc7: {  	[spmem:s2] =	stream.indirect.scatter.add.f32 [tilespmem:s21], [sflag:$0x4], $0x40, s10, s20, $0xb8;
	[tilespmem:$0x1F100] =	vst v63  }
0xc8: {  	_ =	swait.ge [sflag:s31], $0x2000  }
0xc9: {  	[sflag:s31] =	ssyncset.done $0x0  }
0xca: {  	s7 =	simm.s32 $0x14280;
	[sflag:s31] =	ssyncadd.s32 $0xFFFFE000  }
0xcb: {  	[tilespmem:s26], [sflag:$0x3] =	stream.indirect.gather [spmem:s3], $0x40, s7, s20, $0xb8;
	[tilespmem:$0x1F100] =	vst v63  }
0xcc: {  	_ =	swait.ge [sflag:s19], $0x2000  }
0xcd: {  	[sflag:s19] =	ssyncset.done $0x0  }
0xce: {  	s10 =	simm.s32 $0x16B00;
	[sflag:s19] =	ssyncadd.s32 $0xFFFFE000  }
0xcf: {  	[spmem:s2] =	stream.indirect.scatter.add.f32 [tilespmem:s23], [sflag:$0x5], $0x40, s10, s20, $0xb8;
	[tilespmem:$0x1F100] =	vst v63  }
0xd0: {  	_ =	swait.ge [sflag:s16], $0x2000  }
0xd1: {  	[sflag:s16] =	ssyncset.done $0x0  }
0xd2: {  	s7 =	simm.s32 $0x14300;
	[sflag:s16] =	ssyncadd.s32 $0xFFFFE000  }
0xd3: {  	[tilespmem:s21], [sflag:$0x1] =	stream.indirect.gather [spmem:s3], $0x40, s7, s20, $0xb8;
	[tilespmem:$0x1F100] =	vst v63  }
0xd4: {  	_ =	swait.ge [sflag:s30], $0x2000  }
0xd5: {  	[sflag:s30] =	ssyncset.done $0x0  }
0xd6: {  	s10 =	simm.s32 $0x16B80;
	[sflag:s30] =	ssyncadd.s32 $0xFFFFE000  }
0xd7: {  	[spmem:s2] =	stream.indirect.scatter.add.f32 [tilespmem:s26], [sflag:$0x6], $0x40, s10, s20, $0xb8;
	[tilespmem:$0x1F100] =	vst v63  }
0xd8: {  	_ =	swait.ge [sflag:s17], $0x2000  }
0xd9: {  	[sflag:s17] =	ssyncset.done $0x0  }
0xda: {  	s7 =	simm.s32 $0x14380;
	[sflag:s17] =	ssyncadd.s32 $0xFFFFE000  }
0xdb: {  	[tilespmem:s23], [sflag:$0x2] =	stream.indirect.gather [spmem:s3], $0x40, s7, s20, $0xb8;
	[tilespmem:$0x1F100] =	vst v63  }
0xdc: {  	_ =	swait.ge [sflag:s18], $0x2000  }
0xdd: {  	[sflag:s18] =	ssyncset.done $0x0  }
0xde: {  	s10 =	simm.s32 $0x16C00;
	[sflag:s18] =	ssyncadd.s32 $0xFFFFE000  }
0xdf: {  	[spmem:s2] =	stream.indirect.scatter.add.f32 [tilespmem:s21], [sflag:$0x4], $0x40, s10, s20, $0xb8;
	[tilespmem:$0x1F100] =	vst v63  }
0xe0: {  	_ =	swait.ge [sflag:s31], $0x2000  }
0xe1: {  	[sflag:s31] =	ssyncset.done $0x0  }
0xe2: {  	s7 =	simm.s32 $0x14400;
	[sflag:s31] =	ssyncadd.s32 $0xFFFFE000  }
0xe3: {  	[tilespmem:s26], [sflag:$0x3] =	stream.indirect.gather [spmem:s3], $0x40, s7, s20, $0xb8;
	[tilespmem:$0x1F100] =	vst v63  }
0xe4: {  	_ =	swait.ge [sflag:s19], $0x2000  }
0xe5: {  	[sflag:s19] =	ssyncset.done $0x0  }
0xe6: {  	s10 =	simm.s32 $0x16C80;
	[sflag:s19] =	ssyncadd.s32 $0xFFFFE000  }
0xe7: {  	[spmem:s2] =	stream.indirect.scatter.add.f32 [tilespmem:s23], [sflag:$0x5], $0x40, s10, s20, $0xb8;
	[tilespmem:$0x1F100] =	vst v63  }
0xe8: {  	_ =	swait.ge [sflag:s16], $0x2000  }
0xe9: {  	[sflag:s16] =	ssyncset.done $0x0  }
0xea: {  	s4 =	simm.s32 $0xC00;
	s7 =	simm.s32 $0x14480;
	[sflag:s16] =	ssyncadd.s32 $0xFFFFE000  }
.LBB2_4:
0xeb: {  	[tilespmem:s21], [sflag:$0x1] =	stream.indirect.gather [spmem:s3], $0x40, s7, s20, $0xb8;
	[tilespmem:$0x1F100] =	vst v63  }
0xec: {  	s7 =	smov.u32 s4  }
0xed: {  	p0 =	sne.s32 s4, $0x9000;
	s4 =	sadd.s32 $0xC00, s4;
	_ =	swait.ge [sflag:s30], $0x2000  }
0xee: {  	s7 =	sshra.s32 s7, $0x2;
	[sflag:s30] =	ssyncset.done $0x0  }
0xef: {  	s10 =	sadd.s32 $0x16A00, s7;
	[sflag:s30] =	ssyncadd.s32 $0xFFFFE000  }
0xf0: {  	[spmem:s2] =	stream.indirect.scatter.add.f32 [tilespmem:s26], [sflag:$0x6], $0x40, s10, s20, $0xb8;
	[tilespmem:$0x1F100] =	vst v63  }
0xf1: {  	_ =	swait.ge [sflag:s17], $0x2000  }
0xf2: {  	[sflag:s17] =	ssyncset.done $0x0  }
0xf3: {  	s10 =	sadd.s32 $0x14200, s7;
	[sflag:s17] =	ssyncadd.s32 $0xFFFFE000  }
0xf4: {  	[tilespmem:s23], [sflag:$0x2] =	stream.indirect.gather [spmem:s3], $0x40, s10, s20, $0xb8;
	[tilespmem:$0x1F100] =	vst v63  }
0xf5: {  	_ =	swait.ge [sflag:s18], $0x2000  }
0xf6: {  	[sflag:s18] =	ssyncset.done $0x0  }
0xf7: {  	s10 =	sadd.s32 $0x16A80, s7;
	[sflag:s18] =	ssyncadd.s32 $0xFFFFE000  }
0xf8: {  	[spmem:s2] =	stream.indirect.scatter.add.f32 [tilespmem:s21], [sflag:$0x4], $0x40, s10, s20, $0xb8;
	[tilespmem:$0x1F100] =	vst v63  }
0xf9: {  	_ =	swait.ge [sflag:s31], $0x2000  }
0xfa: {  	[sflag:s31] =	ssyncset.done $0x0  }
0xfb: {  	s10 =	sadd.s32 $0x14280, s7;
	[sflag:s31] =	ssyncadd.s32 $0xFFFFE000  }
0xfc: {  	[tilespmem:s26], [sflag:$0x3] =	stream.indirect.gather [spmem:s3], $0x40, s10, s20, $0xb8;
	[tilespmem:$0x1F100] =	vst v63  }
0xfd: {  	_ =	swait.ge [sflag:s19], $0x2000  }
0xfe: {  	[sflag:s19] =	ssyncset.done $0x0  }
0xff: {  	s10 =	sadd.s32 $0x16B00, s7;
	[sflag:s19] =	ssyncadd.s32 $0xFFFFE000  }
0x100: {  	[spmem:s2] =	stream.indirect.scatter.add.f32 [tilespmem:s23], [sflag:$0x5], $0x40, s10, s20, $0xb8;
	[tilespmem:$0x1F100] =	vst v63  }
0x101: {  	_ =	swait.ge [sflag:s16], $0x2000  }
0x102: {  	[sflag:s16] =	ssyncset.done $0x0  }
0x103: {  	s10 =	sadd.s32 $0x14300, s7;
	[sflag:s16] =	ssyncadd.s32 $0xFFFFE000  }
0x104: {  	[tilespmem:s21], [sflag:$0x1] =	stream.indirect.gather [spmem:s3], $0x40, s10, s20, $0xb8;
	[tilespmem:$0x1F100] =	vst v63  }
0x105: {  	_ =	swait.ge [sflag:s30], $0x2000  }
0x106: {  	[sflag:s30] =	ssyncset.done $0x0  }
0x107: {  	s10 =	sadd.s32 $0x16B80, s7;
	[sflag:s30] =	ssyncadd.s32 $0xFFFFE000  }
0x108: {  	[spmem:s2] =	stream.indirect.scatter.add.f32 [tilespmem:s26], [sflag:$0x6], $0x40, s10, s20, $0xb8;
	[tilespmem:$0x1F100] =	vst v63  }
0x109: {  	_ =	swait.ge [sflag:s17], $0x2000  }
0x10a: {  	[sflag:s17] =	ssyncset.done $0x0  }
0x10b: {  	s10 =	sadd.s32 $0x14380, s7;
	[sflag:s17] =	ssyncadd.s32 $0xFFFFE000  }
0x10c: {  	[tilespmem:s23], [sflag:$0x2] =	stream.indirect.gather [spmem:s3], $0x40, s10, s20, $0xb8;
	[tilespmem:$0x1F100] =	vst v63  }
0x10d: {  	_ =	swait.ge [sflag:s18], $0x2000  }
0x10e: {  	[sflag:s18] =	ssyncset.done $0x0  }
0x10f: {  	s10 =	sadd.s32 $0x16C00, s7;
	[sflag:s18] =	ssyncadd.s32 $0xFFFFE000  }
0x110: {  	[spmem:s2] =	stream.indirect.scatter.add.f32 [tilespmem:s21], [sflag:$0x4], $0x40, s10, s20, $0xb8;
	[tilespmem:$0x1F100] =	vst v63  }
0x111: {  	_ =	swait.ge [sflag:s31], $0x2000  }
0x112: {  	[sflag:s31] =	ssyncset.done $0x0  }
0x113: {  	s10 =	sadd.s32 $0x14400, s7;
	[sflag:s31] =	ssyncadd.s32 $0xFFFFE000  }
0x114: {  	[tilespmem:s26], [sflag:$0x3] =	stream.indirect.gather [spmem:s3], $0x40, s10, s20, $0xb8;
	[tilespmem:$0x1F100] =	vst v63  }
0x115: {  	_ =	swait.ge [sflag:s19], $0x2000  }
0x116: {  	[sflag:s19] =	ssyncset.done $0x0  }
.Ltmp1:
0x117: {  	s10 =	sadd.s32 $0x16C80, s7;
	[sflag:s19] =	ssyncadd.s32 $0xFFFFE000;
	(pc) =	sbr.rel @p0 .LBB2_4-.Ltmp1, $4  }
0x118: {  	[spmem:s2] =	stream.indirect.scatter.add.f32 [tilespmem:s23], [sflag:$0x5], $0x40, s10, s20, $0xb8;
	[tilespmem:$0x1F100] =	vst v63  }
0x119: {  	_ =	swait.ge [sflag:s16], $0x2000  }
0x11a: {  	[sflag:s16] =	ssyncset.done $0x0  }
0x11b: {  	s7 =	sadd.s32 $0x14480, s7;
	[sflag:s16] =	ssyncadd.s32 $0xFFFFE000  }
0x11c: {  	[tilespmem:s21], [sflag:$0x1] =	stream.indirect.gather [spmem:s3], $0x40, s7, s20, $0xb8;
	[tilespmem:$0x1F100] =	vst v63  }
0x11d: {  	_ =	swait.ge [sflag:s30], $0x2000  }
0x11e: {  	[sflag:s30] =	ssyncset.done $0x0  }
0x11f: {  	[sflag:s30] =	ssyncadd.s32 $0xFFFFE000  }
0x120: {  	_ =	swait.ge [sflag:s18], $0x2000  }
0x121: {  	[sflag:s18] =	ssyncset.done $0x0  }
0x122: {  	[sflag:s18] =	ssyncadd.s32 $0xFFFFE000  }
0x123: {  	_ =	swait.ge [sflag:s17], $0x2000  }
0x124: {  	[sflag:s17] =	ssyncset.done $0x0  }
0x125: {  	[sflag:s17] =	ssyncadd.s32 $0xFFFFE000  }
0x126: {  	s4 =	sor.u32 $0x1C07, s5;
	[bflag:$0x0] =	sbarrier.arrive $0xFFFF  }
0x127: {  	[hbm:s24], [sflag:s4] =	dma.local [spmem:s11], $0x1400  }
0x128: {  	_ =	swait.ge [sflag:s0], $0x1400  }
0x129: {  	s1 =	sadd.s32 $0x1, s1;
	s10 =	rddreg [dreg:$0x5]  }
0x12a: {  	p0 =	sne.s32 s1, s10  }
.Ltmp2:
0x12b: {  	_ = 	snop;
	(pc) =	sbr.rel @p0 .LBB2_1-.Ltmp2, $3  }
0x12c: {  	_ =	sdelay $0x1  }
0x12d: {  	[sflag:s0] =	ssyncset.done $0x0  }
0x12e: {  	[sflag:s0] =	ssyncadd.s32 $0xFFFFEC00  }
0x12f: {  	_ =	sfence.sel $0x180000  }
0x130: {  	[bflag:$0x0] =	sbarrier.arrive $0xFFFF  }
0x131: {  	_ =	strace $0x9000004A  }
0x132: {  	s0 =	stileid.u32;
	[bflag:$0x2] =	sbarrier.arrive $0xFFFF  }
0x133: {  	p0 =	sne.s32 s0, $0x0;
	s0 =	rddreg [dreg:$0x3]  }
0x134: {  	s0 =	sadd.s32 @!p0 $0x100000, s0  }
0x135: {  	[sflag:s0] =	ssyncadd.tile.s32 @!p0 $0x1;
	_ =	shalt  }
.Lfunc_end2:
_tile_overlayer_lowered:
.L_overlay_start_2:
0x136: {  	(tag) =	ssettag $0x2  }
0x137: {  	s0 =	rddreg [dreg:$0x0];
	s2 =	stileid.u32  }
0x138: {  	s1 =	rddreg [dreg:$0x1];
	p0 =	sne.s32 s2, $0x0  }
0x139: {  	s3 =	rddreg [dreg:$0x2];
	[bflag:$0x3] =	sbarrier.arrive $0xFFFF;
	s2 =	simm.s32 @!p0 $0x1C07  }
0x13a: {  	[timem:s3], [sflag:s2] =	dma.local @!p0 [hbm:s0], s1  }
0x13b: {  	s0 =	simm.s32 @!p0 $0x7  }
0x13c: {  	_ =	swait.ge @!p0 [sflag:s0], s1  }
0x13d: {  	s1 =	ssub.s32 @!p0 $0x0, s1;
	[sflag:s0] =	ssyncset.done @!p0 $0x0  }
0x13e: {  	[sflag:s0] =	ssyncadd.s32 @!p0 s1  }
0x13f: {  	[bflag:$0x3] =	sbarrier.arrive $0xFFFF  }
0x140: {  	_ =	shalt  }

// kernel: kernel.16.cloned.1.call-start
scs
__scs_entry_jumppad:
0x0: {  	(pc) =	sbr.rel $0x88, $3  }
0x1: {  	(tag) =	ssettag $0x0;
	lr =	simm.s32 $0x1  }
0x2: {  	[smem:$0x3F83] =	sst lr;
	_ =	strace $0xD0000000  }
0x3: {  	_ = 	snop  }
0x4: {  	_ = 	snop  }
0x5: {  	_ = 	snop  }
0x6: {  	_ = 	snop  }
0x7: {  	_ = 	snop  }
__scs_overlays_trampoline_lowered:
0x8: {  	[smem:$0x3F92] =	sst s0  }
0x9: {  	[smem:$0x3F93] =	sst s1  }
0xa: {  	[smem:$0x3F94] =	sst s2  }
0xb: {  	[smem:$0x3F95] =	sst s3  }
0xc: {  	[smem:$0x3F96] =	sst s4  }
0xd: {  	[smem:$0x3F97] =	sst s5  }
0xe: {  	[smem:$0x3F98] =	sst s6  }
0xf: {  	[smem:$0x3F99] =	sst s7  }
0x10: {  	[smem:$0x3F9A] =	sst s8  }
0x11: {  	[smem:$0x3F9B] =	sst s9;
	s0 =	simm.s32 @!p0 $0x0  }
0x12: {  	s1 =	sld [smem:$0x3F81];
	s0 =	simm.s32 @p0 $0x1  }
0x13: {  	[smem:$0x3F9C] =	sst s0;
	s0 =	simm.s32 @!p1 $0x0  }
0x14: {  	s2 =	sld [smem:$0x3F80];
	s0 =	simm.s32 @p1 $0x1  }
0x15: {  	[smem:$0x3F9D] =	sst s0;
	s0 =	simm.s32 @!p2 $0x0  }
0x16: {  	s3 =	sld [smem:$0x3FDB];
	s0 =	simm.s32 @p2 $0x1  }
0x17: {  	s4 =	simm.s32 $0x1BF5;
	[smem:$0x3F9F] =	sst s0  }
0x18: {  	s0 =	sld [smem:$0x3F82];
	_ =	swait.ge [sflag:s4], $0x0  }
0x19: {  	s7 =	sld [smem:$0x3F83]  }
0x1a: {  	s8 =	sadd.s32 $0xFFFFE003, lr  }
0x1b: {  	s9 =	sadd.s32 $0xFFFFFEF7, lr;
	s5 =	simm.s32 $0xFFFFFFFF;
	p2 =	slt.u32 s8, $0xFFFFF086  }
0x1c: {  	p1 =	slt.u32 s9, $0xF7A;
	s5 =	simm.s32 @!p2 $0x0  }
0x1d: {  	s5 =	simm.s32 @p1 $0x1;
	p0 =	seq.s32 s7, s2  }
0x1e: {  	s7 =	smul.u32 @!p0 $0xF7A, s2;
	p2 =	seq.s32 @!p0 s5, $0x0  }
0x1f: {  	s9 =	smul.u32 $0xF7A, s1;
	s8 =	simm.s32 @!p0 $0x1BF5;
	p2 =	por !p2, p0  }
0x20: {  	[sflag:s8] =	ssyncset.s32 @!p0 $0xFFFFF086;
	s6 =	sadd.s32 @!p0 s3, s7;
	s7 =	simm.s32 @!p0 $0x108  }
0x21: {  	s3 =	sadd.s32 s3, s9;
	s6 =	sadd.s32 @!p0 $0x88, s6;
	s7 =	simm.s32 @p2 $0x1082  }
0x22: {  	[simem:s7], [sflag:s8] =	dma.local @!p0 [hbm:s6], $0xF7A  }
0x23: {  	s9 =	sor.u32 $0xD0000000, s2;
	s6 =	simm.s32 $0x108;
	_ =	swait.ge @!p0 [sflag:s8], $0x0  }
0x24: {  	s3 =	sadd.s32 $0x88, s3;
	s6 =	simm.s32 @!p1 $0x1082;
	[sflag:s4] =	ssyncset.s32 $0xFFFFF086  }
0x25: {  	[simem:s6], [sflag:s4] =	dma.local [hbm:s3], $0xF7A  }
0x26: {  	[smem:$0x3F83] =	sst s1;
	(tag) =	ssettag s2;
	_ =	strace s9  }
0x27: {  	s1 =	sld [smem:$0x3F93]  }
0x28: {  	s2 =	sld [smem:$0x3F94]  }
0x29: {  	s4 =	sld [smem:$0x3F96]  }
0x2a: {  	p0 =	seq.s32 s5, $0x0;
	s5 =	sld [smem:$0x3F97]  }
0x2b: {  	s6 =	sld [smem:$0x3F98]  }
0x2c: {  	s7 =	sld [smem:$0x3F99]  }
0x2d: {  	s3 =	simm.s32 $0x108;
	s8 =	sld [smem:$0x3F9A]  }
0x2e: {  	s3 =	simm.s32 @!p0 $0x1082;
	s9 =	sld [smem:$0x3F9B]  }
0x2f: {  	lr =	sadd.s32 s0, s3;
	s0 =	sld [smem:$0x3F92]  }
0x30: {  	s3 =	sld [smem:$0x3F95]  }
0x31: {  	[smem:$0x3F9E] =	sst s10  }
0x32: {  	s10 =	sld [smem:$0x3F9C];
	_ =	sdelay $0x3  }
0x33: {  	p0 =	seq.s32 s10, $0x1;
	s10 =	sld [smem:$0x3F9E];
	_ =	sdelay $0x3  }
0x34: {  	[smem:$0x3F9E] =	sst s10  }
0x35: {  	s10 =	sld [smem:$0x3F9D];
	_ =	sdelay $0x3  }
0x36: {  	p1 =	seq.s32 s10, $0x1;
	s10 =	sld [smem:$0x3F9E];
	_ =	sdelay $0x3  }
0x37: {  	[smem:$0x3F9E] =	sst s10  }
0x38: {  	s10 =	sld [smem:$0x3F9F]  }
0x39: {  	_ = 	snop;
	(pc) =	sbr.ind lr, $3  }
0x3a: {  	_ = 	snop  }
0x3b: {  	_ = 	snop  }
0x3c: {  	p2 =	seq.s32 s10, $0x1;
	s10 =	sld [smem:$0x3F9E]  }
0x3d: {  	_ =	shalt  }
0x3e: {  	_ =	shalt  }
0x3f: {  	_ =	shalt  }
0x40: {  	_ =	shalt  }
0x41: {  	_ =	shalt  }
0x42: {  	_ =	shalt  }
0x43: {  	_ =	shalt  }
0x44: {  	_ =	shalt  }
0x45: {  	_ =	shalt  }
0x46: {  	_ =	shalt  }
0x47: {  	_ =	shalt  }
0x48: {  	_ =	shalt  }
0x49: {  	_ =	shalt  }
0x4a: {  	_ =	shalt  }
0x4b: {  	_ =	shalt  }
0x4c: {  	_ =	shalt  }
0x4d: {  	_ =	shalt  }
0x4e: {  	_ =	shalt  }
0x4f: {  	_ =	shalt  }
0x50: {  	_ =	shalt  }
0x51: {  	_ =	shalt  }
0x52: {  	_ =	shalt  }
0x53: {  	_ =	shalt  }
0x54: {  	_ =	shalt  }
0x55: {  	_ =	shalt  }
0x56: {  	_ =	shalt  }
0x57: {  	_ =	shalt  }
0x58: {  	_ =	shalt  }
0x59: {  	_ =	shalt  }
0x5a: {  	_ =	shalt  }
0x5b: {  	_ =	shalt  }
0x5c: {  	_ =	shalt  }
0x5d: {  	_ =	shalt  }
0x5e: {  	_ =	shalt  }
0x5f: {  	_ =	shalt  }
0x60: {  	_ =	shalt  }
0x61: {  	_ =	shalt  }
0x62: {  	_ =	shalt  }
0x63: {  	_ =	shalt  }
0x64: {  	_ =	shalt  }
0x65: {  	_ =	shalt  }
0x66: {  	_ =	shalt  }
0x67: {  	_ =	shalt  }
0x68: {  	_ =	shalt  }
0x69: {  	_ =	shalt  }
0x6a: {  	_ =	shalt  }
0x6b: {  	_ =	shalt  }
0x6c: {  	_ =	shalt  }
0x6d: {  	_ =	shalt  }
0x6e: {  	_ =	shalt  }
0x6f: {  	_ =	shalt  }
0x70: {  	_ =	shalt  }
0x71: {  	_ =	shalt  }
0x72: {  	_ =	shalt  }
0x73: {  	_ =	shalt  }
0x74: {  	_ =	shalt  }
0x75: {  	_ =	shalt  }
0x76: {  	_ =	shalt  }
0x77: {  	_ =	shalt  }
0x78: {  	_ =	shalt  }
0x79: {  	_ =	shalt  }
0x7a: {  	_ =	shalt  }
0x7b: {  	_ =	shalt  }
0x7c: {  	_ =	shalt  }
0x7d: {  	_ =	shalt  }
0x7e: {  	_ =	shalt  }
0x7f: {  	_ =	shalt  }
0x80: {  	_ =	shalt  }
0x81: {  	_ =	shalt  }
0x82: {  	_ =	shalt  }
0x83: {  	_ =	shalt  }
0x84: {  	_ =	shalt  }
0x85: {  	_ =	shalt  }
0x86: {  	_ =	shalt  }
0x87: {  	_ =	shalt  }
.Lfunc_end0:
.L_simem_size_0:
called_computation.2_lowered:
.L_overlay_start_0:
0x88: {  	s2 =	sld [smem:$0x3FD9]  }
0x89: {  	s3 =	sld [smem:$0x3FFE];
	_ =	sdelay $0x1  }
0x8a: {  	s1 =	srdreg.scid  }
0x8b: {  	s0 =	sand.u32 $0x1, s1  }
0x8c: {  	s16 =	sshll.u32 s0, $0xA;
	s2 =	sadd.s32 s3, s2  }
0x8d: {  	s2 =	sadd.s32 s2, s16  }
0x8e: {  	[smem:$0x3FAA] =	sst s2  }
0x8f: {  	_ = 	snop  }
0x90: {  	(tm) =	ssettm $0x1  }
0x91: {  	s17 =	sld [smem:$0x3FFB];
	_ =	sdelay $0x3  }
0x92: {  	_ =	strace s17  }
0x93: {  	s2 =	sld [smem:$0x3FFC];
	_ =	sdelay $0x3  }
0x94: {  	_ =	strace s2  }
0x95: {  	s2 =	sld [smem:$0x3FFD];
	_ =	sdelay $0x3  }
0x96: {  	_ =	strace s2  }
0x97: {  	_ =	strace $0x8FFFFFFF  }
0x98: {  	s18 =	sld [smem:$0x3FDB];
	_ =	sdelay $0x1  }
0x99: {  	s19 =	simm.s32 $_scs_section_size  }
0x9a: {  	s4 =	simm.s32 $_size__tile_overlayer_lowered;
	s5 =	simm.s32 $_tile_overlayer_lowered  }
0x9b: {  	s22 =	simm.s32 $0x1BFF;
	s21 =	sshll.u32 s5, $0x1;
	s2 =	sadd.s32 s19, s18  }
0x9c: {  	s6 =	simm.s32 $0x0;
	s20 =	sshll.u32 s4, $0x1;
	s4 =	sadd.s32 s21, s2  }
0x9d: {  	[timem:s6], [sflag:s22] =	dma.local [hbm:s4], s20  }
0x9e: {  	_ =	swait.ge [sflag:s22], s20  }
0x9f: {  	s3 =	ssub.s32 $0x0, s20;
	[sflag:s22] =	ssyncset.done $0x0  }
0xa0: {  	[sflag:s22] =	ssyncadd.s32 s3;
	_ =	sdelay $0x1  }
0xa1: {  	s23 =	simm.s32 $0x1B8B  }
0xa2: {  	_ =	swait.ge [sflag:s23], $0x1  }
0xa3: {  	[sflag:s23] =	ssyncset.done $0x0  }
0xa4: {  	s25 =	simm.s32 $0x1B8E;
	s24 =	sld [smem:$0x3FFE];
	[sflag:s23] =	ssyncadd.s32 $0xFFFFFFFF  }
0xa5: {  	s26 =	simm.s32 $execute0_lowered;
	[smem:$0x3FD2] =	sst s25  }
0xa6: {  	s4 =	sshll.u32 s26, $0x1;
	_ =	strace $0x8000004C;
	[dreg:$0x1] =	wrdreg $0xFFFFFFFF  }
0xa7: {  	s28 =	simm.s32 $_size_execute0_lowered;
	s2 =	sadd.s32 s2, s4;
	[dreg:$0x0] =	wrdreg $0x0  }
0xa8: {  	s4 =	sshll.u32 s28, $0x1;
	[dreg:$0x2] =	wrdreg s2  }
0xa9: {  	[dreg:$0x3] =	wrdreg s4  }
0xaa: {  	[dreg:$0x4] =	wrdreg $0xC0  }
0xab: {  	_ =	task [dreg:s6], $0x5FFFF  }
0xac: {  	[dreg:$0x1] =	wrdreg $0xFFFFFFFF  }
0xad: {  	[dreg:$0x0] =	wrdreg $0x60  }
0xae: {  	[dreg:$0x2] =	wrdreg s24  }
0xaf: {  	[dreg:$0x3] =	wrdreg $0x0  }
0xb0: {  	[dreg:$0x4] =	wrdreg $0xA0000  }
0xb1: {  	[dreg:$0x5] =	wrdreg $0x9  }
0xb2: {  	_ =	task.clear_ibuf [dreg:s6], $0x6FFFF;
	_ =	strace $0x9000004C  }
0xb3: {  	s29 =	simm.s32 $0x9;
	_ =	strace $0x8000004E  }
0xb4: {  	_ =	swait.ge [sflag:s29], $0x1  }
0xb5: {  	[sflag:s29] =	ssyncadd.s32 $0xFFFFFFFF  }
0xb6: {  	_ =	strace $0x9000004E  }
0xb7: {  	_ =	sfence  }
0xb8: {  	s30 =	sld [smem:$0x0];
	_ =	sdelay $0x2  }
0xb9: {  	s31 =	sshll.u32 s1, $0xD;
	s1 =	sshrl.u32 s1, $0x2  }
0xba: {  	s3 =	sand.u32 $0x4000, s31;
	s1 =	sadd.s32 s1, s30  }
0xbb: {  	s0 =	sor.u32 s3, s0;
	s1 =	sshll.u32 s1, $0x11  }
0xbc: {  	s0 =	sor.u32 s1, s0  }
0xbd: {  	s0 =	sadd.s32 $0x8F2B, s0  }
0xbe: {  	[sflag:s0] =	ssyncadd.remote.s32 $0x1  }
0xbf: {  	_ =	sfence.sel $0xFFFF  }
0xc0: {  	[dreg:$0x0] =	wrdreg $0xFFFFFFFF;
	(pc) =	sbr.abs _section_cstart, $3  }
0xc1: {  	[dreg:$0x1] =	wrdreg $0xFFFFFFFF  }
0xc2: {  	_ =	task.clear_ibuf [dreg:s6], $0x2FFFF;
	_ =	strace $0x9FFFFFFF  }
0xc3: {  	(tm) =	ssettm $0x7FFFFFFF  }
tec
execute0_lowered:
.L_overlay_start_1:
0x0: {  	(tag) =	ssettag $0x1  }
0x1: {  	s0 =	rddreg [dreg:$0x0]  }
0x2: {  	s2 =	rddreg [dreg:$0x1]  }
0x3: {  	s3 =	rddreg [dreg:$0x2]  }
0x4: {  	s8 =	stileid.u32;
	s4 =	srdreg.scid;
	s6 =	simm.s32 $0x0  }
0x5: {  	s14 =	simm.s32 $0x14000;
	s15 =	simm.s32 $0x16900;
	s16 =	simm.s32 $0x4  }
0x6: {  	s17 =	simm.s32 $0x5;
	s18 =	simm.s32 $0x1;
	s19 =	simm.s32 $0x2  }
0x7: {  	s20 =	simm.s32 $0x80;
	s21 =	simm.s32 $0x19100;
	s22 =	simm.s32 $0x14080  }
0x8: {  	s23 =	simm.s32 $0x1B100;
	s28 =	simm.s32 $0x16980;
	s1 =	smul.u32 $0xA40, s8  }
0x9: {  	s29 =	simm.s32 $0x14180;
	s30 =	simm.s32 $0x3;
	s5 =	smul.u32 $0xA00, s8  }
0xa: {  	s4 =	sand.u32 $0x1, s4;
	[smem:$0x7FF] =	sst s6;
	s7 =	smul.u32 $0xA000, s8  }
0xb: {  	s31 =	simm.s32 $0x6;
	s24 =	smul.u32 $0x14000, s4;
	_ =	strace $0x8000004D  }
0xc: {  	s4 =	ssub.s32 $0x2, s4;
	s1 =	sadd.s32 s1, s0;
	s9 =	sadd.s32 s5, s0  }
0xd: {  	s25 =	sshrl.u32 s4, $0x1;
	s5 =	sshll.u32 s8, $0x6;
	s11 =	sadd.s32 s7, s2  }
0xe: {  	s0 =	sadd.s32 s24, s0;
	s24 =	sshrl.u32 s7, $0x3;
	s4 =	ssub.s32 s4, s25  }
0xf: {  	s8 =	sor.u32 $0x1C04, s5;
	s7 =	sadd.s32 s7, s3;
	s9 =	sadd.s32 $0xE200, s9  }
0x10: {  	s11 =	sshrl.u32 s11, $0x3;
	s12 =	sor.u32 $0x1C05, s5;
	s25 =	simm.s32 $0x14100  }
0x11: {  	s6 =	sadd.s32 s24, s0;
	[dreg:$0x4] =	wrdreg s8;
	s8 =	sadd.s32 $0x3E00, s1  }
0x12: {  	s0 =	sadd.s32 $0x40200, s0;
	s26 =	smax.u32 s4, $0x1;
	s13 =	sshrl.u32 s7, $0x3  }
0x13: {  	s1 =	simm.s32 $0x0;
	s6 =	sadd.s32 $0x18200, s6;
	[dreg:$0x5] =	wrdreg s26  }
0x14: {  	s24 =	sadd.s32 s24, s0;
	s26 =	simm.s32 $0x1D100;
	s0 =	simm.s32 $0x7  }
.LBB2_1:
0x15: {  	s4 =	rddreg [dreg:$0x4];
	s7 =	simm.s32 $0x0  }
0x16: {  	[spmem:s11], [sflag:s4] =	dma.local [hbm:s6], $0x1400  }
0x17: {  	[spmem:s13], [sflag:s12] =	dma.local [hbm:s6], $0x1400  }
0x18: {  	[tilespmem:s14], [sflag:$0x1] =	stream.linear.gather [hbm4b:s8+s7], $0x2900, $0x38;
	[tilespmem:$0x1F100] =	vst v63  }
0x19: {  	_ = 	snop  }
0x1a: {  	[tilespmem:s15], [sflag:$0x2] =	stream.linear.gather [hbm4b:s9+s7], $0x2800, $0x38;
	[tilespmem:$0x1F100] =	vst v63  }
0x1b: {  	_ =	swait.ge [sflag:s16], $0x1400  }
0x1c: {  	[sflag:s16] =	ssyncset.done $0x0  }
0x1d: {  	[sflag:s16] =	ssyncadd.s32 $0xFFFFEC00  }
0x1e: {  	_ =	swait.ge [sflag:s17], $0x1400  }
0x1f: {  	[sflag:s17] =	ssyncset.done $0x0  }
0x20: {  	[sflag:s17] =	ssyncadd.s32 $0xFFFFEC00  }
0x21: {  	[bflag:$0x0] =	sbarrier.arrive $0xFFFF  }
0x22: {  	_ =	swait.ge [sflag:s18], $0x2900  }
0x23: {  	[sflag:s18] =	ssyncset.done $0x0  }
0x24: {  	[sflag:s18] =	ssyncadd.s32 $0xFFFFD700  }
0x25: {  	_ =	swait.ge [sflag:s19], $0x2800  }
0x26: {  	[sflag:s19] =	ssyncset.done $0x0  }
0x27: {  	[sflag:s19] =	ssyncadd.s32 $0xFFFFD800  }
0x28: {  	[tilespmem:s21], [sflag:$0x1] =	stream.indirect.gather [spmem:s3], $0x40, s14, s20, $0xb8;
	[tilespmem:$0x1F100] =	vst v63  }
0x29: {  	_ = 	snop  }
0x2a: {  	[tilespmem:s23], [sflag:$0x2] =	stream.indirect.gather [spmem:s3], $0x40, s22, s20, $0xb8;
	[tilespmem:$0x1F100] =	vst v63  }
0x2b: {  	_ =	swait.ge [sflag:s18], $0x2000  }
0x2c: {  	[sflag:s18] =	ssyncset.done $0x0  }
0x2d: {  	[sflag:s18] =	ssyncadd.s32 $0xFFFFE000  }
0x2e: {  	[spmem:s2] =	stream.indirect.scatter.add.f32 [tilespmem:s21], [sflag:$0x4], $0x40, s15, s20, $0xb8;
	[tilespmem:$0x1F100] =	vst v63  }
0x2f: {  	_ = 	snop  }
0x30: {  	[tilespmem:s26], [sflag:$0x3] =	stream.indirect.gather [spmem:s3], $0x40, s25, s20, $0xb8;
	[tilespmem:$0x1F100] =	vst v63  }
0x31: {  	_ =	swait.ge [sflag:s19], $0x2000  }
0x32: {  	[sflag:s19] =	ssyncset.done $0x0  }
0x33: {  	[sflag:s19] =	ssyncadd.s32 $0xFFFFE000  }
0x34: {  	[spmem:s2] =	stream.indirect.scatter.add.f32 [tilespmem:s23], [sflag:$0x5], $0x40, s28, s20, $0xb8;
	[tilespmem:$0x1F100] =	vst v63  }
0x35: {  	_ =	swait.ge [sflag:s16], $0x2000  }
0x36: {  	[sflag:s16] =	ssyncset.done $0x0  }
0x37: {  	[sflag:s16] =	ssyncadd.s32 $0xFFFFE000  }
0x38: {  	[tilespmem:s21], [sflag:$0x1] =	stream.indirect.gather [spmem:s3], $0x40, s29, s20, $0xb8;
	[tilespmem:$0x1F100] =	vst v63  }
0x39: {  	_ =	swait.ge [sflag:s30], $0x2000  }
0x3a: {  	[sflag:s30] =	ssyncset.done $0x0  }
0x3b: {  	s10 =	simm.s32 $0x16A00;
	[sflag:s30] =	ssyncadd.s32 $0xFFFFE000  }
0x3c: {  	[spmem:s2] =	stream.indirect.scatter.add.f32 [tilespmem:s26], [sflag:$0x6], $0x40, s10, s20, $0xb8;
	[tilespmem:$0x1F100] =	vst v63  }
0x3d: {  	_ =	swait.ge [sflag:s17], $0x2000  }
0x3e: {  	[sflag:s17] =	ssyncset.done $0x0  }
0x3f: {  	s7 =	simm.s32 $0x14200;
	[sflag:s17] =	ssyncadd.s32 $0xFFFFE000  }
0x40: {  	[tilespmem:s23], [sflag:$0x2] =	stream.indirect.gather [spmem:s3], $0x40, s7, s20, $0xb8;
	[tilespmem:$0x1F100] =	vst v63  }
0x41: {  	_ =	swait.ge [sflag:s18], $0x2000  }
0x42: {  	[sflag:s18] =	ssyncset.done $0x0  }
0x43: {  	s10 =	simm.s32 $0x16A80;
	[sflag:s18] =	ssyncadd.s32 $0xFFFFE000  }
0x44: {  	[spmem:s2] =	stream.indirect.scatter.add.f32 [tilespmem:s21], [sflag:$0x4], $0x40, s10, s20, $0xb8;
	[tilespmem:$0x1F100] =	vst v63  }
0x45: {  	_ =	swait.ge [sflag:s31], $0x2000  }
0x46: {  	[sflag:s31] =	ssyncset.done $0x0  }
0x47: {  	s7 =	simm.s32 $0x14280;
	[sflag:s31] =	ssyncadd.s32 $0xFFFFE000  }
0x48: {  	[tilespmem:s26], [sflag:$0x3] =	stream.indirect.gather [spmem:s3], $0x40, s7, s20, $0xb8;
	[tilespmem:$0x1F100] =	vst v63  }
0x49: {  	_ =	swait.ge [sflag:s19], $0x2000  }
0x4a: {  	[sflag:s19] =	ssyncset.done $0x0  }
0x4b: {  	s10 =	simm.s32 $0x16B00;
	[sflag:s19] =	ssyncadd.s32 $0xFFFFE000  }
0x4c: {  	[spmem:s2] =	stream.indirect.scatter.add.f32 [tilespmem:s23], [sflag:$0x5], $0x40, s10, s20, $0xb8;
	[tilespmem:$0x1F100] =	vst v63  }
0x4d: {  	_ =	swait.ge [sflag:s16], $0x2000  }
0x4e: {  	[sflag:s16] =	ssyncset.done $0x0  }
0x4f: {  	s7 =	simm.s32 $0x14300;
	[sflag:s16] =	ssyncadd.s32 $0xFFFFE000  }
0x50: {  	[tilespmem:s21], [sflag:$0x1] =	stream.indirect.gather [spmem:s3], $0x40, s7, s20, $0xb8;
	[tilespmem:$0x1F100] =	vst v63  }
0x51: {  	_ =	swait.ge [sflag:s30], $0x2000  }
0x52: {  	[sflag:s30] =	ssyncset.done $0x0  }
0x53: {  	s10 =	simm.s32 $0x16B80;
	[sflag:s30] =	ssyncadd.s32 $0xFFFFE000  }
0x54: {  	[spmem:s2] =	stream.indirect.scatter.add.f32 [tilespmem:s26], [sflag:$0x6], $0x40, s10, s20, $0xb8;
	[tilespmem:$0x1F100] =	vst v63  }
0x55: {  	_ =	swait.ge [sflag:s17], $0x2000  }
0x56: {  	[sflag:s17] =	ssyncset.done $0x0  }
0x57: {  	s7 =	simm.s32 $0x14380;
	[sflag:s17] =	ssyncadd.s32 $0xFFFFE000  }
0x58: {  	[tilespmem:s23], [sflag:$0x2] =	stream.indirect.gather [spmem:s3], $0x40, s7, s20, $0xb8;
	[tilespmem:$0x1F100] =	vst v63  }
0x59: {  	_ =	swait.ge [sflag:s18], $0x2000  }
0x5a: {  	[sflag:s18] =	ssyncset.done $0x0  }
0x5b: {  	s10 =	simm.s32 $0x16C00;
	[sflag:s18] =	ssyncadd.s32 $0xFFFFE000  }
0x5c: {  	[spmem:s2] =	stream.indirect.scatter.add.f32 [tilespmem:s21], [sflag:$0x4], $0x40, s10, s20, $0xb8;
	[tilespmem:$0x1F100] =	vst v63  }
0x5d: {  	_ =	swait.ge [sflag:s31], $0x2000  }
0x5e: {  	[sflag:s31] =	ssyncset.done $0x0  }
0x5f: {  	s7 =	simm.s32 $0x14400;
	[sflag:s31] =	ssyncadd.s32 $0xFFFFE000  }
0x60: {  	[tilespmem:s26], [sflag:$0x3] =	stream.indirect.gather [spmem:s3], $0x40, s7, s20, $0xb8;
	[tilespmem:$0x1F100] =	vst v63  }
0x61: {  	_ =	swait.ge [sflag:s19], $0x2000  }
0x62: {  	[sflag:s19] =	ssyncset.done $0x0  }
0x63: {  	s10 =	simm.s32 $0x16C80;
	[sflag:s19] =	ssyncadd.s32 $0xFFFFE000  }
0x64: {  	[spmem:s2] =	stream.indirect.scatter.add.f32 [tilespmem:s23], [sflag:$0x5], $0x40, s10, s20, $0xb8;
	[tilespmem:$0x1F100] =	vst v63  }
0x65: {  	_ =	swait.ge [sflag:s16], $0x2000  }
0x66: {  	[sflag:s16] =	ssyncset.done $0x0  }
0x67: {  	s4 =	simm.s32 $0xC00;
	s7 =	simm.s32 $0x14480;
	[sflag:s16] =	ssyncadd.s32 $0xFFFFE000  }
.LBB2_2:
0x68: {  	[tilespmem:s21], [sflag:$0x1] =	stream.indirect.gather [spmem:s3], $0x40, s7, s20, $0xb8;
	[tilespmem:$0x1F100] =	vst v63  }
0x69: {  	s7 =	smov.u32 s4  }
0x6a: {  	p0 =	sne.s32 s4, $0x9000;
	s4 =	sadd.s32 $0xC00, s4;
	_ =	swait.ge [sflag:s30], $0x2000  }
0x6b: {  	s7 =	sshra.s32 s7, $0x2;
	[sflag:s30] =	ssyncset.done $0x0  }
0x6c: {  	s10 =	sadd.s32 $0x16A00, s7;
	[sflag:s30] =	ssyncadd.s32 $0xFFFFE000  }
0x6d: {  	[spmem:s2] =	stream.indirect.scatter.add.f32 [tilespmem:s26], [sflag:$0x6], $0x40, s10, s20, $0xb8;
	[tilespmem:$0x1F100] =	vst v63  }
0x6e: {  	_ =	swait.ge [sflag:s17], $0x2000  }
0x6f: {  	[sflag:s17] =	ssyncset.done $0x0  }
0x70: {  	s10 =	sadd.s32 $0x14200, s7;
	[sflag:s17] =	ssyncadd.s32 $0xFFFFE000  }
0x71: {  	[tilespmem:s23], [sflag:$0x2] =	stream.indirect.gather [spmem:s3], $0x40, s10, s20, $0xb8;
	[tilespmem:$0x1F100] =	vst v63  }
0x72: {  	_ =	swait.ge [sflag:s18], $0x2000  }
0x73: {  	[sflag:s18] =	ssyncset.done $0x0  }
0x74: {  	s10 =	sadd.s32 $0x16A80, s7;
	[sflag:s18] =	ssyncadd.s32 $0xFFFFE000  }
0x75: {  	[spmem:s2] =	stream.indirect.scatter.add.f32 [tilespmem:s21], [sflag:$0x4], $0x40, s10, s20, $0xb8;
	[tilespmem:$0x1F100] =	vst v63  }
0x76: {  	_ =	swait.ge [sflag:s31], $0x2000  }
0x77: {  	[sflag:s31] =	ssyncset.done $0x0  }
0x78: {  	s10 =	sadd.s32 $0x14280, s7;
	[sflag:s31] =	ssyncadd.s32 $0xFFFFE000  }
0x79: {  	[tilespmem:s26], [sflag:$0x3] =	stream.indirect.gather [spmem:s3], $0x40, s10, s20, $0xb8;
	[tilespmem:$0x1F100] =	vst v63  }
0x7a: {  	_ =	swait.ge [sflag:s19], $0x2000  }
0x7b: {  	[sflag:s19] =	ssyncset.done $0x0  }
0x7c: {  	s10 =	sadd.s32 $0x16B00, s7;
	[sflag:s19] =	ssyncadd.s32 $0xFFFFE000  }
0x7d: {  	[spmem:s2] =	stream.indirect.scatter.add.f32 [tilespmem:s23], [sflag:$0x5], $0x40, s10, s20, $0xb8;
	[tilespmem:$0x1F100] =	vst v63  }
0x7e: {  	_ =	swait.ge [sflag:s16], $0x2000  }
0x7f: {  	[sflag:s16] =	ssyncset.done $0x0  }
0x80: {  	s10 =	sadd.s32 $0x14300, s7;
	[sflag:s16] =	ssyncadd.s32 $0xFFFFE000  }
0x81: {  	[tilespmem:s21], [sflag:$0x1] =	stream.indirect.gather [spmem:s3], $0x40, s10, s20, $0xb8;
	[tilespmem:$0x1F100] =	vst v63  }
0x82: {  	_ =	swait.ge [sflag:s30], $0x2000  }
0x83: {  	[sflag:s30] =	ssyncset.done $0x0  }
0x84: {  	s10 =	sadd.s32 $0x16B80, s7;
	[sflag:s30] =	ssyncadd.s32 $0xFFFFE000  }
0x85: {  	[spmem:s2] =	stream.indirect.scatter.add.f32 [tilespmem:s26], [sflag:$0x6], $0x40, s10, s20, $0xb8;
	[tilespmem:$0x1F100] =	vst v63  }
0x86: {  	_ =	swait.ge [sflag:s17], $0x2000  }
0x87: {  	[sflag:s17] =	ssyncset.done $0x0  }
0x88: {  	s10 =	sadd.s32 $0x14380, s7;
	[sflag:s17] =	ssyncadd.s32 $0xFFFFE000  }
0x89: {  	[tilespmem:s23], [sflag:$0x2] =	stream.indirect.gather [spmem:s3], $0x40, s10, s20, $0xb8;
	[tilespmem:$0x1F100] =	vst v63  }
0x8a: {  	_ =	swait.ge [sflag:s18], $0x2000  }
0x8b: {  	[sflag:s18] =	ssyncset.done $0x0  }
0x8c: {  	s10 =	sadd.s32 $0x16C00, s7;
	[sflag:s18] =	ssyncadd.s32 $0xFFFFE000  }
0x8d: {  	[spmem:s2] =	stream.indirect.scatter.add.f32 [tilespmem:s21], [sflag:$0x4], $0x40, s10, s20, $0xb8;
	[tilespmem:$0x1F100] =	vst v63  }
0x8e: {  	_ =	swait.ge [sflag:s31], $0x2000  }
0x8f: {  	[sflag:s31] =	ssyncset.done $0x0  }
0x90: {  	s10 =	sadd.s32 $0x14400, s7;
	[sflag:s31] =	ssyncadd.s32 $0xFFFFE000  }
0x91: {  	[tilespmem:s26], [sflag:$0x3] =	stream.indirect.gather [spmem:s3], $0x40, s10, s20, $0xb8;
	[tilespmem:$0x1F100] =	vst v63  }
0x92: {  	_ =	swait.ge [sflag:s19], $0x2000  }
0x93: {  	[sflag:s19] =	ssyncset.done $0x0  }
.Ltmp0:
0x94: {  	s10 =	sadd.s32 $0x16C80, s7;
	[sflag:s19] =	ssyncadd.s32 $0xFFFFE000;
	(pc) =	sbr.rel @p0 .LBB2_2-.Ltmp0, $4  }
0x95: {  	[spmem:s2] =	stream.indirect.scatter.add.f32 [tilespmem:s23], [sflag:$0x5], $0x40, s10, s20, $0xb8;
	[tilespmem:$0x1F100] =	vst v63  }
0x96: {  	_ =	swait.ge [sflag:s16], $0x2000  }
0x97: {  	[sflag:s16] =	ssyncset.done $0x0  }
0x98: {  	s7 =	sadd.s32 $0x14480, s7;
	[sflag:s16] =	ssyncadd.s32 $0xFFFFE000  }
0x99: {  	[tilespmem:s21], [sflag:$0x1] =	stream.indirect.gather [spmem:s3], $0x40, s7, s20, $0xb8;
	[tilespmem:$0x1F100] =	vst v63  }
0x9a: {  	_ =	swait.ge [sflag:s30], $0x2000  }
0x9b: {  	[sflag:s30] =	ssyncset.done $0x0  }
0x9c: {  	[sflag:s30] =	ssyncadd.s32 $0xFFFFE000  }
0x9d: {  	_ =	swait.ge [sflag:s18], $0x2000  }
0x9e: {  	[sflag:s18] =	ssyncset.done $0x0  }
0x9f: {  	[sflag:s18] =	ssyncadd.s32 $0xFFFFE000  }
0xa0: {  	_ =	swait.ge [sflag:s17], $0x2000  }
0xa1: {  	[sflag:s17] =	ssyncset.done $0x0  }
0xa2: {  	s4 =	sadd.s32 $0x520, s8;
	s7 =	simm.s32 $0x0;
	[sflag:s17] =	ssyncadd.s32 $0xFFFFE000  }
0xa3: {  	[tilespmem:s14], [sflag:$0x7] =	stream.linear.gather [hbm4b:s4+s7], $0x2900, $0x38;
	[tilespmem:$0x1F100] =	vst v63  }
0xa4: {  	_ =	swait.ge [sflag:s0], $0x2900  }
0xa5: {  	[sflag:s0] =	ssyncset.done $0x0  }
0xa6: {  	s10 =	sadd.s32 $0x500, s9;
	[sflag:s0] =	ssyncadd.s32 $0xFFFFD700  }
0xa7: {  	[tilespmem:s15], [sflag:$0x7] =	stream.linear.gather [hbm4b:s10+s7], $0x2800, $0x38;
	[tilespmem:$0x1F100] =	vst v63  }
0xa8: {  	_ =	swait.ge [sflag:s0], $0x2800  }
0xa9: {  	[sflag:s0] =	ssyncset.done $0x0  }
0xaa: {  	[sflag:s0] =	ssyncadd.s32 $0xFFFFD800  }
0xab: {  	[tilespmem:s21], [sflag:$0x1] =	stream.indirect.gather [spmem:s3], $0x40, s14, s20, $0xb8;
	[tilespmem:$0x1F100] =	vst v63  }
0xac: {  	_ = 	snop  }
0xad: {  	[tilespmem:s23], [sflag:$0x2] =	stream.indirect.gather [spmem:s3], $0x40, s22, s20, $0xb8;
	[tilespmem:$0x1F100] =	vst v63  }
0xae: {  	_ =	swait.ge [sflag:s18], $0x2000  }
0xaf: {  	[sflag:s18] =	ssyncset.done $0x0  }
0xb0: {  	[sflag:s18] =	ssyncadd.s32 $0xFFFFE000  }
0xb1: {  	[spmem:s2] =	stream.indirect.scatter.add.f32 [tilespmem:s21], [sflag:$0x4], $0x40, s15, s20, $0xb8;
	[tilespmem:$0x1F100] =	vst v63  }
0xb2: {  	_ = 	snop  }
0xb3: {  	[tilespmem:s26], [sflag:$0x3] =	stream.indirect.gather [spmem:s3], $0x40, s25, s20, $0xb8;
	[tilespmem:$0x1F100] =	vst v63  }
0xb4: {  	_ =	swait.ge [sflag:s19], $0x2000  }
0xb5: {  	[sflag:s19] =	ssyncset.done $0x0  }
0xb6: {  	[sflag:s19] =	ssyncadd.s32 $0xFFFFE000  }
0xb7: {  	[spmem:s2] =	stream.indirect.scatter.add.f32 [tilespmem:s23], [sflag:$0x5], $0x40, s28, s20, $0xb8;
	[tilespmem:$0x1F100] =	vst v63  }
0xb8: {  	_ =	swait.ge [sflag:s16], $0x2000  }
0xb9: {  	[sflag:s16] =	ssyncset.done $0x0  }
0xba: {  	[sflag:s16] =	ssyncadd.s32 $0xFFFFE000  }
0xbb: {  	[tilespmem:s21], [sflag:$0x1] =	stream.indirect.gather [spmem:s3], $0x40, s29, s20, $0xb8;
	[tilespmem:$0x1F100] =	vst v63  }
0xbc: {  	_ =	swait.ge [sflag:s30], $0x2000  }
0xbd: {  	[sflag:s30] =	ssyncset.done $0x0  }
0xbe: {  	s10 =	simm.s32 $0x16A00;
	[sflag:s30] =	ssyncadd.s32 $0xFFFFE000  }
0xbf: {  	[spmem:s2] =	stream.indirect.scatter.add.f32 [tilespmem:s26], [sflag:$0x6], $0x40, s10, s20, $0xb8;
	[tilespmem:$0x1F100] =	vst v63  }
0xc0: {  	_ =	swait.ge [sflag:s17], $0x2000  }
0xc1: {  	[sflag:s17] =	ssyncset.done $0x0  }
0xc2: {  	s7 =	simm.s32 $0x14200;
	[sflag:s17] =	ssyncadd.s32 $0xFFFFE000  }
0xc3: {  	[tilespmem:s23], [sflag:$0x2] =	stream.indirect.gather [spmem:s3], $0x40, s7, s20, $0xb8;
	[tilespmem:$0x1F100] =	vst v63  }
0xc4: {  	_ =	swait.ge [sflag:s18], $0x2000  }
0xc5: {  	[sflag:s18] =	ssyncset.done $0x0  }
0xc6: {  	s10 =	simm.s32 $0x16A80;
	[sflag:s18] =	ssyncadd.s32 $0xFFFFE000  }
0xc7: {  	[spmem:s2] =	stream.indirect.scatter.add.f32 [tilespmem:s21], [sflag:$0x4], $0x40, s10, s20, $0xb8;
	[tilespmem:$0x1F100] =	vst v63  }
0xc8: {  	_ =	swait.ge [sflag:s31], $0x2000  }
0xc9: {  	[sflag:s31] =	ssyncset.done $0x0  }
0xca: {  	s7 =	simm.s32 $0x14280;
	[sflag:s31] =	ssyncadd.s32 $0xFFFFE000  }
0xcb: {  	[tilespmem:s26], [sflag:$0x3] =	stream.indirect.gather [spmem:s3], $0x40, s7, s20, $0xb8;
	[tilespmem:$0x1F100] =	vst v63  }
0xcc: {  	_ =	swait.ge [sflag:s19], $0x2000  }
0xcd: {  	[sflag:s19] =	ssyncset.done $0x0  }
0xce: {  	s10 =	simm.s32 $0x16B00;
	[sflag:s19] =	ssyncadd.s32 $0xFFFFE000  }
0xcf: {  	[spmem:s2] =	stream.indirect.scatter.add.f32 [tilespmem:s23], [sflag:$0x5], $0x40, s10, s20, $0xb8;
	[tilespmem:$0x1F100] =	vst v63  }
0xd0: {  	_ =	swait.ge [sflag:s16], $0x2000  }
0xd1: {  	[sflag:s16] =	ssyncset.done $0x0  }
0xd2: {  	s7 =	simm.s32 $0x14300;
	[sflag:s16] =	ssyncadd.s32 $0xFFFFE000  }
0xd3: {  	[tilespmem:s21], [sflag:$0x1] =	stream.indirect.gather [spmem:s3], $0x40, s7, s20, $0xb8;
	[tilespmem:$0x1F100] =	vst v63  }
0xd4: {  	_ =	swait.ge [sflag:s30], $0x2000  }
0xd5: {  	[sflag:s30] =	ssyncset.done $0x0  }
0xd6: {  	s10 =	simm.s32 $0x16B80;
	[sflag:s30] =	ssyncadd.s32 $0xFFFFE000  }
0xd7: {  	[spmem:s2] =	stream.indirect.scatter.add.f32 [tilespmem:s26], [sflag:$0x6], $0x40, s10, s20, $0xb8;
	[tilespmem:$0x1F100] =	vst v63  }
0xd8: {  	_ =	swait.ge [sflag:s17], $0x2000  }
0xd9: {  	[sflag:s17] =	ssyncset.done $0x0  }
0xda: {  	s7 =	simm.s32 $0x14380;
	[sflag:s17] =	ssyncadd.s32 $0xFFFFE000  }
0xdb: {  	[tilespmem:s23], [sflag:$0x2] =	stream.indirect.gather [spmem:s3], $0x40, s7, s20, $0xb8;
	[tilespmem:$0x1F100] =	vst v63  }
0xdc: {  	_ =	swait.ge [sflag:s18], $0x2000  }
0xdd: {  	[sflag:s18] =	ssyncset.done $0x0  }
0xde: {  	s10 =	simm.s32 $0x16C00;
	[sflag:s18] =	ssyncadd.s32 $0xFFFFE000  }
0xdf: {  	[spmem:s2] =	stream.indirect.scatter.add.f32 [tilespmem:s21], [sflag:$0x4], $0x40, s10, s20, $0xb8;
	[tilespmem:$0x1F100] =	vst v63  }
0xe0: {  	_ =	swait.ge [sflag:s31], $0x2000  }
0xe1: {  	[sflag:s31] =	ssyncset.done $0x0  }
0xe2: {  	s7 =	simm.s32 $0x14400;
	[sflag:s31] =	ssyncadd.s32 $0xFFFFE000  }
0xe3: {  	[tilespmem:s26], [sflag:$0x3] =	stream.indirect.gather [spmem:s3], $0x40, s7, s20, $0xb8;
	[tilespmem:$0x1F100] =	vst v63  }
0xe4: {  	_ =	swait.ge [sflag:s19], $0x2000  }
0xe5: {  	[sflag:s19] =	ssyncset.done $0x0  }
0xe6: {  	s10 =	simm.s32 $0x16C80;
	[sflag:s19] =	ssyncadd.s32 $0xFFFFE000  }
0xe7: {  	[spmem:s2] =	stream.indirect.scatter.add.f32 [tilespmem:s23], [sflag:$0x5], $0x40, s10, s20, $0xb8;
	[tilespmem:$0x1F100] =	vst v63  }
0xe8: {  	_ =	swait.ge [sflag:s16], $0x2000  }
0xe9: {  	[sflag:s16] =	ssyncset.done $0x0  }
0xea: {  	s4 =	simm.s32 $0xC00;
	s7 =	simm.s32 $0x14480;
	[sflag:s16] =	ssyncadd.s32 $0xFFFFE000  }
.LBB2_4:
0xeb: {  	[tilespmem:s21], [sflag:$0x1] =	stream.indirect.gather [spmem:s3], $0x40, s7, s20, $0xb8;
	[tilespmem:$0x1F100] =	vst v63  }
0xec: {  	s7 =	smov.u32 s4  }
0xed: {  	p0 =	sne.s32 s4, $0x9000;
	s4 =	sadd.s32 $0xC00, s4;
	_ =	swait.ge [sflag:s30], $0x2000  }
0xee: {  	s7 =	sshra.s32 s7, $0x2;
	[sflag:s30] =	ssyncset.done $0x0  }
0xef: {  	s10 =	sadd.s32 $0x16A00, s7;
	[sflag:s30] =	ssyncadd.s32 $0xFFFFE000  }
0xf0: {  	[spmem:s2] =	stream.indirect.scatter.add.f32 [tilespmem:s26], [sflag:$0x6], $0x40, s10, s20, $0xb8;
	[tilespmem:$0x1F100] =	vst v63  }
0xf1: {  	_ =	swait.ge [sflag:s17], $0x2000  }
0xf2: {  	[sflag:s17] =	ssyncset.done $0x0  }
0xf3: {  	s10 =	sadd.s32 $0x14200, s7;
	[sflag:s17] =	ssyncadd.s32 $0xFFFFE000  }
0xf4: {  	[tilespmem:s23], [sflag:$0x2] =	stream.indirect.gather [spmem:s3], $0x40, s10, s20, $0xb8;
	[tilespmem:$0x1F100] =	vst v63  }
0xf5: {  	_ =	swait.ge [sflag:s18], $0x2000  }
0xf6: {  	[sflag:s18] =	ssyncset.done $0x0  }
0xf7: {  	s10 =	sadd.s32 $0x16A80, s7;
	[sflag:s18] =	ssyncadd.s32 $0xFFFFE000  }
0xf8: {  	[spmem:s2] =	stream.indirect.scatter.add.f32 [tilespmem:s21], [sflag:$0x4], $0x40, s10, s20, $0xb8;
	[tilespmem:$0x1F100] =	vst v63  }
0xf9: {  	_ =	swait.ge [sflag:s31], $0x2000  }
0xfa: {  	[sflag:s31] =	ssyncset.done $0x0  }
0xfb: {  	s10 =	sadd.s32 $0x14280, s7;
	[sflag:s31] =	ssyncadd.s32 $0xFFFFE000  }
0xfc: {  	[tilespmem:s26], [sflag:$0x3] =	stream.indirect.gather [spmem:s3], $0x40, s10, s20, $0xb8;
	[tilespmem:$0x1F100] =	vst v63  }
0xfd: {  	_ =	swait.ge [sflag:s19], $0x2000  }
0xfe: {  	[sflag:s19] =	ssyncset.done $0x0  }
0xff: {  	s10 =	sadd.s32 $0x16B00, s7;
	[sflag:s19] =	ssyncadd.s32 $0xFFFFE000  }
0x100: {  	[spmem:s2] =	stream.indirect.scatter.add.f32 [tilespmem:s23], [sflag:$0x5], $0x40, s10, s20, $0xb8;
	[tilespmem:$0x1F100] =	vst v63  }
0x101: {  	_ =	swait.ge [sflag:s16], $0x2000  }
0x102: {  	[sflag:s16] =	ssyncset.done $0x0  }
0x103: {  	s10 =	sadd.s32 $0x14300, s7;
	[sflag:s16] =	ssyncadd.s32 $0xFFFFE000  }
0x104: {  	[tilespmem:s21], [sflag:$0x1] =	stream.indirect.gather [spmem:s3], $0x40, s10, s20, $0xb8;
	[tilespmem:$0x1F100] =	vst v63  }
0x105: {  	_ =	swait.ge [sflag:s30], $0x2000  }
0x106: {  	[sflag:s30] =	ssyncset.done $0x0  }
0x107: {  	s10 =	sadd.s32 $0x16B80, s7;
	[sflag:s30] =	ssyncadd.s32 $0xFFFFE000  }
0x108: {  	[spmem:s2] =	stream.indirect.scatter.add.f32 [tilespmem:s26], [sflag:$0x6], $0x40, s10, s20, $0xb8;
	[tilespmem:$0x1F100] =	vst v63  }
0x109: {  	_ =	swait.ge [sflag:s17], $0x2000  }
0x10a: {  	[sflag:s17] =	ssyncset.done $0x0  }
0x10b: {  	s10 =	sadd.s32 $0x14380, s7;
	[sflag:s17] =	ssyncadd.s32 $0xFFFFE000  }
0x10c: {  	[tilespmem:s23], [sflag:$0x2] =	stream.indirect.gather [spmem:s3], $0x40, s10, s20, $0xb8;
	[tilespmem:$0x1F100] =	vst v63  }
0x10d: {  	_ =	swait.ge [sflag:s18], $0x2000  }
0x10e: {  	[sflag:s18] =	ssyncset.done $0x0  }
0x10f: {  	s10 =	sadd.s32 $0x16C00, s7;
	[sflag:s18] =	ssyncadd.s32 $0xFFFFE000  }
0x110: {  	[spmem:s2] =	stream.indirect.scatter.add.f32 [tilespmem:s21], [sflag:$0x4], $0x40, s10, s20, $0xb8;
	[tilespmem:$0x1F100] =	vst v63  }
0x111: {  	_ =	swait.ge [sflag:s31], $0x2000  }
0x112: {  	[sflag:s31] =	ssyncset.done $0x0  }
0x113: {  	s10 =	sadd.s32 $0x14400, s7;
	[sflag:s31] =	ssyncadd.s32 $0xFFFFE000  }
0x114: {  	[tilespmem:s26], [sflag:$0x3] =	stream.indirect.gather [spmem:s3], $0x40, s10, s20, $0xb8;
	[tilespmem:$0x1F100] =	vst v63  }
0x115: {  	_ =	swait.ge [sflag:s19], $0x2000  }
0x116: {  	[sflag:s19] =	ssyncset.done $0x0  }
.Ltmp1:
0x117: {  	s10 =	sadd.s32 $0x16C80, s7;
	[sflag:s19] =	ssyncadd.s32 $0xFFFFE000;
	(pc) =	sbr.rel @p0 .LBB2_4-.Ltmp1, $4  }
0x118: {  	[spmem:s2] =	stream.indirect.scatter.add.f32 [tilespmem:s23], [sflag:$0x5], $0x40, s10, s20, $0xb8;
	[tilespmem:$0x1F100] =	vst v63  }
0x119: {  	_ =	swait.ge [sflag:s16], $0x2000  }
0x11a: {  	[sflag:s16] =	ssyncset.done $0x0  }
0x11b: {  	s7 =	sadd.s32 $0x14480, s7;
	[sflag:s16] =	ssyncadd.s32 $0xFFFFE000  }
0x11c: {  	[tilespmem:s21], [sflag:$0x1] =	stream.indirect.gather [spmem:s3], $0x40, s7, s20, $0xb8;
	[tilespmem:$0x1F100] =	vst v63  }
0x11d: {  	_ =	swait.ge [sflag:s30], $0x2000  }
0x11e: {  	[sflag:s30] =	ssyncset.done $0x0  }
0x11f: {  	[sflag:s30] =	ssyncadd.s32 $0xFFFFE000  }
0x120: {  	_ =	swait.ge [sflag:s18], $0x2000  }
0x121: {  	[sflag:s18] =	ssyncset.done $0x0  }
0x122: {  	[sflag:s18] =	ssyncadd.s32 $0xFFFFE000  }
0x123: {  	_ =	swait.ge [sflag:s17], $0x2000  }
0x124: {  	[sflag:s17] =	ssyncset.done $0x0  }
0x125: {  	[sflag:s17] =	ssyncadd.s32 $0xFFFFE000  }
0x126: {  	s4 =	sor.u32 $0x1C07, s5;
	[bflag:$0x0] =	sbarrier.arrive $0xFFFF  }
0x127: {  	[hbm:s24], [sflag:s4] =	dma.local [spmem:s11], $0x1400  }
0x128: {  	_ =	swait.ge [sflag:s0], $0x1400  }
0x129: {  	s1 =	sadd.s32 $0x1, s1;
	s10 =	rddreg [dreg:$0x5]  }
0x12a: {  	p0 =	sne.s32 s1, s10  }
.Ltmp2:
0x12b: {  	_ = 	snop;
	(pc) =	sbr.rel @p0 .LBB2_1-.Ltmp2, $3  }
0x12c: {  	_ =	sdelay $0x1  }
0x12d: {  	[sflag:s0] =	ssyncset.done $0x0  }
0x12e: {  	[sflag:s0] =	ssyncadd.s32 $0xFFFFEC00  }
0x12f: {  	_ =	sfence.sel $0x180000  }
0x130: {  	[bflag:$0x0] =	sbarrier.arrive $0xFFFF  }
0x131: {  	_ =	strace $0x9000004D  }
0x132: {  	s0 =	stileid.u32;
	[bflag:$0x2] =	sbarrier.arrive $0xFFFF  }
0x133: {  	p0 =	sne.s32 s0, $0x0;
	s0 =	rddreg [dreg:$0x3]  }
0x134: {  	s0 =	sadd.s32 @!p0 $0x100000, s0  }
0x135: {  	[sflag:s0] =	ssyncadd.tile.s32 @!p0 $0x1;
	_ =	shalt  }
.Lfunc_end2:
_tile_overlayer_lowered:
.L_overlay_start_2:
0x136: {  	(tag) =	ssettag $0x2  }
0x137: {  	s0 =	rddreg [dreg:$0x0];
	s2 =	stileid.u32  }
0x138: {  	s1 =	rddreg [dreg:$0x1];
	p0 =	sne.s32 s2, $0x0  }
0x139: {  	s3 =	rddreg [dreg:$0x2];
	[bflag:$0x3] =	sbarrier.arrive $0xFFFF;
	s2 =	simm.s32 @!p0 $0x1C07  }
0x13a: {  	[timem:s3], [sflag:s2] =	dma.local @!p0 [hbm:s0], s1  }
0x13b: {  	s0 =	simm.s32 @!p0 $0x7  }
0x13c: {  	_ =	swait.ge @!p0 [sflag:s0], s1  }
0x13d: {  	s1 =	ssub.s32 @!p0 $0x0, s1;
	[sflag:s0] =	ssyncset.done @!p0 $0x0  }
0x13e: {  	[sflag:s0] =	ssyncadd.s32 @!p0 s1  }
0x13f: {  	[bflag:$0x3] =	sbarrier.arrive $0xFFFF  }
0x140: {  	_ =	shalt  }

</sc_bundles>
